<compile_context>
chip_gen: v7x
topology: tpu7x:2x2x1
jax: 0.10.2.dev20260603
libtpu: 0.0.44.dev20260713+nightly
codegen_flags: <defaults>
</compile_context>

<pallas_src>
import functools

import jax
import jax.numpy as jnp
from jax import lax
from jax.experimental import pallas as pl
from jax.experimental.pallas import tpu as pltpu
from jax.experimental.pallas import tpu_sc as plsc

_D = 64
_RANK = 16
_SCALING = 16.0 / 16.0

_NC = 2
_NS = 16
_NW = _NC * _NS

_B = 4096
_L = 50
_TOK = _B * _L
_BPW = _TOK // _NW
_CH = 640
_KROWS = _CH // 128
_NCHUNK = _BPW // _CH

_V = 1000000
_VP = 1 << 20
_HW = _VP // 2
_HA = _VP // 8



def _tw_body(s1_ref, s2_ref, o_ref):
    o_ref[:, 0:_D] = s1_ref[...].T
    o_ref[:, _D:128] = s2_ref[...].T


def _t_w(wt):
    bn = 2048
    nb = _HW // bn
    return pl.pallas_call(
        _tw_body,
        grid=(nb,),
        in_specs=[
            pl.BlockSpec((_D, bn), lambda i: (0, i)),
            pl.BlockSpec((_D, bn), lambda i, _nb=nb: (0, _nb + i)),
        ],
        out_specs=pl.BlockSpec((bn, 128), lambda i: (i, 0)),
        out_shape=jax.ShapeDtypeStruct((_HW, 128), jnp.float32),
    )(wt, wt)


def _ta_body(s0, s1, s2, s3, s4, s5, s6, s7, o_ref):
    srcs = (s0, s1, s2, s3, s4, s5, s6, s7)
    for s in range(8):
        o_ref[:, s * _RANK:(s + 1) * _RANK] = srcs[s][...].T


def _t_a(a):
    bn = 2048
    nb = _HA // bn
    specs = []
    for s in range(8):
        specs.append(
            pl.BlockSpec((_RANK, bn), lambda i, _s=s, _nb=nb: (0, _s * _nb + i))
        )
    return pl.pallas_call(
        _ta_body,
        grid=(nb,),
        in_specs=specs,
        out_specs=pl.BlockSpec((bn, 128), lambda i: (i, 0)),
        out_shape=jax.ShapeDtypeStruct((_HA, 128), jnp.float32),
    )(*([a] * 8))



def _sc_gather_build():
    mesh = plsc.VectorSubcoreMesh(core_axis_name="c", subcore_axis_name="s")

    @functools.partial(
        pl.kernel,
        out_type=(
            jax.ShapeDtypeStruct((_TOK, _D), jnp.float32),
            jax.ShapeDtypeStruct((_TOK, _RANK), jnp.float32),
        ),
        mesh=mesh,
        scratch_types=[
            pltpu.VMEM((_CH,), jnp.int32),
            pltpu.VMEM((_CH,), jnp.int32),
            pltpu.VMEM((_CH,), jnp.int32),
            pltpu.VMEM((_CH,), jnp.int32),
            pltpu.VMEM((_CH, _D), jnp.float32),
            pltpu.VMEM((_CH, _D), jnp.float32),
            pltpu.VMEM((_CH, _RANK), jnp.float32),
            pltpu.VMEM((_CH, _RANK), jnp.float32),
            pltpu.SemaphoreType.DMA,
            pltpu.SemaphoreType.DMA,
        ],
        compiler_params=pltpu.CompilerParams(use_tc_tiling_on_sc=False),
    )
    def sc_gather(
        gw_hbm, ga_hbm, w_hbm, at_hbm, g_out, a_out,
        wi0, wi1, ai0, ai1, g0, g1, a0, a1, gsem, wsem,
    ):
        wid = lax.axis_index("s") * _NC + lax.axis_index("c")
        tok_base = wid * _BPW

        wi_v = (wi0, wi1)
        ai_v = (ai0, ai1)
        g_v = (g0, g1)
        a_v = (a0, a1)
        pending = [None, None]
        for i in range(_NCHUNK):
            b = i & 1
            off = tok_base + i * _CH
            pltpu.sync_copy(gw_hbm.at[pl.ds(off, _CH)], wi_v[b])
            pltpu.sync_copy(ga_hbm.at[pl.ds(off, _CH)], ai_v[b])
            if pending[b] is not None:
                for c in pending[b]:
                    c.wait()
            copies = []
            for j in range(_KROWS):
                wids = wi_v[b].at[pl.ds(j * 128, 128)]
                aids = ai_v[b].at[pl.ds(j * 128, 128)]
                copies.append(
                    pltpu.async_copy(
                        w_hbm.at[wids], g_v[b].at[pl.ds(j * 128, 128)], gsem
                    )
                )
                copies.append(
                    pltpu.async_copy(
                        at_hbm.at[aids], a_v[b].at[pl.ds(j * 128, 128)], gsem
                    )
                )
            for c in copies:
                c.wait()
            pending[b] = [
                pltpu.async_copy(g_v[b], g_out.at[pl.ds(off, _CH)], wsem),
                pltpu.async_copy(a_v[b], a_out.at[pl.ds(off, _CH)], wsem),
            ]
        for b in (0, 1):
            for c in pending[b]:
                c.wait()

    return sc_gather


_sc_gather = _sc_gather_build()



def _combine_body(g_ref, a_ref, b_ref, o_ref):
    lora = lax.dot_general(
        b_ref[...],
        a_ref[...],
        (((1,), (1,)), ((), ())),
        preferred_element_type=jnp.float32,
    )
    o_ref[...] = (g_ref[...].T + lora)[None]


def _tc_combine(g, a, bst):
    bn = 512
    nj = _B // bn
    return pl.pallas_call(
        _combine_body,
        grid=(_L, nj),
        in_specs=[
            pl.BlockSpec((bn, _D), lambda l, j: (l * nj + j, 0)),
            pl.BlockSpec((bn, _RANK), lambda l, j: (l * nj + j, 0)),
            pl.BlockSpec((_D, _RANK), lambda l, j: (0, 0)),
        ],
        out_specs=pl.BlockSpec((1, _D, bn), lambda l, j: (l, 0, j)),
        out_shape=jax.ShapeDtypeStruct((_L, _D, _B), jnp.float32),
    )(g, a, bst)


@jax.jit
def kernel(x, weight, lora_a, lora_b):
    xt = x.T.reshape(_TOK).astype(jnp.int32)
    gw = ((xt & (_HW - 1)) << 1) | lax.shift_right_logical(xt, 19)
    ga = ((xt & (_HA - 1)) << 3) | lax.shift_right_logical(xt, 17)
    wtp = jnp.pad(weight.T, ((0, 0), (0, _VP - _V)))
    ap = jnp.pad(lora_a, ((0, 0), (0, _VP - _V)))
    w2 = _t_w(wtp)
    a2 = _t_a(ap)
    wv = w2.reshape(-1).reshape(_VP, _D)
    atv = a2.reshape(-1).reshape(_VP, _RANK)
    bst = lora_b * _SCALING
    g, a = _sc_gather(gw, ga, wv, atv)
    out = _tc_combine(g, a, bst)
    return out.transpose(2, 0, 1)

# --- scband reference (transcript-rebuilt; emitter-appended) ---
"""Pipeline reference for scband-lora-embedding-32323923870116 (READ-ONLY COPY).

The authoritative reference and input builder live on the scoring server;
editing this copy changes nothing except your own understanding.
"""

import jax, jax.numpy as jnp
import numpy as np

NUM_EMBEDDINGS = 1000000
EMBEDDING_DIM = 64
R = 16
LORA_ALPHA = 16.0
SCALING = LORA_ALPHA / R


def setup_inputs(seed: int = 0) -> dict:
    key = jax.random.key(seed)
    k_x, k_w, k_a = jax.random.split(key, 3)
    x = jax.random.randint(k_x, (4096, 50), 0, NUM_EMBEDDINGS, dtype=jnp.int64 if jax.config.jax_enable_x64 else jnp.int32)
    weight = jax.random.normal(k_w, (NUM_EMBEDDINGS, EMBEDDING_DIM), dtype=jnp.float32)
    # kaiming_normal_ with a=sqrt(5) on (R, NUM_EMBEDDINGS): fan_in = NUM_EMBEDDINGS
    gain = np.sqrt(2.0 / (1.0 + 5.0))
    std = gain / np.sqrt(NUM_EMBEDDINGS)
    lora_a = jax.random.normal(k_a, (R, NUM_EMBEDDINGS), dtype=jnp.float32) * std
    # lora_b is zero-initialized in the module; use small random values so the LoRA path is exercised
    lora_b = jax.random.normal(jax.random.fold_in(key, 7), (EMBEDDING_DIM, R), dtype=jnp.float32) * 0.02
    return {"x": x, "weight": weight, "lora_a": lora_a, "lora_b": lora_b}


def reference(x, weight, lora_a, lora_b):
    # base embedding lookup
    result = jnp.take(weight, x, axis=0)                    # [B, L, D]
    # LoRA path: embed with lora_a^T (shape [V, R]) then project with lora_b^T
    after_a = jnp.take(lora_a.T, x, axis=0)                 # [B, L, R]
    out = result + (after_a @ lora_b.T) * SCALING           # [B, L, D]
    return out

if __name__ == "__main__":
    import jax
    _d = setup_inputs()
    print(jax.jit(kernel)(*tuple(_d.values())))

</pallas_src>

<mosaic_0001>
#map = affine_map<(d0, d1) -> (0)>
#map1 = affine_map<(d0, d1) -> (0, 0)>
module attributes {stable_mosaic.version = 14 : i64} {
  func.func @sc_gather(%arg0: i32, %arg1: i32, %arg2: memref<204800xi32, #tpu.memory_space<hbm>>, %arg3: memref<204800xi32, #tpu.memory_space<hbm>>, %arg4: memref<1048576x64xf32, #tpu.memory_space<hbm>>, %arg5: memref<1048576x16xf32, #tpu.memory_space<hbm>>, %arg6: memref<204800x64xf32, #tpu.memory_space<hbm>>, %arg7: memref<204800x16xf32, #tpu.memory_space<hbm>>, %arg8: memref<640xi32, #tpu.memory_space<vmem>>, %arg9: memref<640xi32, #tpu.memory_space<vmem>>, %arg10: memref<640xi32, #tpu.memory_space<vmem>>, %arg11: memref<640xi32, #tpu.memory_space<vmem>>, %arg12: memref<640x64xf32, #tpu.memory_space<vmem>>, %arg13: memref<640x64xf32, #tpu.memory_space<vmem>>, %arg14: memref<640x16xf32, #tpu.memory_space<vmem>>, %arg15: memref<640x16xf32, #tpu.memory_space<vmem>>, %arg16: memref<!tpu.dma_semaphore, #tpu.memory_space<semaphore_mem>>, %arg17: memref<!tpu.dma_semaphore, #tpu.memory_space<semaphore_mem>>) attributes {dimension_semantics = [#tpu.dimension_semantics<core_parallel>, #tpu.dimension_semantics<subcore_parallel>], iteration_bounds = array<i64: 2, 16>, scalar_prefetch = 0 : i64, scratch_operands = 10 : i64, tpu.core_type = #tpu.core_type<sc_vector_subcore>, window_params = [{transform_indices = #map}, {transform_indices = #map}, {transform_indices = #map1}, {transform_indices = #map1}, {transform_indices = #map1}, {transform_indices = #map1}]} {
    %mul3A = arith.constant 2 : i32
    %mul3A_0 = arith.muli %arg1, %mul3A : i32
    %add3A = arith.addi %mul3A_0, %arg0 : i32
    %mul3A_1 = arith.constant 6400 : i32
    %mul3A_2 = arith.muli %add3A, %mul3A_1 : i32
    %add3A_3 = arith.constant 0 : i32
    %add3A_4 = arith.addi %mul3A_2, %add3A_3 : i32
    "tpu.region"() ({
      %run_scoped3A = tpu.sem_alloc : memref<!tpu.dma_semaphore, #tpu.memory_space<semaphore_mem>>
      %dma_start3A_1781 = tpu.memref_slice %arg2[%add3A_4] : memref<204800xi32, #tpu.memory_space<hbm>> -> memref<640xi32, #tpu.memory_space<hbm>>
      %dma_start3A_1782 = tpu.memref_slice %arg2[%add3A_4] : memref<204800xi32, #tpu.memory_space<hbm>> -> memref<640xi32, #tpu.memory_space<hbm>>
      tpu.enqueue_dma source(%dma_start3A_1782 : memref<640xi32, #tpu.memory_space<hbm>>) target(%arg8 : memref<640xi32, #tpu.memory_space<vmem>>) target_semaphore(%run_scoped3A : memref<!tpu.dma_semaphore, #tpu.memory_space<semaphore_mem>>)
      %dma_wait3A_1783 = tpu.memref_slice %arg2[%add3A_4] : memref<204800xi32, #tpu.memory_space<hbm>> -> memref<640xi32, #tpu.memory_space<hbm>>
      %dma_wait3A_1784 = tpu.memref_slice %arg2[%add3A_4] : memref<204800xi32, #tpu.memory_space<hbm>> -> memref<640xi32, #tpu.memory_space<hbm>>
      tpu.wait_dma2 semaphore(%run_scoped3A : memref<!tpu.dma_semaphore, #tpu.memory_space<semaphore_mem>>) src(%dma_wait3A_1784 : memref<640xi32, #tpu.memory_space<hbm>>) dst(%arg8 : memref<640xi32, #tpu.memory_space<vmem>>)
      tpu.yield
    }) : () -> ()
    "tpu.region"() ({
      %run_scoped3A = tpu.sem_alloc : memref<!tpu.dma_semaphore, #tpu.memory_space<semaphore_mem>>
      %dma_start3A_1781 = tpu.memref_slice %arg3[%add3A_4] : memref<204800xi32, #tpu.memory_space<hbm>> -> memref<640xi32, #tpu.memory_space<hbm>>
      %dma_start3A_1782 = tpu.memref_slice %arg3[%add3A_4] : memref<204800xi32, #tpu.memory_space<hbm>> -> memref<640xi32, #tpu.memory_space<hbm>>
      tpu.enqueue_dma source(%dma_start3A_1782 : memref<640xi32, #tpu.memory_space<hbm>>) target(%arg10 : memref<640xi32, #tpu.memory_space<vmem>>) target_semaphore(%run_scoped3A : memref<!tpu.dma_semaphore, #tpu.memory_space<semaphore_mem>>)
      %dma_wait3A_1783 = tpu.memref_slice %arg3[%add3A_4] : memref<204800xi32, #tpu.memory_space<hbm>> -> memref<640xi32, #tpu.memory_space<hbm>>
      %dma_wait3A_1784 = tpu.memref_slice %arg3[%add3A_4] : memref<204800xi32, #tpu.memory_space<hbm>> -> memref<640xi32, #tpu.memory_space<hbm>>
      tpu.wait_dma2 semaphore(%run_scoped3A : memref<!tpu.dma_semaphore, #tpu.memory_space<semaphore_mem>>) src(%dma_wait3A_1784 : memref<640xi32, #tpu.memory_space<hbm>>) dst(%arg10 : memref<640xi32, #tpu.memory_space<vmem>>)
      tpu.yield
    }) : () -> ()
    %dma_start3A = arith.constant 0 : i32
    %dma_start3A_5 = arith.constant 0 : i32
    %dma_start3A_6 = tpu.memref_slice %arg12[%dma_start3A, %dma_start3A_5] : memref<640x64xf32, #tpu.memory_space<vmem>> -> memref<128x64xf32, #tpu.memory_space<vmem>>
    %dma_start3A_7 = arith.constant 0 : i32
    %dma_start3A_8 = tpu.memref_slice %arg8[%dma_start3A_7] : memref<640xi32, #tpu.memory_space<vmem>> -> memref<128xi32, #tpu.memory_space<vmem>>
    %dma_start3A_9 = arith.constant 0 : i32
    %dma_start3A_10 = arith.constant 0 : i32
    %dma_start3A_11 = tpu.memref_slice %arg4[%dma_start3A_9, %dma_start3A_10] : memref<1048576x64xf32, #tpu.memory_space<hbm>> -> memref<1048576x64xf32, #tpu.memory_space<hbm>>
    tpu.enqueue_indirect_dma source(%dma_start3A_11 : memref<1048576x64xf32, #tpu.memory_space<hbm>>) target(%dma_start3A_6 : memref<128x64xf32, #tpu.memory_space<vmem>>) offsets(%dma_start3A_8 : memref<128xi32, #tpu.memory_space<vmem>>) semaphore(%arg16 : memref<!tpu.dma_semaphore, #tpu.memory_space<semaphore_mem>>)
    %dma_start3A_12 = arith.constant 0 : i32
    %dma_start3A_13 = arith.constant 0 : i32
    %dma_start3A_14 = tpu.memref_slice %arg14[%dma_start3A_12, %dma_start3A_13] : memref<640x16xf32, #tpu.memory_space<vmem>> -> memref<128x16xf32, #tpu.memory_space<vmem>>
    %dma_start3A_15 = arith.constant 0 : i32
    %dma_start3A_16 = tpu.memref_slice %arg10[%dma_start3A_15] : memref<640xi32, #tpu.memory_space<vmem>> -> memref<128xi32, #tpu.memory_space<vmem>>
    %dma_start3A_17 = arith.constant 0 : i32
    %dma_start3A_18 = arith.constant 0 : i32
    %dma_start3A_19 = tpu.memref_slice %arg5[%dma_start3A_17, %dma_start3A_18] : memref<1048576x16xf32, #tpu.memory_space<hbm>> -> memref<1048576x16xf32, #tpu.memory_space<hbm>>
    tpu.enqueue_indirect_dma source(%dma_start3A_19 : memref<1048576x16xf32, #tpu.memory_space<hbm>>) target(%dma_start3A_14 : memref<128x16xf32, #tpu.memory_space<vmem>>) offsets(%dma_start3A_16 : memref<128xi32, #tpu.memory_space<vmem>>) semaphore(%arg16 : memref<!tpu.dma_semaphore, #tpu.memory_space<semaphore_mem>>)
    %dma_start3A_20 = arith.constant 128 : i32
    %dma_start3A_21 = arith.constant 0 : i32
    %dma_start3A_22 = tpu.memref_slice %arg12[%dma_start3A_20, %dma_start3A_21] : memref<640x64xf32, #tpu.memory_space<vmem>> -> memref<128x64xf32, #tpu.memory_space<vmem>>
    %dma_start3A_23 = arith.constant 128 : i32
    %dma_start3A_24 = tpu.memref_slice %arg8[%dma_start3A_23] : memref<640xi32, #tpu.memory_space<vmem>> -> memref<128xi32, #tpu.memory_space<vmem>>
    %dma_start3A_25 = arith.constant 0 : i32
    %dma_start3A_26 = arith.constant 0 : i32
    %dma_start3A_27 = tpu.memref_slice %arg4[%dma_start3A_25, %dma_start3A_26] : memref<1048576x64xf32, #tpu.memory_space<hbm>> -> memref<1048576x64xf32, #tpu.memory_space<hbm>>
    tpu.enqueue_indirect_dma source(%dma_start3A_27 : memref<1048576x64xf32, #tpu.memory_space<hbm>>) target(%dma_start3A_22 : memref<128x64xf32, #tpu.memory_space<vmem>>) offsets(%dma_start3A_24 : memref<128xi32, #tpu.memory_space<vmem>>) semaphore(%arg16 : memref<!tpu.dma_semaphore, #tpu.memory_space<semaphore_mem>>)
    %dma_start3A_28 = arith.constant 128 : i32
    %dma_start3A_29 = arith.constant 0 : i32
    %dma_start3A_30 = tpu.memref_slice %arg14[%dma_start3A_28, %dma_start3A_29] : memref<640x16xf32, #tpu.memory_space<vmem>> -> memref<128x16xf32, #tpu.memory_space<vmem>>
    %dma_start3A_31 = arith.constant 128 : i32
    %dma_start3A_32 = tpu.memref_slice %arg10[%dma_start3A_31] : memref<640xi32, #tpu.memory_space<vmem>> -> memref<128xi32, #tpu.memory_space<vmem>>
    %dma_start3A_33 = arith.constant 0 : i32
    %dma_start3A_34 = arith.constant 0 : i32
    %dma_start3A_35 = tpu.memref_slice %arg5[%dma_start3A_33, %dma_start3A_34] : memref<1048576x16xf32, #tpu.memory_space<hbm>> -> memref<1048576x16xf32, #tpu.memory_space<hbm>>
    tpu.enqueue_indirect_dma source(%dma_start3A_35 : memref<1048576x16xf32, #tpu.memory_space<hbm>>) target(%dma_start3A_30 : memref<128x16xf32, #tpu.memory_space<vmem>>) offsets(%dma_start3A_32 : memref<128xi32, #tpu.memory_space<vmem>>) semaphore(%arg16 : memref<!tpu.dma_semaphore, #tpu.memory_space<semaphore_mem>>)
    %dma_start3A_36 = arith.constant 256 : i32
    %dma_start3A_37 = arith.constant 0 : i32
    %dma_start3A_38 = tpu.memref_slice %arg12[%dma_start3A_36, %dma_start3A_37] : memref<640x64xf32, #tpu.memory_space<vmem>> -> memref<128x64xf32, #tpu.memory_space<vmem>>
    %dma_start3A_39 = arith.constant 256 : i32
    %dma_start3A_40 = tpu.memref_slice %arg8[%dma_start3A_39] : memref<640xi32, #tpu.memory_space<vmem>> -> memref<128xi32, #tpu.memory_space<vmem>>
    %dma_start3A_41 = arith.constant 0 : i32
    %dma_start3A_42 = arith.constant 0 : i32
    %dma_start3A_43 = tpu.memref_slice %arg4[%dma_start3A_41, %dma_start3A_42] : memref<1048576x64xf32, #tpu.memory_space<hbm>> -> memref<1048576x64xf32, #tpu.memory_space<hbm>>
    tpu.enqueue_indirect_dma source(%dma_start3A_43 : memref<1048576x64xf32, #tpu.memory_space<hbm>>) target(%dma_start3A_38 : memref<128x64xf32, #tpu.memory_space<vmem>>) offsets(%dma_start3A_40 : memref<128xi32, #tpu.memory_space<vmem>>) semaphore(%arg16 : memref<!tpu.dma_semaphore, #tpu.memory_space<semaphore_mem>>)
    %dma_start3A_44 = arith.constant 256 : i32
    %dma_start3A_45 = arith.constant 0 : i32
    %dma_start3A_46 = tpu.memref_slice %arg14[%dma_start3A_44, %dma_start3A_45] : memref<640x16xf32, #tpu.memory_space<vmem>> -> memref<128x16xf32, #tpu.memory_space<vmem>>
    %dma_start3A_47 = arith.constant 256 : i32
    %dma_start3A_48 = tpu.memref_slice %arg10[%dma_start3A_47] : memref<640xi32, #tpu.memory_space<vmem>> -> memref<128xi32, #tpu.memory_space<vmem>>
    %dma_start3A_49 = arith.constant 0 : i32
    %dma_start3A_50 = arith.constant 0 : i32
    %dma_start3A_51 = tpu.memref_slice %arg5[%dma_start3A_49, %dma_start3A_50] : memref<1048576x16xf32, #tpu.memory_space<hbm>> -> memref<1048576x16xf32, #tpu.memory_space<hbm>>
    tpu.enqueue_indirect_dma source(%dma_start3A_51 : memref<1048576x16xf32, #tpu.memory_space<hbm>>) target(%dma_start3A_46 : memref<128x16xf32, #tpu.memory_space<vmem>>) offsets(%dma_start3A_48 : memref<128xi32, #tpu.memory_space<vmem>>) semaphore(%arg16 : memref<!tpu.dma_semaphore, #tpu.memory_space<semaphore_mem>>)
    %dma_start3A_52 = arith.constant 384 : i32
    %dma_start3A_53 = arith.constant 0 : i32
    %dma_start3A_54 = tpu.memref_slice %arg12[%dma_start3A_52, %dma_start3A_53] : memref<640x64xf32, #tpu.memory_space<vmem>> -> memref<128x64xf32, #tpu.memory_space<vmem>>
    %dma_start3A_55 = arith.constant 384 : i32
    %dma_start3A_56 = tpu.memref_slice %arg8[%dma_start3A_55] : memref<640xi32, #tpu.memory_space<vmem>> -> memref<128xi32, #tpu.memory_space<vmem>>
    %dma_start3A_57 = arith.constant 0 : i32
    %dma_start3A_58 = arith.constant 0 : i32
    %dma_start3A_59 = tpu.memref_slice %arg4[%dma_start3A_57, %dma_start3A_58] : memref<1048576x64xf32, #tpu.memory_space<hbm>> -> memref<1048576x64xf32, #tpu.memory_space<hbm>>
    tpu.enqueue_indirect_dma source(%dma_start3A_59 : memref<1048576x64xf32, #tpu.memory_space<hbm>>) target(%dma_start3A_54 : memref<128x64xf32, #tpu.memory_space<vmem>>) offsets(%dma_start3A_56 : memref<128xi32, #tpu.memory_space<vmem>>) semaphore(%arg16 : memref<!tpu.dma_semaphore, #tpu.memory_space<semaphore_mem>>)
    %dma_start3A_60 = arith.constant 384 : i32
    %dma_start3A_61 = arith.constant 0 : i32
    %dma_start3A_62 = tpu.memref_slice %arg14[%dma_start3A_60, %dma_start3A_61] : memref<640x16xf32, #tpu.memory_space<vmem>> -> memref<128x16xf32, #tpu.memory_space<vmem>>
    %dma_start3A_63 = arith.constant 384 : i32
    %dma_start3A_64 = tpu.memref_slice %arg10[%dma_start3A_63] : memref<640xi32, #tpu.memory_space<vmem>> -> memref<128xi32, #tpu.memory_space<vmem>>
    %dma_start3A_65 = arith.constant 0 : i32
    %dma_start3A_66 = arith.constant 0 : i32
    %dma_start3A_67 = tpu.memref_slice %arg5[%dma_start3A_65, %dma_start3A_66] : memref<1048576x16xf32, #tpu.memory_space<hbm>> -> memref<1048576x16xf32, #tpu.memory_space<hbm>>
    tpu.enqueue_indirect_dma source(%dma_start3A_67 : memref<1048576x16xf32, #tpu.memory_space<hbm>>) target(%dma_start3A_62 : memref<128x16xf32, #tpu.memory_space<vmem>>) offsets(%dma_start3A_64 : memref<128xi32, #tpu.memory_space<vmem>>) semaphore(%arg16 : memref<!tpu.dma_semaphore, #tpu.memory_space<semaphore_mem>>)
    %dma_start3A_68 = arith.constant 512 : i32
    %dma_start3A_69 = arith.constant 0 : i32
    %dma_start3A_70 = tpu.memref_slice %arg12[%dma_start3A_68, %dma_start3A_69] : memref<640x64xf32, #tpu.memory_space<vmem>> -> memref<128x64xf32, #tpu.memory_space<vmem>>
    %dma_start3A_71 = arith.constant 512 : i32
    %dma_start3A_72 = tpu.memref_slice %arg8[%dma_start3A_71] : memref<640xi32, #tpu.memory_space<vmem>> -> memref<128xi32, #tpu.memory_space<vmem>>
    %dma_start3A_73 = arith.constant 0 : i32
    %dma_start3A_74 = arith.constant 0 : i32
    %dma_start3A_75 = tpu.memref_slice %arg4[%dma_start3A_73, %dma_start3A_74] : memref<1048576x64xf32, #tpu.memory_space<hbm>> -> memref<1048576x64xf32, #tpu.memory_space<hbm>>
    tpu.enqueue_indirect_dma source(%dma_start3A_75 : memref<1048576x64xf32, #tpu.memory_space<hbm>>) target(%dma_start3A_70 : memref<128x64xf32, #tpu.memory_space<vmem>>) offsets(%dma_start3A_72 : memref<128xi32, #tpu.memory_space<vmem>>) semaphore(%arg16 : memref<!tpu.dma_semaphore, #tpu.memory_space<semaphore_mem>>)
    %dma_start3A_76 = arith.constant 512 : i32
    %dma_start3A_77 = arith.constant 0 : i32
    %dma_start3A_78 = tpu.memref_slice %arg14[%dma_start3A_76, %dma_start3A_77] : memref<640x16xf32, #tpu.memory_space<vmem>> -> memref<128x16xf32, #tpu.memory_space<vmem>>
    %dma_start3A_79 = arith.constant 512 : i32
    %dma_start3A_80 = tpu.memref_slice %arg10[%dma_start3A_79] : memref<640xi32, #tpu.memory_space<vmem>> -> memref<128xi32, #tpu.memory_space<vmem>>
    %dma_start3A_81 = arith.constant 0 : i32
    %dma_start3A_82 = arith.constant 0 : i32
    %dma_start3A_83 = tpu.memref_slice %arg5[%dma_start3A_81, %dma_start3A_82] : memref<1048576x16xf32, #tpu.memory_space<hbm>> -> memref<1048576x16xf32, #tpu.memory_space<hbm>>
    tpu.enqueue_indirect_dma source(%dma_start3A_83 : memref<1048576x16xf32, #tpu.memory_space<hbm>>) target(%dma_start3A_78 : memref<128x16xf32, #tpu.memory_space<vmem>>) offsets(%dma_start3A_80 : memref<128xi32, #tpu.memory_space<vmem>>) semaphore(%arg16 : memref<!tpu.dma_semaphore, #tpu.memory_space<semaphore_mem>>)
    %dma_wait3A = arith.constant 0 : i32
    %dma_wait3A_84 = arith.constant 0 : i32
    %dma_wait3A_85 = tpu.memref_slice %arg12[%dma_wait3A, %dma_wait3A_84] : memref<640x64xf32, #tpu.memory_space<vmem>> -> memref<128x64xf32, #tpu.memory_space<vmem>>
    %dma_wait3A_86 = arith.constant 0 : i32
    %dma_wait3A_87 = tpu.memref_slice %arg8[%dma_wait3A_86] : memref<640xi32, #tpu.memory_space<vmem>> -> memref<128xi32, #tpu.memory_space<vmem>>
    %dma_wait3A_88 = arith.constant 0 : i32
    %dma_wait3A_89 = arith.constant 0 : i32
    %dma_wait3A_90 = tpu.memref_slice %arg4[%dma_wait3A_88, %dma_wait3A_89] : memref<1048576x64xf32, #tpu.memory_space<hbm>> -> memref<1048576x64xf32, #tpu.memory_space<hbm>>
    tpu.wait_indirect_dma semaphore(%arg16 : memref<!tpu.dma_semaphore, #tpu.memory_space<semaphore_mem>>) src(%dma_wait3A_90 : memref<1048576x64xf32, #tpu.memory_space<hbm>>) dst(%dma_wait3A_85 : memref<128x64xf32, #tpu.memory_space<vmem>>)
    %dma_wait3A_91 = arith.constant 0 : i32
    %dma_wait3A_92 = arith.constant 0 : i32
    %dma_wait3A_93 = tpu.memref_slice %arg14[%dma_wait3A_91, %dma_wait3A_92] : memref<640x16xf32, #tpu.memory_space<vmem>> -> memref<128x16xf32, #tpu.memory_space<vmem>>
    %dma_wait3A_94 = arith.constant 0 : i32
    %dma_wait3A_95 = tpu.memref_slice %arg10[%dma_wait3A_94] : memref<640xi32, #tpu.memory_space<vmem>> -> memref<128xi32, #tpu.memory_space<vmem>>
    %dma_wait3A_96 = arith.constant 0 : i32
    %dma_wait3A_97 = arith.constant 0 : i32
    %dma_wait3A_98 = tpu.memref_slice %arg5[%dma_wait3A_96, %dma_wait3A_97] : memref<1048576x16xf32, #tpu.memory_space<hbm>> -> memref<1048576x16xf32, #tpu.memory_space<hbm>>
    tpu.wait_indirect_dma semaphore(%arg16 : memref<!tpu.dma_semaphore, #tpu.memory_space<semaphore_mem>>) src(%dma_wait3A_98 : memref<1048576x16xf32, #tpu.memory_space<hbm>>) dst(%dma_wait3A_93 : memref<128x16xf32, #tpu.memory_space<vmem>>)
    %dma_wait3A_99 = arith.constant 128 : i32
    %dma_wait3A_100 = arith.constant 0 : i32
    %dma_wait3A_101 = tpu.memref_slice %arg12[%dma_wait3A_99, %dma_wait3A_100] : memref<640x64xf32, #tpu.memory_space<vmem>> -> memref<128x64xf32, #tpu.memory_space<vmem>>
    %dma_wait3A_102 = arith.constant 128 : i32
    %dma_wait3A_103 = tpu.memref_slice %arg8[%dma_wait3A_102] : memref<640xi32, #tpu.memory_space<vmem>> -> memref<128xi32, #tpu.memory_space<vmem>>
    %dma_wait3A_104 = arith.constant 0 : i32
    %dma_wait3A_105 = arith.constant 0 : i32
    %dma_wait3A_106 = tpu.memref_slice %arg4[%dma_wait3A_104, %dma_wait3A_105] : memref<1048576x64xf32, #tpu.memory_space<hbm>> -> memref<1048576x64xf32, #tpu.memory_space<hbm>>
    tpu.wait_indirect_dma semaphore(%arg16 : memref<!tpu.dma_semaphore, #tpu.memory_space<semaphore_mem>>) src(%dma_wait3A_106 : memref<1048576x64xf32, #tpu.memory_space<hbm>>) dst(%dma_wait3A_101 : memref<128x64xf32, #tpu.memory_space<vmem>>)
    %dma_wait3A_107 = arith.constant 128 : i32
    %dma_wait3A_108 = arith.constant 0 : i32
    %dma_wait3A_109 = tpu.memref_slice %arg14[%dma_wait3A_107, %dma_wait3A_108] : memref<640x16xf32, #tpu.memory_space<vmem>> -> memref<128x16xf32, #tpu.memory_space<vmem>>
    %dma_wait3A_110 = arith.constant 128 : i32
    %dma_wait3A_111 = tpu.memref_slice %arg10[%dma_wait3A_110] : memref<640xi32, #tpu.memory_space<vmem>> -> memref<128xi32, #tpu.memory_space<vmem>>
    %dma_wait3A_112 = arith.constant 0 : i32
    %dma_wait3A_113 = arith.constant 0 : i32
    %dma_wait3A_114 = tpu.memref_slice %arg5[%dma_wait3A_112, %dma_wait3A_113] : memref<1048576x16xf32, #tpu.memory_space<hbm>> -> memref<1048576x16xf32, #tpu.memory_space<hbm>>
    tpu.wait_indirect_dma semaphore(%arg16 : memref<!tpu.dma_semaphore, #tpu.memory_space<semaphore_mem>>) src(%dma_wait3A_114 : memref<1048576x16xf32, #tpu.memory_space<hbm>>) dst(%dma_wait3A_109 : memref<128x16xf32, #tpu.memory_space<vmem>>)
    %dma_wait3A_115 = arith.constant 256 : i32
    %dma_wait3A_116 = arith.constant 0 : i32
    %dma_wait3A_117 = tpu.memref_slice %arg12[%dma_wait3A_115, %dma_wait3A_116] : memref<640x64xf32, #tpu.memory_space<vmem>> -> memref<128x64xf32, #tpu.memory_space<vmem>>
    %dma_wait3A_118 = arith.constant 256 : i32
    %dma_wait3A_119 = tpu.memref_slice %arg8[%dma_wait3A_118] : memref<640xi32, #tpu.memory_space<vmem>> -> memref<128xi32, #tpu.memory_space<vmem>>
    %dma_wait3A_120 = arith.constant 0 : i32
    %dma_wait3A_121 = arith.constant 0 : i32
    %dma_wait3A_122 = tpu.memref_slice %arg4[%dma_wait3A_120, %dma_wait3A_121] : memref<1048576x64xf32, #tpu.memory_space<hbm>> -> memref<1048576x64xf32, #tpu.memory_space<hbm>>
    tpu.wait_indirect_dma semaphore(%arg16 : memref<!tpu.dma_semaphore, #tpu.memory_space<semaphore_mem>>) src(%dma_wait3A_122 : memref<1048576x64xf32, #tpu.memory_space<hbm>>) dst(%dma_wait3A_117 : memref<128x64xf32, #tpu.memory_space<vmem>>)
    %dma_wait3A_123 = arith.constant 256 : i32
    %dma_wait3A_124 = arith.constant 0 : i32
    %dma_wait3A_125 = tpu.memref_slice %arg14[%dma_wait3A_123, %dma_wait3A_124] : memref<640x16xf32, #tpu.memory_space<vmem>> -> memref<128x16xf32, #tpu.memory_space<vmem>>
    %dma_wait3A_126 = arith.constant 256 : i32
    %dma_wait3A_127 = tpu.memref_slice %arg10[%dma_wait3A_126] : memref<640xi32, #tpu.memory_space<vmem>> -> memref<128xi32, #tpu.memory_space<vmem>>
    %dma_wait3A_128 = arith.constant 0 : i32
    %dma_wait3A_129 = arith.constant 0 : i32
    %dma_wait3A_130 = tpu.memref_slice %arg5[%dma_wait3A_128, %dma_wait3A_129] : memref<1048576x16xf32, #tpu.memory_space<hbm>> -> memref<1048576x16xf32, #tpu.memory_space<hbm>>
    tpu.wait_indirect_dma semaphore(%arg16 : memref<!tpu.dma_semaphore, #tpu.memory_space<semaphore_mem>>) src(%dma_wait3A_130 : memref<1048576x16xf32, #tpu.memory_space<hbm>>) dst(%dma_wait3A_125 : memref<128x16xf32, #tpu.memory_space<vmem>>)
    %dma_wait3A_131 = arith.constant 384 : i32
    %dma_wait3A_132 = arith.constant 0 : i32
    %dma_wait3A_133 = tpu.memref_slice %arg12[%dma_wait3A_131, %dma_wait3A_132] : memref<640x64xf32, #tpu.memory_space<vmem>> -> memref<128x64xf32, #tpu.memory_space<vmem>>
    %dma_wait3A_134 = arith.constant 384 : i32
    %dma_wait3A_135 = tpu.memref_slice %arg8[%dma_wait3A_134] : memref<640xi32, #tpu.memory_space<vmem>> -> memref<128xi32, #tpu.memory_space<vmem>>
    %dma_wait3A_136 = arith.constant 0 : i32
    %dma_wait3A_137 = arith.constant 0 : i32
    %dma_wait3A_138 = tpu.memref_slice %arg4[%dma_wait3A_136, %dma_wait3A_137] : memref<1048576x64xf32, #tpu.memory_space<hbm>> -> memref<1048576x64xf32, #tpu.memory_space<hbm>>
    tpu.wait_indirect_dma semaphore(%arg16 : memref<!tpu.dma_semaphore, #tpu.memory_space<semaphore_mem>>) src(%dma_wait3A_138 : memref<1048576x64xf32, #tpu.memory_space<hbm>>) dst(%dma_wait3A_133 : memref<128x64xf32, #tpu.memory_space<vmem>>)
    %dma_wait3A_139 = arith.constant 384 : i32
    %dma_wait3A_140 = arith.constant 0 : i32
    %dma_wait3A_141 = tpu.memref_slice %arg14[%dma_wait3A_139, %dma_wait3A_140] : memref<640x16xf32, #tpu.memory_space<vmem>> -> memref<128x16xf32, #tpu.memory_space<vmem>>
    %dma_wait3A_142 = arith.constant 384 : i32
    %dma_wait3A_143 = tpu.memref_slice %arg10[%dma_wait3A_142] : memref<640xi32, #tpu.memory_space<vmem>> -> memref<128xi32, #tpu.memory_space<vmem>>
    %dma_wait3A_144 = arith.constant 0 : i32
    %dma_wait3A_145 = arith.constant 0 : i32
    %dma_wait3A_146 = tpu.memref_slice %arg5[%dma_wait3A_144, %dma_wait3A_145] : memref<1048576x16xf32, #tpu.memory_space<hbm>> -> memref<1048576x16xf32, #tpu.memory_space<hbm>>
    tpu.wait_indirect_dma semaphore(%arg16 : memref<!tpu.dma_semaphore, #tpu.memory_space<semaphore_mem>>) src(%dma_wait3A_146 : memref<1048576x16xf32, #tpu.memory_space<hbm>>) dst(%dma_wait3A_141 : memref<128x16xf32, #tpu.memory_space<vmem>>)
    %dma_wait3A_147 = arith.constant 512 : i32
    %dma_wait3A_148 = arith.constant 0 : i32
    %dma_wait3A_149 = tpu.memref_slice %arg12[%dma_wait3A_147, %dma_wait3A_148] : memref<640x64xf32, #tpu.memory_space<vmem>> -> memref<128x64xf32, #tpu.memory_space<vmem>>
    %dma_wait3A_150 = arith.constant 512 : i32
    %dma_wait3A_151 = tpu.memref_slice %arg8[%dma_wait3A_150] : memref<640xi32, #tpu.memory_space<vmem>> -> memref<128xi32, #tpu.memory_space<vmem>>
    %dma_wait3A_152 = arith.constant 0 : i32
    %dma_wait3A_153 = arith.constant 0 : i32
    %dma_wait3A_154 = tpu.memref_slice %arg4[%dma_wait3A_152, %dma_wait3A_153] : memref<1048576x64xf32, #tpu.memory_space<hbm>> -> memref<1048576x64xf32, #tpu.memory_space<hbm>>
    tpu.wait_indirect_dma semaphore(%arg16 : memref<!tpu.dma_semaphore, #tpu.memory_space<semaphore_mem>>) src(%dma_wait3A_154 : memref<1048576x64xf32, #tpu.memory_space<hbm>>) dst(%dma_wait3A_149 : memref<128x64xf32, #tpu.memory_space<vmem>>)
    %dma_wait3A_155 = arith.constant 512 : i32
    %dma_wait3A_156 = arith.constant 0 : i32
    %dma_wait3A_157 = tpu.memref_slice %arg14[%dma_wait3A_155, %dma_wait3A_156] : memref<640x16xf32, #tpu.memory_space<vmem>> -> memref<128x16xf32, #tpu.memory_space<vmem>>
    %dma_wait3A_158 = arith.constant 512 : i32
    %dma_wait3A_159 = tpu.memref_slice %arg10[%dma_wait3A_158] : memref<640xi32, #tpu.memory_space<vmem>> -> memref<128xi32, #tpu.memory_space<vmem>>
    %dma_wait3A_160 = arith.constant 0 : i32
    %dma_wait3A_161 = arith.constant 0 : i32
    %dma_wait3A_162 = tpu.memref_slice %arg5[%dma_wait3A_160, %dma_wait3A_161] : memref<1048576x16xf32, #tpu.memory_space<hbm>> -> memref<1048576x16xf32, #tpu.memory_space<hbm>>
    tpu.wait_indirect_dma semaphore(%arg16 : memref<!tpu.dma_semaphore, #tpu.memory_space<semaphore_mem>>) src(%dma_wait3A_162 : memref<1048576x16xf32, #tpu.memory_space<hbm>>) dst(%dma_wait3A_157 : memref<128x16xf32, #tpu.memory_space<vmem>>)
    %dma_start3A_163 = arith.constant 0 : i32
    %dma_start3A_164 = tpu.memref_slice %arg6[%add3A_4, %dma_start3A_163] : memref<204800x64xf32, #tpu.memory_space<hbm>> -> memref<640x64xf32, #tpu.memory_space<hbm>>
    %dma_start3A_165 = arith.constant 0 : i32
    %dma_start3A_166 = tpu.memref_slice %arg6[%add3A_4, %dma_start3A_165] : memref<204800x64xf32, #tpu.memory_space<hbm>> -> memref<640x64xf32, #tpu.memory_space<hbm>>
    tpu.enqueue_dma source(%arg12 : memref<640x64xf32, #tpu.memory_space<vmem>>) target(%dma_start3A_166 : memref<640x64xf32, #tpu.memory_space<hbm>>) target_semaphore(%arg17 : memref<!tpu.dma_semaphore, #tpu.memory_space<semaphore_mem>>)
    %dma_start3A_167 = arith.constant 0 : i32
    %dma_start3A_168 = tpu.memref_slice %arg7[%add3A_4, %dma_start3A_167] : memref<204800x16xf32, #tpu.memory_space<hbm>> -> memref<640x16xf32, #tpu.memory_space<hbm>>
    %dma_start3A_169 = arith.constant 0 : i32
    %dma_start3A_170 = tpu.memref_slice %arg7[%add3A_4, %dma_start3A_169] : memref<204800x16xf32, #tpu.memory_space<hbm>> -> memref<640x16xf32, #tpu.memory_space<hbm>>
    tpu.enqueue_dma source(%arg14 : memref<640x16xf32, #tpu.memory_space<vmem>>) target(%dma_start3A_170 : memref<640x16xf32, #tpu.memory_space<hbm>>) target_semaphore(%arg17 : memref<!tpu.dma_semaphore, #tpu.memory_space<semaphore_mem>>)
    %add3A_171 = arith.constant 640 : i32
    %add3A_172 = arith.addi %mul3A_2, %add3A_171 : i32
    "tpu.region"() ({
      %run_scoped3A = tpu.sem_alloc : memref<!tpu.dma_semaphore, #tpu.memory_space<semaphore_mem>>
      %dma_start3A_1781 = tpu.memref_slice %arg2[%add3A_172] : memref<204800xi32, #tpu.memory_space<hbm>> -> memref<640xi32, #tpu.memory_space<hbm>>
      %dma_start3A_1782 = tpu.memref_slice %arg2[%add3A_172] : memref<204800xi32, #tpu.memory_space<hbm>> -> memref<640xi32, #tpu.memory_space<hbm>>
      tpu.enqueue_dma source(%dma_start3A_1782 : memref<640xi32, #tpu.memory_space<hbm>>) target(%arg9 : memref<640xi32, #tpu.memory_space<vmem>>) target_semaphore(%run_scoped3A : memref<!tpu.dma_semaphore, #tpu.memory_space<semaphore_mem>>)
      %dma_wait3A_1783 = tpu.memref_slice %arg2[%add3A_172] : memref<204800xi32, #tpu.memory_space<hbm>> -> memref<640xi32, #tpu.memory_space<hbm>>
      %dma_wait3A_1784 = tpu.memref_slice %arg2[%add3A_172] : memref<204800xi32, #tpu.memory_space<hbm>> -> memref<640xi32, #tpu.memory_space<hbm>>
      tpu.wait_dma2 semaphore(%run_scoped3A : memref<!tpu.dma_semaphore, #tpu.memory_space<semaphore_mem>>) src(%dma_wait3A_1784 : memref<640xi32, #tpu.memory_space<hbm>>) dst(%arg9 : memref<640xi32, #tpu.memory_space<vmem>>)
      tpu.yield
    }) : () -> ()
    "tpu.region"() ({
      %run_scoped3A = tpu.sem_alloc : memref<!tpu.dma_semaphore, #tpu.memory_space<semaphore_mem>>
      %dma_start3A_1781 = tpu.memref_slice %arg3[%add3A_172] : memref<204800xi32, #tpu.memory_space<hbm>> -> memref<640xi32, #tpu.memory_space<hbm>>
      %dma_start3A_1782 = tpu.memref_slice %arg3[%add3A_172] : memref<204800xi32, #tpu.memory_space<hbm>> -> memref<640xi32, #tpu.memory_space<hbm>>
      tpu.enqueue_dma source(%dma_start3A_1782 : memref<640xi32, #tpu.memory_space<hbm>>) target(%arg11 : memref<640xi32, #tpu.memory_space<vmem>>) target_semaphore(%run_scoped3A : memref<!tpu.dma_semaphore, #tpu.memory_space<semaphore_mem>>)
      %dma_wait3A_1783 = tpu.memref_slice %arg3[%add3A_172] : memref<204800xi32, #tpu.memory_space<hbm>> -> memref<640xi32, #tpu.memory_space<hbm>>
      %dma_wait3A_1784 = tpu.memref_slice %arg3[%add3A_172] : memref<204800xi32, #tpu.memory_space<hbm>> -> memref<640xi32, #tpu.memory_space<hbm>>
      tpu.wait_dma2 semaphore(%run_scoped3A : memref<!tpu.dma_semaphore, #tpu.memory_space<semaphore_mem>>) src(%dma_wait3A_1784 : memref<640xi32, #tpu.memory_space<hbm>>) dst(%arg11 : memref<640xi32, #tpu.memory_space<vmem>>)
      tpu.yield
    }) : () -> ()
    %dma_start3A_173 = arith.constant 0 : i32
    %dma_start3A_174 = arith.constant 0 : i32
    %dma_start3A_175 = tpu.memref_slice %arg13[%dma_start3A_173, %dma_start3A_174] : memref<640x64xf32, #tpu.memory_space<vmem>> -> memref<128x64xf32, #tpu.memory_space<vmem>>
    %dma_start3A_176 = arith.constant 0 : i32
    %dma_start3A_177 = tpu.memref_slice %arg9[%dma_start3A_176] : memref<640xi32, #tpu.memory_space<vmem>> -> memref<128xi32, #tpu.memory_space<vmem>>
    %dma_start3A_178 = arith.constant 0 : i32
    %dma_start3A_179 = arith.constant 0 : i32
    %dma_start3A_180 = tpu.memref_slice %arg4[%dma_start3A_178, %dma_start3A_179] : memref<1048576x64xf32, #tpu.memory_space<hbm>> -> memref<1048576x64xf32, #tpu.memory_space<hbm>>
    tpu.enqueue_indirect_dma source(%dma_start3A_180 : memref<1048576x64xf32, #tpu.memory_space<hbm>>) target(%dma_start3A_175 : memref<128x64xf32, #tpu.memory_space<vmem>>) offsets(%dma_start3A_177 : memref<128xi32, #tpu.memory_space<vmem>>) semaphore(%arg16 : memref<!tpu.dma_semaphore, #tpu.memory_space<semaphore_mem>>)
    %dma_start3A_181 = arith.constant 0 : i32
    %dma_start3A_182 = arith.constant 0 : i32
    %dma_start3A_183 = tpu.memref_slice %arg15[%dma_start3A_181, %dma_start3A_182] : memref<640x16xf32, #tpu.memory_space<vmem>> -> memref<128x16xf32, #tpu.memory_space<vmem>>
    %dma_start3A_184 = arith.constant 0 : i32
    %dma_start3A_185 = tpu.memref_slice %arg11[%dma_start3A_184] : memref<640xi32, #tpu.memory_space<vmem>> -> memref<128xi32, #tpu.memory_space<vmem>>
    %dma_start3A_186 = arith.constant 0 : i32
    %dma_start3A_187 = arith.constant 0 : i32
    %dma_start3A_188 = tpu.memref_slice %arg5[%dma_start3A_186, %dma_start3A_187] : memref<1048576x16xf32, #tpu.memory_space<hbm>> -> memref<1048576x16xf32, #tpu.memory_space<hbm>>
    tpu.enqueue_indirect_dma source(%dma_start3A_188 : memref<1048576x16xf32, #tpu.memory_space<hbm>>) target(%dma_start3A_183 : memref<128x16xf32, #tpu.memory_space<vmem>>) offsets(%dma_start3A_185 : memref<128xi32, #tpu.memory_space<vmem>>) semaphore(%arg16 : memref<!tpu.dma_semaphore, #tpu.memory_space<semaphore_mem>>)
    %dma_start3A_189 = arith.constant 128 : i32
    %dma_start3A_190 = arith.constant 0 : i32
    %dma_start3A_191 = tpu.memref_slice %arg13[%dma_start3A_189, %dma_start3A_190] : memref<640x64xf32, #tpu.memory_space<vmem>> -> memref<128x64xf32, #tpu.memory_space<vmem>>
    %dma_start3A_192 = arith.constant 128 : i32
    %dma_start3A_193 = tpu.memref_slice %arg9[%dma_start3A_192] : memref<640xi32, #tpu.memory_space<vmem>> -> memref<128xi32, #tpu.memory_space<vmem>>
    %dma_start3A_194 = arith.constant 0 : i32
    %dma_start3A_195 = arith.constant 0 : i32
    %dma_start3A_196 = tpu.memref_slice %arg4[%dma_start3A_194, %dma_start3A_195] : memref<1048576x64xf32, #tpu.memory_space<hbm>> -> memref<1048576x64xf32, #tpu.memory_space<hbm>>
    tpu.enqueue_indirect_dma source(%dma_start3A_196 : memref<1048576x64xf32, #tpu.memory_space<hbm>>) target(%dma_start3A_191 : memref<128x64xf32, #tpu.memory_space<vmem>>) offsets(%dma_start3A_193 : memref<128xi32, #tpu.memory_space<vmem>>) semaphore(%arg16 : memref<!tpu.dma_semaphore, #tpu.memory_space<semaphore_mem>>)
    %dma_start3A_197 = arith.constant 128 : i32
    %dma_start3A_198 = arith.constant 0 : i32
    %dma_start3A_199 = tpu.memref_slice %arg15[%dma_start3A_197, %dma_start3A_198] : memref<640x16xf32, #tpu.memory_space<vmem>> -> memref<128x16xf32, #tpu.memory_space<vmem>>
    %dma_start3A_200 = arith.constant 128 : i32
    %dma_start3A_201 = tpu.memref_slice %arg11[%dma_start3A_200] : memref<640xi32, #tpu.memory_space<vmem>> -> memref<128xi32, #tpu.memory_space<vmem>>
    %dma_start3A_202 = arith.constant 0 : i32
    %dma_start3A_203 = arith.constant 0 : i32
    %dma_start3A_204 = tpu.memref_slice %arg5[%dma_start3A_202, %dma_start3A_203] : memref<1048576x16xf32, #tpu.memory_space<hbm>> -> memref<1048576x16xf32, #tpu.memory_space<hbm>>
    tpu.enqueue_indirect_dma source(%dma_start3A_204 : memref<1048576x16xf32, #tpu.memory_space<hbm>>) target(%dma_start3A_199 : memref<128x16xf32, #tpu.memory_space<vmem>>) offsets(%dma_start3A_201 : memref<128xi32, #tpu.memory_space<vmem>>) semaphore(%arg16 : memref<!tpu.dma_semaphore, #tpu.memory_space<semaphore_mem>>)
    %dma_start3A_205 = arith.constant 256 : i32
    %dma_start3A_206 = arith.constant 0 : i32
    %dma_start3A_207 = tpu.memref_slice %arg13[%dma_start3A_205, %dma_start3A_206] : memref<640x64xf32, #tpu.memory_space<vmem>> -> memref<128x64xf32, #tpu.memory_space<vmem>>
    %dma_start3A_208 = arith.constant 256 : i32
    %dma_start3A_209 = tpu.memref_slice %arg9[%dma_start3A_208] : memref<640xi32, #tpu.memory_space<vmem>> -> memref<128xi32, #tpu.memory_space<vmem>>
    %dma_start3A_210 = arith.constant 0 : i32
    %dma_start3A_211 = arith.constant 0 : i32
    %dma_start3A_212 = tpu.memref_slice %arg4[%dma_start3A_210, %dma_start3A_211] : memref<1048576x64xf32, #tpu.memory_space<hbm>> -> memref<1048576x64xf32, #tpu.memory_space<hbm>>
    tpu.enqueue_indirect_dma source(%dma_start3A_212 : memref<1048576x64xf32, #tpu.memory_space<hbm>>) target(%dma_start3A_207 : memref<128x64xf32, #tpu.memory_space<vmem>>) offsets(%dma_start3A_209 : memref<128xi32, #tpu.memory_space<vmem>>) semaphore(%arg16 : memref<!tpu.dma_semaphore, #tpu.memory_space<semaphore_mem>>)
    %dma_start3A_213 = arith.constant 256 : i32
    %dma_start3A_214 = arith.constant 0 : i32
    %dma_start3A_215 = tpu.memref_slice %arg15[%dma_start3A_213, %dma_start3A_214] : memref<640x16xf32, #tpu.memory_space<vmem>> -> memref<128x16xf32, #tpu.memory_space<vmem>>
    %dma_start3A_216 = arith.constant 256 : i32
    %dma_start3A_217 = tpu.memref_slice %arg11[%dma_start3A_216] : memref<640xi32, #tpu.memory_space<vmem>> -> memref<128xi32, #tpu.memory_space<vmem>>
    %dma_start3A_218 = arith.constant 0 : i32
    %dma_start3A_219 = arith.constant 0 : i32
    %dma_start3A_220 = tpu.memref_slice %arg5[%dma_start3A_218, %dma_start3A_219] : memref<1048576x16xf32, #tpu.memory_space<hbm>> -> memref<1048576x16xf32, #tpu.memory_space<hbm>>
    tpu.enqueue_indirect_dma source(%dma_start3A_220 : memref<1048576x16xf32, #tpu.memory_space<hbm>>) target(%dma_start3A_215 : memref<128x16xf32, #tpu.memory_space<vmem>>) offsets(%dma_start3A_217 : memref<128xi32, #tpu.memory_space<vmem>>) semaphore(%arg16 : memref<!tpu.dma_semaphore, #tpu.memory_space<semaphore_mem>>)
    %dma_start3A_221 = arith.constant 384 : i32
    %dma_start3A_222 = arith.constant 0 : i32
    %dma_start3A_223 = tpu.memref_slice %arg13[%dma_start3A_221, %dma_start3A_222] : memref<640x64xf32, #tpu.memory_space<vmem>> -> memref<128x64xf32, #tpu.memory_space<vmem>>
    %dma_start3A_224 = arith.constant 384 : i32
    %dma_start3A_225 = tpu.memref_slice %arg9[%dma_start3A_224] : memref<640xi32, #tpu.memory_space<vmem>> -> memref<128xi32, #tpu.memory_space<vmem>>
    %dma_start3A_226 = arith.constant 0 : i32
    %dma_start3A_227 = arith.constant 0 : i32
    %dma_start3A_228 = tpu.memref_slice %arg4[%dma_start3A_226, %dma_start3A_227] : memref<1048576x64xf32, #tpu.memory_space<hbm>> -> memref<1048576x64xf32, #tpu.memory_space<hbm>>
    tpu.enqueue_indirect_dma source(%dma_start3A_228 : memref<1048576x64xf32, #tpu.memory_space<hbm>>) target(%dma_start3A_223 : memref<128x64xf32, #tpu.memory_space<vmem>>) offsets(%dma_start3A_225 : memref<128xi32, #tpu.memory_space<vmem>>) semaphore(%arg16 : memref<!tpu.dma_semaphore, #tpu.memory_space<semaphore_mem>>)
    %dma_start3A_229 = arith.constant 384 : i32
    %dma_start3A_230 = arith.constant 0 : i32
    %dma_start3A_231 = tpu.memref_slice %arg15[%dma_start3A_229, %dma_start3A_230] : memref<640x16xf32, #tpu.memory_space<vmem>> -> memref<128x16xf32, #tpu.memory_space<vmem>>
    %dma_start3A_232 = arith.constant 384 : i32
    %dma_start3A_233 = tpu.memref_slice %arg11[%dma_start3A_232] : memref<640xi32, #tpu.memory_space<vmem>> -> memref<128xi32, #tpu.memory_space<vmem>>
    %dma_start3A_234 = arith.constant 0 : i32
    %dma_start3A_235 = arith.constant 0 : i32
    %dma_start3A_236 = tpu.memref_slice %arg5[%dma_start3A_234, %dma_start3A_235] : memref<1048576x16xf32, #tpu.memory_space<hbm>> -> memref<1048576x16xf32, #tpu.memory_space<hbm>>
    tpu.enqueue_indirect_dma source(%dma_start3A_236 : memref<1048576x16xf32, #tpu.memory_space<hbm>>) target(%dma_start3A_231 : memref<128x16xf32, #tpu.memory_space<vmem>>) offsets(%dma_start3A_233 : memref<128xi32, #tpu.memory_space<vmem>>) semaphore(%arg16 : memref<!tpu.dma_semaphore, #tpu.memory_space<semaphore_mem>>)
    %dma_start3A_237 = arith.constant 512 : i32
    %dma_start3A_238 = arith.constant 0 : i32
    %dma_start3A_239 = tpu.memref_slice %arg13[%dma_start3A_237, %dma_start3A_238] : memref<640x64xf32, #tpu.memory_space<vmem>> -> memref<128x64xf32, #tpu.memory_space<vmem>>
    %dma_start3A_240 = arith.constant 512 : i32
    %dma_start3A_241 = tpu.memref_slice %arg9[%dma_start3A_240] : memref<640xi32, #tpu.memory_space<vmem>> -> memref<128xi32, #tpu.memory_space<vmem>>
    %dma_start3A_242 = arith.constant 0 : i32
    %dma_start3A_243 = arith.constant 0 : i32
    %dma_start3A_244 = tpu.memref_slice %arg4[%dma_start3A_242, %dma_start3A_243] : memref<1048576x64xf32, #tpu.memory_space<hbm>> -> memref<1048576x64xf32, #tpu.memory_space<hbm>>
    tpu.enqueue_indirect_dma source(%dma_start3A_244 : memref<1048576x64xf32, #tpu.memory_space<hbm>>) target(%dma_start3A_239 : memref<128x64xf32, #tpu.memory_space<vmem>>) offsets(%dma_start3A_241 : memref<128xi32, #tpu.memory_space<vmem>>) semaphore(%arg16 : memref<!tpu.dma_semaphore, #tpu.memory_space<semaphore_mem>>)
    %dma_start3A_245 = arith.constant 512 : i32
    %dma_start3A_246 = arith.constant 0 : i32
    %dma_start3A_247 = tpu.memref_slice %arg15[%dma_start3A_245, %dma_start3A_246] : memref<640x16xf32, #tpu.memory_space<vmem>> -> memref<128x16xf32, #tpu.memory_space<vmem>>
    %dma_start3A_248 = arith.constant 512 : i32
    %dma_start3A_249 = tpu.memref_slice %arg11[%dma_start3A_248] : memref<640xi32, #tpu.memory_space<vmem>> -> memref<128xi32, #tpu.memory_space<vmem>>
    %dma_start3A_250 = arith.constant 0 : i32
    %dma_start3A_251 = arith.constant 0 : i32
    %dma_start3A_252 = tpu.memref_slice %arg5[%dma_start3A_250, %dma_start3A_251] : memref<1048576x16xf32, #tpu.memory_space<hbm>> -> memref<1048576x16xf32, #tpu.memory_space<hbm>>
    tpu.enqueue_indirect_dma source(%dma_start3A_252 : memref<1048576x16xf32, #tpu.memory_space<hbm>>) target(%dma_start3A_247 : memref<128x16xf32, #tpu.memory_space<vmem>>) offsets(%dma_start3A_249 : memref<128xi32, #tpu.memory_space<vmem>>) semaphore(%arg16 : memref<!tpu.dma_semaphore, #tpu.memory_space<semaphore_mem>>)
    %dma_wait3A_253 = arith.constant 0 : i32
    %dma_wait3A_254 = arith.constant 0 : i32
    %dma_wait3A_255 = tpu.memref_slice %arg13[%dma_wait3A_253, %dma_wait3A_254] : memref<640x64xf32, #tpu.memory_space<vmem>> -> memref<128x64xf32, #tpu.memory_space<vmem>>
    %dma_wait3A_256 = arith.constant 0 : i32
    %dma_wait3A_257 = tpu.memref_slice %arg9[%dma_wait3A_256] : memref<640xi32, #tpu.memory_space<vmem>> -> memref<128xi32, #tpu.memory_space<vmem>>
    %dma_wait3A_258 = arith.constant 0 : i32
    %dma_wait3A_259 = arith.constant 0 : i32
    %dma_wait3A_260 = tpu.memref_slice %arg4[%dma_wait3A_258, %dma_wait3A_259] : memref<1048576x64xf32, #tpu.memory_space<hbm>> -> memref<1048576x64xf32, #tpu.memory_space<hbm>>
    tpu.wait_indirect_dma semaphore(%arg16 : memref<!tpu.dma_semaphore, #tpu.memory_space<semaphore_mem>>) src(%dma_wait3A_260 : memref<1048576x64xf32, #tpu.memory_space<hbm>>) dst(%dma_wait3A_255 : memref<128x64xf32, #tpu.memory_space<vmem>>)
    %dma_wait3A_261 = arith.constant 0 : i32
    %dma_wait3A_262 = arith.constant 0 : i32
    %dma_wait3A_263 = tpu.memref_slice %arg15[%dma_wait3A_261, %dma_wait3A_262] : memref<640x16xf32, #tpu.memory_space<vmem>> -> memref<128x16xf32, #tpu.memory_space<vmem>>
    %dma_wait3A_264 = arith.constant 0 : i32
    %dma_wait3A_265 = tpu.memref_slice %arg11[%dma_wait3A_264] : memref<640xi32, #tpu.memory_space<vmem>> -> memref<128xi32, #tpu.memory_space<vmem>>
    %dma_wait3A_266 = arith.constant 0 : i32
    %dma_wait3A_267 = arith.constant 0 : i32
    %dma_wait3A_268 = tpu.memref_slice %arg5[%dma_wait3A_266, %dma_wait3A_267] : memref<1048576x16xf32, #tpu.memory_space<hbm>> -> memref<1048576x16xf32, #tpu.memory_space<hbm>>
    tpu.wait_indirect_dma semaphore(%arg16 : memref<!tpu.dma_semaphore, #tpu.memory_space<semaphore_mem>>) src(%dma_wait3A_268 : memref<1048576x16xf32, #tpu.memory_space<hbm>>) dst(%dma_wait3A_263 : memref<128x16xf32, #tpu.memory_space<vmem>>)
    %dma_wait3A_269 = arith.constant 128 : i32
    %dma_wait3A_270 = arith.constant 0 : i32
    %dma_wait3A_271 = tpu.memref_slice %arg13[%dma_wait3A_269, %dma_wait3A_270] : memref<640x64xf32, #tpu.memory_space<vmem>> -> memref<128x64xf32, #tpu.memory_space<vmem>>
    %dma_wait3A_272 = arith.constant 128 : i32
    %dma_wait3A_273 = tpu.memref_slice %arg9[%dma_wait3A_272] : memref<640xi32, #tpu.memory_space<vmem>> -> memref<128xi32, #tpu.memory_space<vmem>>
    %dma_wait3A_274 = arith.constant 0 : i32
    %dma_wait3A_275 = arith.constant 0 : i32
    %dma_wait3A_276 = tpu.memref_slice %arg4[%dma_wait3A_274, %dma_wait3A_275] : memref<1048576x64xf32, #tpu.memory_space<hbm>> -> memref<1048576x64xf32, #tpu.memory_space<hbm>>
    tpu.wait_indirect_dma semaphore(%arg16 : memref<!tpu.dma_semaphore, #tpu.memory_space<semaphore_mem>>) src(%dma_wait3A_276 : memref<1048576x64xf32, #tpu.memory_space<hbm>>) dst(%dma_wait3A_271 : memref<128x64xf32, #tpu.memory_space<vmem>>)
    %dma_wait3A_277 = arith.constant 128 : i32
    %dma_wait3A_278 = arith.constant 0 : i32
    %dma_wait3A_279 = tpu.memref_slice %arg15[%dma_wait3A_277, %dma_wait3A_278] : memref<640x16xf32, #tpu.memory_space<vmem>> -> memref<128x16xf32, #tpu.memory_space<vmem>>
    %dma_wait3A_280 = arith.constant 128 : i32
    %dma_wait3A_281 = tpu.memref_slice %arg11[%dma_wait3A_280] : memref<640xi32, #tpu.memory_space<vmem>> -> memref<128xi32, #tpu.memory_space<vmem>>
    %dma_wait3A_282 = arith.constant 0 : i32
    %dma_wait3A_283 = arith.constant 0 : i32
    %dma_wait3A_284 = tpu.memref_slice %arg5[%dma_wait3A_282, %dma_wait3A_283] : memref<1048576x16xf32, #tpu.memory_space<hbm>> -> memref<1048576x16xf32, #tpu.memory_space<hbm>>
    tpu.wait_indirect_dma semaphore(%arg16 : memref<!tpu.dma_semaphore, #tpu.memory_space<semaphore_mem>>) src(%dma_wait3A_284 : memref<1048576x16xf32, #tpu.memory_space<hbm>>) dst(%dma_wait3A_279 : memref<128x16xf32, #tpu.memory_space<vmem>>)
    %dma_wait3A_285 = arith.constant 256 : i32
    %dma_wait3A_286 = arith.constant 0 : i32
    %dma_wait3A_287 = tpu.memref_slice %arg13[%dma_wait3A_285, %dma_wait3A_286] : memref<640x64xf32, #tpu.memory_space<vmem>> -> memref<128x64xf32, #tpu.memory_space<vmem>>
    %dma_wait3A_288 = arith.constant 256 : i32
    %dma_wait3A_289 = tpu.memref_slice %arg9[%dma_wait3A_288] : memref<640xi32, #tpu.memory_space<vmem>> -> memref<128xi32, #tpu.memory_space<vmem>>
    %dma_wait3A_290 = arith.constant 0 : i32
    %dma_wait3A_291 = arith.constant 0 : i32
    %dma_wait3A_292 = tpu.memref_slice %arg4[%dma_wait3A_290, %dma_wait3A_291] : memref<1048576x64xf32, #tpu.memory_space<hbm>> -> memref<1048576x64xf32, #tpu.memory_space<hbm>>
    tpu.wait_indirect_dma semaphore(%arg16 : memref<!tpu.dma_semaphore, #tpu.memory_space<semaphore_mem>>) src(%dma_wait3A_292 : memref<1048576x64xf32, #tpu.memory_space<hbm>>) dst(%dma_wait3A_287 : memref<128x64xf32, #tpu.memory_space<vmem>>)
    %dma_wait3A_293 = arith.constant 256 : i32
    %dma_wait3A_294 = arith.constant 0 : i32
    %dma_wait3A_295 = tpu.memref_slice %arg15[%dma_wait3A_293, %dma_wait3A_294] : memref<640x16xf32, #tpu.memory_space<vmem>> -> memref<128x16xf32, #tpu.memory_space<vmem>>
    %dma_wait3A_296 = arith.constant 256 : i32
    %dma_wait3A_297 = tpu.memref_slice %arg11[%dma_wait3A_296] : memref<640xi32, #tpu.memory_space<vmem>> -> memref<128xi32, #tpu.memory_space<vmem>>
    %dma_wait3A_298 = arith.constant 0 : i32
    %dma_wait3A_299 = arith.constant 0 : i32
    %dma_wait3A_300 = tpu.memref_slice %arg5[%dma_wait3A_298, %dma_wait3A_299] : memref<1048576x16xf32, #tpu.memory_space<hbm>> -> memref<1048576x16xf32, #tpu.memory_space<hbm>>
    tpu.wait_indirect_dma semaphore(%arg16 : memref<!tpu.dma_semaphore, #tpu.memory_space<semaphore_mem>>) src(%dma_wait3A_300 : memref<1048576x16xf32, #tpu.memory_space<hbm>>) dst(%dma_wait3A_295 : memref<128x16xf32, #tpu.memory_space<vmem>>)
    %dma_wait3A_301 = arith.constant 384 : i32
    %dma_wait3A_302 = arith.constant 0 : i32
    %dma_wait3A_303 = tpu.memref_slice %arg13[%dma_wait3A_301, %dma_wait3A_302] : memref<640x64xf32, #tpu.memory_space<vmem>> -> memref<128x64xf32, #tpu.memory_space<vmem>>
    %dma_wait3A_304 = arith.constant 384 : i32
    %dma_wait3A_305 = tpu.memref_slice %arg9[%dma_wait3A_304] : memref<640xi32, #tpu.memory_space<vmem>> -> memref<128xi32, #tpu.memory_space<vmem>>
    %dma_wait3A_306 = arith.constant 0 : i32
    %dma_wait3A_307 = arith.constant 0 : i32
    %dma_wait3A_308 = tpu.memref_slice %arg4[%dma_wait3A_306, %dma_wait3A_307] : memref<1048576x64xf32, #tpu.memory_space<hbm>> -> memref<1048576x64xf32, #tpu.memory_space<hbm>>
    tpu.wait_indirect_dma semaphore(%arg16 : memref<!tpu.dma_semaphore, #tpu.memory_space<semaphore_mem>>) src(%dma_wait3A_308 : memref<1048576x64xf32, #tpu.memory_space<hbm>>) dst(%dma_wait3A_303 : memref<128x64xf32, #tpu.memory_space<vmem>>)
    %dma_wait3A_309 = arith.constant 384 : i32
    %dma_wait3A_310 = arith.constant 0 : i32
    %dma_wait3A_311 = tpu.memref_slice %arg15[%dma_wait3A_309, %dma_wait3A_310] : memref<640x16xf32, #tpu.memory_space<vmem>> -> memref<128x16xf32, #tpu.memory_space<vmem>>
    %dma_wait3A_312 = arith.constant 384 : i32
    %dma_wait3A_313 = tpu.memref_slice %arg11[%dma_wait3A_312] : memref<640xi32, #tpu.memory_space<vmem>> -> memref<128xi32, #tpu.memory_space<vmem>>
    %dma_wait3A_314 = arith.constant 0 : i32
    %dma_wait3A_315 = arith.constant 0 : i32
    %dma_wait3A_316 = tpu.memref_slice %arg5[%dma_wait3A_314, %dma_wait3A_315] : memref<1048576x16xf32, #tpu.memory_space<hbm>> -> memref<1048576x16xf32, #tpu.memory_space<hbm>>
    tpu.wait_indirect_dma semaphore(%arg16 : memref<!tpu.dma_semaphore, #tpu.memory_space<semaphore_mem>>) src(%dma_wait3A_316 : memref<1048576x16xf32, #tpu.memory_space<hbm>>) dst(%dma_wait3A_311 : memref<128x16xf32, #tpu.memory_space<vmem>>)
    %dma_wait3A_317 = arith.constant 512 : i32
    %dma_wait3A_318 = arith.constant 0 : i32
    %dma_wait3A_319 = tpu.memref_slice %arg13[%dma_wait3A_317, %dma_wait3A_318] : memref<640x64xf32, #tpu.memory_space<vmem>> -> memref<128x64xf32, #tpu.memory_space<vmem>>
    %dma_wait3A_320 = arith.constant 512 : i32
    %dma_wait3A_321 = tpu.memref_slice %arg9[%dma_wait3A_320] : memref<640xi32, #tpu.memory_space<vmem>> -> memref<128xi32, #tpu.memory_space<vmem>>
    %dma_wait3A_322 = arith.constant 0 : i32
    %dma_wait3A_323 = arith.constant 0 : i32
    %dma_wait3A_324 = tpu.memref_slice %arg4[%dma_wait3A_322, %dma_wait3A_323] : memref<1048576x64xf32, #tpu.memory_space<hbm>> -> memref<1048576x64xf32, #tpu.memory_space<hbm>>
    tpu.wait_indirect_dma semaphore(%arg16 : memref<!tpu.dma_semaphore, #tpu.memory_space<semaphore_mem>>) src(%dma_wait3A_324 : memref<1048576x64xf32, #tpu.memory_space<hbm>>) dst(%dma_wait3A_319 : memref<128x64xf32, #tpu.memory_space<vmem>>)
    %dma_wait3A_325 = arith.constant 512 : i32
    %dma_wait3A_326 = arith.constant 0 : i32
    %dma_wait3A_327 = tpu.memref_slice %arg15[%dma_wait3A_325, %dma_wait3A_326] : memref<640x16xf32, #tpu.memory_space<vmem>> -> memref<128x16xf32, #tpu.memory_space<vmem>>
    %dma_wait3A_328 = arith.constant 512 : i32
    %dma_wait3A_329 = tpu.memref_slice %arg11[%dma_wait3A_328] : memref<640xi32, #tpu.memory_space<vmem>> -> memref<128xi32, #tpu.memory_space<vmem>>
    %dma_wait3A_330 = arith.constant 0 : i32
    %dma_wait3A_331 = arith.constant 0 : i32
    %dma_wait3A_332 = tpu.memref_slice %arg5[%dma_wait3A_330, %dma_wait3A_331] : memref<1048576x16xf32, #tpu.memory_space<hbm>> -> memref<1048576x16xf32, #tpu.memory_space<hbm>>
    tpu.wait_indirect_dma semaphore(%arg16 : memref<!tpu.dma_semaphore, #tpu.memory_space<semaphore_mem>>) src(%dma_wait3A_332 : memref<1048576x16xf32, #tpu.memory_space<hbm>>) dst(%dma_wait3A_327 : memref<128x16xf32, #tpu.memory_space<vmem>>)
    %dma_start3A_333 = arith.constant 0 : i32
    %dma_start3A_334 = tpu.memref_slice %arg6[%add3A_172, %dma_start3A_333] : memref<204800x64xf32, #tpu.memory_space<hbm>> -> memref<640x64xf32, #tpu.memory_space<hbm>>
    %dma_start3A_335 = arith.constant 0 : i32
    %dma_start3A_336 = tpu.memref_slice %arg6[%add3A_172, %dma_start3A_335] : memref<204800x64xf32, #tpu.memory_space<hbm>> -> memref<640x64xf32, #tpu.memory_space<hbm>>
    tpu.enqueue_dma source(%arg13 : memref<640x64xf32, #tpu.memory_space<vmem>>) target(%dma_start3A_336 : memref<640x64xf32, #tpu.memory_space<hbm>>) target_semaphore(%arg17 : memref<!tpu.dma_semaphore, #tpu.memory_space<semaphore_mem>>)
    %dma_start3A_337 = arith.constant 0 : i32
    %dma_start3A_338 = tpu.memref_slice %arg7[%add3A_172, %dma_start3A_337] : memref<204800x16xf32, #tpu.memory_space<hbm>> -> memref<640x16xf32, #tpu.memory_space<hbm>>
    %dma_start3A_339 = arith.constant 0 : i32
    %dma_start3A_340 = tpu.memref_slice %arg7[%add3A_172, %dma_start3A_339] : memref<204800x16xf32, #tpu.memory_space<hbm>> -> memref<640x16xf32, #tpu.memory_space<hbm>>
    tpu.enqueue_dma source(%arg15 : memref<640x16xf32, #tpu.memory_space<vmem>>) target(%dma_start3A_340 : memref<640x16xf32, #tpu.memory_space<hbm>>) target_semaphore(%arg17 : memref<!tpu.dma_semaphore, #tpu.memory_space<semaphore_mem>>)
    %add3A_341 = arith.constant 1280 : i32
    %add3A_342 = arith.addi %mul3A_2, %add3A_341 : i32
    "tpu.region"() ({
      %run_scoped3A = tpu.sem_alloc : memref<!tpu.dma_semaphore, #tpu.memory_space<semaphore_mem>>
      %dma_start3A_1781 = tpu.memref_slice %arg2[%add3A_342] : memref<204800xi32, #tpu.memory_space<hbm>> -> memref<640xi32, #tpu.memory_space<hbm>>
      %dma_start3A_1782 = tpu.memref_slice %arg2[%add3A_342] : memref<204800xi32, #tpu.memory_space<hbm>> -> memref<640xi32, #tpu.memory_space<hbm>>
      tpu.enqueue_dma source(%dma_start3A_1782 : memref<640xi32, #tpu.memory_space<hbm>>) target(%arg8 : memref<640xi32, #tpu.memory_space<vmem>>) target_semaphore(%run_scoped3A : memref<!tpu.dma_semaphore, #tpu.memory_space<semaphore_mem>>)
      %dma_wait3A_1783 = tpu.memref_slice %arg2[%add3A_342] : memref<204800xi32, #tpu.memory_space<hbm>> -> memref<640xi32, #tpu.memory_space<hbm>>
      %dma_wait3A_1784 = tpu.memref_slice %arg2[%add3A_342] : memref<204800xi32, #tpu.memory_space<hbm>> -> memref<640xi32, #tpu.memory_space<hbm>>
      tpu.wait_dma2 semaphore(%run_scoped3A : memref<!tpu.dma_semaphore, #tpu.memory_space<semaphore_mem>>) src(%dma_wait3A_1784 : memref<640xi32, #tpu.memory_space<hbm>>) dst(%arg8 : memref<640xi32, #tpu.memory_space<vmem>>)
      tpu.yield
    }) : () -> ()
    "tpu.region"() ({
      %run_scoped3A = tpu.sem_alloc : memref<!tpu.dma_semaphore, #tpu.memory_space<semaphore_mem>>
      %dma_start3A_1781 = tpu.memref_slice %arg3[%add3A_342] : memref<204800xi32, #tpu.memory_space<hbm>> -> memref<640xi32, #tpu.memory_space<hbm>>
      %dma_start3A_1782 = tpu.memref_slice %arg3[%add3A_342] : memref<204800xi32, #tpu.memory_space<hbm>> -> memref<640xi32, #tpu.memory_space<hbm>>
      tpu.enqueue_dma source(%dma_start3A_1782 : memref<640xi32, #tpu.memory_space<hbm>>) target(%arg10 : memref<640xi32, #tpu.memory_space<vmem>>) target_semaphore(%run_scoped3A : memref<!tpu.dma_semaphore, #tpu.memory_space<semaphore_mem>>)
      %dma_wait3A_1783 = tpu.memref_slice %arg3[%add3A_342] : memref<204800xi32, #tpu.memory_space<hbm>> -> memref<640xi32, #tpu.memory_space<hbm>>
      %dma_wait3A_1784 = tpu.memref_slice %arg3[%add3A_342] : memref<204800xi32, #tpu.memory_space<hbm>> -> memref<640xi32, #tpu.memory_space<hbm>>
      tpu.wait_dma2 semaphore(%run_scoped3A : memref<!tpu.dma_semaphore, #tpu.memory_space<semaphore_mem>>) src(%dma_wait3A_1784 : memref<640xi32, #tpu.memory_space<hbm>>) dst(%arg10 : memref<640xi32, #tpu.memory_space<vmem>>)
      tpu.yield
    }) : () -> ()
    %dma_wait3A_343 = arith.constant 0 : i32
    %dma_wait3A_344 = tpu.memref_slice %arg6[%add3A_4, %dma_wait3A_343] : memref<204800x64xf32, #tpu.memory_space<hbm>> -> memref<640x64xf32, #tpu.memory_space<hbm>>
    %dma_wait3A_345 = arith.constant 0 : i32
    %dma_wait3A_346 = tpu.memref_slice %arg6[%add3A_4, %dma_wait3A_345] : memref<204800x64xf32, #tpu.memory_space<hbm>> -> memref<640x64xf32, #tpu.memory_space<hbm>>
    tpu.wait_dma2 semaphore(%arg17 : memref<!tpu.dma_semaphore, #tpu.memory_space<semaphore_mem>>) src(%arg12 : memref<640x64xf32, #tpu.memory_space<vmem>>) dst(%dma_wait3A_346 : memref<640x64xf32, #tpu.memory_space<hbm>>)
    %dma_wait3A_347 = arith.constant 0 : i32
    %dma_wait3A_348 = tpu.memref_slice %arg7[%add3A_4, %dma_wait3A_347] : memref<204800x16xf32, #tpu.memory_space<hbm>> -> memref<640x16xf32, #tpu.memory_space<hbm>>
    %dma_wait3A_349 = arith.constant 0 : i32
    %dma_wait3A_350 = tpu.memref_slice %arg7[%add3A_4, %dma_wait3A_349] : memref<204800x16xf32, #tpu.memory_space<hbm>> -> memref<640x16xf32, #tpu.memory_space<hbm>>
    tpu.wait_dma2 semaphore(%arg17 : memref<!tpu.dma_semaphore, #tpu.memory_space<semaphore_mem>>) src(%arg14 : memref<640x16xf32, #tpu.memory_space<vmem>>) dst(%dma_wait3A_350 : memref<640x16xf32, #tpu.memory_space<hbm>>)
    %dma_start3A_351 = arith.constant 0 : i32
    %dma_start3A_352 = arith.constant 0 : i32
    %dma_start3A_353 = tpu.memref_slice %arg12[%dma_start3A_351, %dma_start3A_352] : memref<640x64xf32, #tpu.memory_space<vmem>> -> memref<128x64xf32, #tpu.memory_space<vmem>>
    %dma_start3A_354 = arith.constant 0 : i32
    %dma_start3A_355 = tpu.memref_slice %arg8[%dma_start3A_354] : memref<640xi32, #tpu.memory_space<vmem>> -> memref<128xi32, #tpu.memory_space<vmem>>
    %dma_start3A_356 = arith.constant 0 : i32
    %dma_start3A_357 = arith.constant 0 : i32
    %dma_start3A_358 = tpu.memref_slice %arg4[%dma_start3A_356, %dma_start3A_357] : memref<1048576x64xf32, #tpu.memory_space<hbm>> -> memref<1048576x64xf32, #tpu.memory_space<hbm>>
    tpu.enqueue_indirect_dma source(%dma_start3A_358 : memref<1048576x64xf32, #tpu.memory_space<hbm>>) target(%dma_start3A_353 : memref<128x64xf32, #tpu.memory_space<vmem>>) offsets(%dma_start3A_355 : memref<128xi32, #tpu.memory_space<vmem>>) semaphore(%arg16 : memref<!tpu.dma_semaphore, #tpu.memory_space<semaphore_mem>>)
    %dma_start3A_359 = arith.constant 0 : i32
    %dma_start3A_360 = arith.constant 0 : i32
    %dma_start3A_361 = tpu.memref_slice %arg14[%dma_start3A_359, %dma_start3A_360] : memref<640x16xf32, #tpu.memory_space<vmem>> -> memref<128x16xf32, #tpu.memory_space<vmem>>
    %dma_start3A_362 = arith.constant 0 : i32
    %dma_start3A_363 = tpu.memref_slice %arg10[%dma_start3A_362] : memref<640xi32, #tpu.memory_space<vmem>> -> memref<128xi32, #tpu.memory_space<vmem>>
    %dma_start3A_364 = arith.constant 0 : i32
    %dma_start3A_365 = arith.constant 0 : i32
    %dma_start3A_366 = tpu.memref_slice %arg5[%dma_start3A_364, %dma_start3A_365] : memref<1048576x16xf32, #tpu.memory_space<hbm>> -> memref<1048576x16xf32, #tpu.memory_space<hbm>>
    tpu.enqueue_indirect_dma source(%dma_start3A_366 : memref<1048576x16xf32, #tpu.memory_space<hbm>>) target(%dma_start3A_361 : memref<128x16xf32, #tpu.memory_space<vmem>>) offsets(%dma_start3A_363 : memref<128xi32, #tpu.memory_space<vmem>>) semaphore(%arg16 : memref<!tpu.dma_semaphore, #tpu.memory_space<semaphore_mem>>)
    %dma_start3A_367 = arith.constant 128 : i32
    %dma_start3A_368 = arith.constant 0 : i32
    %dma_start3A_369 = tpu.memref_slice %arg12[%dma_start3A_367, %dma_start3A_368] : memref<640x64xf32, #tpu.memory_space<vmem>> -> memref<128x64xf32, #tpu.memory_space<vmem>>
    %dma_start3A_370 = arith.constant 128 : i32
    %dma_start3A_371 = tpu.memref_slice %arg8[%dma_start3A_370] : memref<640xi32, #tpu.memory_space<vmem>> -> memref<128xi32, #tpu.memory_space<vmem>>
    %dma_start3A_372 = arith.constant 0 : i32
    %dma_start3A_373 = arith.constant 0 : i32
    %dma_start3A_374 = tpu.memref_slice %arg4[%dma_start3A_372, %dma_start3A_373] : memref<1048576x64xf32, #tpu.memory_space<hbm>> -> memref<1048576x64xf32, #tpu.memory_space<hbm>>
    tpu.enqueue_indirect_dma source(%dma_start3A_374 : memref<1048576x64xf32, #tpu.memory_space<hbm>>) target(%dma_start3A_369 : memref<128x64xf32, #tpu.memory_space<vmem>>) offsets(%dma_start3A_371 : memref<128xi32, #tpu.memory_space<vmem>>) semaphore(%arg16 : memref<!tpu.dma_semaphore, #tpu.memory_space<semaphore_mem>>)
    %dma_start3A_375 = arith.constant 128 : i32
    %dma_start3A_376 = arith.constant 0 : i32
    %dma_start3A_377 = tpu.memref_slice %arg14[%dma_start3A_375, %dma_start3A_376] : memref<640x16xf32, #tpu.memory_space<vmem>> -> memref<128x16xf32, #tpu.memory_space<vmem>>
    %dma_start3A_378 = arith.constant 128 : i32
    %dma_start3A_379 = tpu.memref_slice %arg10[%dma_start3A_378] : memref<640xi32, #tpu.memory_space<vmem>> -> memref<128xi32, #tpu.memory_space<vmem>>
    %dma_start3A_380 = arith.constant 0 : i32
    %dma_start3A_381 = arith.constant 0 : i32
    %dma_start3A_382 = tpu.memref_slice %arg5[%dma_start3A_380, %dma_start3A_381] : memref<1048576x16xf32, #tpu.memory_space<hbm>> -> memref<1048576x16xf32, #tpu.memory_space<hbm>>
    tpu.enqueue_indirect_dma source(%dma_start3A_382 : memref<1048576x16xf32, #tpu.memory_space<hbm>>) target(%dma_start3A_377 : memref<128x16xf32, #tpu.memory_space<vmem>>) offsets(%dma_start3A_379 : memref<128xi32, #tpu.memory_space<vmem>>) semaphore(%arg16 : memref<!tpu.dma_semaphore, #tpu.memory_space<semaphore_mem>>)
    %dma_start3A_383 = arith.constant 256 : i32
    %dma_start3A_384 = arith.constant 0 : i32
    %dma_start3A_385 = tpu.memref_slice %arg12[%dma_start3A_383, %dma_start3A_384] : memref<640x64xf32, #tpu.memory_space<vmem>> -> memref<128x64xf32, #tpu.memory_space<vmem>>
    %dma_start3A_386 = arith.constant 256 : i32
    %dma_start3A_387 = tpu.memref_slice %arg8[%dma_start3A_386] : memref<640xi32, #tpu.memory_space<vmem>> -> memref<128xi32, #tpu.memory_space<vmem>>
    %dma_start3A_388 = arith.constant 0 : i32
    %dma_start3A_389 = arith.constant 0 : i32
    %dma_start3A_390 = tpu.memref_slice %arg4[%dma_start3A_388, %dma_start3A_389] : memref<1048576x64xf32, #tpu.memory_space<hbm>> -> memref<1048576x64xf32, #tpu.memory_space<hbm>>
    tpu.enqueue_indirect_dma source(%dma_start3A_390 : memref<1048576x64xf32, #tpu.memory_space<hbm>>) target(%dma_start3A_385 : memref<128x64xf32, #tpu.memory_space<vmem>>) offsets(%dma_start3A_387 : memref<128xi32, #tpu.memory_space<vmem>>) semaphore(%arg16 : memref<!tpu.dma_semaphore, #tpu.memory_space<semaphore_mem>>)
    %dma_start3A_391 = arith.constant 256 : i32
    %dma_start3A_392 = arith.constant 0 : i32
    %dma_start3A_393 = tpu.memref_slice %arg14[%dma_start3A_391, %dma_start3A_392] : memref<640x16xf32, #tpu.memory_space<vmem>> -> memref<128x16xf32, #tpu.memory_space<vmem>>
    %dma_start3A_394 = arith.constant 256 : i32
    %dma_start3A_395 = tpu.memref_slice %arg10[%dma_start3A_394] : memref<640xi32, #tpu.memory_space<vmem>> -> memref<128xi32, #tpu.memory_space<vmem>>
    %dma_start3A_396 = arith.constant 0 : i32
    %dma_start3A_397 = arith.constant 0 : i32
    %dma_start3A_398 = tpu.memref_slice %arg5[%dma_start3A_396, %dma_start3A_397] : memref<1048576x16xf32, #tpu.memory_space<hbm>> -> memref<1048576x16xf32, #tpu.memory_space<hbm>>
    tpu.enqueue_indirect_dma source(%dma_start3A_398 : memref<1048576x16xf32, #tpu.memory_space<hbm>>) target(%dma_start3A_393 : memref<128x16xf32, #tpu.memory_space<vmem>>) offsets(%dma_start3A_395 : memref<128xi32, #tpu.memory_space<vmem>>) semaphore(%arg16 : memref<!tpu.dma_semaphore, #tpu.memory_space<semaphore_mem>>)
    %dma_start3A_399 = arith.constant 384 : i32
    %dma_start3A_400 = arith.constant 0 : i32
    %dma_start3A_401 = tpu.memref_slice %arg12[%dma_start3A_399, %dma_start3A_400] : memref<640x64xf32, #tpu.memory_space<vmem>> -> memref<128x64xf32, #tpu.memory_space<vmem>>
    %dma_start3A_402 = arith.constant 384 : i32
    %dma_start3A_403 = tpu.memref_slice %arg8[%dma_start3A_402] : memref<640xi32, #tpu.memory_space<vmem>> -> memref<128xi32, #tpu.memory_space<vmem>>
    %dma_start3A_404 = arith.constant 0 : i32
    %dma_start3A_405 = arith.constant 0 : i32
    %dma_start3A_406 = tpu.memref_slice %arg4[%dma_start3A_404, %dma_start3A_405] : memref<1048576x64xf32, #tpu.memory_space<hbm>> -> memref<1048576x64xf32, #tpu.memory_space<hbm>>
    tpu.enqueue_indirect_dma source(%dma_start3A_406 : memref<1048576x64xf32, #tpu.memory_space<hbm>>) target(%dma_start3A_401 : memref<128x64xf32, #tpu.memory_space<vmem>>) offsets(%dma_start3A_403 : memref<128xi32, #tpu.memory_space<vmem>>) semaphore(%arg16 : memref<!tpu.dma_semaphore, #tpu.memory_space<semaphore_mem>>)
    %dma_start3A_407 = arith.constant 384 : i32
    %dma_start3A_408 = arith.constant 0 : i32
    %dma_start3A_409 = tpu.memref_slice %arg14[%dma_start3A_407, %dma_start3A_408] : memref<640x16xf32, #tpu.memory_space<vmem>> -> memref<128x16xf32, #tpu.memory_space<vmem>>
    %dma_start3A_410 = arith.constant 384 : i32
    %dma_start3A_411 = tpu.memref_slice %arg10[%dma_start3A_410] : memref<640xi32, #tpu.memory_space<vmem>> -> memref<128xi32, #tpu.memory_space<vmem>>
    %dma_start3A_412 = arith.constant 0 : i32
    %dma_start3A_413 = arith.constant 0 : i32
    %dma_start3A_414 = tpu.memref_slice %arg5[%dma_start3A_412, %dma_start3A_413] : memref<1048576x16xf32, #tpu.memory_space<hbm>> -> memref<1048576x16xf32, #tpu.memory_space<hbm>>
    tpu.enqueue_indirect_dma source(%dma_start3A_414 : memref<1048576x16xf32, #tpu.memory_space<hbm>>) target(%dma_start3A_409 : memref<128x16xf32, #tpu.memory_space<vmem>>) offsets(%dma_start3A_411 : memref<128xi32, #tpu.memory_space<vmem>>) semaphore(%arg16 : memref<!tpu.dma_semaphore, #tpu.memory_space<semaphore_mem>>)
    %dma_start3A_415 = arith.constant 512 : i32
    %dma_start3A_416 = arith.constant 0 : i32
    %dma_start3A_417 = tpu.memref_slice %arg12[%dma_start3A_415, %dma_start3A_416] : memref<640x64xf32, #tpu.memory_space<vmem>> -> memref<128x64xf32, #tpu.memory_space<vmem>>
    %dma_start3A_418 = arith.constant 512 : i32
    %dma_start3A_419 = tpu.memref_slice %arg8[%dma_start3A_418] : memref<640xi32, #tpu.memory_space<vmem>> -> memref<128xi32, #tpu.memory_space<vmem>>
    %dma_start3A_420 = arith.constant 0 : i32
    %dma_start3A_421 = arith.constant 0 : i32
    %dma_start3A_422 = tpu.memref_slice %arg4[%dma_start3A_420, %dma_start3A_421] : memref<1048576x64xf32, #tpu.memory_space<hbm>> -> memref<1048576x64xf32, #tpu.memory_space<hbm>>
    tpu.enqueue_indirect_dma source(%dma_start3A_422 : memref<1048576x64xf32, #tpu.memory_space<hbm>>) target(%dma_start3A_417 : memref<128x64xf32, #tpu.memory_space<vmem>>) offsets(%dma_start3A_419 : memref<128xi32, #tpu.memory_space<vmem>>) semaphore(%arg16 : memref<!tpu.dma_semaphore, #tpu.memory_space<semaphore_mem>>)
    %dma_start3A_423 = arith.constant 512 : i32
    %dma_start3A_424 = arith.constant 0 : i32
    %dma_start3A_425 = tpu.memref_slice %arg14[%dma_start3A_423, %dma_start3A_424] : memref<640x16xf32, #tpu.memory_space<vmem>> -> memref<128x16xf32, #tpu.memory_space<vmem>>
    %dma_start3A_426 = arith.constant 512 : i32
    %dma_start3A_427 = tpu.memref_slice %arg10[%dma_start3A_426] : memref<640xi32, #tpu.memory_space<vmem>> -> memref<128xi32, #tpu.memory_space<vmem>>
    %dma_start3A_428 = arith.constant 0 : i32
    %dma_start3A_429 = arith.constant 0 : i32
    %dma_start3A_430 = tpu.memref_slice %arg5[%dma_start3A_428, %dma_start3A_429] : memref<1048576x16xf32, #tpu.memory_space<hbm>> -> memref<1048576x16xf32, #tpu.memory_space<hbm>>
    tpu.enqueue_indirect_dma source(%dma_start3A_430 : memref<1048576x16xf32, #tpu.memory_space<hbm>>) target(%dma_start3A_425 : memref<128x16xf32, #tpu.memory_space<vmem>>) offsets(%dma_start3A_427 : memref<128xi32, #tpu.memory_space<vmem>>) semaphore(%arg16 : memref<!tpu.dma_semaphore, #tpu.memory_space<semaphore_mem>>)
    %dma_wait3A_431 = arith.constant 0 : i32
    %dma_wait3A_432 = arith.constant 0 : i32
    %dma_wait3A_433 = tpu.memref_slice %arg12[%dma_wait3A_431, %dma_wait3A_432] : memref<640x64xf32, #tpu.memory_space<vmem>> -> memref<128x64xf32, #tpu.memory_space<vmem>>
    %dma_wait3A_434 = arith.constant 0 : i32
    %dma_wait3A_435 = tpu.memref_slice %arg8[%dma_wait3A_434] : memref<640xi32, #tpu.memory_space<vmem>> -> memref<128xi32, #tpu.memory_space<vmem>>
    %dma_wait3A_436 = arith.constant 0 : i32
    %dma_wait3A_437 = arith.constant 0 : i32
    %dma_wait3A_438 = tpu.memref_slice %arg4[%dma_wait3A_436, %dma_wait3A_437] : memref<1048576x64xf32, #tpu.memory_space<hbm>> -> memref<1048576x64xf32, #tpu.memory_space<hbm>>
    tpu.wait_indirect_dma semaphore(%arg16 : memref<!tpu.dma_semaphore, #tpu.memory_space<semaphore_mem>>) src(%dma_wait3A_438 : memref<1048576x64xf32, #tpu.memory_space<hbm>>) dst(%dma_wait3A_433 : memref<128x64xf32, #tpu.memory_space<vmem>>)
    %dma_wait3A_439 = arith.constant 0 : i32
    %dma_wait3A_440 = arith.constant 0 : i32
    %dma_wait3A_441 = tpu.memref_slice %arg14[%dma_wait3A_439, %dma_wait3A_440] : memref<640x16xf32, #tpu.memory_space<vmem>> -> memref<128x16xf32, #tpu.memory_space<vmem>>
    %dma_wait3A_442 = arith.constant 0 : i32
    %dma_wait3A_443 = tpu.memref_slice %arg10[%dma_wait3A_442] : memref<640xi32, #tpu.memory_space<vmem>> -> memref<128xi32, #tpu.memory_space<vmem>>
    %dma_wait3A_444 = arith.constant 0 : i32
    %dma_wait3A_445 = arith.constant 0 : i32
    %dma_wait3A_446 = tpu.memref_slice %arg5[%dma_wait3A_444, %dma_wait3A_445] : memref<1048576x16xf32, #tpu.memory_space<hbm>> -> memref<1048576x16xf32, #tpu.memory_space<hbm>>
    tpu.wait_indirect_dma semaphore(%arg16 : memref<!tpu.dma_semaphore, #tpu.memory_space<semaphore_mem>>) src(%dma_wait3A_446 : memref<1048576x16xf32, #tpu.memory_space<hbm>>) dst(%dma_wait3A_441 : memref<128x16xf32, #tpu.memory_space<vmem>>)
    %dma_wait3A_447 = arith.constant 128 : i32
    %dma_wait3A_448 = arith.constant 0 : i32
    %dma_wait3A_449 = tpu.memref_slice %arg12[%dma_wait3A_447, %dma_wait3A_448] : memref<640x64xf32, #tpu.memory_space<vmem>> -> memref<128x64xf32, #tpu.memory_space<vmem>>
    %dma_wait3A_450 = arith.constant 128 : i32
    %dma_wait3A_451 = tpu.memref_slice %arg8[%dma_wait3A_450] : memref<640xi32, #tpu.memory_space<vmem>> -> memref<128xi32, #tpu.memory_space<vmem>>
    %dma_wait3A_452 = arith.constant 0 : i32
    %dma_wait3A_453 = arith.constant 0 : i32
    %dma_wait3A_454 = tpu.memref_slice %arg4[%dma_wait3A_452, %dma_wait3A_453] : memref<1048576x64xf32, #tpu.memory_space<hbm>> -> memref<1048576x64xf32, #tpu.memory_space<hbm>>
    tpu.wait_indirect_dma semaphore(%arg16 : memref<!tpu.dma_semaphore, #tpu.memory_space<semaphore_mem>>) src(%dma_wait3A_454 : memref<1048576x64xf32, #tpu.memory_space<hbm>>) dst(%dma_wait3A_449 : memref<128x64xf32, #tpu.memory_space<vmem>>)
    %dma_wait3A_455 = arith.constant 128 : i32
    %dma_wait3A_456 = arith.constant 0 : i32
    %dma_wait3A_457 = tpu.memref_slice %arg14[%dma_wait3A_455, %dma_wait3A_456] : memref<640x16xf32, #tpu.memory_space<vmem>> -> memref<128x16xf32, #tpu.memory_space<vmem>>
    %dma_wait3A_458 = arith.constant 128 : i32
    %dma_wait3A_459 = tpu.memref_slice %arg10[%dma_wait3A_458] : memref<640xi32, #tpu.memory_space<vmem>> -> memref<128xi32, #tpu.memory_space<vmem>>
    %dma_wait3A_460 = arith.constant 0 : i32
    %dma_wait3A_461 = arith.constant 0 : i32
    %dma_wait3A_462 = tpu.memref_slice %arg5[%dma_wait3A_460, %dma_wait3A_461] : memref<1048576x16xf32, #tpu.memory_space<hbm>> -> memref<1048576x16xf32, #tpu.memory_space<hbm>>
    tpu.wait_indirect_dma semaphore(%arg16 : memref<!tpu.dma_semaphore, #tpu.memory_space<semaphore_mem>>) src(%dma_wait3A_462 : memref<1048576x16xf32, #tpu.memory_space<hbm>>) dst(%dma_wait3A_457 : memref<128x16xf32, #tpu.memory_space<vmem>>)
    %dma_wait3A_463 = arith.constant 256 : i32
    %dma_wait3A_464 = arith.constant 0 : i32
    %dma_wait3A_465 = tpu.memref_slice %arg12[%dma_wait3A_463, %dma_wait3A_464] : memref<640x64xf32, #tpu.memory_space<vmem>> -> memref<128x64xf32, #tpu.memory_space<vmem>>
    %dma_wait3A_466 = arith.constant 256 : i32
    %dma_wait3A_467 = tpu.memref_slice %arg8[%dma_wait3A_466] : memref<640xi32, #tpu.memory_space<vmem>> -> memref<128xi32, #tpu.memory_space<vmem>>
    %dma_wait3A_468 = arith.constant 0 : i32
    %dma_wait3A_469 = arith.constant 0 : i32
    %dma_wait3A_470 = tpu.memref_slice %arg4[%dma_wait3A_468, %dma_wait3A_469] : memref<1048576x64xf32, #tpu.memory_space<hbm>> -> memref<1048576x64xf32, #tpu.memory_space<hbm>>
    tpu.wait_indirect_dma semaphore(%arg16 : memref<!tpu.dma_semaphore, #tpu.memory_space<semaphore_mem>>) src(%dma_wait3A_470 : memref<1048576x64xf32, #tpu.memory_space<hbm>>) dst(%dma_wait3A_465 : memref<128x64xf32, #tpu.memory_space<vmem>>)
    %dma_wait3A_471 = arith.constant 256 : i32
    %dma_wait3A_472 = arith.constant 0 : i32
    %dma_wait3A_473 = tpu.memref_slice %arg14[%dma_wait3A_471, %dma_wait3A_472] : memref<640x16xf32, #tpu.memory_space<vmem>> -> memref<128x16xf32, #tpu.memory_space<vmem>>
    %dma_wait3A_474 = arith.constant 256 : i32
    %dma_wait3A_475 = tpu.memref_slice %arg10[%dma_wait3A_474] : memref<640xi32, #tpu.memory_space<vmem>> -> memref<128xi32, #tpu.memory_space<vmem>>
    %dma_wait3A_476 = arith.constant 0 : i32
    %dma_wait3A_477 = arith.constant 0 : i32
    %dma_wait3A_478 = tpu.memref_slice %arg5[%dma_wait3A_476, %dma_wait3A_477] : memref<1048576x16xf32, #tpu.memory_space<hbm>> -> memref<1048576x16xf32, #tpu.memory_space<hbm>>
    tpu.wait_indirect_dma semaphore(%arg16 : memref<!tpu.dma_semaphore, #tpu.memory_space<semaphore_mem>>) src(%dma_wait3A_478 : memref<1048576x16xf32, #tpu.memory_space<hbm>>) dst(%dma_wait3A_473 : memref<128x16xf32, #tpu.memory_space<vmem>>)
    %dma_wait3A_479 = arith.constant 384 : i32
    %dma_wait3A_480 = arith.constant 0 : i32
    %dma_wait3A_481 = tpu.memref_slice %arg12[%dma_wait3A_479, %dma_wait3A_480] : memref<640x64xf32, #tpu.memory_space<vmem>> -> memref<128x64xf32, #tpu.memory_space<vmem>>
    %dma_wait3A_482 = arith.constant 384 : i32
    %dma_wait3A_483 = tpu.memref_slice %arg8[%dma_wait3A_482] : memref<640xi32, #tpu.memory_space<vmem>> -> memref<128xi32, #tpu.memory_space<vmem>>
    %dma_wait3A_484 = arith.constant 0 : i32
    %dma_wait3A_485 = arith.constant 0 : i32
    %dma_wait3A_486 = tpu.memref_slice %arg4[%dma_wait3A_484, %dma_wait3A_485] : memref<1048576x64xf32, #tpu.memory_space<hbm>> -> memref<1048576x64xf32, #tpu.memory_space<hbm>>
    tpu.wait_indirect_dma semaphore(%arg16 : memref<!tpu.dma_semaphore, #tpu.memory_space<semaphore_mem>>) src(%dma_wait3A_486 : memref<1048576x64xf32, #tpu.memory_space<hbm>>) dst(%dma_wait3A_481 : memref<128x64xf32, #tpu.memory_space<vmem>>)
    %dma_wait3A_487 = arith.constant 384 : i32
    %dma_wait3A_488 = arith.constant 0 : i32
    %dma_wait3A_489 = tpu.memref_slice %arg14[%dma_wait3A_487, %dma_wait3A_488] : memref<640x16xf32, #tpu.memory_space<vmem>> -> memref<128x16xf32, #tpu.memory_space<vmem>>
    %dma_wait3A_490 = arith.constant 384 : i32
    %dma_wait3A_491 = tpu.memref_slice %arg10[%dma_wait3A_490] : memref<640xi32, #tpu.memory_space<vmem>> -> memref<128xi32, #tpu.memory_space<vmem>>
    %dma_wait3A_492 = arith.constant 0 : i32
    %dma_wait3A_493 = arith.constant 0 : i32
    %dma_wait3A_494 = tpu.memref_slice %arg5[%dma_wait3A_492, %dma_wait3A_493] : memref<1048576x16xf32, #tpu.memory_space<hbm>> -> memref<1048576x16xf32, #tpu.memory_space<hbm>>
    tpu.wait_indirect_dma semaphore(%arg16 : memref<!tpu.dma_semaphore, #tpu.memory_space<semaphore_mem>>) src(%dma_wait3A_494 : memref<1048576x16xf32, #tpu.memory_space<hbm>>) dst(%dma_wait3A_489 : memref<128x16xf32, #tpu.memory_space<vmem>>)
    %dma_wait3A_495 = arith.constant 512 : i32
    %dma_wait3A_496 = arith.constant 0 : i32
    %dma_wait3A_497 = tpu.memref_slice %arg12[%dma_wait3A_495, %dma_wait3A_496] : memref<640x64xf32, #tpu.memory_space<vmem>> -> memref<128x64xf32, #tpu.memory_space<vmem>>
    %dma_wait3A_498 = arith.constant 512 : i32
    %dma_wait3A_499 = tpu.memref_slice %arg8[%dma_wait3A_498] : memref<640xi32, #tpu.memory_space<vmem>> -> memref<128xi32, #tpu.memory_space<vmem>>
    %dma_wait3A_500 = arith.constant 0 : i32
    %dma_wait3A_501 = arith.constant 0 : i32
    %dma_wait3A_502 = tpu.memref_slice %arg4[%dma_wait3A_500, %dma_wait3A_501] : memref<1048576x64xf32, #tpu.memory_space<hbm>> -> memref<1048576x64xf32, #tpu.memory_space<hbm>>
    tpu.wait_indirect_dma semaphore(%arg16 : memref<!tpu.dma_semaphore, #tpu.memory_space<semaphore_mem>>) src(%dma_wait3A_502 : memref<1048576x64xf32, #tpu.memory_space<hbm>>) dst(%dma_wait3A_497 : memref<128x64xf32, #tpu.memory_space<vmem>>)
    %dma_wait3A_503 = arith.constant 512 : i32
    %dma_wait3A_504 = arith.constant 0 : i32
    %dma_wait3A_505 = tpu.memref_slice %arg14[%dma_wait3A_503, %dma_wait3A_504] : memref<640x16xf32, #tpu.memory_space<vmem>> -> memref<128x16xf32, #tpu.memory_space<vmem>>
    %dma_wait3A_506 = arith.constant 512 : i32
    %dma_wait3A_507 = tpu.memref_slice %arg10[%dma_wait3A_506] : memref<640xi32, #tpu.memory_space<vmem>> -> memref<128xi32, #tpu.memory_space<vmem>>
    %dma_wait3A_508 = arith.constant 0 : i32
    %dma_wait3A_509 = arith.constant 0 : i32
    %dma_wait3A_510 = tpu.memref_slice %arg5[%dma_wait3A_508, %dma_wait3A_509] : memref<1048576x16xf32, #tpu.memory_space<hbm>> -> memref<1048576x16xf32, #tpu.memory_space<hbm>>
    tpu.wait_indirect_dma semaphore(%arg16 : memref<!tpu.dma_semaphore, #tpu.memory_space<semaphore_mem>>) src(%dma_wait3A_510 : memref<1048576x16xf32, #tpu.memory_space<hbm>>) dst(%dma_wait3A_505 : memref<128x16xf32, #tpu.memory_space<vmem>>)
    %dma_start3A_511 = arith.constant 0 : i32
    %dma_start3A_512 = tpu.memref_slice %arg6[%add3A_342, %dma_start3A_511] : memref<204800x64xf32, #tpu.memory_space<hbm>> -> memref<640x64xf32, #tpu.memory_space<hbm>>
    %dma_start3A_513 = arith.constant 0 : i32
    %dma_start3A_514 = tpu.memref_slice %arg6[%add3A_342, %dma_start3A_513] : memref<204800x64xf32, #tpu.memory_space<hbm>> -> memref<640x64xf32, #tpu.memory_space<hbm>>
    tpu.enqueue_dma source(%arg12 : memref<640x64xf32, #tpu.memory_space<vmem>>) target(%dma_start3A_514 : memref<640x64xf32, #tpu.memory_space<hbm>>) target_semaphore(%arg17 : memref<!tpu.dma_semaphore, #tpu.memory_space<semaphore_mem>>)
    %dma_start3A_515 = arith.constant 0 : i32
    %dma_start3A_516 = tpu.memref_slice %arg7[%add3A_342, %dma_start3A_515] : memref<204800x16xf32, #tpu.memory_space<hbm>> -> memref<640x16xf32, #tpu.memory_space<hbm>>
    %dma_start3A_517 = arith.constant 0 : i32
    %dma_start3A_518 = tpu.memref_slice %arg7[%add3A_342, %dma_start3A_517] : memref<204800x16xf32, #tpu.memory_space<hbm>> -> memref<640x16xf32, #tpu.memory_space<hbm>>
    tpu.enqueue_dma source(%arg14 : memref<640x16xf32, #tpu.memory_space<vmem>>) target(%dma_start3A_518 : memref<640x16xf32, #tpu.memory_space<hbm>>) target_semaphore(%arg17 : memref<!tpu.dma_semaphore, #tpu.memory_space<semaphore_mem>>)
    %add3A_519 = arith.constant 1920 : i32
    %add3A_520 = arith.addi %mul3A_2, %add3A_519 : i32
    "tpu.region"() ({
      %run_scoped3A = tpu.sem_alloc : memref<!tpu.dma_semaphore, #tpu.memory_space<semaphore_mem>>
      %dma_start3A_1781 = tpu.memref_slice %arg2[%add3A_520] : memref<204800xi32, #tpu.memory_space<hbm>> -> memref<640xi32, #tpu.memory_space<hbm>>
      %dma_start3A_1782 = tpu.memref_slice %arg2[%add3A_520] : memref<204800xi32, #tpu.memory_space<hbm>> -> memref<640xi32, #tpu.memory_space<hbm>>
      tpu.enqueue_dma source(%dma_start3A_1782 : memref<640xi32, #tpu.memory_space<hbm>>) target(%arg9 : memref<640xi32, #tpu.memory_space<vmem>>) target_semaphore(%run_scoped3A : memref<!tpu.dma_semaphore, #tpu.memory_space<semaphore_mem>>)
      %dma_wait3A_1783 = tpu.memref_slice %arg2[%add3A_520] : memref<204800xi32, #tpu.memory_space<hbm>> -> memref<640xi32, #tpu.memory_space<hbm>>
      %dma_wait3A_1784 = tpu.memref_slice %arg2[%add3A_520] : memref<204800xi32, #tpu.memory_space<hbm>> -> memref<640xi32, #tpu.memory_space<hbm>>
      tpu.wait_dma2 semaphore(%run_scoped3A : memref<!tpu.dma_semaphore, #tpu.memory_space<semaphore_mem>>) src(%dma_wait3A_1784 : memref<640xi32, #tpu.memory_space<hbm>>) dst(%arg9 : memref<640xi32, #tpu.memory_space<vmem>>)
      tpu.yield
    }) : () -> ()
    "tpu.region"() ({
      %run_scoped3A = tpu.sem_alloc : memref<!tpu.dma_semaphore, #tpu.memory_space<semaphore_mem>>
      %dma_start3A_1781 = tpu.memref_slice %arg3[%add3A_520] : memref<204800xi32, #tpu.memory_space<hbm>> -> memref<640xi32, #tpu.memory_space<hbm>>
      %dma_start3A_1782 = tpu.memref_slice %arg3[%add3A_520] : memref<204800xi32, #tpu.memory_space<hbm>> -> memref<640xi32, #tpu.memory_space<hbm>>
      tpu.enqueue_dma source(%dma_start3A_1782 : memref<640xi32, #tpu.memory_space<hbm>>) target(%arg11 : memref<640xi32, #tpu.memory_space<vmem>>) target_semaphore(%run_scoped3A : memref<!tpu.dma_semaphore, #tpu.memory_space<semaphore_mem>>)
      %dma_wait3A_1783 = tpu.memref_slice %arg3[%add3A_520] : memref<204800xi32, #tpu.memory_space<hbm>> -> memref<640xi32, #tpu.memory_space<hbm>>
      %dma_wait3A_1784 = tpu.memref_slice %arg3[%add3A_520] : memref<204800xi32, #tpu.memory_space<hbm>> -> memref<640xi32, #tpu.memory_space<hbm>>
      tpu.wait_dma2 semaphore(%run_scoped3A : memref<!tpu.dma_semaphore, #tpu.memory_space<semaphore_mem>>) src(%dma_wait3A_1784 : memref<640xi32, #tpu.memory_space<hbm>>) dst(%arg11 : memref<640xi32, #tpu.memory_space<vmem>>)
      tpu.yield
    }) : () -> ()
    %dma_wait3A_521 = arith.constant 0 : i32
    %dma_wait3A_522 = tpu.memref_slice %arg6[%add3A_172, %dma_wait3A_521] : memref<204800x64xf32, #tpu.memory_space<hbm>> -> memref<640x64xf32, #tpu.memory_space<hbm>>
    %dma_wait3A_523 = arith.constant 0 : i32
    %dma_wait3A_524 = tpu.memref_slice %arg6[%add3A_172, %dma_wait3A_523] : memref<204800x64xf32, #tpu.memory_space<hbm>> -> memref<640x64xf32, #tpu.memory_space<hbm>>
    tpu.wait_dma2 semaphore(%arg17 : memref<!tpu.dma_semaphore, #tpu.memory_space<semaphore_mem>>) src(%arg13 : memref<640x64xf32, #tpu.memory_space<vmem>>) dst(%dma_wait3A_524 : memref<640x64xf32, #tpu.memory_space<hbm>>)
    %dma_wait3A_525 = arith.constant 0 : i32
    %dma_wait3A_526 = tpu.memref_slice %arg7[%add3A_172, %dma_wait3A_525] : memref<204800x16xf32, #tpu.memory_space<hbm>> -> memref<640x16xf32, #tpu.memory_space<hbm>>
    %dma_wait3A_527 = arith.constant 0 : i32
    %dma_wait3A_528 = tpu.memref_slice %arg7[%add3A_172, %dma_wait3A_527] : memref<204800x16xf32, #tpu.memory_space<hbm>> -> memref<640x16xf32, #tpu.memory_space<hbm>>
    tpu.wait_dma2 semaphore(%arg17 : memref<!tpu.dma_semaphore, #tpu.memory_space<semaphore_mem>>) src(%arg15 : memref<640x16xf32, #tpu.memory_space<vmem>>) dst(%dma_wait3A_528 : memref<640x16xf32, #tpu.memory_space<hbm>>)
    %dma_start3A_529 = arith.constant 0 : i32
    %dma_start3A_530 = arith.constant 0 : i32
    %dma_start3A_531 = tpu.memref_slice %arg13[%dma_start3A_529, %dma_start3A_530] : memref<640x64xf32, #tpu.memory_space<vmem>> -> memref<128x64xf32, #tpu.memory_space<vmem>>
    %dma_start3A_532 = arith.constant 0 : i32
    %dma_start3A_533 = tpu.memref_slice %arg9[%dma_start3A_532] : memref<640xi32, #tpu.memory_space<vmem>> -> memref<128xi32, #tpu.memory_space<vmem>>
    %dma_start3A_534 = arith.constant 0 : i32
    %dma_start3A_535 = arith.constant 0 : i32
    %dma_start3A_536 = tpu.memref_slice %arg4[%dma_start3A_534, %dma_start3A_535] : memref<1048576x64xf32, #tpu.memory_space<hbm>> -> memref<1048576x64xf32, #tpu.memory_space<hbm>>
    tpu.enqueue_indirect_dma source(%dma_start3A_536 : memref<1048576x64xf32, #tpu.memory_space<hbm>>) target(%dma_start3A_531 : memref<128x64xf32, #tpu.memory_space<vmem>>) offsets(%dma_start3A_533 : memref<128xi32, #tpu.memory_space<vmem>>) semaphore(%arg16 : memref<!tpu.dma_semaphore, #tpu.memory_space<semaphore_mem>>)
    %dma_start3A_537 = arith.constant 0 : i32
    %dma_start3A_538 = arith.constant 0 : i32
    %dma_start3A_539 = tpu.memref_slice %arg15[%dma_start3A_537, %dma_start3A_538] : memref<640x16xf32, #tpu.memory_space<vmem>> -> memref<128x16xf32, #tpu.memory_space<vmem>>
    %dma_start3A_540 = arith.constant 0 : i32
    %dma_start3A_541 = tpu.memref_slice %arg11[%dma_start3A_540] : memref<640xi32, #tpu.memory_space<vmem>> -> memref<128xi32, #tpu.memory_space<vmem>>
    %dma_start3A_542 = arith.constant 0 : i32
    %dma_start3A_543 = arith.constant 0 : i32
    %dma_start3A_544 = tpu.memref_slice %arg5[%dma_start3A_542, %dma_start3A_543] : memref<1048576x16xf32, #tpu.memory_space<hbm>> -> memref<1048576x16xf32, #tpu.memory_space<hbm>>
    tpu.enqueue_indirect_dma source(%dma_start3A_544 : memref<1048576x16xf32, #tpu.memory_space<hbm>>) target(%dma_start3A_539 : memref<128x16xf32, #tpu.memory_space<vmem>>) offsets(%dma_start3A_541 : memref<128xi32, #tpu.memory_space<vmem>>) semaphore(%arg16 : memref<!tpu.dma_semaphore, #tpu.memory_space<semaphore_mem>>)
    %dma_start3A_545 = arith.constant 128 : i32
    %dma_start3A_546 = arith.constant 0 : i32
    %dma_start3A_547 = tpu.memref_slice %arg13[%dma_start3A_545, %dma_start3A_546] : memref<640x64xf32, #tpu.memory_space<vmem>> -> memref<128x64xf32, #tpu.memory_space<vmem>>
    %dma_start3A_548 = arith.constant 128 : i32
    %dma_start3A_549 = tpu.memref_slice %arg9[%dma_start3A_548] : memref<640xi32, #tpu.memory_space<vmem>> -> memref<128xi32, #tpu.memory_space<vmem>>
    %dma_start3A_550 = arith.constant 0 : i32
    %dma_start3A_551 = arith.constant 0 : i32
    %dma_start3A_552 = tpu.memref_slice %arg4[%dma_start3A_550, %dma_start3A_551] : memref<1048576x64xf32, #tpu.memory_space<hbm>> -> memref<1048576x64xf32, #tpu.memory_space<hbm>>
    tpu.enqueue_indirect_dma source(%dma_start3A_552 : memref<1048576x64xf32, #tpu.memory_space<hbm>>) target(%dma_start3A_547 : memref<128x64xf32, #tpu.memory_space<vmem>>) offsets(%dma_start3A_549 : memref<128xi32, #tpu.memory_space<vmem>>) semaphore(%arg16 : memref<!tpu.dma_semaphore, #tpu.memory_space<semaphore_mem>>)
    %dma_start3A_553 = arith.constant 128 : i32
    %dma_start3A_554 = arith.constant 0 : i32
    %dma_start3A_555 = tpu.memref_slice %arg15[%dma_start3A_553, %dma_start3A_554] : memref<640x16xf32, #tpu.memory_space<vmem>> -> memref<128x16xf32, #tpu.memory_space<vmem>>
    %dma_start3A_556 = arith.constant 128 : i32
    %dma_start3A_557 = tpu.memref_slice %arg11[%dma_start3A_556] : memref<640xi32, #tpu.memory_space<vmem>> -> memref<128xi32, #tpu.memory_space<vmem>>
    %dma_start3A_558 = arith.constant 0 : i32
    %dma_start3A_559 = arith.constant 0 : i32
    %dma_start3A_560 = tpu.memref_slice %arg5[%dma_start3A_558, %dma_start3A_559] : memref<1048576x16xf32, #tpu.memory_space<hbm>> -> memref<1048576x16xf32, #tpu.memory_space<hbm>>
    tpu.enqueue_indirect_dma source(%dma_start3A_560 : memref<1048576x16xf32, #tpu.memory_space<hbm>>) target(%dma_start3A_555 : memref<128x16xf32, #tpu.memory_space<vmem>>) offsets(%dma_start3A_557 : memref<128xi32, #tpu.memory_space<vmem>>) semaphore(%arg16 : memref<!tpu.dma_semaphore, #tpu.memory_space<semaphore_mem>>)
    %dma_start3A_561 = arith.constant 256 : i32
    %dma_start3A_562 = arith.constant 0 : i32
    %dma_start3A_563 = tpu.memref_slice %arg13[%dma_start3A_561, %dma_start3A_562] : memref<640x64xf32, #tpu.memory_space<vmem>> -> memref<128x64xf32, #tpu.memory_space<vmem>>
    %dma_start3A_564 = arith.constant 256 : i32
    %dma_start3A_565 = tpu.memref_slice %arg9[%dma_start3A_564] : memref<640xi32, #tpu.memory_space<vmem>> -> memref<128xi32, #tpu.memory_space<vmem>>
    %dma_start3A_566 = arith.constant 0 : i32
    %dma_start3A_567 = arith.constant 0 : i32
    %dma_start3A_568 = tpu.memref_slice %arg4[%dma_start3A_566, %dma_start3A_567] : memref<1048576x64xf32, #tpu.memory_space<hbm>> -> memref<1048576x64xf32, #tpu.memory_space<hbm>>
    tpu.enqueue_indirect_dma source(%dma_start3A_568 : memref<1048576x64xf32, #tpu.memory_space<hbm>>) target(%dma_start3A_563 : memref<128x64xf32, #tpu.memory_space<vmem>>) offsets(%dma_start3A_565 : memref<128xi32, #tpu.memory_space<vmem>>) semaphore(%arg16 : memref<!tpu.dma_semaphore, #tpu.memory_space<semaphore_mem>>)
    %dma_start3A_569 = arith.constant 256 : i32
    %dma_start3A_570 = arith.constant 0 : i32
    %dma_start3A_571 = tpu.memref_slice %arg15[%dma_start3A_569, %dma_start3A_570] : memref<640x16xf32, #tpu.memory_space<vmem>> -> memref<128x16xf32, #tpu.memory_space<vmem>>
    %dma_start3A_572 = arith.constant 256 : i32
    %dma_start3A_573 = tpu.memref_slice %arg11[%dma_start3A_572] : memref<640xi32, #tpu.memory_space<vmem>> -> memref<128xi32, #tpu.memory_space<vmem>>
    %dma_start3A_574 = arith.constant 0 : i32
    %dma_start3A_575 = arith.constant 0 : i32
    %dma_start3A_576 = tpu.memref_slice %arg5[%dma_start3A_574, %dma_start3A_575] : memref<1048576x16xf32, #tpu.memory_space<hbm>> -> memref<1048576x16xf32, #tpu.memory_space<hbm>>
    tpu.enqueue_indirect_dma source(%dma_start3A_576 : memref<1048576x16xf32, #tpu.memory_space<hbm>>) target(%dma_start3A_571 : memref<128x16xf32, #tpu.memory_space<vmem>>) offsets(%dma_start3A_573 : memref<128xi32, #tpu.memory_space<vmem>>) semaphore(%arg16 : memref<!tpu.dma_semaphore, #tpu.memory_space<semaphore_mem>>)
    %dma_start3A_577 = arith.constant 384 : i32
    %dma_start3A_578 = arith.constant 0 : i32
    %dma_start3A_579 = tpu.memref_slice %arg13[%dma_start3A_577, %dma_start3A_578] : memref<640x64xf32, #tpu.memory_space<vmem>> -> memref<128x64xf32, #tpu.memory_space<vmem>>
    %dma_start3A_580 = arith.constant 384 : i32
    %dma_start3A_581 = tpu.memref_slice %arg9[%dma_start3A_580] : memref<640xi32, #tpu.memory_space<vmem>> -> memref<128xi32, #tpu.memory_space<vmem>>
    %dma_start3A_582 = arith.constant 0 : i32
    %dma_start3A_583 = arith.constant 0 : i32
    %dma_start3A_584 = tpu.memref_slice %arg4[%dma_start3A_582, %dma_start3A_583] : memref<1048576x64xf32, #tpu.memory_space<hbm>> -> memref<1048576x64xf32, #tpu.memory_space<hbm>>
    tpu.enqueue_indirect_dma source(%dma_start3A_584 : memref<1048576x64xf32, #tpu.memory_space<hbm>>) target(%dma_start3A_579 : memref<128x64xf32, #tpu.memory_space<vmem>>) offsets(%dma_start3A_581 : memref<128xi32, #tpu.memory_space<vmem>>) semaphore(%arg16 : memref<!tpu.dma_semaphore, #tpu.memory_space<semaphore_mem>>)
    %dma_start3A_585 = arith.constant 384 : i32
    %dma_start3A_586 = arith.constant 0 : i32
    %dma_start3A_587 = tpu.memref_slice %arg15[%dma_start3A_585, %dma_start3A_586] : memref<640x16xf32, #tpu.memory_space<vmem>> -> memref<128x16xf32, #tpu.memory_space<vmem>>
    %dma_start3A_588 = arith.constant 384 : i32
    %dma_start3A_589 = tpu.memref_slice %arg11[%dma_start3A_588] : memref<640xi32, #tpu.memory_space<vmem>> -> memref<128xi32, #tpu.memory_space<vmem>>
    %dma_start3A_590 = arith.constant 0 : i32
    %dma_start3A_591 = arith.constant 0 : i32
    %dma_start3A_592 = tpu.memref_slice %arg5[%dma_start3A_590, %dma_start3A_591] : memref<1048576x16xf32, #tpu.memory_space<hbm>> -> memref<1048576x16xf32, #tpu.memory_space<hbm>>
    tpu.enqueue_indirect_dma source(%dma_start3A_592 : memref<1048576x16xf32, #tpu.memory_space<hbm>>) target(%dma_start3A_587 : memref<128x16xf32, #tpu.memory_space<vmem>>) offsets(%dma_start3A_589 : memref<128xi32, #tpu.memory_space<vmem>>) semaphore(%arg16 : memref<!tpu.dma_semaphore, #tpu.memory_space<semaphore_mem>>)
    %dma_start3A_593 = arith.constant 512 : i32
    %dma_start3A_594 = arith.constant 0 : i32
    %dma_start3A_595 = tpu.memref_slice %arg13[%dma_start3A_593, %dma_start3A_594] : memref<640x64xf32, #tpu.memory_space<vmem>> -> memref<128x64xf32, #tpu.memory_space<vmem>>
    %dma_start3A_596 = arith.constant 512 : i32
    %dma_start3A_597 = tpu.memref_slice %arg9[%dma_start3A_596] : memref<640xi32, #tpu.memory_space<vmem>> -> memref<128xi32, #tpu.memory_space<vmem>>
    %dma_start3A_598 = arith.constant 0 : i32
    %dma_start3A_599 = arith.constant 0 : i32
    %dma_start3A_600 = tpu.memref_slice %arg4[%dma_start3A_598, %dma_start3A_599] : memref<1048576x64xf32, #tpu.memory_space<hbm>> -> memref<1048576x64xf32, #tpu.memory_space<hbm>>
    tpu.enqueue_indirect_dma source(%dma_start3A_600 : memref<1048576x64xf32, #tpu.memory_space<hbm>>) target(%dma_start3A_595 : memref<128x64xf32, #tpu.memory_space<vmem>>) offsets(%dma_start3A_597 : memref<128xi32, #tpu.memory_space<vmem>>) semaphore(%arg16 : memref<!tpu.dma_semaphore, #tpu.memory_space<semaphore_mem>>)
    %dma_start3A_601 = arith.constant 512 : i32
    %dma_start3A_602 = arith.constant 0 : i32
    %dma_start3A_603 = tpu.memref_slice %arg15[%dma_start3A_601, %dma_start3A_602] : memref<640x16xf32, #tpu.memory_space<vmem>> -> memref<128x16xf32, #tpu.memory_space<vmem>>
    %dma_start3A_604 = arith.constant 512 : i32
    %dma_start3A_605 = tpu.memref_slice %arg11[%dma_start3A_604] : memref<640xi32, #tpu.memory_space<vmem>> -> memref<128xi32, #tpu.memory_space<vmem>>
    %dma_start3A_606 = arith.constant 0 : i32
    %dma_start3A_607 = arith.constant 0 : i32
    %dma_start3A_608 = tpu.memref_slice %arg5[%dma_start3A_606, %dma_start3A_607] : memref<1048576x16xf32, #tpu.memory_space<hbm>> -> memref<1048576x16xf32, #tpu.memory_space<hbm>>
    tpu.enqueue_indirect_dma source(%dma_start3A_608 : memref<1048576x16xf32, #tpu.memory_space<hbm>>) target(%dma_start3A_603 : memref<128x16xf32, #tpu.memory_space<vmem>>) offsets(%dma_start3A_605 : memref<128xi32, #tpu.memory_space<vmem>>) semaphore(%arg16 : memref<!tpu.dma_semaphore, #tpu.memory_space<semaphore_mem>>)
    %dma_wait3A_609 = arith.constant 0 : i32
    %dma_wait3A_610 = arith.constant 0 : i32
    %dma_wait3A_611 = tpu.memref_slice %arg13[%dma_wait3A_609, %dma_wait3A_610] : memref<640x64xf32, #tpu.memory_space<vmem>> -> memref<128x64xf32, #tpu.memory_space<vmem>>
    %dma_wait3A_612 = arith.constant 0 : i32
    %dma_wait3A_613 = tpu.memref_slice %arg9[%dma_wait3A_612] : memref<640xi32, #tpu.memory_space<vmem>> -> memref<128xi32, #tpu.memory_space<vmem>>
    %dma_wait3A_614 = arith.constant 0 : i32
    %dma_wait3A_615 = arith.constant 0 : i32
    %dma_wait3A_616 = tpu.memref_slice %arg4[%dma_wait3A_614, %dma_wait3A_615] : memref<1048576x64xf32, #tpu.memory_space<hbm>> -> memref<1048576x64xf32, #tpu.memory_space<hbm>>
    tpu.wait_indirect_dma semaphore(%arg16 : memref<!tpu.dma_semaphore, #tpu.memory_space<semaphore_mem>>) src(%dma_wait3A_616 : memref<1048576x64xf32, #tpu.memory_space<hbm>>) dst(%dma_wait3A_611 : memref<128x64xf32, #tpu.memory_space<vmem>>)
    %dma_wait3A_617 = arith.constant 0 : i32
    %dma_wait3A_618 = arith.constant 0 : i32
    %dma_wait3A_619 = tpu.memref_slice %arg15[%dma_wait3A_617, %dma_wait3A_618] : memref<640x16xf32, #tpu.memory_space<vmem>> -> memref<128x16xf32, #tpu.memory_space<vmem>>
    %dma_wait3A_620 = arith.constant 0 : i32
    %dma_wait3A_621 = tpu.memref_slice %arg11[%dma_wait3A_620] : memref<640xi32, #tpu.memory_space<vmem>> -> memref<128xi32, #tpu.memory_space<vmem>>
    %dma_wait3A_622 = arith.constant 0 : i32
    %dma_wait3A_623 = arith.constant 0 : i32
    %dma_wait3A_624 = tpu.memref_slice %arg5[%dma_wait3A_622, %dma_wait3A_623] : memref<1048576x16xf32, #tpu.memory_space<hbm>> -> memref<1048576x16xf32, #tpu.memory_space<hbm>>
    tpu.wait_indirect_dma semaphore(%arg16 : memref<!tpu.dma_semaphore, #tpu.memory_space<semaphore_mem>>) src(%dma_wait3A_624 : memref<1048576x16xf32, #tpu.memory_space<hbm>>) dst(%dma_wait3A_619 : memref<128x16xf32, #tpu.memory_space<vmem>>)
    %dma_wait3A_625 = arith.constant 128 : i32
    %dma_wait3A_626 = arith.constant 0 : i32
    %dma_wait3A_627 = tpu.memref_slice %arg13[%dma_wait3A_625, %dma_wait3A_626] : memref<640x64xf32, #tpu.memory_space<vmem>> -> memref<128x64xf32, #tpu.memory_space<vmem>>
    %dma_wait3A_628 = arith.constant 128 : i32
    %dma_wait3A_629 = tpu.memref_slice %arg9[%dma_wait3A_628] : memref<640xi32, #tpu.memory_space<vmem>> -> memref<128xi32, #tpu.memory_space<vmem>>
    %dma_wait3A_630 = arith.constant 0 : i32
    %dma_wait3A_631 = arith.constant 0 : i32
    %dma_wait3A_632 = tpu.memref_slice %arg4[%dma_wait3A_630, %dma_wait3A_631] : memref<1048576x64xf32, #tpu.memory_space<hbm>> -> memref<1048576x64xf32, #tpu.memory_space<hbm>>
    tpu.wait_indirect_dma semaphore(%arg16 : memref<!tpu.dma_semaphore, #tpu.memory_space<semaphore_mem>>) src(%dma_wait3A_632 : memref<1048576x64xf32, #tpu.memory_space<hbm>>) dst(%dma_wait3A_627 : memref<128x64xf32, #tpu.memory_space<vmem>>)
    %dma_wait3A_633 = arith.constant 128 : i32
    %dma_wait3A_634 = arith.constant 0 : i32
    %dma_wait3A_635 = tpu.memref_slice %arg15[%dma_wait3A_633, %dma_wait3A_634] : memref<640x16xf32, #tpu.memory_space<vmem>> -> memref<128x16xf32, #tpu.memory_space<vmem>>
    %dma_wait3A_636 = arith.constant 128 : i32
    %dma_wait3A_637 = tpu.memref_slice %arg11[%dma_wait3A_636] : memref<640xi32, #tpu.memory_space<vmem>> -> memref<128xi32, #tpu.memory_space<vmem>>
    %dma_wait3A_638 = arith.constant 0 : i32
    %dma_wait3A_639 = arith.constant 0 : i32
    %dma_wait3A_640 = tpu.memref_slice %arg5[%dma_wait3A_638, %dma_wait3A_639] : memref<1048576x16xf32, #tpu.memory_space<hbm>> -> memref<1048576x16xf32, #tpu.memory_space<hbm>>
    tpu.wait_indirect_dma semaphore(%arg16 : memref<!tpu.dma_semaphore, #tpu.memory_space<semaphore_mem>>) src(%dma_wait3A_640 : memref<1048576x16xf32, #tpu.memory_space<hbm>>) dst(%dma_wait3A_635 : memref<128x16xf32, #tpu.memory_space<vmem>>)
    %dma_wait3A_641 = arith.constant 256 : i32
    %dma_wait3A_642 = arith.constant 0 : i32
    %dma_wait3A_643 = tpu.memref_slice %arg13[%dma_wait3A_641, %dma_wait3A_642] : memref<640x64xf32, #tpu.memory_space<vmem>> -> memref<128x64xf32, #tpu.memory_space<vmem>>
    %dma_wait3A_644 = arith.constant 256 : i32
    %dma_wait3A_645 = tpu.memref_slice %arg9[%dma_wait3A_644] : memref<640xi32, #tpu.memory_space<vmem>> -> memref<128xi32, #tpu.memory_space<vmem>>
    %dma_wait3A_646 = arith.constant 0 : i32
    %dma_wait3A_647 = arith.constant 0 : i32
    %dma_wait3A_648 = tpu.memref_slice %arg4[%dma_wait3A_646, %dma_wait3A_647] : memref<1048576x64xf32, #tpu.memory_space<hbm>> -> memref<1048576x64xf32, #tpu.memory_space<hbm>>
    tpu.wait_indirect_dma semaphore(%arg16 : memref<!tpu.dma_semaphore, #tpu.memory_space<semaphore_mem>>) src(%dma_wait3A_648 : memref<1048576x64xf32, #tpu.memory_space<hbm>>) dst(%dma_wait3A_643 : memref<128x64xf32, #tpu.memory_space<vmem>>)
    %dma_wait3A_649 = arith.constant 256 : i32
    %dma_wait3A_650 = arith.constant 0 : i32
    %dma_wait3A_651 = tpu.memref_slice %arg15[%dma_wait3A_649, %dma_wait3A_650] : memref<640x16xf32, #tpu.memory_space<vmem>> -> memref<128x16xf32, #tpu.memory_space<vmem>>
    %dma_wait3A_652 = arith.constant 256 : i32
    %dma_wait3A_653 = tpu.memref_slice %arg11[%dma_wait3A_652] : memref<640xi32, #tpu.memory_space<vmem>> -> memref<128xi32, #tpu.memory_space<vmem>>
    %dma_wait3A_654 = arith.constant 0 : i32
    %dma_wait3A_655 = arith.constant 0 : i32
    %dma_wait3A_656 = tpu.memref_slice %arg5[%dma_wait3A_654, %dma_wait3A_655] : memref<1048576x16xf32, #tpu.memory_space<hbm>> -> memref<1048576x16xf32, #tpu.memory_space<hbm>>
    tpu.wait_indirect_dma semaphore(%arg16 : memref<!tpu.dma_semaphore, #tpu.memory_space<semaphore_mem>>) src(%dma_wait3A_656 : memref<1048576x16xf32, #tpu.memory_space<hbm>>) dst(%dma_wait3A_651 : memref<128x16xf32, #tpu.memory_space<vmem>>)
    %dma_wait3A_657 = arith.constant 384 : i32
    %dma_wait3A_658 = arith.constant 0 : i32
    %dma_wait3A_659 = tpu.memref_slice %arg13[%dma_wait3A_657, %dma_wait3A_658] : memref<640x64xf32, #tpu.memory_space<vmem>> -> memref<128x64xf32, #tpu.memory_space<vmem>>
    %dma_wait3A_660 = arith.constant 384 : i32
    %dma_wait3A_661 = tpu.memref_slice %arg9[%dma_wait3A_660] : memref<640xi32, #tpu.memory_space<vmem>> -> memref<128xi32, #tpu.memory_space<vmem>>
    %dma_wait3A_662 = arith.constant 0 : i32
    %dma_wait3A_663 = arith.constant 0 : i32
    %dma_wait3A_664 = tpu.memref_slice %arg4[%dma_wait3A_662, %dma_wait3A_663] : memref<1048576x64xf32, #tpu.memory_space<hbm>> -> memref<1048576x64xf32, #tpu.memory_space<hbm>>
    tpu.wait_indirect_dma semaphore(%arg16 : memref<!tpu.dma_semaphore, #tpu.memory_space<semaphore_mem>>) src(%dma_wait3A_664 : memref<1048576x64xf32, #tpu.memory_space<hbm>>) dst(%dma_wait3A_659 : memref<128x64xf32, #tpu.memory_space<vmem>>)
    %dma_wait3A_665 = arith.constant 384 : i32
    %dma_wait3A_666 = arith.constant 0 : i32
    %dma_wait3A_667 = tpu.memref_slice %arg15[%dma_wait3A_665, %dma_wait3A_666] : memref<640x16xf32, #tpu.memory_space<vmem>> -> memref<128x16xf32, #tpu.memory_space<vmem>>
    %dma_wait3A_668 = arith.constant 384 : i32
    %dma_wait3A_669 = tpu.memref_slice %arg11[%dma_wait3A_668] : memref<640xi32, #tpu.memory_space<vmem>> -> memref<128xi32, #tpu.memory_space<vmem>>
    %dma_wait3A_670 = arith.constant 0 : i32
    %dma_wait3A_671 = arith.constant 0 : i32
    %dma_wait3A_672 = tpu.memref_slice %arg5[%dma_wait3A_670, %dma_wait3A_671] : memref<1048576x16xf32, #tpu.memory_space<hbm>> -> memref<1048576x16xf32, #tpu.memory_space<hbm>>
    tpu.wait_indirect_dma semaphore(%arg16 : memref<!tpu.dma_semaphore, #tpu.memory_space<semaphore_mem>>) src(%dma_wait3A_672 : memref<1048576x16xf32, #tpu.memory_space<hbm>>) dst(%dma_wait3A_667 : memref<128x16xf32, #tpu.memory_space<vmem>>)
    %dma_wait3A_673 = arith.constant 512 : i32
    %dma_wait3A_674 = arith.constant 0 : i32
    %dma_wait3A_675 = tpu.memref_slice %arg13[%dma_wait3A_673, %dma_wait3A_674] : memref<640x64xf32, #tpu.memory_space<vmem>> -> memref<128x64xf32, #tpu.memory_space<vmem>>
    %dma_wait3A_676 = arith.constant 512 : i32
    %dma_wait3A_677 = tpu.memref_slice %arg9[%dma_wait3A_676] : memref<640xi32, #tpu.memory_space<vmem>> -> memref<128xi32, #tpu.memory_space<vmem>>
    %dma_wait3A_678 = arith.constant 0 : i32
    %dma_wait3A_679 = arith.constant 0 : i32
    %dma_wait3A_680 = tpu.memref_slice %arg4[%dma_wait3A_678, %dma_wait3A_679] : memref<1048576x64xf32, #tpu.memory_space<hbm>> -> memref<1048576x64xf32, #tpu.memory_space<hbm>>
    tpu.wait_indirect_dma semaphore(%arg16 : memref<!tpu.dma_semaphore, #tpu.memory_space<semaphore_mem>>) src(%dma_wait3A_680 : memref<1048576x64xf32, #tpu.memory_space<hbm>>) dst(%dma_wait3A_675 : memref<128x64xf32, #tpu.memory_space<vmem>>)
    %dma_wait3A_681 = arith.constant 512 : i32
    %dma_wait3A_682 = arith.constant 0 : i32
    %dma_wait3A_683 = tpu.memref_slice %arg15[%dma_wait3A_681, %dma_wait3A_682] : memref<640x16xf32, #tpu.memory_space<vmem>> -> memref<128x16xf32, #tpu.memory_space<vmem>>
    %dma_wait3A_684 = arith.constant 512 : i32
    %dma_wait3A_685 = tpu.memref_slice %arg11[%dma_wait3A_684] : memref<640xi32, #tpu.memory_space<vmem>> -> memref<128xi32, #tpu.memory_space<vmem>>
    %dma_wait3A_686 = arith.constant 0 : i32
    %dma_wait3A_687 = arith.constant 0 : i32
    %dma_wait3A_688 = tpu.memref_slice %arg5[%dma_wait3A_686, %dma_wait3A_687] : memref<1048576x16xf32, #tpu.memory_space<hbm>> -> memref<1048576x16xf32, #tpu.memory_space<hbm>>
    tpu.wait_indirect_dma semaphore(%arg16 : memref<!tpu.dma_semaphore, #tpu.memory_space<semaphore_mem>>) src(%dma_wait3A_688 : memref<1048576x16xf32, #tpu.memory_space<hbm>>) dst(%dma_wait3A_683 : memref<128x16xf32, #tpu.memory_space<vmem>>)
    %dma_start3A_689 = arith.constant 0 : i32
    %dma_start3A_690 = tpu.memref_slice %arg6[%add3A_520, %dma_start3A_689] : memref<204800x64xf32, #tpu.memory_space<hbm>> -> memref<640x64xf32, #tpu.memory_space<hbm>>
    %dma_start3A_691 = arith.constant 0 : i32
    %dma_start3A_692 = tpu.memref_slice %arg6[%add3A_520, %dma_start3A_691] : memref<204800x64xf32, #tpu.memory_space<hbm>> -> memref<640x64xf32, #tpu.memory_space<hbm>>
    tpu.enqueue_dma source(%arg13 : memref<640x64xf32, #tpu.memory_space<vmem>>) target(%dma_start3A_692 : memref<640x64xf32, #tpu.memory_space<hbm>>) target_semaphore(%arg17 : memref<!tpu.dma_semaphore, #tpu.memory_space<semaphore_mem>>)
    %dma_start3A_693 = arith.constant 0 : i32
    %dma_start3A_694 = tpu.memref_slice %arg7[%add3A_520, %dma_start3A_693] : memref<204800x16xf32, #tpu.memory_space<hbm>> -> memref<640x16xf32, #tpu.memory_space<hbm>>
    %dma_start3A_695 = arith.constant 0 : i32
    %dma_start3A_696 = tpu.memref_slice %arg7[%add3A_520, %dma_start3A_695] : memref<204800x16xf32, #tpu.memory_space<hbm>> -> memref<640x16xf32, #tpu.memory_space<hbm>>
    tpu.enqueue_dma source(%arg15 : memref<640x16xf32, #tpu.memory_space<vmem>>) target(%dma_start3A_696 : memref<640x16xf32, #tpu.memory_space<hbm>>) target_semaphore(%arg17 : memref<!tpu.dma_semaphore, #tpu.memory_space<semaphore_mem>>)
    %add3A_697 = arith.constant 2560 : i32
    %add3A_698 = arith.addi %mul3A_2, %add3A_697 : i32
    "tpu.region"() ({
      %run_scoped3A = tpu.sem_alloc : memref<!tpu.dma_semaphore, #tpu.memory_space<semaphore_mem>>
      %dma_start3A_1781 = tpu.memref_slice %arg2[%add3A_698] : memref<204800xi32, #tpu.memory_space<hbm>> -> memref<640xi32, #tpu.memory_space<hbm>>
      %dma_start3A_1782 = tpu.memref_slice %arg2[%add3A_698] : memref<204800xi32, #tpu.memory_space<hbm>> -> memref<640xi32, #tpu.memory_space<hbm>>
      tpu.enqueue_dma source(%dma_start3A_1782 : memref<640xi32, #tpu.memory_space<hbm>>) target(%arg8 : memref<640xi32, #tpu.memory_space<vmem>>) target_semaphore(%run_scoped3A : memref<!tpu.dma_semaphore, #tpu.memory_space<semaphore_mem>>)
      %dma_wait3A_1783 = tpu.memref_slice %arg2[%add3A_698] : memref<204800xi32, #tpu.memory_space<hbm>> -> memref<640xi32, #tpu.memory_space<hbm>>
      %dma_wait3A_1784 = tpu.memref_slice %arg2[%add3A_698] : memref<204800xi32, #tpu.memory_space<hbm>> -> memref<640xi32, #tpu.memory_space<hbm>>
      tpu.wait_dma2 semaphore(%run_scoped3A : memref<!tpu.dma_semaphore, #tpu.memory_space<semaphore_mem>>) src(%dma_wait3A_1784 : memref<640xi32, #tpu.memory_space<hbm>>) dst(%arg8 : memref<640xi32, #tpu.memory_space<vmem>>)
      tpu.yield
    }) : () -> ()
    "tpu.region"() ({
      %run_scoped3A = tpu.sem_alloc : memref<!tpu.dma_semaphore, #tpu.memory_space<semaphore_mem>>
      %dma_start3A_1781 = tpu.memref_slice %arg3[%add3A_698] : memref<204800xi32, #tpu.memory_space<hbm>> -> memref<640xi32, #tpu.memory_space<hbm>>
      %dma_start3A_1782 = tpu.memref_slice %arg3[%add3A_698] : memref<204800xi32, #tpu.memory_space<hbm>> -> memref<640xi32, #tpu.memory_space<hbm>>
      tpu.enqueue_dma source(%dma_start3A_1782 : memref<640xi32, #tpu.memory_space<hbm>>) target(%arg10 : memref<640xi32, #tpu.memory_space<vmem>>) target_semaphore(%run_scoped3A : memref<!tpu.dma_semaphore, #tpu.memory_space<semaphore_mem>>)
      %dma_wait3A_1783 = tpu.memref_slice %arg3[%add3A_698] : memref<204800xi32, #tpu.memory_space<hbm>> -> memref<640xi32, #tpu.memory_space<hbm>>
      %dma_wait3A_1784 = tpu.memref_slice %arg3[%add3A_698] : memref<204800xi32, #tpu.memory_space<hbm>> -> memref<640xi32, #tpu.memory_space<hbm>>
      tpu.wait_dma2 semaphore(%run_scoped3A : memref<!tpu.dma_semaphore, #tpu.memory_space<semaphore_mem>>) src(%dma_wait3A_1784 : memref<640xi32, #tpu.memory_space<hbm>>) dst(%arg10 : memref<640xi32, #tpu.memory_space<vmem>>)
      tpu.yield
    }) : () -> ()
    %dma_wait3A_699 = arith.constant 0 : i32
    %dma_wait3A_700 = tpu.memref_slice %arg6[%add3A_342, %dma_wait3A_699] : memref<204800x64xf32, #tpu.memory_space<hbm>> -> memref<640x64xf32, #tpu.memory_space<hbm>>
    %dma_wait3A_701 = arith.constant 0 : i32
    %dma_wait3A_702 = tpu.memref_slice %arg6[%add3A_342, %dma_wait3A_701] : memref<204800x64xf32, #tpu.memory_space<hbm>> -> memref<640x64xf32, #tpu.memory_space<hbm>>
    tpu.wait_dma2 semaphore(%arg17 : memref<!tpu.dma_semaphore, #tpu.memory_space<semaphore_mem>>) src(%arg12 : memref<640x64xf32, #tpu.memory_space<vmem>>) dst(%dma_wait3A_702 : memref<640x64xf32, #tpu.memory_space<hbm>>)
    %dma_wait3A_703 = arith.constant 0 : i32
    %dma_wait3A_704 = tpu.memref_slice %arg7[%add3A_342, %dma_wait3A_703] : memref<204800x16xf32, #tpu.memory_space<hbm>> -> memref<640x16xf32, #tpu.memory_space<hbm>>
    %dma_wait3A_705 = arith.constant 0 : i32
    %dma_wait3A_706 = tpu.memref_slice %arg7[%add3A_342, %dma_wait3A_705] : memref<204800x16xf32, #tpu.memory_space<hbm>> -> memref<640x16xf32, #tpu.memory_space<hbm>>
    tpu.wait_dma2 semaphore(%arg17 : memref<!tpu.dma_semaphore, #tpu.memory_space<semaphore_mem>>) src(%arg14 : memref<640x16xf32, #tpu.memory_space<vmem>>) dst(%dma_wait3A_706 : memref<640x16xf32, #tpu.memory_space<hbm>>)
    %dma_start3A_707 = arith.constant 0 : i32
    %dma_start3A_708 = arith.constant 0 : i32
    %dma_start3A_709 = tpu.memref_slice %arg12[%dma_start3A_707, %dma_start3A_708] : memref<640x64xf32, #tpu.memory_space<vmem>> -> memref<128x64xf32, #tpu.memory_space<vmem>>
    %dma_start3A_710 = arith.constant 0 : i32
    %dma_start3A_711 = tpu.memref_slice %arg8[%dma_start3A_710] : memref<640xi32, #tpu.memory_space<vmem>> -> memref<128xi32, #tpu.memory_space<vmem>>
    %dma_start3A_712 = arith.constant 0 : i32
    %dma_start3A_713 = arith.constant 0 : i32
    %dma_start3A_714 = tpu.memref_slice %arg4[%dma_start3A_712, %dma_start3A_713] : memref<1048576x64xf32, #tpu.memory_space<hbm>> -> memref<1048576x64xf32, #tpu.memory_space<hbm>>
    tpu.enqueue_indirect_dma source(%dma_start3A_714 : memref<1048576x64xf32, #tpu.memory_space<hbm>>) target(%dma_start3A_709 : memref<128x64xf32, #tpu.memory_space<vmem>>) offsets(%dma_start3A_711 : memref<128xi32, #tpu.memory_space<vmem>>) semaphore(%arg16 : memref<!tpu.dma_semaphore, #tpu.memory_space<semaphore_mem>>)
    %dma_start3A_715 = arith.constant 0 : i32
    %dma_start3A_716 = arith.constant 0 : i32
    %dma_start3A_717 = tpu.memref_slice %arg14[%dma_start3A_715, %dma_start3A_716] : memref<640x16xf32, #tpu.memory_space<vmem>> -> memref<128x16xf32, #tpu.memory_space<vmem>>
    %dma_start3A_718 = arith.constant 0 : i32
    %dma_start3A_719 = tpu.memref_slice %arg10[%dma_start3A_718] : memref<640xi32, #tpu.memory_space<vmem>> -> memref<128xi32, #tpu.memory_space<vmem>>
    %dma_start3A_720 = arith.constant 0 : i32
    %dma_start3A_721 = arith.constant 0 : i32
    %dma_start3A_722 = tpu.memref_slice %arg5[%dma_start3A_720, %dma_start3A_721] : memref<1048576x16xf32, #tpu.memory_space<hbm>> -> memref<1048576x16xf32, #tpu.memory_space<hbm>>
    tpu.enqueue_indirect_dma source(%dma_start3A_722 : memref<1048576x16xf32, #tpu.memory_space<hbm>>) target(%dma_start3A_717 : memref<128x16xf32, #tpu.memory_space<vmem>>) offsets(%dma_start3A_719 : memref<128xi32, #tpu.memory_space<vmem>>) semaphore(%arg16 : memref<!tpu.dma_semaphore, #tpu.memory_space<semaphore_mem>>)
    %dma_start3A_723 = arith.constant 128 : i32
    %dma_start3A_724 = arith.constant 0 : i32
    %dma_start3A_725 = tpu.memref_slice %arg12[%dma_start3A_723, %dma_start3A_724] : memref<640x64xf32, #tpu.memory_space<vmem>> -> memref<128x64xf32, #tpu.memory_space<vmem>>
    %dma_start3A_726 = arith.constant 128 : i32
    %dma_start3A_727 = tpu.memref_slice %arg8[%dma_start3A_726] : memref<640xi32, #tpu.memory_space<vmem>> -> memref<128xi32, #tpu.memory_space<vmem>>
    %dma_start3A_728 = arith.constant 0 : i32
    %dma_start3A_729 = arith.constant 0 : i32
    %dma_start3A_730 = tpu.memref_slice %arg4[%dma_start3A_728, %dma_start3A_729] : memref<1048576x64xf32, #tpu.memory_space<hbm>> -> memref<1048576x64xf32, #tpu.memory_space<hbm>>
    tpu.enqueue_indirect_dma source(%dma_start3A_730 : memref<1048576x64xf32, #tpu.memory_space<hbm>>) target(%dma_start3A_725 : memref<128x64xf32, #tpu.memory_space<vmem>>) offsets(%dma_start3A_727 : memref<128xi32, #tpu.memory_space<vmem>>) semaphore(%arg16 : memref<!tpu.dma_semaphore, #tpu.memory_space<semaphore_mem>>)
    %dma_start3A_731 = arith.constant 128 : i32
    %dma_start3A_732 = arith.constant 0 : i32
    %dma_start3A_733 = tpu.memref_slice %arg14[%dma_start3A_731, %dma_start3A_732] : memref<640x16xf32, #tpu.memory_space<vmem>> -> memref<128x16xf32, #tpu.memory_space<vmem>>
    %dma_start3A_734 = arith.constant 128 : i32
    %dma_start3A_735 = tpu.memref_slice %arg10[%dma_start3A_734] : memref<640xi32, #tpu.memory_space<vmem>> -> memref<128xi32, #tpu.memory_space<vmem>>
    %dma_start3A_736 = arith.constant 0 : i32
    %dma_start3A_737 = arith.constant 0 : i32
    %dma_start3A_738 = tpu.memref_slice %arg5[%dma_start3A_736, %dma_start3A_737] : memref<1048576x16xf32, #tpu.memory_space<hbm>> -> memref<1048576x16xf32, #tpu.memory_space<hbm>>
    tpu.enqueue_indirect_dma source(%dma_start3A_738 : memref<1048576x16xf32, #tpu.memory_space<hbm>>) target(%dma_start3A_733 : memref<128x16xf32, #tpu.memory_space<vmem>>) offsets(%dma_start3A_735 : memref<128xi32, #tpu.memory_space<vmem>>) semaphore(%arg16 : memref<!tpu.dma_semaphore, #tpu.memory_space<semaphore_mem>>)
    %dma_start3A_739 = arith.constant 256 : i32
    %dma_start3A_740 = arith.constant 0 : i32
    %dma_start3A_741 = tpu.memref_slice %arg12[%dma_start3A_739, %dma_start3A_740] : memref<640x64xf32, #tpu.memory_space<vmem>> -> memref<128x64xf32, #tpu.memory_space<vmem>>
    %dma_start3A_742 = arith.constant 256 : i32
    %dma_start3A_743 = tpu.memref_slice %arg8[%dma_start3A_742] : memref<640xi32, #tpu.memory_space<vmem>> -> memref<128xi32, #tpu.memory_space<vmem>>
    %dma_start3A_744 = arith.constant 0 : i32
    %dma_start3A_745 = arith.constant 0 : i32
    %dma_start3A_746 = tpu.memref_slice %arg4[%dma_start3A_744, %dma_start3A_745] : memref<1048576x64xf32, #tpu.memory_space<hbm>> -> memref<1048576x64xf32, #tpu.memory_space<hbm>>
    tpu.enqueue_indirect_dma source(%dma_start3A_746 : memref<1048576x64xf32, #tpu.memory_space<hbm>>) target(%dma_start3A_741 : memref<128x64xf32, #tpu.memory_space<vmem>>) offsets(%dma_start3A_743 : memref<128xi32, #tpu.memory_space<vmem>>) semaphore(%arg16 : memref<!tpu.dma_semaphore, #tpu.memory_space<semaphore_mem>>)
    %dma_start3A_747 = arith.constant 256 : i32
    %dma_start3A_748 = arith.constant 0 : i32
    %dma_start3A_749 = tpu.memref_slice %arg14[%dma_start3A_747, %dma_start3A_748] : memref<640x16xf32, #tpu.memory_space<vmem>> -> memref<128x16xf32, #tpu.memory_space<vmem>>
    %dma_start3A_750 = arith.constant 256 : i32
    %dma_start3A_751 = tpu.memref_slice %arg10[%dma_start3A_750] : memref<640xi32, #tpu.memory_space<vmem>> -> memref<128xi32, #tpu.memory_space<vmem>>
    %dma_start3A_752 = arith.constant 0 : i32
    %dma_start3A_753 = arith.constant 0 : i32
    %dma_start3A_754 = tpu.memref_slice %arg5[%dma_start3A_752, %dma_start3A_753] : memref<1048576x16xf32, #tpu.memory_space<hbm>> -> memref<1048576x16xf32, #tpu.memory_space<hbm>>
    tpu.enqueue_indirect_dma source(%dma_start3A_754 : memref<1048576x16xf32, #tpu.memory_space<hbm>>) target(%dma_start3A_749 : memref<128x16xf32, #tpu.memory_space<vmem>>) offsets(%dma_start3A_751 : memref<128xi32, #tpu.memory_space<vmem>>) semaphore(%arg16 : memref<!tpu.dma_semaphore, #tpu.memory_space<semaphore_mem>>)
    %dma_start3A_755 = arith.constant 384 : i32
    %dma_start3A_756 = arith.constant 0 : i32
    %dma_start3A_757 = tpu.memref_slice %arg12[%dma_start3A_755, %dma_start3A_756] : memref<640x64xf32, #tpu.memory_space<vmem>> -> memref<128x64xf32, #tpu.memory_space<vmem>>
    %dma_start3A_758 = arith.constant 384 : i32
    %dma_start3A_759 = tpu.memref_slice %arg8[%dma_start3A_758] : memref<640xi32, #tpu.memory_space<vmem>> -> memref<128xi32, #tpu.memory_space<vmem>>
    %dma_start3A_760 = arith.constant 0 : i32
    %dma_start3A_761 = arith.constant 0 : i32
    %dma_start3A_762 = tpu.memref_slice %arg4[%dma_start3A_760, %dma_start3A_761] : memref<1048576x64xf32, #tpu.memory_space<hbm>> -> memref<1048576x64xf32, #tpu.memory_space<hbm>>
    tpu.enqueue_indirect_dma source(%dma_start3A_762 : memref<1048576x64xf32, #tpu.memory_space<hbm>>) target(%dma_start3A_757 : memref<128x64xf32, #tpu.memory_space<vmem>>) offsets(%dma_start3A_759 : memref<128xi32, #tpu.memory_space<vmem>>) semaphore(%arg16 : memref<!tpu.dma_semaphore, #tpu.memory_space<semaphore_mem>>)
    %dma_start3A_763 = arith.constant 384 : i32
    %dma_start3A_764 = arith.constant 0 : i32
    %dma_start3A_765 = tpu.memref_slice %arg14[%dma_start3A_763, %dma_start3A_764] : memref<640x16xf32, #tpu.memory_space<vmem>> -> memref<128x16xf32, #tpu.memory_space<vmem>>
    %dma_start3A_766 = arith.constant 384 : i32
    %dma_start3A_767 = tpu.memref_slice %arg10[%dma_start3A_766] : memref<640xi32, #tpu.memory_space<vmem>> -> memref<128xi32, #tpu.memory_space<vmem>>
    %dma_start3A_768 = arith.constant 0 : i32
    %dma_start3A_769 = arith.constant 0 : i32
    %dma_start3A_770 = tpu.memref_slice %arg5[%dma_start3A_768, %dma_start3A_769] : memref<1048576x16xf32, #tpu.memory_space<hbm>> -> memref<1048576x16xf32, #tpu.memory_space<hbm>>
    tpu.enqueue_indirect_dma source(%dma_start3A_770 : memref<1048576x16xf32, #tpu.memory_space<hbm>>) target(%dma_start3A_765 : memref<128x16xf32, #tpu.memory_space<vmem>>) offsets(%dma_start3A_767 : memref<128xi32, #tpu.memory_space<vmem>>) semaphore(%arg16 : memref<!tpu.dma_semaphore, #tpu.memory_space<semaphore_mem>>)
    %dma_start3A_771 = arith.constant 512 : i32
    %dma_start3A_772 = arith.constant 0 : i32
    %dma_start3A_773 = tpu.memref_slice %arg12[%dma_start3A_771, %dma_start3A_772] : memref<640x64xf32, #tpu.memory_space<vmem>> -> memref<128x64xf32, #tpu.memory_space<vmem>>
    %dma_start3A_774 = arith.constant 512 : i32
    %dma_start3A_775 = tpu.memref_slice %arg8[%dma_start3A_774] : memref<640xi32, #tpu.memory_space<vmem>> -> memref<128xi32, #tpu.memory_space<vmem>>
    %dma_start3A_776 = arith.constant 0 : i32
    %dma_start3A_777 = arith.constant 0 : i32
    %dma_start3A_778 = tpu.memref_slice %arg4[%dma_start3A_776, %dma_start3A_777] : memref<1048576x64xf32, #tpu.memory_space<hbm>> -> memref<1048576x64xf32, #tpu.memory_space<hbm>>
    tpu.enqueue_indirect_dma source(%dma_start3A_778 : memref<1048576x64xf32, #tpu.memory_space<hbm>>) target(%dma_start3A_773 : memref<128x64xf32, #tpu.memory_space<vmem>>) offsets(%dma_start3A_775 : memref<128xi32, #tpu.memory_space<vmem>>) semaphore(%arg16 : memref<!tpu.dma_semaphore, #tpu.memory_space<semaphore_mem>>)
    %dma_start3A_779 = arith.constant 512 : i32
    %dma_start3A_780 = arith.constant 0 : i32
    %dma_start3A_781 = tpu.memref_slice %arg14[%dma_start3A_779, %dma_start3A_780] : memref<640x16xf32, #tpu.memory_space<vmem>> -> memref<128x16xf32, #tpu.memory_space<vmem>>
    %dma_start3A_782 = arith.constant 512 : i32
    %dma_start3A_783 = tpu.memref_slice %arg10[%dma_start3A_782] : memref<640xi32, #tpu.memory_space<vmem>> -> memref<128xi32, #tpu.memory_space<vmem>>
    %dma_start3A_784 = arith.constant 0 : i32
    %dma_start3A_785 = arith.constant 0 : i32
    %dma_start3A_786 = tpu.memref_slice %arg5[%dma_start3A_784, %dma_start3A_785] : memref<1048576x16xf32, #tpu.memory_space<hbm>> -> memref<1048576x16xf32, #tpu.memory_space<hbm>>
    tpu.enqueue_indirect_dma source(%dma_start3A_786 : memref<1048576x16xf32, #tpu.memory_space<hbm>>) target(%dma_start3A_781 : memref<128x16xf32, #tpu.memory_space<vmem>>) offsets(%dma_start3A_783 : memref<128xi32, #tpu.memory_space<vmem>>) semaphore(%arg16 : memref<!tpu.dma_semaphore, #tpu.memory_space<semaphore_mem>>)
    %dma_wait3A_787 = arith.constant 0 : i32
    %dma_wait3A_788 = arith.constant 0 : i32
    %dma_wait3A_789 = tpu.memref_slice %arg12[%dma_wait3A_787, %dma_wait3A_788] : memref<640x64xf32, #tpu.memory_space<vmem>> -> memref<128x64xf32, #tpu.memory_space<vmem>>
    %dma_wait3A_790 = arith.constant 0 : i32
    %dma_wait3A_791 = tpu.memref_slice %arg8[%dma_wait3A_790] : memref<640xi32, #tpu.memory_space<vmem>> -> memref<128xi32, #tpu.memory_space<vmem>>
    %dma_wait3A_792 = arith.constant 0 : i32
    %dma_wait3A_793 = arith.constant 0 : i32
    %dma_wait3A_794 = tpu.memref_slice %arg4[%dma_wait3A_792, %dma_wait3A_793] : memref<1048576x64xf32, #tpu.memory_space<hbm>> -> memref<1048576x64xf32, #tpu.memory_space<hbm>>
    tpu.wait_indirect_dma semaphore(%arg16 : memref<!tpu.dma_semaphore, #tpu.memory_space<semaphore_mem>>) src(%dma_wait3A_794 : memref<1048576x64xf32, #tpu.memory_space<hbm>>) dst(%dma_wait3A_789 : memref<128x64xf32, #tpu.memory_space<vmem>>)
    %dma_wait3A_795 = arith.constant 0 : i32
    %dma_wait3A_796 = arith.constant 0 : i32
    %dma_wait3A_797 = tpu.memref_slice %arg14[%dma_wait3A_795, %dma_wait3A_796] : memref<640x16xf32, #tpu.memory_space<vmem>> -> memref<128x16xf32, #tpu.memory_space<vmem>>
    %dma_wait3A_798 = arith.constant 0 : i32
    %dma_wait3A_799 = tpu.memref_slice %arg10[%dma_wait3A_798] : memref<640xi32, #tpu.memory_space<vmem>> -> memref<128xi32, #tpu.memory_space<vmem>>
    %dma_wait3A_800 = arith.constant 0 : i32
    %dma_wait3A_801 = arith.constant 0 : i32
    %dma_wait3A_802 = tpu.memref_slice %arg5[%dma_wait3A_800, %dma_wait3A_801] : memref<1048576x16xf32, #tpu.memory_space<hbm>> -> memref<1048576x16xf32, #tpu.memory_space<hbm>>
    tpu.wait_indirect_dma semaphore(%arg16 : memref<!tpu.dma_semaphore, #tpu.memory_space<semaphore_mem>>) src(%dma_wait3A_802 : memref<1048576x16xf32, #tpu.memory_space<hbm>>) dst(%dma_wait3A_797 : memref<128x16xf32, #tpu.memory_space<vmem>>)
    %dma_wait3A_803 = arith.constant 128 : i32
    %dma_wait3A_804 = arith.constant 0 : i32
    %dma_wait3A_805 = tpu.memref_slice %arg12[%dma_wait3A_803, %dma_wait3A_804] : memref<640x64xf32, #tpu.memory_space<vmem>> -> memref<128x64xf32, #tpu.memory_space<vmem>>
    %dma_wait3A_806 = arith.constant 128 : i32
    %dma_wait3A_807 = tpu.memref_slice %arg8[%dma_wait3A_806] : memref<640xi32, #tpu.memory_space<vmem>> -> memref<128xi32, #tpu.memory_space<vmem>>
    %dma_wait3A_808 = arith.constant 0 : i32
    %dma_wait3A_809 = arith.constant 0 : i32
    %dma_wait3A_810 = tpu.memref_slice %arg4[%dma_wait3A_808, %dma_wait3A_809] : memref<1048576x64xf32, #tpu.memory_space<hbm>> -> memref<1048576x64xf32, #tpu.memory_space<hbm>>
    tpu.wait_indirect_dma semaphore(%arg16 : memref<!tpu.dma_semaphore, #tpu.memory_space<semaphore_mem>>) src(%dma_wait3A_810 : memref<1048576x64xf32, #tpu.memory_space<hbm>>) dst(%dma_wait3A_805 : memref<128x64xf32, #tpu.memory_space<vmem>>)
    %dma_wait3A_811 = arith.constant 128 : i32
    %dma_wait3A_812 = arith.constant 0 : i32
    %dma_wait3A_813 = tpu.memref_slice %arg14[%dma_wait3A_811, %dma_wait3A_812] : memref<640x16xf32, #tpu.memory_space<vmem>> -> memref<128x16xf32, #tpu.memory_space<vmem>>
    %dma_wait3A_814 = arith.constant 128 : i32
    %dma_wait3A_815 = tpu.memref_slice %arg10[%dma_wait3A_814] : memref<640xi32, #tpu.memory_space<vmem>> -> memref<128xi32, #tpu.memory_space<vmem>>
    %dma_wait3A_816 = arith.constant 0 : i32
    %dma_wait3A_817 = arith.constant 0 : i32
    %dma_wait3A_818 = tpu.memref_slice %arg5[%dma_wait3A_816, %dma_wait3A_817] : memref<1048576x16xf32, #tpu.memory_space<hbm>> -> memref<1048576x16xf32, #tpu.memory_space<hbm>>
    tpu.wait_indirect_dma semaphore(%arg16 : memref<!tpu.dma_semaphore, #tpu.memory_space<semaphore_mem>>) src(%dma_wait3A_818 : memref<1048576x16xf32, #tpu.memory_space<hbm>>) dst(%dma_wait3A_813 : memref<128x16xf32, #tpu.memory_space<vmem>>)
    %dma_wait3A_819 = arith.constant 256 : i32
    %dma_wait3A_820 = arith.constant 0 : i32
    %dma_wait3A_821 = tpu.memref_slice %arg12[%dma_wait3A_819, %dma_wait3A_820] : memref<640x64xf32, #tpu.memory_space<vmem>> -> memref<128x64xf32, #tpu.memory_space<vmem>>
    %dma_wait3A_822 = arith.constant 256 : i32
    %dma_wait3A_823 = tpu.memref_slice %arg8[%dma_wait3A_822] : memref<640xi32, #tpu.memory_space<vmem>> -> memref<128xi32, #tpu.memory_space<vmem>>
    %dma_wait3A_824 = arith.constant 0 : i32
    %dma_wait3A_825 = arith.constant 0 : i32
    %dma_wait3A_826 = tpu.memref_slice %arg4[%dma_wait3A_824, %dma_wait3A_825] : memref<1048576x64xf32, #tpu.memory_space<hbm>> -> memref<1048576x64xf32, #tpu.memory_space<hbm>>
    tpu.wait_indirect_dma semaphore(%arg16 : memref<!tpu.dma_semaphore, #tpu.memory_space<semaphore_mem>>) src(%dma_wait3A_826 : memref<1048576x64xf32, #tpu.memory_space<hbm>>) dst(%dma_wait3A_821 : memref<128x64xf32, #tpu.memory_space<vmem>>)
    %dma_wait3A_827 = arith.constant 256 : i32
    %dma_wait3A_828 = arith.constant 0 : i32
    %dma_wait3A_829 = tpu.memref_slice %arg14[%dma_wait3A_827, %dma_wait3A_828] : memref<640x16xf32, #tpu.memory_space<vmem>> -> memref<128x16xf32, #tpu.memory_space<vmem>>
    %dma_wait3A_830 = arith.constant 256 : i32
    %dma_wait3A_831 = tpu.memref_slice %arg10[%dma_wait3A_830] : memref<640xi32, #tpu.memory_space<vmem>> -> memref<128xi32, #tpu.memory_space<vmem>>
    %dma_wait3A_832 = arith.constant 0 : i32
    %dma_wait3A_833 = arith.constant 0 : i32
    %dma_wait3A_834 = tpu.memref_slice %arg5[%dma_wait3A_832, %dma_wait3A_833] : memref<1048576x16xf32, #tpu.memory_space<hbm>> -> memref<1048576x16xf32, #tpu.memory_space<hbm>>
    tpu.wait_indirect_dma semaphore(%arg16 : memref<!tpu.dma_semaphore, #tpu.memory_space<semaphore_mem>>) src(%dma_wait3A_834 : memref<1048576x16xf32, #tpu.memory_space<hbm>>) dst(%dma_wait3A_829 : memref<128x16xf32, #tpu.memory_space<vmem>>)
    %dma_wait3A_835 = arith.constant 384 : i32
    %dma_wait3A_836 = arith.constant 0 : i32
    %dma_wait3A_837 = tpu.memref_slice %arg12[%dma_wait3A_835, %dma_wait3A_836] : memref<640x64xf32, #tpu.memory_space<vmem>> -> memref<128x64xf32, #tpu.memory_space<vmem>>
    %dma_wait3A_838 = arith.constant 384 : i32
    %dma_wait3A_839 = tpu.memref_slice %arg8[%dma_wait3A_838] : memref<640xi32, #tpu.memory_space<vmem>> -> memref<128xi32, #tpu.memory_space<vmem>>
    %dma_wait3A_840 = arith.constant 0 : i32
    %dma_wait3A_841 = arith.constant 0 : i32
    %dma_wait3A_842 = tpu.memref_slice %arg4[%dma_wait3A_840, %dma_wait3A_841] : memref<1048576x64xf32, #tpu.memory_space<hbm>> -> memref<1048576x64xf32, #tpu.memory_space<hbm>>
    tpu.wait_indirect_dma semaphore(%arg16 : memref<!tpu.dma_semaphore, #tpu.memory_space<semaphore_mem>>) src(%dma_wait3A_842 : memref<1048576x64xf32, #tpu.memory_space<hbm>>) dst(%dma_wait3A_837 : memref<128x64xf32, #tpu.memory_space<vmem>>)
    %dma_wait3A_843 = arith.constant 384 : i32
    %dma_wait3A_844 = arith.constant 0 : i32
    %dma_wait3A_845 = tpu.memref_slice %arg14[%dma_wait3A_843, %dma_wait3A_844] : memref<640x16xf32, #tpu.memory_space<vmem>> -> memref<128x16xf32, #tpu.memory_space<vmem>>
    %dma_wait3A_846 = arith.constant 384 : i32
    %dma_wait3A_847 = tpu.memref_slice %arg10[%dma_wait3A_846] : memref<640xi32, #tpu.memory_space<vmem>> -> memref<128xi32, #tpu.memory_space<vmem>>
    %dma_wait3A_848 = arith.constant 0 : i32
    %dma_wait3A_849 = arith.constant 0 : i32
    %dma_wait3A_850 = tpu.memref_slice %arg5[%dma_wait3A_848, %dma_wait3A_849] : memref<1048576x16xf32, #tpu.memory_space<hbm>> -> memref<1048576x16xf32, #tpu.memory_space<hbm>>
    tpu.wait_indirect_dma semaphore(%arg16 : memref<!tpu.dma_semaphore, #tpu.memory_space<semaphore_mem>>) src(%dma_wait3A_850 : memref<1048576x16xf32, #tpu.memory_space<hbm>>) dst(%dma_wait3A_845 : memref<128x16xf32, #tpu.memory_space<vmem>>)
    %dma_wait3A_851 = arith.constant 512 : i32
    %dma_wait3A_852 = arith.constant 0 : i32
    %dma_wait3A_853 = tpu.memref_slice %arg12[%dma_wait3A_851, %dma_wait3A_852] : memref<640x64xf32, #tpu.memory_space<vmem>> -> memref<128x64xf32, #tpu.memory_space<vmem>>
    %dma_wait3A_854 = arith.constant 512 : i32
    %dma_wait3A_855 = tpu.memref_slice %arg8[%dma_wait3A_854] : memref<640xi32, #tpu.memory_space<vmem>> -> memref<128xi32, #tpu.memory_space<vmem>>
    %dma_wait3A_856 = arith.constant 0 : i32
    %dma_wait3A_857 = arith.constant 0 : i32
    %dma_wait3A_858 = tpu.memref_slice %arg4[%dma_wait3A_856, %dma_wait3A_857] : memref<1048576x64xf32, #tpu.memory_space<hbm>> -> memref<1048576x64xf32, #tpu.memory_space<hbm>>
    tpu.wait_indirect_dma semaphore(%arg16 : memref<!tpu.dma_semaphore, #tpu.memory_space<semaphore_mem>>) src(%dma_wait3A_858 : memref<1048576x64xf32, #tpu.memory_space<hbm>>) dst(%dma_wait3A_853 : memref<128x64xf32, #tpu.memory_space<vmem>>)
    %dma_wait3A_859 = arith.constant 512 : i32
    %dma_wait3A_860 = arith.constant 0 : i32
    %dma_wait3A_861 = tpu.memref_slice %arg14[%dma_wait3A_859, %dma_wait3A_860] : memref<640x16xf32, #tpu.memory_space<vmem>> -> memref<128x16xf32, #tpu.memory_space<vmem>>
    %dma_wait3A_862 = arith.constant 512 : i32
    %dma_wait3A_863 = tpu.memref_slice %arg10[%dma_wait3A_862] : memref<640xi32, #tpu.memory_space<vmem>> -> memref<128xi32, #tpu.memory_space<vmem>>
    %dma_wait3A_864 = arith.constant 0 : i32
    %dma_wait3A_865 = arith.constant 0 : i32
    %dma_wait3A_866 = tpu.memref_slice %arg5[%dma_wait3A_864, %dma_wait3A_865] : memref<1048576x16xf32, #tpu.memory_space<hbm>> -> memref<1048576x16xf32, #tpu.memory_space<hbm>>
    tpu.wait_indirect_dma semaphore(%arg16 : memref<!tpu.dma_semaphore, #tpu.memory_space<semaphore_mem>>) src(%dma_wait3A_866 : memref<1048576x16xf32, #tpu.memory_space<hbm>>) dst(%dma_wait3A_861 : memref<128x16xf32, #tpu.memory_space<vmem>>)
    %dma_start3A_867 = arith.constant 0 : i32
    %dma_start3A_868 = tpu.memref_slice %arg6[%add3A_698, %dma_start3A_867] : memref<204800x64xf32, #tpu.memory_space<hbm>> -> memref<640x64xf32, #tpu.memory_space<hbm>>
    %dma_start3A_869 = arith.constant 0 : i32
    %dma_start3A_870 = tpu.memref_slice %arg6[%add3A_698, %dma_start3A_869] : memref<204800x64xf32, #tpu.memory_space<hbm>> -> memref<640x64xf32, #tpu.memory_space<hbm>>
    tpu.enqueue_dma source(%arg12 : memref<640x64xf32, #tpu.memory_space<vmem>>) target(%dma_start3A_870 : memref<640x64xf32, #tpu.memory_space<hbm>>) target_semaphore(%arg17 : memref<!tpu.dma_semaphore, #tpu.memory_space<semaphore_mem>>)
    %dma_start3A_871 = arith.constant 0 : i32
    %dma_start3A_872 = tpu.memref_slice %arg7[%add3A_698, %dma_start3A_871] : memref<204800x16xf32, #tpu.memory_space<hbm>> -> memref<640x16xf32, #tpu.memory_space<hbm>>
    %dma_start3A_873 = arith.constant 0 : i32
    %dma_start3A_874 = tpu.memref_slice %arg7[%add3A_698, %dma_start3A_873] : memref<204800x16xf32, #tpu.memory_space<hbm>> -> memref<640x16xf32, #tpu.memory_space<hbm>>
    tpu.enqueue_dma source(%arg14 : memref<640x16xf32, #tpu.memory_space<vmem>>) target(%dma_start3A_874 : memref<640x16xf32, #tpu.memory_space<hbm>>) target_semaphore(%arg17 : memref<!tpu.dma_semaphore, #tpu.memory_space<semaphore_mem>>)
    %add3A_875 = arith.constant 3200 : i32
    %add3A_876 = arith.addi %mul3A_2, %add3A_875 : i32
    "tpu.region"() ({
      %run_scoped3A = tpu.sem_alloc : memref<!tpu.dma_semaphore, #tpu.memory_space<semaphore_mem>>
      %dma_start3A_1781 = tpu.memref_slice %arg2[%add3A_876] : memref<204800xi32, #tpu.memory_space<hbm>> -> memref<640xi32, #tpu.memory_space<hbm>>
      %dma_start3A_1782 = tpu.memref_slice %arg2[%add3A_876] : memref<204800xi32, #tpu.memory_space<hbm>> -> memref<640xi32, #tpu.memory_space<hbm>>
      tpu.enqueue_dma source(%dma_start3A_1782 : memref<640xi32, #tpu.memory_space<hbm>>) target(%arg9 : memref<640xi32, #tpu.memory_space<vmem>>) target_semaphore(%run_scoped3A : memref<!tpu.dma_semaphore, #tpu.memory_space<semaphore_mem>>)
      %dma_wait3A_1783 = tpu.memref_slice %arg2[%add3A_876] : memref<204800xi32, #tpu.memory_space<hbm>> -> memref<640xi32, #tpu.memory_space<hbm>>
      %dma_wait3A_1784 = tpu.memref_slice %arg2[%add3A_876] : memref<204800xi32, #tpu.memory_space<hbm>> -> memref<640xi32, #tpu.memory_space<hbm>>
      tpu.wait_dma2 semaphore(%run_scoped3A : memref<!tpu.dma_semaphore, #tpu.memory_space<semaphore_mem>>) src(%dma_wait3A_1784 : memref<640xi32, #tpu.memory_space<hbm>>) dst(%arg9 : memref<640xi32, #tpu.memory_space<vmem>>)
      tpu.yield
    }) : () -> ()
    "tpu.region"() ({
      %run_scoped3A = tpu.sem_alloc : memref<!tpu.dma_semaphore, #tpu.memory_space<semaphore_mem>>
      %dma_start3A_1781 = tpu.memref_slice %arg3[%add3A_876] : memref<204800xi32, #tpu.memory_space<hbm>> -> memref<640xi32, #tpu.memory_space<hbm>>
      %dma_start3A_1782 = tpu.memref_slice %arg3[%add3A_876] : memref<204800xi32, #tpu.memory_space<hbm>> -> memref<640xi32, #tpu.memory_space<hbm>>
      tpu.enqueue_dma source(%dma_start3A_1782 : memref<640xi32, #tpu.memory_space<hbm>>) target(%arg11 : memref<640xi32, #tpu.memory_space<vmem>>) target_semaphore(%run_scoped3A : memref<!tpu.dma_semaphore, #tpu.memory_space<semaphore_mem>>)
      %dma_wait3A_1783 = tpu.memref_slice %arg3[%add3A_876] : memref<204800xi32, #tpu.memory_space<hbm>> -> memref<640xi32, #tpu.memory_space<hbm>>
      %dma_wait3A_1784 = tpu.memref_slice %arg3[%add3A_876] : memref<204800xi32, #tpu.memory_space<hbm>> -> memref<640xi32, #tpu.memory_space<hbm>>
      tpu.wait_dma2 semaphore(%run_scoped3A : memref<!tpu.dma_semaphore, #tpu.memory_space<semaphore_mem>>) src(%dma_wait3A_1784 : memref<640xi32, #tpu.memory_space<hbm>>) dst(%arg11 : memref<640xi32, #tpu.memory_space<vmem>>)
      tpu.yield
    }) : () -> ()
    %dma_wait3A_877 = arith.constant 0 : i32
    %dma_wait3A_878 = tpu.memref_slice %arg6[%add3A_520, %dma_wait3A_877] : memref<204800x64xf32, #tpu.memory_space<hbm>> -> memref<640x64xf32, #tpu.memory_space<hbm>>
    %dma_wait3A_879 = arith.constant 0 : i32
    %dma_wait3A_880 = tpu.memref_slice %arg6[%add3A_520, %dma_wait3A_879] : memref<204800x64xf32, #tpu.memory_space<hbm>> -> memref<640x64xf32, #tpu.memory_space<hbm>>
    tpu.wait_dma2 semaphore(%arg17 : memref<!tpu.dma_semaphore, #tpu.memory_space<semaphore_mem>>) src(%arg13 : memref<640x64xf32, #tpu.memory_space<vmem>>) dst(%dma_wait3A_880 : memref<640x64xf32, #tpu.memory_space<hbm>>)
    %dma_wait3A_881 = arith.constant 0 : i32
    %dma_wait3A_882 = tpu.memref_slice %arg7[%add3A_520, %dma_wait3A_881] : memref<204800x16xf32, #tpu.memory_space<hbm>> -> memref<640x16xf32, #tpu.memory_space<hbm>>
    %dma_wait3A_883 = arith.constant 0 : i32
    %dma_wait3A_884 = tpu.memref_slice %arg7[%add3A_520, %dma_wait3A_883] : memref<204800x16xf32, #tpu.memory_space<hbm>> -> memref<640x16xf32, #tpu.memory_space<hbm>>
    tpu.wait_dma2 semaphore(%arg17 : memref<!tpu.dma_semaphore, #tpu.memory_space<semaphore_mem>>) src(%arg15 : memref<640x16xf32, #tpu.memory_space<vmem>>) dst(%dma_wait3A_884 : memref<640x16xf32, #tpu.memory_space<hbm>>)
    %dma_start3A_885 = arith.constant 0 : i32
    %dma_start3A_886 = arith.constant 0 : i32
    %dma_start3A_887 = tpu.memref_slice %arg13[%dma_start3A_885, %dma_start3A_886] : memref<640x64xf32, #tpu.memory_space<vmem>> -> memref<128x64xf32, #tpu.memory_space<vmem>>
    %dma_start3A_888 = arith.constant 0 : i32
    %dma_start3A_889 = tpu.memref_slice %arg9[%dma_start3A_888] : memref<640xi32, #tpu.memory_space<vmem>> -> memref<128xi32, #tpu.memory_space<vmem>>
    %dma_start3A_890 = arith.constant 0 : i32
    %dma_start3A_891 = arith.constant 0 : i32
    %dma_start3A_892 = tpu.memref_slice %arg4[%dma_start3A_890, %dma_start3A_891] : memref<1048576x64xf32, #tpu.memory_space<hbm>> -> memref<1048576x64xf32, #tpu.memory_space<hbm>>
    tpu.enqueue_indirect_dma source(%dma_start3A_892 : memref<1048576x64xf32, #tpu.memory_space<hbm>>) target(%dma_start3A_887 : memref<128x64xf32, #tpu.memory_space<vmem>>) offsets(%dma_start3A_889 : memref<128xi32, #tpu.memory_space<vmem>>) semaphore(%arg16 : memref<!tpu.dma_semaphore, #tpu.memory_space<semaphore_mem>>)
    %dma_start3A_893 = arith.constant 0 : i32
    %dma_start3A_894 = arith.constant 0 : i32
    %dma_start3A_895 = tpu.memref_slice %arg15[%dma_start3A_893, %dma_start3A_894] : memref<640x16xf32, #tpu.memory_space<vmem>> -> memref<128x16xf32, #tpu.memory_space<vmem>>
    %dma_start3A_896 = arith.constant 0 : i32
    %dma_start3A_897 = tpu.memref_slice %arg11[%dma_start3A_896] : memref<640xi32, #tpu.memory_space<vmem>> -> memref<128xi32, #tpu.memory_space<vmem>>
    %dma_start3A_898 = arith.constant 0 : i32
    %dma_start3A_899 = arith.constant 0 : i32
    %dma_start3A_900 = tpu.memref_slice %arg5[%dma_start3A_898, %dma_start3A_899] : memref<1048576x16xf32, #tpu.memory_space<hbm>> -> memref<1048576x16xf32, #tpu.memory_space<hbm>>
    tpu.enqueue_indirect_dma source(%dma_start3A_900 : memref<1048576x16xf32, #tpu.memory_space<hbm>>) target(%dma_start3A_895 : memref<128x16xf32, #tpu.memory_space<vmem>>) offsets(%dma_start3A_897 : memref<128xi32, #tpu.memory_space<vmem>>) semaphore(%arg16 : memref<!tpu.dma_semaphore, #tpu.memory_space<semaphore_mem>>)
    %dma_start3A_901 = arith.constant 128 : i32
    %dma_start3A_902 = arith.constant 0 : i32
    %dma_start3A_903 = tpu.memref_slice %arg13[%dma_start3A_901, %dma_start3A_902] : memref<640x64xf32, #tpu.memory_space<vmem>> -> memref<128x64xf32, #tpu.memory_space<vmem>>
    %dma_start3A_904 = arith.constant 128 : i32
    %dma_start3A_905 = tpu.memref_slice %arg9[%dma_start3A_904] : memref<640xi32, #tpu.memory_space<vmem>> -> memref<128xi32, #tpu.memory_space<vmem>>
    %dma_start3A_906 = arith.constant 0 : i32
    %dma_start3A_907 = arith.constant 0 : i32
    %dma_start3A_908 = tpu.memref_slice %arg4[%dma_start3A_906, %dma_start3A_907] : memref<1048576x64xf32, #tpu.memory_space<hbm>> -> memref<1048576x64xf32, #tpu.memory_space<hbm>>
    tpu.enqueue_indirect_dma source(%dma_start3A_908 : memref<1048576x64xf32, #tpu.memory_space<hbm>>) target(%dma_start3A_903 : memref<128x64xf32, #tpu.memory_space<vmem>>) offsets(%dma_start3A_905 : memref<128xi32, #tpu.memory_space<vmem>>) semaphore(%arg16 : memref<!tpu.dma_semaphore, #tpu.memory_space<semaphore_mem>>)
    %dma_start3A_909 = arith.constant 128 : i32
    %dma_start3A_910 = arith.constant 0 : i32
    %dma_start3A_911 = tpu.memref_slice %arg15[%dma_start3A_909, %dma_start3A_910] : memref<640x16xf32, #tpu.memory_space<vmem>> -> memref<128x16xf32, #tpu.memory_space<vmem>>
    %dma_start3A_912 = arith.constant 128 : i32
    %dma_start3A_913 = tpu.memref_slice %arg11[%dma_start3A_912] : memref<640xi32, #tpu.memory_space<vmem>> -> memref<128xi32, #tpu.memory_space<vmem>>
    %dma_start3A_914 = arith.constant 0 : i32
    %dma_start3A_915 = arith.constant 0 : i32
    %dma_start3A_916 = tpu.memref_slice %arg5[%dma_start3A_914, %dma_start3A_915] : memref<1048576x16xf32, #tpu.memory_space<hbm>> -> memref<1048576x16xf32, #tpu.memory_space<hbm>>
    tpu.enqueue_indirect_dma source(%dma_start3A_916 : memref<1048576x16xf32, #tpu.memory_space<hbm>>) target(%dma_start3A_911 : memref<128x16xf32, #tpu.memory_space<vmem>>) offsets(%dma_start3A_913 : memref<128xi32, #tpu.memory_space<vmem>>) semaphore(%arg16 : memref<!tpu.dma_semaphore, #tpu.memory_space<semaphore_mem>>)
    %dma_start3A_917 = arith.constant 256 : i32
    %dma_start3A_918 = arith.constant 0 : i32
    %dma_start3A_919 = tpu.memref_slice %arg13[%dma_start3A_917, %dma_start3A_918] : memref<640x64xf32, #tpu.memory_space<vmem>> -> memref<128x64xf32, #tpu.memory_space<vmem>>
    %dma_start3A_920 = arith.constant 256 : i32
    %dma_start3A_921 = tpu.memref_slice %arg9[%dma_start3A_920] : memref<640xi32, #tpu.memory_space<vmem>> -> memref<128xi32, #tpu.memory_space<vmem>>
    %dma_start3A_922 = arith.constant 0 : i32
    %dma_start3A_923 = arith.constant 0 : i32
    %dma_start3A_924 = tpu.memref_slice %arg4[%dma_start3A_922, %dma_start3A_923] : memref<1048576x64xf32, #tpu.memory_space<hbm>> -> memref<1048576x64xf32, #tpu.memory_space<hbm>>
    tpu.enqueue_indirect_dma source(%dma_start3A_924 : memref<1048576x64xf32, #tpu.memory_space<hbm>>) target(%dma_start3A_919 : memref<128x64xf32, #tpu.memory_space<vmem>>) offsets(%dma_start3A_921 : memref<128xi32, #tpu.memory_space<vmem>>) semaphore(%arg16 : memref<!tpu.dma_semaphore, #tpu.memory_space<semaphore_mem>>)
    %dma_start3A_925 = arith.constant 256 : i32
    %dma_start3A_926 = arith.constant 0 : i32
    %dma_start3A_927 = tpu.memref_slice %arg15[%dma_start3A_925, %dma_start3A_926] : memref<640x16xf32, #tpu.memory_space<vmem>> -> memref<128x16xf32, #tpu.memory_space<vmem>>
    %dma_start3A_928 = arith.constant 256 : i32
    %dma_start3A_929 = tpu.memref_slice %arg11[%dma_start3A_928] : memref<640xi32, #tpu.memory_space<vmem>> -> memref<128xi32, #tpu.memory_space<vmem>>
    %dma_start3A_930 = arith.constant 0 : i32
    %dma_start3A_931 = arith.constant 0 : i32
    %dma_start3A_932 = tpu.memref_slice %arg5[%dma_start3A_930, %dma_start3A_931] : memref<1048576x16xf32, #tpu.memory_space<hbm>> -> memref<1048576x16xf32, #tpu.memory_space<hbm>>
    tpu.enqueue_indirect_dma source(%dma_start3A_932 : memref<1048576x16xf32, #tpu.memory_space<hbm>>) target(%dma_start3A_927 : memref<128x16xf32, #tpu.memory_space<vmem>>) offsets(%dma_start3A_929 : memref<128xi32, #tpu.memory_space<vmem>>) semaphore(%arg16 : memref<!tpu.dma_semaphore, #tpu.memory_space<semaphore_mem>>)
    %dma_start3A_933 = arith.constant 384 : i32
    %dma_start3A_934 = arith.constant 0 : i32
    %dma_start3A_935 = tpu.memref_slice %arg13[%dma_start3A_933, %dma_start3A_934] : memref<640x64xf32, #tpu.memory_space<vmem>> -> memref<128x64xf32, #tpu.memory_space<vmem>>
    %dma_start3A_936 = arith.constant 384 : i32
    %dma_start3A_937 = tpu.memref_slice %arg9[%dma_start3A_936] : memref<640xi32, #tpu.memory_space<vmem>> -> memref<128xi32, #tpu.memory_space<vmem>>
    %dma_start3A_938 = arith.constant 0 : i32
    %dma_start3A_939 = arith.constant 0 : i32
    %dma_start3A_940 = tpu.memref_slice %arg4[%dma_start3A_938, %dma_start3A_939] : memref<1048576x64xf32, #tpu.memory_space<hbm>> -> memref<1048576x64xf32, #tpu.memory_space<hbm>>
    tpu.enqueue_indirect_dma source(%dma_start3A_940 : memref<1048576x64xf32, #tpu.memory_space<hbm>>) target(%dma_start3A_935 : memref<128x64xf32, #tpu.memory_space<vmem>>) offsets(%dma_start3A_937 : memref<128xi32, #tpu.memory_space<vmem>>) semaphore(%arg16 : memref<!tpu.dma_semaphore, #tpu.memory_space<semaphore_mem>>)
    %dma_start3A_941 = arith.constant 384 : i32
    %dma_start3A_942 = arith.constant 0 : i32
    %dma_start3A_943 = tpu.memref_slice %arg15[%dma_start3A_941, %dma_start3A_942] : memref<640x16xf32, #tpu.memory_space<vmem>> -> memref<128x16xf32, #tpu.memory_space<vmem>>
    %dma_start3A_944 = arith.constant 384 : i32
    %dma_start3A_945 = tpu.memref_slice %arg11[%dma_start3A_944] : memref<640xi32, #tpu.memory_space<vmem>> -> memref<128xi32, #tpu.memory_space<vmem>>
    %dma_start3A_946 = arith.constant 0 : i32
    %dma_start3A_947 = arith.constant 0 : i32
    %dma_start3A_948 = tpu.memref_slice %arg5[%dma_start3A_946, %dma_start3A_947] : memref<1048576x16xf32, #tpu.memory_space<hbm>> -> memref<1048576x16xf32, #tpu.memory_space<hbm>>
    tpu.enqueue_indirect_dma source(%dma_start3A_948 : memref<1048576x16xf32, #tpu.memory_space<hbm>>) target(%dma_start3A_943 : memref<128x16xf32, #tpu.memory_space<vmem>>) offsets(%dma_start3A_945 : memref<128xi32, #tpu.memory_space<vmem>>) semaphore(%arg16 : memref<!tpu.dma_semaphore, #tpu.memory_space<semaphore_mem>>)
    %dma_start3A_949 = arith.constant 512 : i32
    %dma_start3A_950 = arith.constant 0 : i32
    %dma_start3A_951 = tpu.memref_slice %arg13[%dma_start3A_949, %dma_start3A_950] : memref<640x64xf32, #tpu.memory_space<vmem>> -> memref<128x64xf32, #tpu.memory_space<vmem>>
    %dma_start3A_952 = arith.constant 512 : i32
    %dma_start3A_953 = tpu.memref_slice %arg9[%dma_start3A_952] : memref<640xi32, #tpu.memory_space<vmem>> -> memref<128xi32, #tpu.memory_space<vmem>>
    %dma_start3A_954 = arith.constant 0 : i32
    %dma_start3A_955 = arith.constant 0 : i32
    %dma_start3A_956 = tpu.memref_slice %arg4[%dma_start3A_954, %dma_start3A_955] : memref<1048576x64xf32, #tpu.memory_space<hbm>> -> memref<1048576x64xf32, #tpu.memory_space<hbm>>
    tpu.enqueue_indirect_dma source(%dma_start3A_956 : memref<1048576x64xf32, #tpu.memory_space<hbm>>) target(%dma_start3A_951 : memref<128x64xf32, #tpu.memory_space<vmem>>) offsets(%dma_start3A_953 : memref<128xi32, #tpu.memory_space<vmem>>) semaphore(%arg16 : memref<!tpu.dma_semaphore, #tpu.memory_space<semaphore_mem>>)
    %dma_start3A_957 = arith.constant 512 : i32
    %dma_start3A_958 = arith.constant 0 : i32
    %dma_start3A_959 = tpu.memref_slice %arg15[%dma_start3A_957, %dma_start3A_958] : memref<640x16xf32, #tpu.memory_space<vmem>> -> memref<128x16xf32, #tpu.memory_space<vmem>>
    %dma_start3A_960 = arith.constant 512 : i32
    %dma_start3A_961 = tpu.memref_slice %arg11[%dma_start3A_960] : memref<640xi32, #tpu.memory_space<vmem>> -> memref<128xi32, #tpu.memory_space<vmem>>
    %dma_start3A_962 = arith.constant 0 : i32
    %dma_start3A_963 = arith.constant 0 : i32
    %dma_start3A_964 = tpu.memref_slice %arg5[%dma_start3A_962, %dma_start3A_963] : memref<1048576x16xf32, #tpu.memory_space<hbm>> -> memref<1048576x16xf32, #tpu.memory_space<hbm>>
    tpu.enqueue_indirect_dma source(%dma_start3A_964 : memref<1048576x16xf32, #tpu.memory_space<hbm>>) target(%dma_start3A_959 : memref<128x16xf32, #tpu.memory_space<vmem>>) offsets(%dma_start3A_961 : memref<128xi32, #tpu.memory_space<vmem>>) semaphore(%arg16 : memref<!tpu.dma_semaphore, #tpu.memory_space<semaphore_mem>>)
    %dma_wait3A_965 = arith.constant 0 : i32
    %dma_wait3A_966 = arith.constant 0 : i32
    %dma_wait3A_967 = tpu.memref_slice %arg13[%dma_wait3A_965, %dma_wait3A_966] : memref<640x64xf32, #tpu.memory_space<vmem>> -> memref<128x64xf32, #tpu.memory_space<vmem>>
    %dma_wait3A_968 = arith.constant 0 : i32
    %dma_wait3A_969 = tpu.memref_slice %arg9[%dma_wait3A_968] : memref<640xi32, #tpu.memory_space<vmem>> -> memref<128xi32, #tpu.memory_space<vmem>>
    %dma_wait3A_970 = arith.constant 0 : i32
    %dma_wait3A_971 = arith.constant 0 : i32
    %dma_wait3A_972 = tpu.memref_slice %arg4[%dma_wait3A_970, %dma_wait3A_971] : memref<1048576x64xf32, #tpu.memory_space<hbm>> -> memref<1048576x64xf32, #tpu.memory_space<hbm>>
    tpu.wait_indirect_dma semaphore(%arg16 : memref<!tpu.dma_semaphore, #tpu.memory_space<semaphore_mem>>) src(%dma_wait3A_972 : memref<1048576x64xf32, #tpu.memory_space<hbm>>) dst(%dma_wait3A_967 : memref<128x64xf32, #tpu.memory_space<vmem>>)
    %dma_wait3A_973 = arith.constant 0 : i32
    %dma_wait3A_974 = arith.constant 0 : i32
    %dma_wait3A_975 = tpu.memref_slice %arg15[%dma_wait3A_973, %dma_wait3A_974] : memref<640x16xf32, #tpu.memory_space<vmem>> -> memref<128x16xf32, #tpu.memory_space<vmem>>
    %dma_wait3A_976 = arith.constant 0 : i32
    %dma_wait3A_977 = tpu.memref_slice %arg11[%dma_wait3A_976] : memref<640xi32, #tpu.memory_space<vmem>> -> memref<128xi32, #tpu.memory_space<vmem>>
    %dma_wait3A_978 = arith.constant 0 : i32
    %dma_wait3A_979 = arith.constant 0 : i32
    %dma_wait3A_980 = tpu.memref_slice %arg5[%dma_wait3A_978, %dma_wait3A_979] : memref<1048576x16xf32, #tpu.memory_space<hbm>> -> memref<1048576x16xf32, #tpu.memory_space<hbm>>
    tpu.wait_indirect_dma semaphore(%arg16 : memref<!tpu.dma_semaphore, #tpu.memory_space<semaphore_mem>>) src(%dma_wait3A_980 : memref<1048576x16xf32, #tpu.memory_space<hbm>>) dst(%dma_wait3A_975 : memref<128x16xf32, #tpu.memory_space<vmem>>)
    %dma_wait3A_981 = arith.constant 128 : i32
    %dma_wait3A_982 = arith.constant 0 : i32
    %dma_wait3A_983 = tpu.memref_slice %arg13[%dma_wait3A_981, %dma_wait3A_982] : memref<640x64xf32, #tpu.memory_space<vmem>> -> memref<128x64xf32, #tpu.memory_space<vmem>>
    %dma_wait3A_984 = arith.constant 128 : i32
    %dma_wait3A_985 = tpu.memref_slice %arg9[%dma_wait3A_984] : memref<640xi32, #tpu.memory_space<vmem>> -> memref<128xi32, #tpu.memory_space<vmem>>
    %dma_wait3A_986 = arith.constant 0 : i32
    %dma_wait3A_987 = arith.constant 0 : i32
    %dma_wait3A_988 = tpu.memref_slice %arg4[%dma_wait3A_986, %dma_wait3A_987] : memref<1048576x64xf32, #tpu.memory_space<hbm>> -> memref<1048576x64xf32, #tpu.memory_space<hbm>>
    tpu.wait_indirect_dma semaphore(%arg16 : memref<!tpu.dma_semaphore, #tpu.memory_space<semaphore_mem>>) src(%dma_wait3A_988 : memref<1048576x64xf32, #tpu.memory_space<hbm>>) dst(%dma_wait3A_983 : memref<128x64xf32, #tpu.memory_space<vmem>>)
    %dma_wait3A_989 = arith.constant 128 : i32
    %dma_wait3A_990 = arith.constant 0 : i32
    %dma_wait3A_991 = tpu.memref_slice %arg15[%dma_wait3A_989, %dma_wait3A_990] : memref<640x16xf32, #tpu.memory_space<vmem>> -> memref<128x16xf32, #tpu.memory_space<vmem>>
    %dma_wait3A_992 = arith.constant 128 : i32
    %dma_wait3A_993 = tpu.memref_slice %arg11[%dma_wait3A_992] : memref<640xi32, #tpu.memory_space<vmem>> -> memref<128xi32, #tpu.memory_space<vmem>>
    %dma_wait3A_994 = arith.constant 0 : i32
    %dma_wait3A_995 = arith.constant 0 : i32
    %dma_wait3A_996 = tpu.memref_slice %arg5[%dma_wait3A_994, %dma_wait3A_995] : memref<1048576x16xf32, #tpu.memory_space<hbm>> -> memref<1048576x16xf32, #tpu.memory_space<hbm>>
    tpu.wait_indirect_dma semaphore(%arg16 : memref<!tpu.dma_semaphore, #tpu.memory_space<semaphore_mem>>) src(%dma_wait3A_996 : memref<1048576x16xf32, #tpu.memory_space<hbm>>) dst(%dma_wait3A_991 : memref<128x16xf32, #tpu.memory_space<vmem>>)
    %dma_wait3A_997 = arith.constant 256 : i32
    %dma_wait3A_998 = arith.constant 0 : i32
    %dma_wait3A_999 = tpu.memref_slice %arg13[%dma_wait3A_997, %dma_wait3A_998] : memref<640x64xf32, #tpu.memory_space<vmem>> -> memref<128x64xf32, #tpu.memory_space<vmem>>
    %dma_wait3A_1000 = arith.constant 256 : i32
    %dma_wait3A_1001 = tpu.memref_slice %arg9[%dma_wait3A_1000] : memref<640xi32, #tpu.memory_space<vmem>> -> memref<128xi32, #tpu.memory_space<vmem>>
    %dma_wait3A_1002 = arith.constant 0 : i32
    %dma_wait3A_1003 = arith.constant 0 : i32
    %dma_wait3A_1004 = tpu.memref_slice %arg4[%dma_wait3A_1002, %dma_wait3A_1003] : memref<1048576x64xf32, #tpu.memory_space<hbm>> -> memref<1048576x64xf32, #tpu.memory_space<hbm>>
    tpu.wait_indirect_dma semaphore(%arg16 : memref<!tpu.dma_semaphore, #tpu.memory_space<semaphore_mem>>) src(%dma_wait3A_1004 : memref<1048576x64xf32, #tpu.memory_space<hbm>>) dst(%dma_wait3A_999 : memref<128x64xf32, #tpu.memory_space<vmem>>)
    %dma_wait3A_1005 = arith.constant 256 : i32
    %dma_wait3A_1006 = arith.constant 0 : i32
    %dma_wait3A_1007 = tpu.memref_slice %arg15[%dma_wait3A_1005, %dma_wait3A_1006] : memref<640x16xf32, #tpu.memory_space<vmem>> -> memref<128x16xf32, #tpu.memory_space<vmem>>
    %dma_wait3A_1008 = arith.constant 256 : i32
    %dma_wait3A_1009 = tpu.memref_slice %arg11[%dma_wait3A_1008] : memref<640xi32, #tpu.memory_space<vmem>> -> memref<128xi32, #tpu.memory_space<vmem>>
    %dma_wait3A_1010 = arith.constant 0 : i32
    %dma_wait3A_1011 = arith.constant 0 : i32
    %dma_wait3A_1012 = tpu.memref_slice %arg5[%dma_wait3A_1010, %dma_wait3A_1011] : memref<1048576x16xf32, #tpu.memory_space<hbm>> -> memref<1048576x16xf32, #tpu.memory_space<hbm>>
    tpu.wait_indirect_dma semaphore(%arg16 : memref<!tpu.dma_semaphore, #tpu.memory_space<semaphore_mem>>) src(%dma_wait3A_1012 : memref<1048576x16xf32, #tpu.memory_space<hbm>>) dst(%dma_wait3A_1007 : memref<128x16xf32, #tpu.memory_space<vmem>>)
    %dma_wait3A_1013 = arith.constant 384 : i32
    %dma_wait3A_1014 = arith.constant 0 : i32
    %dma_wait3A_1015 = tpu.memref_slice %arg13[%dma_wait3A_1013, %dma_wait3A_1014] : memref<640x64xf32, #tpu.memory_space<vmem>> -> memref<128x64xf32, #tpu.memory_space<vmem>>
    %dma_wait3A_1016 = arith.constant 384 : i32
    %dma_wait3A_1017 = tpu.memref_slice %arg9[%dma_wait3A_1016] : memref<640xi32, #tpu.memory_space<vmem>> -> memref<128xi32, #tpu.memory_space<vmem>>
    %dma_wait3A_1018 = arith.constant 0 : i32
    %dma_wait3A_1019 = arith.constant 0 : i32
    %dma_wait3A_1020 = tpu.memref_slice %arg4[%dma_wait3A_1018, %dma_wait3A_1019] : memref<1048576x64xf32, #tpu.memory_space<hbm>> -> memref<1048576x64xf32, #tpu.memory_space<hbm>>
    tpu.wait_indirect_dma semaphore(%arg16 : memref<!tpu.dma_semaphore, #tpu.memory_space<semaphore_mem>>) src(%dma_wait3A_1020 : memref<1048576x64xf32, #tpu.memory_space<hbm>>) dst(%dma_wait3A_1015 : memref<128x64xf32, #tpu.memory_space<vmem>>)
    %dma_wait3A_1021 = arith.constant 384 : i32
    %dma_wait3A_1022 = arith.constant 0 : i32
    %dma_wait3A_1023 = tpu.memref_slice %arg15[%dma_wait3A_1021, %dma_wait3A_1022] : memref<640x16xf32, #tpu.memory_space<vmem>> -> memref<128x16xf32, #tpu.memory_space<vmem>>
    %dma_wait3A_1024 = arith.constant 384 : i32
    %dma_wait3A_1025 = tpu.memref_slice %arg11[%dma_wait3A_1024] : memref<640xi32, #tpu.memory_space<vmem>> -> memref<128xi32, #tpu.memory_space<vmem>>
    %dma_wait3A_1026 = arith.constant 0 : i32
    %dma_wait3A_1027 = arith.constant 0 : i32
    %dma_wait3A_1028 = tpu.memref_slice %arg5[%dma_wait3A_1026, %dma_wait3A_1027] : memref<1048576x16xf32, #tpu.memory_space<hbm>> -> memref<1048576x16xf32, #tpu.memory_space<hbm>>
    tpu.wait_indirect_dma semaphore(%arg16 : memref<!tpu.dma_semaphore, #tpu.memory_space<semaphore_mem>>) src(%dma_wait3A_1028 : memref<1048576x16xf32, #tpu.memory_space<hbm>>) dst(%dma_wait3A_1023 : memref<128x16xf32, #tpu.memory_space<vmem>>)
    %dma_wait3A_1029 = arith.constant 512 : i32
    %dma_wait3A_1030 = arith.constant 0 : i32
    %dma_wait3A_1031 = tpu.memref_slice %arg13[%dma_wait3A_1029, %dma_wait3A_1030] : memref<640x64xf32, #tpu.memory_space<vmem>> -> memref<128x64xf32, #tpu.memory_space<vmem>>
    %dma_wait3A_1032 = arith.constant 512 : i32
    %dma_wait3A_1033 = tpu.memref_slice %arg9[%dma_wait3A_1032] : memref<640xi32, #tpu.memory_space<vmem>> -> memref<128xi32, #tpu.memory_space<vmem>>
    %dma_wait3A_1034 = arith.constant 0 : i32
    %dma_wait3A_1035 = arith.constant 0 : i32
    %dma_wait3A_1036 = tpu.memref_slice %arg4[%dma_wait3A_1034, %dma_wait3A_1035] : memref<1048576x64xf32, #tpu.memory_space<hbm>> -> memref<1048576x64xf32, #tpu.memory_space<hbm>>
    tpu.wait_indirect_dma semaphore(%arg16 : memref<!tpu.dma_semaphore, #tpu.memory_space<semaphore_mem>>) src(%dma_wait3A_1036 : memref<1048576x64xf32, #tpu.memory_space<hbm>>) dst(%dma_wait3A_1031 : memref<128x64xf32, #tpu.memory_space<vmem>>)
    %dma_wait3A_1037 = arith.constant 512 : i32
    %dma_wait3A_1038 = arith.constant 0 : i32
    %dma_wait3A_1039 = tpu.memref_slice %arg15[%dma_wait3A_1037, %dma_wait3A_1038] : memref<640x16xf32, #tpu.memory_space<vmem>> -> memref<128x16xf32, #tpu.memory_space<vmem>>
    %dma_wait3A_1040 = arith.constant 512 : i32
    %dma_wait3A_1041 = tpu.memref_slice %arg11[%dma_wait3A_1040] : memref<640xi32, #tpu.memory_space<vmem>> -> memref<128xi32, #tpu.memory_space<vmem>>
    %dma_wait3A_1042 = arith.constant 0 : i32
    %dma_wait3A_1043 = arith.constant 0 : i32
    %dma_wait3A_1044 = tpu.memref_slice %arg5[%dma_wait3A_1042, %dma_wait3A_1043] : memref<1048576x16xf32, #tpu.memory_space<hbm>> -> memref<1048576x16xf32, #tpu.memory_space<hbm>>
    tpu.wait_indirect_dma semaphore(%arg16 : memref<!tpu.dma_semaphore, #tpu.memory_space<semaphore_mem>>) src(%dma_wait3A_1044 : memref<1048576x16xf32, #tpu.memory_space<hbm>>) dst(%dma_wait3A_1039 : memref<128x16xf32, #tpu.memory_space<vmem>>)
    %dma_start3A_1045 = arith.constant 0 : i32
    %dma_start3A_1046 = tpu.memref_slice %arg6[%add3A_876, %dma_start3A_1045] : memref<204800x64xf32, #tpu.memory_space<hbm>> -> memref<640x64xf32, #tpu.memory_space<hbm>>
    %dma_start3A_1047 = arith.constant 0 : i32
    %dma_start3A_1048 = tpu.memref_slice %arg6[%add3A_876, %dma_start3A_1047] : memref<204800x64xf32, #tpu.memory_space<hbm>> -> memref<640x64xf32, #tpu.memory_space<hbm>>
    tpu.enqueue_dma source(%arg13 : memref<640x64xf32, #tpu.memory_space<vmem>>) target(%dma_start3A_1048 : memref<640x64xf32, #tpu.memory_space<hbm>>) target_semaphore(%arg17 : memref<!tpu.dma_semaphore, #tpu.memory_space<semaphore_mem>>)
    %dma_start3A_1049 = arith.constant 0 : i32
    %dma_start3A_1050 = tpu.memref_slice %arg7[%add3A_876, %dma_start3A_1049] : memref<204800x16xf32, #tpu.memory_space<hbm>> -> memref<640x16xf32, #tpu.memory_space<hbm>>
    %dma_start3A_1051 = arith.constant 0 : i32
    %dma_start3A_1052 = tpu.memref_slice %arg7[%add3A_876, %dma_start3A_1051] : memref<204800x16xf32, #tpu.memory_space<hbm>> -> memref<640x16xf32, #tpu.memory_space<hbm>>
    tpu.enqueue_dma source(%arg15 : memref<640x16xf32, #tpu.memory_space<vmem>>) target(%dma_start3A_1052 : memref<640x16xf32, #tpu.memory_space<hbm>>) target_semaphore(%arg17 : memref<!tpu.dma_semaphore, #tpu.memory_space<semaphore_mem>>)
    %add3A_1053 = arith.constant 3840 : i32
    %add3A_1054 = arith.addi %mul3A_2, %add3A_1053 : i32
    "tpu.region"() ({
      %run_scoped3A = tpu.sem_alloc : memref<!tpu.dma_semaphore, #tpu.memory_space<semaphore_mem>>
      %dma_start3A_1781 = tpu.memref_slice %arg2[%add3A_1054] : memref<204800xi32, #tpu.memory_space<hbm>> -> memref<640xi32, #tpu.memory_space<hbm>>
      %dma_start3A_1782 = tpu.memref_slice %arg2[%add3A_1054] : memref<204800xi32, #tpu.memory_space<hbm>> -> memref<640xi32, #tpu.memory_space<hbm>>
      tpu.enqueue_dma source(%dma_start3A_1782 : memref<640xi32, #tpu.memory_space<hbm>>) target(%arg8 : memref<640xi32, #tpu.memory_space<vmem>>) target_semaphore(%run_scoped3A : memref<!tpu.dma_semaphore, #tpu.memory_space<semaphore_mem>>)
      %dma_wait3A_1783 = tpu.memref_slice %arg2[%add3A_1054] : memref<204800xi32, #tpu.memory_space<hbm>> -> memref<640xi32, #tpu.memory_space<hbm>>
      %dma_wait3A_1784 = tpu.memref_slice %arg2[%add3A_1054] : memref<204800xi32, #tpu.memory_space<hbm>> -> memref<640xi32, #tpu.memory_space<hbm>>
      tpu.wait_dma2 semaphore(%run_scoped3A : memref<!tpu.dma_semaphore, #tpu.memory_space<semaphore_mem>>) src(%dma_wait3A_1784 : memref<640xi32, #tpu.memory_space<hbm>>) dst(%arg8 : memref<640xi32, #tpu.memory_space<vmem>>)
      tpu.yield
    }) : () -> ()
    "tpu.region"() ({
      %run_scoped3A = tpu.sem_alloc : memref<!tpu.dma_semaphore, #tpu.memory_space<semaphore_mem>>
      %dma_start3A_1781 = tpu.memref_slice %arg3[%add3A_1054] : memref<204800xi32, #tpu.memory_space<hbm>> -> memref<640xi32, #tpu.memory_space<hbm>>
      %dma_start3A_1782 = tpu.memref_slice %arg3[%add3A_1054] : memref<204800xi32, #tpu.memory_space<hbm>> -> memref<640xi32, #tpu.memory_space<hbm>>
      tpu.enqueue_dma source(%dma_start3A_1782 : memref<640xi32, #tpu.memory_space<hbm>>) target(%arg10 : memref<640xi32, #tpu.memory_space<vmem>>) target_semaphore(%run_scoped3A : memref<!tpu.dma_semaphore, #tpu.memory_space<semaphore_mem>>)
      %dma_wait3A_1783 = tpu.memref_slice %arg3[%add3A_1054] : memref<204800xi32, #tpu.memory_space<hbm>> -> memref<640xi32, #tpu.memory_space<hbm>>
      %dma_wait3A_1784 = tpu.memref_slice %arg3[%add3A_1054] : memref<204800xi32, #tpu.memory_space<hbm>> -> memref<640xi32, #tpu.memory_space<hbm>>
      tpu.wait_dma2 semaphore(%run_scoped3A : memref<!tpu.dma_semaphore, #tpu.memory_space<semaphore_mem>>) src(%dma_wait3A_1784 : memref<640xi32, #tpu.memory_space<hbm>>) dst(%arg10 : memref<640xi32, #tpu.memory_space<vmem>>)
      tpu.yield
    }) : () -> ()
    %dma_wait3A_1055 = arith.constant 0 : i32
    %dma_wait3A_1056 = tpu.memref_slice %arg6[%add3A_698, %dma_wait3A_1055] : memref<204800x64xf32, #tpu.memory_space<hbm>> -> memref<640x64xf32, #tpu.memory_space<hbm>>
    %dma_wait3A_1057 = arith.constant 0 : i32
    %dma_wait3A_1058 = tpu.memref_slice %arg6[%add3A_698, %dma_wait3A_1057] : memref<204800x64xf32, #tpu.memory_space<hbm>> -> memref<640x64xf32, #tpu.memory_space<hbm>>
    tpu.wait_dma2 semaphore(%arg17 : memref<!tpu.dma_semaphore, #tpu.memory_space<semaphore_mem>>) src(%arg12 : memref<640x64xf32, #tpu.memory_space<vmem>>) dst(%dma_wait3A_1058 : memref<640x64xf32, #tpu.memory_space<hbm>>)
    %dma_wait3A_1059 = arith.constant 0 : i32
    %dma_wait3A_1060 = tpu.memref_slice %arg7[%add3A_698, %dma_wait3A_1059] : memref<204800x16xf32, #tpu.memory_space<hbm>> -> memref<640x16xf32, #tpu.memory_space<hbm>>
    %dma_wait3A_1061 = arith.constant 0 : i32
    %dma_wait3A_1062 = tpu.memref_slice %arg7[%add3A_698, %dma_wait3A_1061] : memref<204800x16xf32, #tpu.memory_space<hbm>> -> memref<640x16xf32, #tpu.memory_space<hbm>>
    tpu.wait_dma2 semaphore(%arg17 : memref<!tpu.dma_semaphore, #tpu.memory_space<semaphore_mem>>) src(%arg14 : memref<640x16xf32, #tpu.memory_space<vmem>>) dst(%dma_wait3A_1062 : memref<640x16xf32, #tpu.memory_space<hbm>>)
    %dma_start3A_1063 = arith.constant 0 : i32
    %dma_start3A_1064 = arith.constant 0 : i32
    %dma_start3A_1065 = tpu.memref_slice %arg12[%dma_start3A_1063, %dma_start3A_1064] : memref<640x64xf32, #tpu.memory_space<vmem>> -> memref<128x64xf32, #tpu.memory_space<vmem>>
    %dma_start3A_1066 = arith.constant 0 : i32
    %dma_start3A_1067 = tpu.memref_slice %arg8[%dma_start3A_1066] : memref<640xi32, #tpu.memory_space<vmem>> -> memref<128xi32, #tpu.memory_space<vmem>>
    %dma_start3A_1068 = arith.constant 0 : i32
    %dma_start3A_1069 = arith.constant 0 : i32
    %dma_start3A_1070 = tpu.memref_slice %arg4[%dma_start3A_1068, %dma_start3A_1069] : memref<1048576x64xf32, #tpu.memory_space<hbm>> -> memref<1048576x64xf32, #tpu.memory_space<hbm>>
    tpu.enqueue_indirect_dma source(%dma_start3A_1070 : memref<1048576x64xf32, #tpu.memory_space<hbm>>) target(%dma_start3A_1065 : memref<128x64xf32, #tpu.memory_space<vmem>>) offsets(%dma_start3A_1067 : memref<128xi32, #tpu.memory_space<vmem>>) semaphore(%arg16 : memref<!tpu.dma_semaphore, #tpu.memory_space<semaphore_mem>>)
    %dma_start3A_1071 = arith.constant 0 : i32
    %dma_start3A_1072 = arith.constant 0 : i32
    %dma_start3A_1073 = tpu.memref_slice %arg14[%dma_start3A_1071, %dma_start3A_1072] : memref<640x16xf32, #tpu.memory_space<vmem>> -> memref<128x16xf32, #tpu.memory_space<vmem>>
    %dma_start3A_1074 = arith.constant 0 : i32
    %dma_start3A_1075 = tpu.memref_slice %arg10[%dma_start3A_1074] : memref<640xi32, #tpu.memory_space<vmem>> -> memref<128xi32, #tpu.memory_space<vmem>>
    %dma_start3A_1076 = arith.constant 0 : i32
    %dma_start3A_1077 = arith.constant 0 : i32
    %dma_start3A_1078 = tpu.memref_slice %arg5[%dma_start3A_1076, %dma_start3A_1077] : memref<1048576x16xf32, #tpu.memory_space<hbm>> -> memref<1048576x16xf32, #tpu.memory_space<hbm>>
    tpu.enqueue_indirect_dma source(%dma_start3A_1078 : memref<1048576x16xf32, #tpu.memory_space<hbm>>) target(%dma_start3A_1073 : memref<128x16xf32, #tpu.memory_space<vmem>>) offsets(%dma_start3A_1075 : memref<128xi32, #tpu.memory_space<vmem>>) semaphore(%arg16 : memref<!tpu.dma_semaphore, #tpu.memory_space<semaphore_mem>>)
    %dma_start3A_1079 = arith.constant 128 : i32
    %dma_start3A_1080 = arith.constant 0 : i32
    %dma_start3A_1081 = tpu.memref_slice %arg12[%dma_start3A_1079, %dma_start3A_1080] : memref<640x64xf32, #tpu.memory_space<vmem>> -> memref<128x64xf32, #tpu.memory_space<vmem>>
    %dma_start3A_1082 = arith.constant 128 : i32
    %dma_start3A_1083 = tpu.memref_slice %arg8[%dma_start3A_1082] : memref<640xi32, #tpu.memory_space<vmem>> -> memref<128xi32, #tpu.memory_space<vmem>>
    %dma_start3A_1084 = arith.constant 0 : i32
    %dma_start3A_1085 = arith.constant 0 : i32
    %dma_start3A_1086 = tpu.memref_slice %arg4[%dma_start3A_1084, %dma_start3A_1085] : memref<1048576x64xf32, #tpu.memory_space<hbm>> -> memref<1048576x64xf32, #tpu.memory_space<hbm>>
    tpu.enqueue_indirect_dma source(%dma_start3A_1086 : memref<1048576x64xf32, #tpu.memory_space<hbm>>) target(%dma_start3A_1081 : memref<128x64xf32, #tpu.memory_space<vmem>>) offsets(%dma_start3A_1083 : memref<128xi32, #tpu.memory_space<vmem>>) semaphore(%arg16 : memref<!tpu.dma_semaphore, #tpu.memory_space<semaphore_mem>>)
    %dma_start3A_1087 = arith.constant 128 : i32
    %dma_start3A_1088 = arith.constant 0 : i32
    %dma_start3A_1089 = tpu.memref_slice %arg14[%dma_start3A_1087, %dma_start3A_1088] : memref<640x16xf32, #tpu.memory_space<vmem>> -> memref<128x16xf32, #tpu.memory_space<vmem>>
    %dma_start3A_1090 = arith.constant 128 : i32
    %dma_start3A_1091 = tpu.memref_slice %arg10[%dma_start3A_1090] : memref<640xi32, #tpu.memory_space<vmem>> -> memref<128xi32, #tpu.memory_space<vmem>>
    %dma_start3A_1092 = arith.constant 0 : i32
    %dma_start3A_1093 = arith.constant 0 : i32
    %dma_start3A_1094 = tpu.memref_slice %arg5[%dma_start3A_1092, %dma_start3A_1093] : memref<1048576x16xf32, #tpu.memory_space<hbm>> -> memref<1048576x16xf32, #tpu.memory_space<hbm>>
    tpu.enqueue_indirect_dma source(%dma_start3A_1094 : memref<1048576x16xf32, #tpu.memory_space<hbm>>) target(%dma_start3A_1089 : memref<128x16xf32, #tpu.memory_space<vmem>>) offsets(%dma_start3A_1091 : memref<128xi32, #tpu.memory_space<vmem>>) semaphore(%arg16 : memref<!tpu.dma_semaphore, #tpu.memory_space<semaphore_mem>>)
    %dma_start3A_1095 = arith.constant 256 : i32
    %dma_start3A_1096 = arith.constant 0 : i32
    %dma_start3A_1097 = tpu.memref_slice %arg12[%dma_start3A_1095, %dma_start3A_1096] : memref<640x64xf32, #tpu.memory_space<vmem>> -> memref<128x64xf32, #tpu.memory_space<vmem>>
    %dma_start3A_1098 = arith.constant 256 : i32
    %dma_start3A_1099 = tpu.memref_slice %arg8[%dma_start3A_1098] : memref<640xi32, #tpu.memory_space<vmem>> -> memref<128xi32, #tpu.memory_space<vmem>>
    %dma_start3A_1100 = arith.constant 0 : i32
    %dma_start3A_1101 = arith.constant 0 : i32
    %dma_start3A_1102 = tpu.memref_slice %arg4[%dma_start3A_1100, %dma_start3A_1101] : memref<1048576x64xf32, #tpu.memory_space<hbm>> -> memref<1048576x64xf32, #tpu.memory_space<hbm>>
    tpu.enqueue_indirect_dma source(%dma_start3A_1102 : memref<1048576x64xf32, #tpu.memory_space<hbm>>) target(%dma_start3A_1097 : memref<128x64xf32, #tpu.memory_space<vmem>>) offsets(%dma_start3A_1099 : memref<128xi32, #tpu.memory_space<vmem>>) semaphore(%arg16 : memref<!tpu.dma_semaphore, #tpu.memory_space<semaphore_mem>>)
    %dma_start3A_1103 = arith.constant 256 : i32
    %dma_start3A_1104 = arith.constant 0 : i32
    %dma_start3A_1105 = tpu.memref_slice %arg14[%dma_start3A_1103, %dma_start3A_1104] : memref<640x16xf32, #tpu.memory_space<vmem>> -> memref<128x16xf32, #tpu.memory_space<vmem>>
    %dma_start3A_1106 = arith.constant 256 : i32
    %dma_start3A_1107 = tpu.memref_slice %arg10[%dma_start3A_1106] : memref<640xi32, #tpu.memory_space<vmem>> -> memref<128xi32, #tpu.memory_space<vmem>>
    %dma_start3A_1108 = arith.constant 0 : i32
    %dma_start3A_1109 = arith.constant 0 : i32
    %dma_start3A_1110 = tpu.memref_slice %arg5[%dma_start3A_1108, %dma_start3A_1109] : memref<1048576x16xf32, #tpu.memory_space<hbm>> -> memref<1048576x16xf32, #tpu.memory_space<hbm>>
    tpu.enqueue_indirect_dma source(%dma_start3A_1110 : memref<1048576x16xf32, #tpu.memory_space<hbm>>) target(%dma_start3A_1105 : memref<128x16xf32, #tpu.memory_space<vmem>>) offsets(%dma_start3A_1107 : memref<128xi32, #tpu.memory_space<vmem>>) semaphore(%arg16 : memref<!tpu.dma_semaphore, #tpu.memory_space<semaphore_mem>>)
    %dma_start3A_1111 = arith.constant 384 : i32
    %dma_start3A_1112 = arith.constant 0 : i32
    %dma_start3A_1113 = tpu.memref_slice %arg12[%dma_start3A_1111, %dma_start3A_1112] : memref<640x64xf32, #tpu.memory_space<vmem>> -> memref<128x64xf32, #tpu.memory_space<vmem>>
    %dma_start3A_1114 = arith.constant 384 : i32
    %dma_start3A_1115 = tpu.memref_slice %arg8[%dma_start3A_1114] : memref<640xi32, #tpu.memory_space<vmem>> -> memref<128xi32, #tpu.memory_space<vmem>>
    %dma_start3A_1116 = arith.constant 0 : i32
    %dma_start3A_1117 = arith.constant 0 : i32
    %dma_start3A_1118 = tpu.memref_slice %arg4[%dma_start3A_1116, %dma_start3A_1117] : memref<1048576x64xf32, #tpu.memory_space<hbm>> -> memref<1048576x64xf32, #tpu.memory_space<hbm>>
    tpu.enqueue_indirect_dma source(%dma_start3A_1118 : memref<1048576x64xf32, #tpu.memory_space<hbm>>) target(%dma_start3A_1113 : memref<128x64xf32, #tpu.memory_space<vmem>>) offsets(%dma_start3A_1115 : memref<128xi32, #tpu.memory_space<vmem>>) semaphore(%arg16 : memref<!tpu.dma_semaphore, #tpu.memory_space<semaphore_mem>>)
    %dma_start3A_1119 = arith.constant 384 : i32
    %dma_start3A_1120 = arith.constant 0 : i32
    %dma_start3A_1121 = tpu.memref_slice %arg14[%dma_start3A_1119, %dma_start3A_1120] : memref<640x16xf32, #tpu.memory_space<vmem>> -> memref<128x16xf32, #tpu.memory_space<vmem>>
    %dma_start3A_1122 = arith.constant 384 : i32
    %dma_start3A_1123 = tpu.memref_slice %arg10[%dma_start3A_1122] : memref<640xi32, #tpu.memory_space<vmem>> -> memref<128xi32, #tpu.memory_space<vmem>>
    %dma_start3A_1124 = arith.constant 0 : i32
    %dma_start3A_1125 = arith.constant 0 : i32
    %dma_start3A_1126 = tpu.memref_slice %arg5[%dma_start3A_1124, %dma_start3A_1125] : memref<1048576x16xf32, #tpu.memory_space<hbm>> -> memref<1048576x16xf32, #tpu.memory_space<hbm>>
    tpu.enqueue_indirect_dma source(%dma_start3A_1126 : memref<1048576x16xf32, #tpu.memory_space<hbm>>) target(%dma_start3A_1121 : memref<128x16xf32, #tpu.memory_space<vmem>>) offsets(%dma_start3A_1123 : memref<128xi32, #tpu.memory_space<vmem>>) semaphore(%arg16 : memref<!tpu.dma_semaphore, #tpu.memory_space<semaphore_mem>>)
    %dma_start3A_1127 = arith.constant 512 : i32
    %dma_start3A_1128 = arith.constant 0 : i32
    %dma_start3A_1129 = tpu.memref_slice %arg12[%dma_start3A_1127, %dma_start3A_1128] : memref<640x64xf32, #tpu.memory_space<vmem>> -> memref<128x64xf32, #tpu.memory_space<vmem>>
    %dma_start3A_1130 = arith.constant 512 : i32
    %dma_start3A_1131 = tpu.memref_slice %arg8[%dma_start3A_1130] : memref<640xi32, #tpu.memory_space<vmem>> -> memref<128xi32, #tpu.memory_space<vmem>>
    %dma_start3A_1132 = arith.constant 0 : i32
    %dma_start3A_1133 = arith.constant 0 : i32
    %dma_start3A_1134 = tpu.memref_slice %arg4[%dma_start3A_1132, %dma_start3A_1133] : memref<1048576x64xf32, #tpu.memory_space<hbm>> -> memref<1048576x64xf32, #tpu.memory_space<hbm>>
    tpu.enqueue_indirect_dma source(%dma_start3A_1134 : memref<1048576x64xf32, #tpu.memory_space<hbm>>) target(%dma_start3A_1129 : memref<128x64xf32, #tpu.memory_space<vmem>>) offsets(%dma_start3A_1131 : memref<128xi32, #tpu.memory_space<vmem>>) semaphore(%arg16 : memref<!tpu.dma_semaphore, #tpu.memory_space<semaphore_mem>>)
    %dma_start3A_1135 = arith.constant 512 : i32
    %dma_start3A_1136 = arith.constant 0 : i32
    %dma_start3A_1137 = tpu.memref_slice %arg14[%dma_start3A_1135, %dma_start3A_1136] : memref<640x16xf32, #tpu.memory_space<vmem>> -> memref<128x16xf32, #tpu.memory_space<vmem>>
    %dma_start3A_1138 = arith.constant 512 : i32
    %dma_start3A_1139 = tpu.memref_slice %arg10[%dma_start3A_1138] : memref<640xi32, #tpu.memory_space<vmem>> -> memref<128xi32, #tpu.memory_space<vmem>>
    %dma_start3A_1140 = arith.constant 0 : i32
    %dma_start3A_1141 = arith.constant 0 : i32
    %dma_start3A_1142 = tpu.memref_slice %arg5[%dma_start3A_1140, %dma_start3A_1141] : memref<1048576x16xf32, #tpu.memory_space<hbm>> -> memref<1048576x16xf32, #tpu.memory_space<hbm>>
    tpu.enqueue_indirect_dma source(%dma_start3A_1142 : memref<1048576x16xf32, #tpu.memory_space<hbm>>) target(%dma_start3A_1137 : memref<128x16xf32, #tpu.memory_space<vmem>>) offsets(%dma_start3A_1139 : memref<128xi32, #tpu.memory_space<vmem>>) semaphore(%arg16 : memref<!tpu.dma_semaphore, #tpu.memory_space<semaphore_mem>>)
    %dma_wait3A_1143 = arith.constant 0 : i32
    %dma_wait3A_1144 = arith.constant 0 : i32
    %dma_wait3A_1145 = tpu.memref_slice %arg12[%dma_wait3A_1143, %dma_wait3A_1144] : memref<640x64xf32, #tpu.memory_space<vmem>> -> memref<128x64xf32, #tpu.memory_space<vmem>>
    %dma_wait3A_1146 = arith.constant 0 : i32
    %dma_wait3A_1147 = tpu.memref_slice %arg8[%dma_wait3A_1146] : memref<640xi32, #tpu.memory_space<vmem>> -> memref<128xi32, #tpu.memory_space<vmem>>
    %dma_wait3A_1148 = arith.constant 0 : i32
    %dma_wait3A_1149 = arith.constant 0 : i32
    %dma_wait3A_1150 = tpu.memref_slice %arg4[%dma_wait3A_1148, %dma_wait3A_1149] : memref<1048576x64xf32, #tpu.memory_space<hbm>> -> memref<1048576x64xf32, #tpu.memory_space<hbm>>
    tpu.wait_indirect_dma semaphore(%arg16 : memref<!tpu.dma_semaphore, #tpu.memory_space<semaphore_mem>>) src(%dma_wait3A_1150 : memref<1048576x64xf32, #tpu.memory_space<hbm>>) dst(%dma_wait3A_1145 : memref<128x64xf32, #tpu.memory_space<vmem>>)
    %dma_wait3A_1151 = arith.constant 0 : i32
    %dma_wait3A_1152 = arith.constant 0 : i32
    %dma_wait3A_1153 = tpu.memref_slice %arg14[%dma_wait3A_1151, %dma_wait3A_1152] : memref<640x16xf32, #tpu.memory_space<vmem>> -> memref<128x16xf32, #tpu.memory_space<vmem>>
    %dma_wait3A_1154 = arith.constant 0 : i32
    %dma_wait3A_1155 = tpu.memref_slice %arg10[%dma_wait3A_1154] : memref<640xi32, #tpu.memory_space<vmem>> -> memref<128xi32, #tpu.memory_space<vmem>>
    %dma_wait3A_1156 = arith.constant 0 : i32
    %dma_wait3A_1157 = arith.constant 0 : i32
    %dma_wait3A_1158 = tpu.memref_slice %arg5[%dma_wait3A_1156, %dma_wait3A_1157] : memref<1048576x16xf32, #tpu.memory_space<hbm>> -> memref<1048576x16xf32, #tpu.memory_space<hbm>>
    tpu.wait_indirect_dma semaphore(%arg16 : memref<!tpu.dma_semaphore, #tpu.memory_space<semaphore_mem>>) src(%dma_wait3A_1158 : memref<1048576x16xf32, #tpu.memory_space<hbm>>) dst(%dma_wait3A_1153 : memref<128x16xf32, #tpu.memory_space<vmem>>)
    %dma_wait3A_1159 = arith.constant 128 : i32
    %dma_wait3A_1160 = arith.constant 0 : i32
    %dma_wait3A_1161 = tpu.memref_slice %arg12[%dma_wait3A_1159, %dma_wait3A_1160] : memref<640x64xf32, #tpu.memory_space<vmem>> -> memref<128x64xf32, #tpu.memory_space<vmem>>
    %dma_wait3A_1162 = arith.constant 128 : i32
    %dma_wait3A_1163 = tpu.memref_slice %arg8[%dma_wait3A_1162] : memref<640xi32, #tpu.memory_space<vmem>> -> memref<128xi32, #tpu.memory_space<vmem>>
    %dma_wait3A_1164 = arith.constant 0 : i32
    %dma_wait3A_1165 = arith.constant 0 : i32
    %dma_wait3A_1166 = tpu.memref_slice %arg4[%dma_wait3A_1164, %dma_wait3A_1165] : memref<1048576x64xf32, #tpu.memory_space<hbm>> -> memref<1048576x64xf32, #tpu.memory_space<hbm>>
    tpu.wait_indirect_dma semaphore(%arg16 : memref<!tpu.dma_semaphore, #tpu.memory_space<semaphore_mem>>) src(%dma_wait3A_1166 : memref<1048576x64xf32, #tpu.memory_space<hbm>>) dst(%dma_wait3A_1161 : memref<128x64xf32, #tpu.memory_space<vmem>>)
    %dma_wait3A_1167 = arith.constant 128 : i32
    %dma_wait3A_1168 = arith.constant 0 : i32
    %dma_wait3A_1169 = tpu.memref_slice %arg14[%dma_wait3A_1167, %dma_wait3A_1168] : memref<640x16xf32, #tpu.memory_space<vmem>> -> memref<128x16xf32, #tpu.memory_space<vmem>>
    %dma_wait3A_1170 = arith.constant 128 : i32
    %dma_wait3A_1171 = tpu.memref_slice %arg10[%dma_wait3A_1170] : memref<640xi32, #tpu.memory_space<vmem>> -> memref<128xi32, #tpu.memory_space<vmem>>
    %dma_wait3A_1172 = arith.constant 0 : i32
    %dma_wait3A_1173 = arith.constant 0 : i32
    %dma_wait3A_1174 = tpu.memref_slice %arg5[%dma_wait3A_1172, %dma_wait3A_1173] : memref<1048576x16xf32, #tpu.memory_space<hbm>> -> memref<1048576x16xf32, #tpu.memory_space<hbm>>
    tpu.wait_indirect_dma semaphore(%arg16 : memref<!tpu.dma_semaphore, #tpu.memory_space<semaphore_mem>>) src(%dma_wait3A_1174 : memref<1048576x16xf32, #tpu.memory_space<hbm>>) dst(%dma_wait3A_1169 : memref<128x16xf32, #tpu.memory_space<vmem>>)
    %dma_wait3A_1175 = arith.constant 256 : i32
    %dma_wait3A_1176 = arith.constant 0 : i32
    %dma_wait3A_1177 = tpu.memref_slice %arg12[%dma_wait3A_1175, %dma_wait3A_1176] : memref<640x64xf32, #tpu.memory_space<vmem>> -> memref<128x64xf32, #tpu.memory_space<vmem>>
    %dma_wait3A_1178 = arith.constant 256 : i32
    %dma_wait3A_1179 = tpu.memref_slice %arg8[%dma_wait3A_1178] : memref<640xi32, #tpu.memory_space<vmem>> -> memref<128xi32, #tpu.memory_space<vmem>>
    %dma_wait3A_1180 = arith.constant 0 : i32
    %dma_wait3A_1181 = arith.constant 0 : i32
    %dma_wait3A_1182 = tpu.memref_slice %arg4[%dma_wait3A_1180, %dma_wait3A_1181] : memref<1048576x64xf32, #tpu.memory_space<hbm>> -> memref<1048576x64xf32, #tpu.memory_space<hbm>>
    tpu.wait_indirect_dma semaphore(%arg16 : memref<!tpu.dma_semaphore, #tpu.memory_space<semaphore_mem>>) src(%dma_wait3A_1182 : memref<1048576x64xf32, #tpu.memory_space<hbm>>) dst(%dma_wait3A_1177 : memref<128x64xf32, #tpu.memory_space<vmem>>)
    %dma_wait3A_1183 = arith.constant 256 : i32
    %dma_wait3A_1184 = arith.constant 0 : i32
    %dma_wait3A_1185 = tpu.memref_slice %arg14[%dma_wait3A_1183, %dma_wait3A_1184] : memref<640x16xf32, #tpu.memory_space<vmem>> -> memref<128x16xf32, #tpu.memory_space<vmem>>
    %dma_wait3A_1186 = arith.constant 256 : i32
    %dma_wait3A_1187 = tpu.memref_slice %arg10[%dma_wait3A_1186] : memref<640xi32, #tpu.memory_space<vmem>> -> memref<128xi32, #tpu.memory_space<vmem>>
    %dma_wait3A_1188 = arith.constant 0 : i32
    %dma_wait3A_1189 = arith.constant 0 : i32
    %dma_wait3A_1190 = tpu.memref_slice %arg5[%dma_wait3A_1188, %dma_wait3A_1189] : memref<1048576x16xf32, #tpu.memory_space<hbm>> -> memref<1048576x16xf32, #tpu.memory_space<hbm>>
    tpu.wait_indirect_dma semaphore(%arg16 : memref<!tpu.dma_semaphore, #tpu.memory_space<semaphore_mem>>) src(%dma_wait3A_1190 : memref<1048576x16xf32, #tpu.memory_space<hbm>>) dst(%dma_wait3A_1185 : memref<128x16xf32, #tpu.memory_space<vmem>>)
    %dma_wait3A_1191 = arith.constant 384 : i32
    %dma_wait3A_1192 = arith.constant 0 : i32
    %dma_wait3A_1193 = tpu.memref_slice %arg12[%dma_wait3A_1191, %dma_wait3A_1192] : memref<640x64xf32, #tpu.memory_space<vmem>> -> memref<128x64xf32, #tpu.memory_space<vmem>>
    %dma_wait3A_1194 = arith.constant 384 : i32
    %dma_wait3A_1195 = tpu.memref_slice %arg8[%dma_wait3A_1194] : memref<640xi32, #tpu.memory_space<vmem>> -> memref<128xi32, #tpu.memory_space<vmem>>
    %dma_wait3A_1196 = arith.constant 0 : i32
    %dma_wait3A_1197 = arith.constant 0 : i32
    %dma_wait3A_1198 = tpu.memref_slice %arg4[%dma_wait3A_1196, %dma_wait3A_1197] : memref<1048576x64xf32, #tpu.memory_space<hbm>> -> memref<1048576x64xf32, #tpu.memory_space<hbm>>
    tpu.wait_indirect_dma semaphore(%arg16 : memref<!tpu.dma_semaphore, #tpu.memory_space<semaphore_mem>>) src(%dma_wait3A_1198 : memref<1048576x64xf32, #tpu.memory_space<hbm>>) dst(%dma_wait3A_1193 : memref<128x64xf32, #tpu.memory_space<vmem>>)
    %dma_wait3A_1199 = arith.constant 384 : i32
    %dma_wait3A_1200 = arith.constant 0 : i32
    %dma_wait3A_1201 = tpu.memref_slice %arg14[%dma_wait3A_1199, %dma_wait3A_1200] : memref<640x16xf32, #tpu.memory_space<vmem>> -> memref<128x16xf32, #tpu.memory_space<vmem>>
    %dma_wait3A_1202 = arith.constant 384 : i32
    %dma_wait3A_1203 = tpu.memref_slice %arg10[%dma_wait3A_1202] : memref<640xi32, #tpu.memory_space<vmem>> -> memref<128xi32, #tpu.memory_space<vmem>>
    %dma_wait3A_1204 = arith.constant 0 : i32
    %dma_wait3A_1205 = arith.constant 0 : i32
    %dma_wait3A_1206 = tpu.memref_slice %arg5[%dma_wait3A_1204, %dma_wait3A_1205] : memref<1048576x16xf32, #tpu.memory_space<hbm>> -> memref<1048576x16xf32, #tpu.memory_space<hbm>>
    tpu.wait_indirect_dma semaphore(%arg16 : memref<!tpu.dma_semaphore, #tpu.memory_space<semaphore_mem>>) src(%dma_wait3A_1206 : memref<1048576x16xf32, #tpu.memory_space<hbm>>) dst(%dma_wait3A_1201 : memref<128x16xf32, #tpu.memory_space<vmem>>)
    %dma_wait3A_1207 = arith.constant 512 : i32
    %dma_wait3A_1208 = arith.constant 0 : i32
    %dma_wait3A_1209 = tpu.memref_slice %arg12[%dma_wait3A_1207, %dma_wait3A_1208] : memref<640x64xf32, #tpu.memory_space<vmem>> -> memref<128x64xf32, #tpu.memory_space<vmem>>
    %dma_wait3A_1210 = arith.constant 512 : i32
    %dma_wait3A_1211 = tpu.memref_slice %arg8[%dma_wait3A_1210] : memref<640xi32, #tpu.memory_space<vmem>> -> memref<128xi32, #tpu.memory_space<vmem>>
    %dma_wait3A_1212 = arith.constant 0 : i32
    %dma_wait3A_1213 = arith.constant 0 : i32
    %dma_wait3A_1214 = tpu.memref_slice %arg4[%dma_wait3A_1212, %dma_wait3A_1213] : memref<1048576x64xf32, #tpu.memory_space<hbm>> -> memref<1048576x64xf32, #tpu.memory_space<hbm>>
    tpu.wait_indirect_dma semaphore(%arg16 : memref<!tpu.dma_semaphore, #tpu.memory_space<semaphore_mem>>) src(%dma_wait3A_1214 : memref<1048576x64xf32, #tpu.memory_space<hbm>>) dst(%dma_wait3A_1209 : memref<128x64xf32, #tpu.memory_space<vmem>>)
    %dma_wait3A_1215 = arith.constant 512 : i32
    %dma_wait3A_1216 = arith.constant 0 : i32
    %dma_wait3A_1217 = tpu.memref_slice %arg14[%dma_wait3A_1215, %dma_wait3A_1216] : memref<640x16xf32, #tpu.memory_space<vmem>> -> memref<128x16xf32, #tpu.memory_space<vmem>>
    %dma_wait3A_1218 = arith.constant 512 : i32
    %dma_wait3A_1219 = tpu.memref_slice %arg10[%dma_wait3A_1218] : memref<640xi32, #tpu.memory_space<vmem>> -> memref<128xi32, #tpu.memory_space<vmem>>
    %dma_wait3A_1220 = arith.constant 0 : i32
    %dma_wait3A_1221 = arith.constant 0 : i32
    %dma_wait3A_1222 = tpu.memref_slice %arg5[%dma_wait3A_1220, %dma_wait3A_1221] : memref<1048576x16xf32, #tpu.memory_space<hbm>> -> memref<1048576x16xf32, #tpu.memory_space<hbm>>
    tpu.wait_indirect_dma semaphore(%arg16 : memref<!tpu.dma_semaphore, #tpu.memory_space<semaphore_mem>>) src(%dma_wait3A_1222 : memref<1048576x16xf32, #tpu.memory_space<hbm>>) dst(%dma_wait3A_1217 : memref<128x16xf32, #tpu.memory_space<vmem>>)
    %dma_start3A_1223 = arith.constant 0 : i32
    %dma_start3A_1224 = tpu.memref_slice %arg6[%add3A_1054, %dma_start3A_1223] : memref<204800x64xf32, #tpu.memory_space<hbm>> -> memref<640x64xf32, #tpu.memory_space<hbm>>
    %dma_start3A_1225 = arith.constant 0 : i32
    %dma_start3A_1226 = tpu.memref_slice %arg6[%add3A_1054, %dma_start3A_1225] : memref<204800x64xf32, #tpu.memory_space<hbm>> -> memref<640x64xf32, #tpu.memory_space<hbm>>
    tpu.enqueue_dma source(%arg12 : memref<640x64xf32, #tpu.memory_space<vmem>>) target(%dma_start3A_1226 : memref<640x64xf32, #tpu.memory_space<hbm>>) target_semaphore(%arg17 : memref<!tpu.dma_semaphore, #tpu.memory_space<semaphore_mem>>)
    %dma_start3A_1227 = arith.constant 0 : i32
    %dma_start3A_1228 = tpu.memref_slice %arg7[%add3A_1054, %dma_start3A_1227] : memref<204800x16xf32, #tpu.memory_space<hbm>> -> memref<640x16xf32, #tpu.memory_space<hbm>>
    %dma_start3A_1229 = arith.constant 0 : i32
    %dma_start3A_1230 = tpu.memref_slice %arg7[%add3A_1054, %dma_start3A_1229] : memref<204800x16xf32, #tpu.memory_space<hbm>> -> memref<640x16xf32, #tpu.memory_space<hbm>>
    tpu.enqueue_dma source(%arg14 : memref<640x16xf32, #tpu.memory_space<vmem>>) target(%dma_start3A_1230 : memref<640x16xf32, #tpu.memory_space<hbm>>) target_semaphore(%arg17 : memref<!tpu.dma_semaphore, #tpu.memory_space<semaphore_mem>>)
    %add3A_1231 = arith.constant 4480 : i32
    %add3A_1232 = arith.addi %mul3A_2, %add3A_1231 : i32
    "tpu.region"() ({
      %run_scoped3A = tpu.sem_alloc : memref<!tpu.dma_semaphore, #tpu.memory_space<semaphore_mem>>
      %dma_start3A_1781 = tpu.memref_slice %arg2[%add3A_1232] : memref<204800xi32, #tpu.memory_space<hbm>> -> memref<640xi32, #tpu.memory_space<hbm>>
      %dma_start3A_1782 = tpu.memref_slice %arg2[%add3A_1232] : memref<204800xi32, #tpu.memory_space<hbm>> -> memref<640xi32, #tpu.memory_space<hbm>>
      tpu.enqueue_dma source(%dma_start3A_1782 : memref<640xi32, #tpu.memory_space<hbm>>) target(%arg9 : memref<640xi32, #tpu.memory_space<vmem>>) target_semaphore(%run_scoped3A : memref<!tpu.dma_semaphore, #tpu.memory_space<semaphore_mem>>)
      %dma_wait3A_1783 = tpu.memref_slice %arg2[%add3A_1232] : memref<204800xi32, #tpu.memory_space<hbm>> -> memref<640xi32, #tpu.memory_space<hbm>>
      %dma_wait3A_1784 = tpu.memref_slice %arg2[%add3A_1232] : memref<204800xi32, #tpu.memory_space<hbm>> -> memref<640xi32, #tpu.memory_space<hbm>>
      tpu.wait_dma2 semaphore(%run_scoped3A : memref<!tpu.dma_semaphore, #tpu.memory_space<semaphore_mem>>) src(%dma_wait3A_1784 : memref<640xi32, #tpu.memory_space<hbm>>) dst(%arg9 : memref<640xi32, #tpu.memory_space<vmem>>)
      tpu.yield
    }) : () -> ()
    "tpu.region"() ({
      %run_scoped3A = tpu.sem_alloc : memref<!tpu.dma_semaphore, #tpu.memory_space<semaphore_mem>>
      %dma_start3A_1781 = tpu.memref_slice %arg3[%add3A_1232] : memref<204800xi32, #tpu.memory_space<hbm>> -> memref<640xi32, #tpu.memory_space<hbm>>
      %dma_start3A_1782 = tpu.memref_slice %arg3[%add3A_1232] : memref<204800xi32, #tpu.memory_space<hbm>> -> memref<640xi32, #tpu.memory_space<hbm>>
      tpu.enqueue_dma source(%dma_start3A_1782 : memref<640xi32, #tpu.memory_space<hbm>>) target(%arg11 : memref<640xi32, #tpu.memory_space<vmem>>) target_semaphore(%run_scoped3A : memref<!tpu.dma_semaphore, #tpu.memory_space<semaphore_mem>>)
      %dma_wait3A_1783 = tpu.memref_slice %arg3[%add3A_1232] : memref<204800xi32, #tpu.memory_space<hbm>> -> memref<640xi32, #tpu.memory_space<hbm>>
      %dma_wait3A_1784 = tpu.memref_slice %arg3[%add3A_1232] : memref<204800xi32, #tpu.memory_space<hbm>> -> memref<640xi32, #tpu.memory_space<hbm>>
      tpu.wait_dma2 semaphore(%run_scoped3A : memref<!tpu.dma_semaphore, #tpu.memory_space<semaphore_mem>>) src(%dma_wait3A_1784 : memref<640xi32, #tpu.memory_space<hbm>>) dst(%arg11 : memref<640xi32, #tpu.memory_space<vmem>>)
      tpu.yield
    }) : () -> ()
    %dma_wait3A_1233 = arith.constant 0 : i32
    %dma_wait3A_1234 = tpu.memref_slice %arg6[%add3A_876, %dma_wait3A_1233] : memref<204800x64xf32, #tpu.memory_space<hbm>> -> memref<640x64xf32, #tpu.memory_space<hbm>>
    %dma_wait3A_1235 = arith.constant 0 : i32
    %dma_wait3A_1236 = tpu.memref_slice %arg6[%add3A_876, %dma_wait3A_1235] : memref<204800x64xf32, #tpu.memory_space<hbm>> -> memref<640x64xf32, #tpu.memory_space<hbm>>
    tpu.wait_dma2 semaphore(%arg17 : memref<!tpu.dma_semaphore, #tpu.memory_space<semaphore_mem>>) src(%arg13 : memref<640x64xf32, #tpu.memory_space<vmem>>) dst(%dma_wait3A_1236 : memref<640x64xf32, #tpu.memory_space<hbm>>)
    %dma_wait3A_1237 = arith.constant 0 : i32
    %dma_wait3A_1238 = tpu.memref_slice %arg7[%add3A_876, %dma_wait3A_1237] : memref<204800x16xf32, #tpu.memory_space<hbm>> -> memref<640x16xf32, #tpu.memory_space<hbm>>
    %dma_wait3A_1239 = arith.constant 0 : i32
    %dma_wait3A_1240 = tpu.memref_slice %arg7[%add3A_876, %dma_wait3A_1239] : memref<204800x16xf32, #tpu.memory_space<hbm>> -> memref<640x16xf32, #tpu.memory_space<hbm>>
    tpu.wait_dma2 semaphore(%arg17 : memref<!tpu.dma_semaphore, #tpu.memory_space<semaphore_mem>>) src(%arg15 : memref<640x16xf32, #tpu.memory_space<vmem>>) dst(%dma_wait3A_1240 : memref<640x16xf32, #tpu.memory_space<hbm>>)
    %dma_start3A_1241 = arith.constant 0 : i32
    %dma_start3A_1242 = arith.constant 0 : i32
    %dma_start3A_1243 = tpu.memref_slice %arg13[%dma_start3A_1241, %dma_start3A_1242] : memref<640x64xf32, #tpu.memory_space<vmem>> -> memref<128x64xf32, #tpu.memory_space<vmem>>
    %dma_start3A_1244 = arith.constant 0 : i32
    %dma_start3A_1245 = tpu.memref_slice %arg9[%dma_start3A_1244] : memref<640xi32, #tpu.memory_space<vmem>> -> memref<128xi32, #tpu.memory_space<vmem>>
    %dma_start3A_1246 = arith.constant 0 : i32
    %dma_start3A_1247 = arith.constant 0 : i32
    %dma_start3A_1248 = tpu.memref_slice %arg4[%dma_start3A_1246, %dma_start3A_1247] : memref<1048576x64xf32, #tpu.memory_space<hbm>> -> memref<1048576x64xf32, #tpu.memory_space<hbm>>
    tpu.enqueue_indirect_dma source(%dma_start3A_1248 : memref<1048576x64xf32, #tpu.memory_space<hbm>>) target(%dma_start3A_1243 : memref<128x64xf32, #tpu.memory_space<vmem>>) offsets(%dma_start3A_1245 : memref<128xi32, #tpu.memory_space<vmem>>) semaphore(%arg16 : memref<!tpu.dma_semaphore, #tpu.memory_space<semaphore_mem>>)
    %dma_start3A_1249 = arith.constant 0 : i32
    %dma_start3A_1250 = arith.constant 0 : i32
    %dma_start3A_1251 = tpu.memref_slice %arg15[%dma_start3A_1249, %dma_start3A_1250] : memref<640x16xf32, #tpu.memory_space<vmem>> -> memref<128x16xf32, #tpu.memory_space<vmem>>
    %dma_start3A_1252 = arith.constant 0 : i32
    %dma_start3A_1253 = tpu.memref_slice %arg11[%dma_start3A_1252] : memref<640xi32, #tpu.memory_space<vmem>> -> memref<128xi32, #tpu.memory_space<vmem>>
    %dma_start3A_1254 = arith.constant 0 : i32
    %dma_start3A_1255 = arith.constant 0 : i32
    %dma_start3A_1256 = tpu.memref_slice %arg5[%dma_start3A_1254, %dma_start3A_1255] : memref<1048576x16xf32, #tpu.memory_space<hbm>> -> memref<1048576x16xf32, #tpu.memory_space<hbm>>
    tpu.enqueue_indirect_dma source(%dma_start3A_1256 : memref<1048576x16xf32, #tpu.memory_space<hbm>>) target(%dma_start3A_1251 : memref<128x16xf32, #tpu.memory_space<vmem>>) offsets(%dma_start3A_1253 : memref<128xi32, #tpu.memory_space<vmem>>) semaphore(%arg16 : memref<!tpu.dma_semaphore, #tpu.memory_space<semaphore_mem>>)
    %dma_start3A_1257 = arith.constant 128 : i32
    %dma_start3A_1258 = arith.constant 0 : i32
    %dma_start3A_1259 = tpu.memref_slice %arg13[%dma_start3A_1257, %dma_start3A_1258] : memref<640x64xf32, #tpu.memory_space<vmem>> -> memref<128x64xf32, #tpu.memory_space<vmem>>
    %dma_start3A_1260 = arith.constant 128 : i32
    %dma_start3A_1261 = tpu.memref_slice %arg9[%dma_start3A_1260] : memref<640xi32, #tpu.memory_space<vmem>> -> memref<128xi32, #tpu.memory_space<vmem>>
    %dma_start3A_1262 = arith.constant 0 : i32
    %dma_start3A_1263 = arith.constant 0 : i32
    %dma_start3A_1264 = tpu.memref_slice %arg4[%dma_start3A_1262, %dma_start3A_1263] : memref<1048576x64xf32, #tpu.memory_space<hbm>> -> memref<1048576x64xf32, #tpu.memory_space<hbm>>
    tpu.enqueue_indirect_dma source(%dma_start3A_1264 : memref<1048576x64xf32, #tpu.memory_space<hbm>>) target(%dma_start3A_1259 : memref<128x64xf32, #tpu.memory_space<vmem>>) offsets(%dma_start3A_1261 : memref<128xi32, #tpu.memory_space<vmem>>) semaphore(%arg16 : memref<!tpu.dma_semaphore, #tpu.memory_space<semaphore_mem>>)
    %dma_start3A_1265 = arith.constant 128 : i32
    %dma_start3A_1266 = arith.constant 0 : i32
    %dma_start3A_1267 = tpu.memref_slice %arg15[%dma_start3A_1265, %dma_start3A_1266] : memref<640x16xf32, #tpu.memory_space<vmem>> -> memref<128x16xf32, #tpu.memory_space<vmem>>
    %dma_start3A_1268 = arith.constant 128 : i32
    %dma_start3A_1269 = tpu.memref_slice %arg11[%dma_start3A_1268] : memref<640xi32, #tpu.memory_space<vmem>> -> memref<128xi32, #tpu.memory_space<vmem>>
    %dma_start3A_1270 = arith.constant 0 : i32
    %dma_start3A_1271 = arith.constant 0 : i32
    %dma_start3A_1272 = tpu.memref_slice %arg5[%dma_start3A_1270, %dma_start3A_1271] : memref<1048576x16xf32, #tpu.memory_space<hbm>> -> memref<1048576x16xf32, #tpu.memory_space<hbm>>
    tpu.enqueue_indirect_dma source(%dma_start3A_1272 : memref<1048576x16xf32, #tpu.memory_space<hbm>>) target(%dma_start3A_1267 : memref<128x16xf32, #tpu.memory_space<vmem>>) offsets(%dma_start3A_1269 : memref<128xi32, #tpu.memory_space<vmem>>) semaphore(%arg16 : memref<!tpu.dma_semaphore, #tpu.memory_space<semaphore_mem>>)
    %dma_start3A_1273 = arith.constant 256 : i32
    %dma_start3A_1274 = arith.constant 0 : i32
    %dma_start3A_1275 = tpu.memref_slice %arg13[%dma_start3A_1273, %dma_start3A_1274] : memref<640x64xf32, #tpu.memory_space<vmem>> -> memref<128x64xf32, #tpu.memory_space<vmem>>
    %dma_start3A_1276 = arith.constant 256 : i32
    %dma_start3A_1277 = tpu.memref_slice %arg9[%dma_start3A_1276] : memref<640xi32, #tpu.memory_space<vmem>> -> memref<128xi32, #tpu.memory_space<vmem>>
    %dma_start3A_1278 = arith.constant 0 : i32
    %dma_start3A_1279 = arith.constant 0 : i32
    %dma_start3A_1280 = tpu.memref_slice %arg4[%dma_start3A_1278, %dma_start3A_1279] : memref<1048576x64xf32, #tpu.memory_space<hbm>> -> memref<1048576x64xf32, #tpu.memory_space<hbm>>
    tpu.enqueue_indirect_dma source(%dma_start3A_1280 : memref<1048576x64xf32, #tpu.memory_space<hbm>>) target(%dma_start3A_1275 : memref<128x64xf32, #tpu.memory_space<vmem>>) offsets(%dma_start3A_1277 : memref<128xi32, #tpu.memory_space<vmem>>) semaphore(%arg16 : memref<!tpu.dma_semaphore, #tpu.memory_space<semaphore_mem>>)
    %dma_start3A_1281 = arith.constant 256 : i32
    %dma_start3A_1282 = arith.constant 0 : i32
    %dma_start3A_1283 = tpu.memref_slice %arg15[%dma_start3A_1281, %dma_start3A_1282] : memref<640x16xf32, #tpu.memory_space<vmem>> -> memref<128x16xf32, #tpu.memory_space<vmem>>
    %dma_start3A_1284 = arith.constant 256 : i32
    %dma_start3A_1285 = tpu.memref_slice %arg11[%dma_start3A_1284] : memref<640xi32, #tpu.memory_space<vmem>> -> memref<128xi32, #tpu.memory_space<vmem>>
    %dma_start3A_1286 = arith.constant 0 : i32
    %dma_start3A_1287 = arith.constant 0 : i32
    %dma_start3A_1288 = tpu.memref_slice %arg5[%dma_start3A_1286, %dma_start3A_1287] : memref<1048576x16xf32, #tpu.memory_space<hbm>> -> memref<1048576x16xf32, #tpu.memory_space<hbm>>
    tpu.enqueue_indirect_dma source(%dma_start3A_1288 : memref<1048576x16xf32, #tpu.memory_space<hbm>>) target(%dma_start3A_1283 : memref<128x16xf32, #tpu.memory_space<vmem>>) offsets(%dma_start3A_1285 : memref<128xi32, #tpu.memory_space<vmem>>) semaphore(%arg16 : memref<!tpu.dma_semaphore, #tpu.memory_space<semaphore_mem>>)
    %dma_start3A_1289 = arith.constant 384 : i32
    %dma_start3A_1290 = arith.constant 0 : i32
    %dma_start3A_1291 = tpu.memref_slice %arg13[%dma_start3A_1289, %dma_start3A_1290] : memref<640x64xf32, #tpu.memory_space<vmem>> -> memref<128x64xf32, #tpu.memory_space<vmem>>
    %dma_start3A_1292 = arith.constant 384 : i32
    %dma_start3A_1293 = tpu.memref_slice %arg9[%dma_start3A_1292] : memref<640xi32, #tpu.memory_space<vmem>> -> memref<128xi32, #tpu.memory_space<vmem>>
    %dma_start3A_1294 = arith.constant 0 : i32
    %dma_start3A_1295 = arith.constant 0 : i32
    %dma_start3A_1296 = tpu.memref_slice %arg4[%dma_start3A_1294, %dma_start3A_1295] : memref<1048576x64xf32, #tpu.memory_space<hbm>> -> memref<1048576x64xf32, #tpu.memory_space<hbm>>
    tpu.enqueue_indirect_dma source(%dma_start3A_1296 : memref<1048576x64xf32, #tpu.memory_space<hbm>>) target(%dma_start3A_1291 : memref<128x64xf32, #tpu.memory_space<vmem>>) offsets(%dma_start3A_1293 : memref<128xi32, #tpu.memory_space<vmem>>) semaphore(%arg16 : memref<!tpu.dma_semaphore, #tpu.memory_space<semaphore_mem>>)
    %dma_start3A_1297 = arith.constant 384 : i32
    %dma_start3A_1298 = arith.constant 0 : i32
    %dma_start3A_1299 = tpu.memref_slice %arg15[%dma_start3A_1297, %dma_start3A_1298] : memref<640x16xf32, #tpu.memory_space<vmem>> -> memref<128x16xf32, #tpu.memory_space<vmem>>
    %dma_start3A_1300 = arith.constant 384 : i32
    %dma_start3A_1301 = tpu.memref_slice %arg11[%dma_start3A_1300] : memref<640xi32, #tpu.memory_space<vmem>> -> memref<128xi32, #tpu.memory_space<vmem>>
    %dma_start3A_1302 = arith.constant 0 : i32
    %dma_start3A_1303 = arith.constant 0 : i32
    %dma_start3A_1304 = tpu.memref_slice %arg5[%dma_start3A_1302, %dma_start3A_1303] : memref<1048576x16xf32, #tpu.memory_space<hbm>> -> memref<1048576x16xf32, #tpu.memory_space<hbm>>
    tpu.enqueue_indirect_dma source(%dma_start3A_1304 : memref<1048576x16xf32, #tpu.memory_space<hbm>>) target(%dma_start3A_1299 : memref<128x16xf32, #tpu.memory_space<vmem>>) offsets(%dma_start3A_1301 : memref<128xi32, #tpu.memory_space<vmem>>) semaphore(%arg16 : memref<!tpu.dma_semaphore, #tpu.memory_space<semaphore_mem>>)
    %dma_start3A_1305 = arith.constant 512 : i32
    %dma_start3A_1306 = arith.constant 0 : i32
    %dma_start3A_1307 = tpu.memref_slice %arg13[%dma_start3A_1305, %dma_start3A_1306] : memref<640x64xf32, #tpu.memory_space<vmem>> -> memref<128x64xf32, #tpu.memory_space<vmem>>
    %dma_start3A_1308 = arith.constant 512 : i32
    %dma_start3A_1309 = tpu.memref_slice %arg9[%dma_start3A_1308] : memref<640xi32, #tpu.memory_space<vmem>> -> memref<128xi32, #tpu.memory_space<vmem>>
    %dma_start3A_1310 = arith.constant 0 : i32
    %dma_start3A_1311 = arith.constant 0 : i32
    %dma_start3A_1312 = tpu.memref_slice %arg4[%dma_start3A_1310, %dma_start3A_1311] : memref<1048576x64xf32, #tpu.memory_space<hbm>> -> memref<1048576x64xf32, #tpu.memory_space<hbm>>
    tpu.enqueue_indirect_dma source(%dma_start3A_1312 : memref<1048576x64xf32, #tpu.memory_space<hbm>>) target(%dma_start3A_1307 : memref<128x64xf32, #tpu.memory_space<vmem>>) offsets(%dma_start3A_1309 : memref<128xi32, #tpu.memory_space<vmem>>) semaphore(%arg16 : memref<!tpu.dma_semaphore, #tpu.memory_space<semaphore_mem>>)
    %dma_start3A_1313 = arith.constant 512 : i32
    %dma_start3A_1314 = arith.constant 0 : i32
    %dma_start3A_1315 = tpu.memref_slice %arg15[%dma_start3A_1313, %dma_start3A_1314] : memref<640x16xf32, #tpu.memory_space<vmem>> -> memref<128x16xf32, #tpu.memory_space<vmem>>
    %dma_start3A_1316 = arith.constant 512 : i32
    %dma_start3A_1317 = tpu.memref_slice %arg11[%dma_start3A_1316] : memref<640xi32, #tpu.memory_space<vmem>> -> memref<128xi32, #tpu.memory_space<vmem>>
    %dma_start3A_1318 = arith.constant 0 : i32
    %dma_start3A_1319 = arith.constant 0 : i32
    %dma_start3A_1320 = tpu.memref_slice %arg5[%dma_start3A_1318, %dma_start3A_1319] : memref<1048576x16xf32, #tpu.memory_space<hbm>> -> memref<1048576x16xf32, #tpu.memory_space<hbm>>
    tpu.enqueue_indirect_dma source(%dma_start3A_1320 : memref<1048576x16xf32, #tpu.memory_space<hbm>>) target(%dma_start3A_1315 : memref<128x16xf32, #tpu.memory_space<vmem>>) offsets(%dma_start3A_1317 : memref<128xi32, #tpu.memory_space<vmem>>) semaphore(%arg16 : memref<!tpu.dma_semaphore, #tpu.memory_space<semaphore_mem>>)
    %dma_wait3A_1321 = arith.constant 0 : i32
    %dma_wait3A_1322 = arith.constant 0 : i32
    %dma_wait3A_1323 = tpu.memref_slice %arg13[%dma_wait3A_1321, %dma_wait3A_1322] : memref<640x64xf32, #tpu.memory_space<vmem>> -> memref<128x64xf32, #tpu.memory_space<vmem>>
    %dma_wait3A_1324 = arith.constant 0 : i32
    %dma_wait3A_1325 = tpu.memref_slice %arg9[%dma_wait3A_1324] : memref<640xi32, #tpu.memory_space<vmem>> -> memref<128xi32, #tpu.memory_space<vmem>>
    %dma_wait3A_1326 = arith.constant 0 : i32
    %dma_wait3A_1327 = arith.constant 0 : i32
    %dma_wait3A_1328 = tpu.memref_slice %arg4[%dma_wait3A_1326, %dma_wait3A_1327] : memref<1048576x64xf32, #tpu.memory_space<hbm>> -> memref<1048576x64xf32, #tpu.memory_space<hbm>>
    tpu.wait_indirect_dma semaphore(%arg16 : memref<!tpu.dma_semaphore, #tpu.memory_space<semaphore_mem>>) src(%dma_wait3A_1328 : memref<1048576x64xf32, #tpu.memory_space<hbm>>) dst(%dma_wait3A_1323 : memref<128x64xf32, #tpu.memory_space<vmem>>)
    %dma_wait3A_1329 = arith.constant 0 : i32
    %dma_wait3A_1330 = arith.constant 0 : i32
    %dma_wait3A_1331 = tpu.memref_slice %arg15[%dma_wait3A_1329, %dma_wait3A_1330] : memref<640x16xf32, #tpu.memory_space<vmem>> -> memref<128x16xf32, #tpu.memory_space<vmem>>
    %dma_wait3A_1332 = arith.constant 0 : i32
    %dma_wait3A_1333 = tpu.memref_slice %arg11[%dma_wait3A_1332] : memref<640xi32, #tpu.memory_space<vmem>> -> memref<128xi32, #tpu.memory_space<vmem>>
    %dma_wait3A_1334 = arith.constant 0 : i32
    %dma_wait3A_1335 = arith.constant 0 : i32
    %dma_wait3A_1336 = tpu.memref_slice %arg5[%dma_wait3A_1334, %dma_wait3A_1335] : memref<1048576x16xf32, #tpu.memory_space<hbm>> -> memref<1048576x16xf32, #tpu.memory_space<hbm>>
    tpu.wait_indirect_dma semaphore(%arg16 : memref<!tpu.dma_semaphore, #tpu.memory_space<semaphore_mem>>) src(%dma_wait3A_1336 : memref<1048576x16xf32, #tpu.memory_space<hbm>>) dst(%dma_wait3A_1331 : memref<128x16xf32, #tpu.memory_space<vmem>>)
    %dma_wait3A_1337 = arith.constant 128 : i32
    %dma_wait3A_1338 = arith.constant 0 : i32
    %dma_wait3A_1339 = tpu.memref_slice %arg13[%dma_wait3A_1337, %dma_wait3A_1338] : memref<640x64xf32, #tpu.memory_space<vmem>> -> memref<128x64xf32, #tpu.memory_space<vmem>>
    %dma_wait3A_1340 = arith.constant 128 : i32
    %dma_wait3A_1341 = tpu.memref_slice %arg9[%dma_wait3A_1340] : memref<640xi32, #tpu.memory_space<vmem>> -> memref<128xi32, #tpu.memory_space<vmem>>
    %dma_wait3A_1342 = arith.constant 0 : i32
    %dma_wait3A_1343 = arith.constant 0 : i32
    %dma_wait3A_1344 = tpu.memref_slice %arg4[%dma_wait3A_1342, %dma_wait3A_1343] : memref<1048576x64xf32, #tpu.memory_space<hbm>> -> memref<1048576x64xf32, #tpu.memory_space<hbm>>
    tpu.wait_indirect_dma semaphore(%arg16 : memref<!tpu.dma_semaphore, #tpu.memory_space<semaphore_mem>>) src(%dma_wait3A_1344 : memref<1048576x64xf32, #tpu.memory_space<hbm>>) dst(%dma_wait3A_1339 : memref<128x64xf32, #tpu.memory_space<vmem>>)
    %dma_wait3A_1345 = arith.constant 128 : i32
    %dma_wait3A_1346 = arith.constant 0 : i32
    %dma_wait3A_1347 = tpu.memref_slice %arg15[%dma_wait3A_1345, %dma_wait3A_1346] : memref<640x16xf32, #tpu.memory_space<vmem>> -> memref<128x16xf32, #tpu.memory_space<vmem>>
    %dma_wait3A_1348 = arith.constant 128 : i32
    %dma_wait3A_1349 = tpu.memref_slice %arg11[%dma_wait3A_1348] : memref<640xi32, #tpu.memory_space<vmem>> -> memref<128xi32, #tpu.memory_space<vmem>>
    %dma_wait3A_1350 = arith.constant 0 : i32
    %dma_wait3A_1351 = arith.constant 0 : i32
    %dma_wait3A_1352 = tpu.memref_slice %arg5[%dma_wait3A_1350, %dma_wait3A_1351] : memref<1048576x16xf32, #tpu.memory_space<hbm>> -> memref<1048576x16xf32, #tpu.memory_space<hbm>>
    tpu.wait_indirect_dma semaphore(%arg16 : memref<!tpu.dma_semaphore, #tpu.memory_space<semaphore_mem>>) src(%dma_wait3A_1352 : memref<1048576x16xf32, #tpu.memory_space<hbm>>) dst(%dma_wait3A_1347 : memref<128x16xf32, #tpu.memory_space<vmem>>)
    %dma_wait3A_1353 = arith.constant 256 : i32
    %dma_wait3A_1354 = arith.constant 0 : i32
    %dma_wait3A_1355 = tpu.memref_slice %arg13[%dma_wait3A_1353, %dma_wait3A_1354] : memref<640x64xf32, #tpu.memory_space<vmem>> -> memref<128x64xf32, #tpu.memory_space<vmem>>
    %dma_wait3A_1356 = arith.constant 256 : i32
    %dma_wait3A_1357 = tpu.memref_slice %arg9[%dma_wait3A_1356] : memref<640xi32, #tpu.memory_space<vmem>> -> memref<128xi32, #tpu.memory_space<vmem>>
    %dma_wait3A_1358 = arith.constant 0 : i32
    %dma_wait3A_1359 = arith.constant 0 : i32
    %dma_wait3A_1360 = tpu.memref_slice %arg4[%dma_wait3A_1358, %dma_wait3A_1359] : memref<1048576x64xf32, #tpu.memory_space<hbm>> -> memref<1048576x64xf32, #tpu.memory_space<hbm>>
    tpu.wait_indirect_dma semaphore(%arg16 : memref<!tpu.dma_semaphore, #tpu.memory_space<semaphore_mem>>) src(%dma_wait3A_1360 : memref<1048576x64xf32, #tpu.memory_space<hbm>>) dst(%dma_wait3A_1355 : memref<128x64xf32, #tpu.memory_space<vmem>>)
    %dma_wait3A_1361 = arith.constant 256 : i32
    %dma_wait3A_1362 = arith.constant 0 : i32
    %dma_wait3A_1363 = tpu.memref_slice %arg15[%dma_wait3A_1361, %dma_wait3A_1362] : memref<640x16xf32, #tpu.memory_space<vmem>> -> memref<128x16xf32, #tpu.memory_space<vmem>>
    %dma_wait3A_1364 = arith.constant 256 : i32
    %dma_wait3A_1365 = tpu.memref_slice %arg11[%dma_wait3A_1364] : memref<640xi32, #tpu.memory_space<vmem>> -> memref<128xi32, #tpu.memory_space<vmem>>
    %dma_wait3A_1366 = arith.constant 0 : i32
    %dma_wait3A_1367 = arith.constant 0 : i32
    %dma_wait3A_1368 = tpu.memref_slice %arg5[%dma_wait3A_1366, %dma_wait3A_1367] : memref<1048576x16xf32, #tpu.memory_space<hbm>> -> memref<1048576x16xf32, #tpu.memory_space<hbm>>
    tpu.wait_indirect_dma semaphore(%arg16 : memref<!tpu.dma_semaphore, #tpu.memory_space<semaphore_mem>>) src(%dma_wait3A_1368 : memref<1048576x16xf32, #tpu.memory_space<hbm>>) dst(%dma_wait3A_1363 : memref<128x16xf32, #tpu.memory_space<vmem>>)
    %dma_wait3A_1369 = arith.constant 384 : i32
    %dma_wait3A_1370 = arith.constant 0 : i32
    %dma_wait3A_1371 = tpu.memref_slice %arg13[%dma_wait3A_1369, %dma_wait3A_1370] : memref<640x64xf32, #tpu.memory_space<vmem>> -> memref<128x64xf32, #tpu.memory_space<vmem>>
    %dma_wait3A_1372 = arith.constant 384 : i32
    %dma_wait3A_1373 = tpu.memref_slice %arg9[%dma_wait3A_1372] : memref<640xi32, #tpu.memory_space<vmem>> -> memref<128xi32, #tpu.memory_space<vmem>>
    %dma_wait3A_1374 = arith.constant 0 : i32
    %dma_wait3A_1375 = arith.constant 0 : i32
    %dma_wait3A_1376 = tpu.memref_slice %arg4[%dma_wait3A_1374, %dma_wait3A_1375] : memref<1048576x64xf32, #tpu.memory_space<hbm>> -> memref<1048576x64xf32, #tpu.memory_space<hbm>>
    tpu.wait_indirect_dma semaphore(%arg16 : memref<!tpu.dma_semaphore, #tpu.memory_space<semaphore_mem>>) src(%dma_wait3A_1376 : memref<1048576x64xf32, #tpu.memory_space<hbm>>) dst(%dma_wait3A_1371 : memref<128x64xf32, #tpu.memory_space<vmem>>)
    %dma_wait3A_1377 = arith.constant 384 : i32
    %dma_wait3A_1378 = arith.constant 0 : i32
    %dma_wait3A_1379 = tpu.memref_slice %arg15[%dma_wait3A_1377, %dma_wait3A_1378] : memref<640x16xf32, #tpu.memory_space<vmem>> -> memref<128x16xf32, #tpu.memory_space<vmem>>
    %dma_wait3A_1380 = arith.constant 384 : i32
    %dma_wait3A_1381 = tpu.memref_slice %arg11[%dma_wait3A_1380] : memref<640xi32, #tpu.memory_space<vmem>> -> memref<128xi32, #tpu.memory_space<vmem>>
    %dma_wait3A_1382 = arith.constant 0 : i32
    %dma_wait3A_1383 = arith.constant 0 : i32
    %dma_wait3A_1384 = tpu.memref_slice %arg5[%dma_wait3A_1382, %dma_wait3A_1383] : memref<1048576x16xf32, #tpu.memory_space<hbm>> -> memref<1048576x16xf32, #tpu.memory_space<hbm>>
    tpu.wait_indirect_dma semaphore(%arg16 : memref<!tpu.dma_semaphore, #tpu.memory_space<semaphore_mem>>) src(%dma_wait3A_1384 : memref<1048576x16xf32, #tpu.memory_space<hbm>>) dst(%dma_wait3A_1379 : memref<128x16xf32, #tpu.memory_space<vmem>>)
    %dma_wait3A_1385 = arith.constant 512 : i32
    %dma_wait3A_1386 = arith.constant 0 : i32
    %dma_wait3A_1387 = tpu.memref_slice %arg13[%dma_wait3A_1385, %dma_wait3A_1386] : memref<640x64xf32, #tpu.memory_space<vmem>> -> memref<128x64xf32, #tpu.memory_space<vmem>>
    %dma_wait3A_1388 = arith.constant 512 : i32
    %dma_wait3A_1389 = tpu.memref_slice %arg9[%dma_wait3A_1388] : memref<640xi32, #tpu.memory_space<vmem>> -> memref<128xi32, #tpu.memory_space<vmem>>
    %dma_wait3A_1390 = arith.constant 0 : i32
    %dma_wait3A_1391 = arith.constant 0 : i32
    %dma_wait3A_1392 = tpu.memref_slice %arg4[%dma_wait3A_1390, %dma_wait3A_1391] : memref<1048576x64xf32, #tpu.memory_space<hbm>> -> memref<1048576x64xf32, #tpu.memory_space<hbm>>
    tpu.wait_indirect_dma semaphore(%arg16 : memref<!tpu.dma_semaphore, #tpu.memory_space<semaphore_mem>>) src(%dma_wait3A_1392 : memref<1048576x64xf32, #tpu.memory_space<hbm>>) dst(%dma_wait3A_1387 : memref<128x64xf32, #tpu.memory_space<vmem>>)
    %dma_wait3A_1393 = arith.constant 512 : i32
    %dma_wait3A_1394 = arith.constant 0 : i32
    %dma_wait3A_1395 = tpu.memref_slice %arg15[%dma_wait3A_1393, %dma_wait3A_1394] : memref<640x16xf32, #tpu.memory_space<vmem>> -> memref<128x16xf32, #tpu.memory_space<vmem>>
    %dma_wait3A_1396 = arith.constant 512 : i32
    %dma_wait3A_1397 = tpu.memref_slice %arg11[%dma_wait3A_1396] : memref<640xi32, #tpu.memory_space<vmem>> -> memref<128xi32, #tpu.memory_space<vmem>>
    %dma_wait3A_1398 = arith.constant 0 : i32
    %dma_wait3A_1399 = arith.constant 0 : i32
    %dma_wait3A_1400 = tpu.memref_slice %arg5[%dma_wait3A_1398, %dma_wait3A_1399] : memref<1048576x16xf32, #tpu.memory_space<hbm>> -> memref<1048576x16xf32, #tpu.memory_space<hbm>>
    tpu.wait_indirect_dma semaphore(%arg16 : memref<!tpu.dma_semaphore, #tpu.memory_space<semaphore_mem>>) src(%dma_wait3A_1400 : memref<1048576x16xf32, #tpu.memory_space<hbm>>) dst(%dma_wait3A_1395 : memref<128x16xf32, #tpu.memory_space<vmem>>)
    %dma_start3A_1401 = arith.constant 0 : i32
    %dma_start3A_1402 = tpu.memref_slice %arg6[%add3A_1232, %dma_start3A_1401] : memref<204800x64xf32, #tpu.memory_space<hbm>> -> memref<640x64xf32, #tpu.memory_space<hbm>>
    %dma_start3A_1403 = arith.constant 0 : i32
    %dma_start3A_1404 = tpu.memref_slice %arg6[%add3A_1232, %dma_start3A_1403] : memref<204800x64xf32, #tpu.memory_space<hbm>> -> memref<640x64xf32, #tpu.memory_space<hbm>>
    tpu.enqueue_dma source(%arg13 : memref<640x64xf32, #tpu.memory_space<vmem>>) target(%dma_start3A_1404 : memref<640x64xf32, #tpu.memory_space<hbm>>) target_semaphore(%arg17 : memref<!tpu.dma_semaphore, #tpu.memory_space<semaphore_mem>>)
    %dma_start3A_1405 = arith.constant 0 : i32
    %dma_start3A_1406 = tpu.memref_slice %arg7[%add3A_1232, %dma_start3A_1405] : memref<204800x16xf32, #tpu.memory_space<hbm>> -> memref<640x16xf32, #tpu.memory_space<hbm>>
    %dma_start3A_1407 = arith.constant 0 : i32
    %dma_start3A_1408 = tpu.memref_slice %arg7[%add3A_1232, %dma_start3A_1407] : memref<204800x16xf32, #tpu.memory_space<hbm>> -> memref<640x16xf32, #tpu.memory_space<hbm>>
    tpu.enqueue_dma source(%arg15 : memref<640x16xf32, #tpu.memory_space<vmem>>) target(%dma_start3A_1408 : memref<640x16xf32, #tpu.memory_space<hbm>>) target_semaphore(%arg17 : memref<!tpu.dma_semaphore, #tpu.memory_space<semaphore_mem>>)
    %add3A_1409 = arith.constant 5120 : i32
    %add3A_1410 = arith.addi %mul3A_2, %add3A_1409 : i32
    "tpu.region"() ({
      %run_scoped3A = tpu.sem_alloc : memref<!tpu.dma_semaphore, #tpu.memory_space<semaphore_mem>>
      %dma_start3A_1781 = tpu.memref_slice %arg2[%add3A_1410] : memref<204800xi32, #tpu.memory_space<hbm>> -> memref<640xi32, #tpu.memory_space<hbm>>
      %dma_start3A_1782 = tpu.memref_slice %arg2[%add3A_1410] : memref<204800xi32, #tpu.memory_space<hbm>> -> memref<640xi32, #tpu.memory_space<hbm>>
      tpu.enqueue_dma source(%dma_start3A_1782 : memref<640xi32, #tpu.memory_space<hbm>>) target(%arg8 : memref<640xi32, #tpu.memory_space<vmem>>) target_semaphore(%run_scoped3A : memref<!tpu.dma_semaphore, #tpu.memory_space<semaphore_mem>>)
      %dma_wait3A_1783 = tpu.memref_slice %arg2[%add3A_1410] : memref<204800xi32, #tpu.memory_space<hbm>> -> memref<640xi32, #tpu.memory_space<hbm>>
      %dma_wait3A_1784 = tpu.memref_slice %arg2[%add3A_1410] : memref<204800xi32, #tpu.memory_space<hbm>> -> memref<640xi32, #tpu.memory_space<hbm>>
      tpu.wait_dma2 semaphore(%run_scoped3A : memref<!tpu.dma_semaphore, #tpu.memory_space<semaphore_mem>>) src(%dma_wait3A_1784 : memref<640xi32, #tpu.memory_space<hbm>>) dst(%arg8 : memref<640xi32, #tpu.memory_space<vmem>>)
      tpu.yield
    }) : () -> ()
    "tpu.region"() ({
      %run_scoped3A = tpu.sem_alloc : memref<!tpu.dma_semaphore, #tpu.memory_space<semaphore_mem>>
      %dma_start3A_1781 = tpu.memref_slice %arg3[%add3A_1410] : memref<204800xi32, #tpu.memory_space<hbm>> -> memref<640xi32, #tpu.memory_space<hbm>>
      %dma_start3A_1782 = tpu.memref_slice %arg3[%add3A_1410] : memref<204800xi32, #tpu.memory_space<hbm>> -> memref<640xi32, #tpu.memory_space<hbm>>
      tpu.enqueue_dma source(%dma_start3A_1782 : memref<640xi32, #tpu.memory_space<hbm>>) target(%arg10 : memref<640xi32, #tpu.memory_space<vmem>>) target_semaphore(%run_scoped3A : memref<!tpu.dma_semaphore, #tpu.memory_space<semaphore_mem>>)
      %dma_wait3A_1783 = tpu.memref_slice %arg3[%add3A_1410] : memref<204800xi32, #tpu.memory_space<hbm>> -> memref<640xi32, #tpu.memory_space<hbm>>
      %dma_wait3A_1784 = tpu.memref_slice %arg3[%add3A_1410] : memref<204800xi32, #tpu.memory_space<hbm>> -> memref<640xi32, #tpu.memory_space<hbm>>
      tpu.wait_dma2 semaphore(%run_scoped3A : memref<!tpu.dma_semaphore, #tpu.memory_space<semaphore_mem>>) src(%dma_wait3A_1784 : memref<640xi32, #tpu.memory_space<hbm>>) dst(%arg10 : memref<640xi32, #tpu.memory_space<vmem>>)
      tpu.yield
    }) : () -> ()
    %dma_wait3A_1411 = arith.constant 0 : i32
    %dma_wait3A_1412 = tpu.memref_slice %arg6[%add3A_1054, %dma_wait3A_1411] : memref<204800x64xf32, #tpu.memory_space<hbm>> -> memref<640x64xf32, #tpu.memory_space<hbm>>
    %dma_wait3A_1413 = arith.constant 0 : i32
    %dma_wait3A_1414 = tpu.memref_slice %arg6[%add3A_1054, %dma_wait3A_1413] : memref<204800x64xf32, #tpu.memory_space<hbm>> -> memref<640x64xf32, #tpu.memory_space<hbm>>
    tpu.wait_dma2 semaphore(%arg17 : memref<!tpu.dma_semaphore, #tpu.memory_space<semaphore_mem>>) src(%arg12 : memref<640x64xf32, #tpu.memory_space<vmem>>) dst(%dma_wait3A_1414 : memref<640x64xf32, #tpu.memory_space<hbm>>)
    %dma_wait3A_1415 = arith.constant 0 : i32
    %dma_wait3A_1416 = tpu.memref_slice %arg7[%add3A_1054, %dma_wait3A_1415] : memref<204800x16xf32, #tpu.memory_space<hbm>> -> memref<640x16xf32, #tpu.memory_space<hbm>>
    %dma_wait3A_1417 = arith.constant 0 : i32
    %dma_wait3A_1418 = tpu.memref_slice %arg7[%add3A_1054, %dma_wait3A_1417] : memref<204800x16xf32, #tpu.memory_space<hbm>> -> memref<640x16xf32, #tpu.memory_space<hbm>>
    tpu.wait_dma2 semaphore(%arg17 : memref<!tpu.dma_semaphore, #tpu.memory_space<semaphore_mem>>) src(%arg14 : memref<640x16xf32, #tpu.memory_space<vmem>>) dst(%dma_wait3A_1418 : memref<640x16xf32, #tpu.memory_space<hbm>>)
    %dma_start3A_1419 = arith.constant 0 : i32
    %dma_start3A_1420 = arith.constant 0 : i32
    %dma_start3A_1421 = tpu.memref_slice %arg12[%dma_start3A_1419, %dma_start3A_1420] : memref<640x64xf32, #tpu.memory_space<vmem>> -> memref<128x64xf32, #tpu.memory_space<vmem>>
    %dma_start3A_1422 = arith.constant 0 : i32
    %dma_start3A_1423 = tpu.memref_slice %arg8[%dma_start3A_1422] : memref<640xi32, #tpu.memory_space<vmem>> -> memref<128xi32, #tpu.memory_space<vmem>>
    %dma_start3A_1424 = arith.constant 0 : i32
    %dma_start3A_1425 = arith.constant 0 : i32
    %dma_start3A_1426 = tpu.memref_slice %arg4[%dma_start3A_1424, %dma_start3A_1425] : memref<1048576x64xf32, #tpu.memory_space<hbm>> -> memref<1048576x64xf32, #tpu.memory_space<hbm>>
    tpu.enqueue_indirect_dma source(%dma_start3A_1426 : memref<1048576x64xf32, #tpu.memory_space<hbm>>) target(%dma_start3A_1421 : memref<128x64xf32, #tpu.memory_space<vmem>>) offsets(%dma_start3A_1423 : memref<128xi32, #tpu.memory_space<vmem>>) semaphore(%arg16 : memref<!tpu.dma_semaphore, #tpu.memory_space<semaphore_mem>>)
    %dma_start3A_1427 = arith.constant 0 : i32
    %dma_start3A_1428 = arith.constant 0 : i32
    %dma_start3A_1429 = tpu.memref_slice %arg14[%dma_start3A_1427, %dma_start3A_1428] : memref<640x16xf32, #tpu.memory_space<vmem>> -> memref<128x16xf32, #tpu.memory_space<vmem>>
    %dma_start3A_1430 = arith.constant 0 : i32
    %dma_start3A_1431 = tpu.memref_slice %arg10[%dma_start3A_1430] : memref<640xi32, #tpu.memory_space<vmem>> -> memref<128xi32, #tpu.memory_space<vmem>>
    %dma_start3A_1432 = arith.constant 0 : i32
    %dma_start3A_1433 = arith.constant 0 : i32
    %dma_start3A_1434 = tpu.memref_slice %arg5[%dma_start3A_1432, %dma_start3A_1433] : memref<1048576x16xf32, #tpu.memory_space<hbm>> -> memref<1048576x16xf32, #tpu.memory_space<hbm>>
    tpu.enqueue_indirect_dma source(%dma_start3A_1434 : memref<1048576x16xf32, #tpu.memory_space<hbm>>) target(%dma_start3A_1429 : memref<128x16xf32, #tpu.memory_space<vmem>>) offsets(%dma_start3A_1431 : memref<128xi32, #tpu.memory_space<vmem>>) semaphore(%arg16 : memref<!tpu.dma_semaphore, #tpu.memory_space<semaphore_mem>>)
    %dma_start3A_1435 = arith.constant 128 : i32
    %dma_start3A_1436 = arith.constant 0 : i32
    %dma_start3A_1437 = tpu.memref_slice %arg12[%dma_start3A_1435, %dma_start3A_1436] : memref<640x64xf32, #tpu.memory_space<vmem>> -> memref<128x64xf32, #tpu.memory_space<vmem>>
    %dma_start3A_1438 = arith.constant 128 : i32
    %dma_start3A_1439 = tpu.memref_slice %arg8[%dma_start3A_1438] : memref<640xi32, #tpu.memory_space<vmem>> -> memref<128xi32, #tpu.memory_space<vmem>>
    %dma_start3A_1440 = arith.constant 0 : i32
    %dma_start3A_1441 = arith.constant 0 : i32
    %dma_start3A_1442 = tpu.memref_slice %arg4[%dma_start3A_1440, %dma_start3A_1441] : memref<1048576x64xf32, #tpu.memory_space<hbm>> -> memref<1048576x64xf32, #tpu.memory_space<hbm>>
    tpu.enqueue_indirect_dma source(%dma_start3A_1442 : memref<1048576x64xf32, #tpu.memory_space<hbm>>) target(%dma_start3A_1437 : memref<128x64xf32, #tpu.memory_space<vmem>>) offsets(%dma_start3A_1439 : memref<128xi32, #tpu.memory_space<vmem>>) semaphore(%arg16 : memref<!tpu.dma_semaphore, #tpu.memory_space<semaphore_mem>>)
    %dma_start3A_1443 = arith.constant 128 : i32
    %dma_start3A_1444 = arith.constant 0 : i32
    %dma_start3A_1445 = tpu.memref_slice %arg14[%dma_start3A_1443, %dma_start3A_1444] : memref<640x16xf32, #tpu.memory_space<vmem>> -> memref<128x16xf32, #tpu.memory_space<vmem>>
    %dma_start3A_1446 = arith.constant 128 : i32
    %dma_start3A_1447 = tpu.memref_slice %arg10[%dma_start3A_1446] : memref<640xi32, #tpu.memory_space<vmem>> -> memref<128xi32, #tpu.memory_space<vmem>>
    %dma_start3A_1448 = arith.constant 0 : i32
    %dma_start3A_1449 = arith.constant 0 : i32
    %dma_start3A_1450 = tpu.memref_slice %arg5[%dma_start3A_1448, %dma_start3A_1449] : memref<1048576x16xf32, #tpu.memory_space<hbm>> -> memref<1048576x16xf32, #tpu.memory_space<hbm>>
    tpu.enqueue_indirect_dma source(%dma_start3A_1450 : memref<1048576x16xf32, #tpu.memory_space<hbm>>) target(%dma_start3A_1445 : memref<128x16xf32, #tpu.memory_space<vmem>>) offsets(%dma_start3A_1447 : memref<128xi32, #tpu.memory_space<vmem>>) semaphore(%arg16 : memref<!tpu.dma_semaphore, #tpu.memory_space<semaphore_mem>>)
    %dma_start3A_1451 = arith.constant 256 : i32
    %dma_start3A_1452 = arith.constant 0 : i32
    %dma_start3A_1453 = tpu.memref_slice %arg12[%dma_start3A_1451, %dma_start3A_1452] : memref<640x64xf32, #tpu.memory_space<vmem>> -> memref<128x64xf32, #tpu.memory_space<vmem>>
    %dma_start3A_1454 = arith.constant 256 : i32
    %dma_start3A_1455 = tpu.memref_slice %arg8[%dma_start3A_1454] : memref<640xi32, #tpu.memory_space<vmem>> -> memref<128xi32, #tpu.memory_space<vmem>>
    %dma_start3A_1456 = arith.constant 0 : i32
    %dma_start3A_1457 = arith.constant 0 : i32
    %dma_start3A_1458 = tpu.memref_slice %arg4[%dma_start3A_1456, %dma_start3A_1457] : memref<1048576x64xf32, #tpu.memory_space<hbm>> -> memref<1048576x64xf32, #tpu.memory_space<hbm>>
    tpu.enqueue_indirect_dma source(%dma_start3A_1458 : memref<1048576x64xf32, #tpu.memory_space<hbm>>) target(%dma_start3A_1453 : memref<128x64xf32, #tpu.memory_space<vmem>>) offsets(%dma_start3A_1455 : memref<128xi32, #tpu.memory_space<vmem>>) semaphore(%arg16 : memref<!tpu.dma_semaphore, #tpu.memory_space<semaphore_mem>>)
    %dma_start3A_1459 = arith.constant 256 : i32
    %dma_start3A_1460 = arith.constant 0 : i32
    %dma_start3A_1461 = tpu.memref_slice %arg14[%dma_start3A_1459, %dma_start3A_1460] : memref<640x16xf32, #tpu.memory_space<vmem>> -> memref<128x16xf32, #tpu.memory_space<vmem>>
    %dma_start3A_1462 = arith.constant 256 : i32
    %dma_start3A_1463 = tpu.memref_slice %arg10[%dma_start3A_1462] : memref<640xi32, #tpu.memory_space<vmem>> -> memref<128xi32, #tpu.memory_space<vmem>>
    %dma_start3A_1464 = arith.constant 0 : i32
    %dma_start3A_1465 = arith.constant 0 : i32
    %dma_start3A_1466 = tpu.memref_slice %arg5[%dma_start3A_1464, %dma_start3A_1465] : memref<1048576x16xf32, #tpu.memory_space<hbm>> -> memref<1048576x16xf32, #tpu.memory_space<hbm>>
    tpu.enqueue_indirect_dma source(%dma_start3A_1466 : memref<1048576x16xf32, #tpu.memory_space<hbm>>) target(%dma_start3A_1461 : memref<128x16xf32, #tpu.memory_space<vmem>>) offsets(%dma_start3A_1463 : memref<128xi32, #tpu.memory_space<vmem>>) semaphore(%arg16 : memref<!tpu.dma_semaphore, #tpu.memory_space<semaphore_mem>>)
    %dma_start3A_1467 = arith.constant 384 : i32
    %dma_start3A_1468 = arith.constant 0 : i32
    %dma_start3A_1469 = tpu.memref_slice %arg12[%dma_start3A_1467, %dma_start3A_1468] : memref<640x64xf32, #tpu.memory_space<vmem>> -> memref<128x64xf32, #tpu.memory_space<vmem>>
    %dma_start3A_1470 = arith.constant 384 : i32
    %dma_start3A_1471 = tpu.memref_slice %arg8[%dma_start3A_1470] : memref<640xi32, #tpu.memory_space<vmem>> -> memref<128xi32, #tpu.memory_space<vmem>>
    %dma_start3A_1472 = arith.constant 0 : i32
    %dma_start3A_1473 = arith.constant 0 : i32
    %dma_start3A_1474 = tpu.memref_slice %arg4[%dma_start3A_1472, %dma_start3A_1473] : memref<1048576x64xf32, #tpu.memory_space<hbm>> -> memref<1048576x64xf32, #tpu.memory_space<hbm>>
    tpu.enqueue_indirect_dma source(%dma_start3A_1474 : memref<1048576x64xf32, #tpu.memory_space<hbm>>) target(%dma_start3A_1469 : memref<128x64xf32, #tpu.memory_space<vmem>>) offsets(%dma_start3A_1471 : memref<128xi32, #tpu.memory_space<vmem>>) semaphore(%arg16 : memref<!tpu.dma_semaphore, #tpu.memory_space<semaphore_mem>>)
    %dma_start3A_1475 = arith.constant 384 : i32
    %dma_start3A_1476 = arith.constant 0 : i32
    %dma_start3A_1477 = tpu.memref_slice %arg14[%dma_start3A_1475, %dma_start3A_1476] : memref<640x16xf32, #tpu.memory_space<vmem>> -> memref<128x16xf32, #tpu.memory_space<vmem>>
    %dma_start3A_1478 = arith.constant 384 : i32
    %dma_start3A_1479 = tpu.memref_slice %arg10[%dma_start3A_1478] : memref<640xi32, #tpu.memory_space<vmem>> -> memref<128xi32, #tpu.memory_space<vmem>>
    %dma_start3A_1480 = arith.constant 0 : i32
    %dma_start3A_1481 = arith.constant 0 : i32
    %dma_start3A_1482 = tpu.memref_slice %arg5[%dma_start3A_1480, %dma_start3A_1481] : memref<1048576x16xf32, #tpu.memory_space<hbm>> -> memref<1048576x16xf32, #tpu.memory_space<hbm>>
    tpu.enqueue_indirect_dma source(%dma_start3A_1482 : memref<1048576x16xf32, #tpu.memory_space<hbm>>) target(%dma_start3A_1477 : memref<128x16xf32, #tpu.memory_space<vmem>>) offsets(%dma_start3A_1479 : memref<128xi32, #tpu.memory_space<vmem>>) semaphore(%arg16 : memref<!tpu.dma_semaphore, #tpu.memory_space<semaphore_mem>>)
    %dma_start3A_1483 = arith.constant 512 : i32
    %dma_start3A_1484 = arith.constant 0 : i32
    %dma_start3A_1485 = tpu.memref_slice %arg12[%dma_start3A_1483, %dma_start3A_1484] : memref<640x64xf32, #tpu.memory_space<vmem>> -> memref<128x64xf32, #tpu.memory_space<vmem>>
    %dma_start3A_1486 = arith.constant 512 : i32
    %dma_start3A_1487 = tpu.memref_slice %arg8[%dma_start3A_1486] : memref<640xi32, #tpu.memory_space<vmem>> -> memref<128xi32, #tpu.memory_space<vmem>>
    %dma_start3A_1488 = arith.constant 0 : i32
    %dma_start3A_1489 = arith.constant 0 : i32
    %dma_start3A_1490 = tpu.memref_slice %arg4[%dma_start3A_1488, %dma_start3A_1489] : memref<1048576x64xf32, #tpu.memory_space<hbm>> -> memref<1048576x64xf32, #tpu.memory_space<hbm>>
    tpu.enqueue_indirect_dma source(%dma_start3A_1490 : memref<1048576x64xf32, #tpu.memory_space<hbm>>) target(%dma_start3A_1485 : memref<128x64xf32, #tpu.memory_space<vmem>>) offsets(%dma_start3A_1487 : memref<128xi32, #tpu.memory_space<vmem>>) semaphore(%arg16 : memref<!tpu.dma_semaphore, #tpu.memory_space<semaphore_mem>>)
    %dma_start3A_1491 = arith.constant 512 : i32
    %dma_start3A_1492 = arith.constant 0 : i32
    %dma_start3A_1493 = tpu.memref_slice %arg14[%dma_start3A_1491, %dma_start3A_1492] : memref<640x16xf32, #tpu.memory_space<vmem>> -> memref<128x16xf32, #tpu.memory_space<vmem>>
    %dma_start3A_1494 = arith.constant 512 : i32
    %dma_start3A_1495 = tpu.memref_slice %arg10[%dma_start3A_1494] : memref<640xi32, #tpu.memory_space<vmem>> -> memref<128xi32, #tpu.memory_space<vmem>>
    %dma_start3A_1496 = arith.constant 0 : i32
    %dma_start3A_1497 = arith.constant 0 : i32
    %dma_start3A_1498 = tpu.memref_slice %arg5[%dma_start3A_1496, %dma_start3A_1497] : memref<1048576x16xf32, #tpu.memory_space<hbm>> -> memref<1048576x16xf32, #tpu.memory_space<hbm>>
    tpu.enqueue_indirect_dma source(%dma_start3A_1498 : memref<1048576x16xf32, #tpu.memory_space<hbm>>) target(%dma_start3A_1493 : memref<128x16xf32, #tpu.memory_space<vmem>>) offsets(%dma_start3A_1495 : memref<128xi32, #tpu.memory_space<vmem>>) semaphore(%arg16 : memref<!tpu.dma_semaphore, #tpu.memory_space<semaphore_mem>>)
    %dma_wait3A_1499 = arith.constant 0 : i32
    %dma_wait3A_1500 = arith.constant 0 : i32
    %dma_wait3A_1501 = tpu.memref_slice %arg12[%dma_wait3A_1499, %dma_wait3A_1500] : memref<640x64xf32, #tpu.memory_space<vmem>> -> memref<128x64xf32, #tpu.memory_space<vmem>>
    %dma_wait3A_1502 = arith.constant 0 : i32
    %dma_wait3A_1503 = tpu.memref_slice %arg8[%dma_wait3A_1502] : memref<640xi32, #tpu.memory_space<vmem>> -> memref<128xi32, #tpu.memory_space<vmem>>
    %dma_wait3A_1504 = arith.constant 0 : i32
    %dma_wait3A_1505 = arith.constant 0 : i32
    %dma_wait3A_1506 = tpu.memref_slice %arg4[%dma_wait3A_1504, %dma_wait3A_1505] : memref<1048576x64xf32, #tpu.memory_space<hbm>> -> memref<1048576x64xf32, #tpu.memory_space<hbm>>
    tpu.wait_indirect_dma semaphore(%arg16 : memref<!tpu.dma_semaphore, #tpu.memory_space<semaphore_mem>>) src(%dma_wait3A_1506 : memref<1048576x64xf32, #tpu.memory_space<hbm>>) dst(%dma_wait3A_1501 : memref<128x64xf32, #tpu.memory_space<vmem>>)
    %dma_wait3A_1507 = arith.constant 0 : i32
    %dma_wait3A_1508 = arith.constant 0 : i32
    %dma_wait3A_1509 = tpu.memref_slice %arg14[%dma_wait3A_1507, %dma_wait3A_1508] : memref<640x16xf32, #tpu.memory_space<vmem>> -> memref<128x16xf32, #tpu.memory_space<vmem>>
    %dma_wait3A_1510 = arith.constant 0 : i32
    %dma_wait3A_1511 = tpu.memref_slice %arg10[%dma_wait3A_1510] : memref<640xi32, #tpu.memory_space<vmem>> -> memref<128xi32, #tpu.memory_space<vmem>>
    %dma_wait3A_1512 = arith.constant 0 : i32
    %dma_wait3A_1513 = arith.constant 0 : i32
    %dma_wait3A_1514 = tpu.memref_slice %arg5[%dma_wait3A_1512, %dma_wait3A_1513] : memref<1048576x16xf32, #tpu.memory_space<hbm>> -> memref<1048576x16xf32, #tpu.memory_space<hbm>>
    tpu.wait_indirect_dma semaphore(%arg16 : memref<!tpu.dma_semaphore, #tpu.memory_space<semaphore_mem>>) src(%dma_wait3A_1514 : memref<1048576x16xf32, #tpu.memory_space<hbm>>) dst(%dma_wait3A_1509 : memref<128x16xf32, #tpu.memory_space<vmem>>)
    %dma_wait3A_1515 = arith.constant 128 : i32
    %dma_wait3A_1516 = arith.constant 0 : i32
    %dma_wait3A_1517 = tpu.memref_slice %arg12[%dma_wait3A_1515, %dma_wait3A_1516] : memref<640x64xf32, #tpu.memory_space<vmem>> -> memref<128x64xf32, #tpu.memory_space<vmem>>
    %dma_wait3A_1518 = arith.constant 128 : i32
    %dma_wait3A_1519 = tpu.memref_slice %arg8[%dma_wait3A_1518] : memref<640xi32, #tpu.memory_space<vmem>> -> memref<128xi32, #tpu.memory_space<vmem>>
    %dma_wait3A_1520 = arith.constant 0 : i32
    %dma_wait3A_1521 = arith.constant 0 : i32
    %dma_wait3A_1522 = tpu.memref_slice %arg4[%dma_wait3A_1520, %dma_wait3A_1521] : memref<1048576x64xf32, #tpu.memory_space<hbm>> -> memref<1048576x64xf32, #tpu.memory_space<hbm>>
    tpu.wait_indirect_dma semaphore(%arg16 : memref<!tpu.dma_semaphore, #tpu.memory_space<semaphore_mem>>) src(%dma_wait3A_1522 : memref<1048576x64xf32, #tpu.memory_space<hbm>>) dst(%dma_wait3A_1517 : memref<128x64xf32, #tpu.memory_space<vmem>>)
    %dma_wait3A_1523 = arith.constant 128 : i32
    %dma_wait3A_1524 = arith.constant 0 : i32
    %dma_wait3A_1525 = tpu.memref_slice %arg14[%dma_wait3A_1523, %dma_wait3A_1524] : memref<640x16xf32, #tpu.memory_space<vmem>> -> memref<128x16xf32, #tpu.memory_space<vmem>>
    %dma_wait3A_1526 = arith.constant 128 : i32
    %dma_wait3A_1527 = tpu.memref_slice %arg10[%dma_wait3A_1526] : memref<640xi32, #tpu.memory_space<vmem>> -> memref<128xi32, #tpu.memory_space<vmem>>
    %dma_wait3A_1528 = arith.constant 0 : i32
    %dma_wait3A_1529 = arith.constant 0 : i32
    %dma_wait3A_1530 = tpu.memref_slice %arg5[%dma_wait3A_1528, %dma_wait3A_1529] : memref<1048576x16xf32, #tpu.memory_space<hbm>> -> memref<1048576x16xf32, #tpu.memory_space<hbm>>
    tpu.wait_indirect_dma semaphore(%arg16 : memref<!tpu.dma_semaphore, #tpu.memory_space<semaphore_mem>>) src(%dma_wait3A_1530 : memref<1048576x16xf32, #tpu.memory_space<hbm>>) dst(%dma_wait3A_1525 : memref<128x16xf32, #tpu.memory_space<vmem>>)
    %dma_wait3A_1531 = arith.constant 256 : i32
    %dma_wait3A_1532 = arith.constant 0 : i32
    %dma_wait3A_1533 = tpu.memref_slice %arg12[%dma_wait3A_1531, %dma_wait3A_1532] : memref<640x64xf32, #tpu.memory_space<vmem>> -> memref<128x64xf32, #tpu.memory_space<vmem>>
    %dma_wait3A_1534 = arith.constant 256 : i32
    %dma_wait3A_1535 = tpu.memref_slice %arg8[%dma_wait3A_1534] : memref<640xi32, #tpu.memory_space<vmem>> -> memref<128xi32, #tpu.memory_space<vmem>>
    %dma_wait3A_1536 = arith.constant 0 : i32
    %dma_wait3A_1537 = arith.constant 0 : i32
    %dma_wait3A_1538 = tpu.memref_slice %arg4[%dma_wait3A_1536, %dma_wait3A_1537] : memref<1048576x64xf32, #tpu.memory_space<hbm>> -> memref<1048576x64xf32, #tpu.memory_space<hbm>>
    tpu.wait_indirect_dma semaphore(%arg16 : memref<!tpu.dma_semaphore, #tpu.memory_space<semaphore_mem>>) src(%dma_wait3A_1538 : memref<1048576x64xf32, #tpu.memory_space<hbm>>) dst(%dma_wait3A_1533 : memref<128x64xf32, #tpu.memory_space<vmem>>)
    %dma_wait3A_1539 = arith.constant 256 : i32
    %dma_wait3A_1540 = arith.constant 0 : i32
    %dma_wait3A_1541 = tpu.memref_slice %arg14[%dma_wait3A_1539, %dma_wait3A_1540] : memref<640x16xf32, #tpu.memory_space<vmem>> -> memref<128x16xf32, #tpu.memory_space<vmem>>
    %dma_wait3A_1542 = arith.constant 256 : i32
    %dma_wait3A_1543 = tpu.memref_slice %arg10[%dma_wait3A_1542] : memref<640xi32, #tpu.memory_space<vmem>> -> memref<128xi32, #tpu.memory_space<vmem>>
    %dma_wait3A_1544 = arith.constant 0 : i32
    %dma_wait3A_1545 = arith.constant 0 : i32
    %dma_wait3A_1546 = tpu.memref_slice %arg5[%dma_wait3A_1544, %dma_wait3A_1545] : memref<1048576x16xf32, #tpu.memory_space<hbm>> -> memref<1048576x16xf32, #tpu.memory_space<hbm>>
    tpu.wait_indirect_dma semaphore(%arg16 : memref<!tpu.dma_semaphore, #tpu.memory_space<semaphore_mem>>) src(%dma_wait3A_1546 : memref<1048576x16xf32, #tpu.memory_space<hbm>>) dst(%dma_wait3A_1541 : memref<128x16xf32, #tpu.memory_space<vmem>>)
    %dma_wait3A_1547 = arith.constant 384 : i32
    %dma_wait3A_1548 = arith.constant 0 : i32
    %dma_wait3A_1549 = tpu.memref_slice %arg12[%dma_wait3A_1547, %dma_wait3A_1548] : memref<640x64xf32, #tpu.memory_space<vmem>> -> memref<128x64xf32, #tpu.memory_space<vmem>>
    %dma_wait3A_1550 = arith.constant 384 : i32
    %dma_wait3A_1551 = tpu.memref_slice %arg8[%dma_wait3A_1550] : memref<640xi32, #tpu.memory_space<vmem>> -> memref<128xi32, #tpu.memory_space<vmem>>
    %dma_wait3A_1552 = arith.constant 0 : i32
    %dma_wait3A_1553 = arith.constant 0 : i32
    %dma_wait3A_1554 = tpu.memref_slice %arg4[%dma_wait3A_1552, %dma_wait3A_1553] : memref<1048576x64xf32, #tpu.memory_space<hbm>> -> memref<1048576x64xf32, #tpu.memory_space<hbm>>
    tpu.wait_indirect_dma semaphore(%arg16 : memref<!tpu.dma_semaphore, #tpu.memory_space<semaphore_mem>>) src(%dma_wait3A_1554 : memref<1048576x64xf32, #tpu.memory_space<hbm>>) dst(%dma_wait3A_1549 : memref<128x64xf32, #tpu.memory_space<vmem>>)
    %dma_wait3A_1555 = arith.constant 384 : i32
    %dma_wait3A_1556 = arith.constant 0 : i32
    %dma_wait3A_1557 = tpu.memref_slice %arg14[%dma_wait3A_1555, %dma_wait3A_1556] : memref<640x16xf32, #tpu.memory_space<vmem>> -> memref<128x16xf32, #tpu.memory_space<vmem>>
    %dma_wait3A_1558 = arith.constant 384 : i32
    %dma_wait3A_1559 = tpu.memref_slice %arg10[%dma_wait3A_1558] : memref<640xi32, #tpu.memory_space<vmem>> -> memref<128xi32, #tpu.memory_space<vmem>>
    %dma_wait3A_1560 = arith.constant 0 : i32
    %dma_wait3A_1561 = arith.constant 0 : i32
    %dma_wait3A_1562 = tpu.memref_slice %arg5[%dma_wait3A_1560, %dma_wait3A_1561] : memref<1048576x16xf32, #tpu.memory_space<hbm>> -> memref<1048576x16xf32, #tpu.memory_space<hbm>>
    tpu.wait_indirect_dma semaphore(%arg16 : memref<!tpu.dma_semaphore, #tpu.memory_space<semaphore_mem>>) src(%dma_wait3A_1562 : memref<1048576x16xf32, #tpu.memory_space<hbm>>) dst(%dma_wait3A_1557 : memref<128x16xf32, #tpu.memory_space<vmem>>)
    %dma_wait3A_1563 = arith.constant 512 : i32
    %dma_wait3A_1564 = arith.constant 0 : i32
    %dma_wait3A_1565 = tpu.memref_slice %arg12[%dma_wait3A_1563, %dma_wait3A_1564] : memref<640x64xf32, #tpu.memory_space<vmem>> -> memref<128x64xf32, #tpu.memory_space<vmem>>
    %dma_wait3A_1566 = arith.constant 512 : i32
    %dma_wait3A_1567 = tpu.memref_slice %arg8[%dma_wait3A_1566] : memref<640xi32, #tpu.memory_space<vmem>> -> memref<128xi32, #tpu.memory_space<vmem>>
    %dma_wait3A_1568 = arith.constant 0 : i32
    %dma_wait3A_1569 = arith.constant 0 : i32
    %dma_wait3A_1570 = tpu.memref_slice %arg4[%dma_wait3A_1568, %dma_wait3A_1569] : memref<1048576x64xf32, #tpu.memory_space<hbm>> -> memref<1048576x64xf32, #tpu.memory_space<hbm>>
    tpu.wait_indirect_dma semaphore(%arg16 : memref<!tpu.dma_semaphore, #tpu.memory_space<semaphore_mem>>) src(%dma_wait3A_1570 : memref<1048576x64xf32, #tpu.memory_space<hbm>>) dst(%dma_wait3A_1565 : memref<128x64xf32, #tpu.memory_space<vmem>>)
    %dma_wait3A_1571 = arith.constant 512 : i32
    %dma_wait3A_1572 = arith.constant 0 : i32
    %dma_wait3A_1573 = tpu.memref_slice %arg14[%dma_wait3A_1571, %dma_wait3A_1572] : memref<640x16xf32, #tpu.memory_space<vmem>> -> memref<128x16xf32, #tpu.memory_space<vmem>>
    %dma_wait3A_1574 = arith.constant 512 : i32
    %dma_wait3A_1575 = tpu.memref_slice %arg10[%dma_wait3A_1574] : memref<640xi32, #tpu.memory_space<vmem>> -> memref<128xi32, #tpu.memory_space<vmem>>
    %dma_wait3A_1576 = arith.constant 0 : i32
    %dma_wait3A_1577 = arith.constant 0 : i32
    %dma_wait3A_1578 = tpu.memref_slice %arg5[%dma_wait3A_1576, %dma_wait3A_1577] : memref<1048576x16xf32, #tpu.memory_space<hbm>> -> memref<1048576x16xf32, #tpu.memory_space<hbm>>
    tpu.wait_indirect_dma semaphore(%arg16 : memref<!tpu.dma_semaphore, #tpu.memory_space<semaphore_mem>>) src(%dma_wait3A_1578 : memref<1048576x16xf32, #tpu.memory_space<hbm>>) dst(%dma_wait3A_1573 : memref<128x16xf32, #tpu.memory_space<vmem>>)
    %dma_start3A_1579 = arith.constant 0 : i32
    %dma_start3A_1580 = tpu.memref_slice %arg6[%add3A_1410, %dma_start3A_1579] : memref<204800x64xf32, #tpu.memory_space<hbm>> -> memref<640x64xf32, #tpu.memory_space<hbm>>
    %dma_start3A_1581 = arith.constant 0 : i32
    %dma_start3A_1582 = tpu.memref_slice %arg6[%add3A_1410, %dma_start3A_1581] : memref<204800x64xf32, #tpu.memory_space<hbm>> -> memref<640x64xf32, #tpu.memory_space<hbm>>
    tpu.enqueue_dma source(%arg12 : memref<640x64xf32, #tpu.memory_space<vmem>>) target(%dma_start3A_1582 : memref<640x64xf32, #tpu.memory_space<hbm>>) target_semaphore(%arg17 : memref<!tpu.dma_semaphore, #tpu.memory_space<semaphore_mem>>)
    %dma_start3A_1583 = arith.constant 0 : i32
    %dma_start3A_1584 = tpu.memref_slice %arg7[%add3A_1410, %dma_start3A_1583] : memref<204800x16xf32, #tpu.memory_space<hbm>> -> memref<640x16xf32, #tpu.memory_space<hbm>>
    %dma_start3A_1585 = arith.constant 0 : i32
    %dma_start3A_1586 = tpu.memref_slice %arg7[%add3A_1410, %dma_start3A_1585] : memref<204800x16xf32, #tpu.memory_space<hbm>> -> memref<640x16xf32, #tpu.memory_space<hbm>>
    tpu.enqueue_dma source(%arg14 : memref<640x16xf32, #tpu.memory_space<vmem>>) target(%dma_start3A_1586 : memref<640x16xf32, #tpu.memory_space<hbm>>) target_semaphore(%arg17 : memref<!tpu.dma_semaphore, #tpu.memory_space<semaphore_mem>>)
    %add3A_1587 = arith.constant 5760 : i32
    %add3A_1588 = arith.addi %mul3A_2, %add3A_1587 : i32
    "tpu.region"() ({
      %run_scoped3A = tpu.sem_alloc : memref<!tpu.dma_semaphore, #tpu.memory_space<semaphore_mem>>
      %dma_start3A_1781 = tpu.memref_slice %arg2[%add3A_1588] : memref<204800xi32, #tpu.memory_space<hbm>> -> memref<640xi32, #tpu.memory_space<hbm>>
      %dma_start3A_1782 = tpu.memref_slice %arg2[%add3A_1588] : memref<204800xi32, #tpu.memory_space<hbm>> -> memref<640xi32, #tpu.memory_space<hbm>>
      tpu.enqueue_dma source(%dma_start3A_1782 : memref<640xi32, #tpu.memory_space<hbm>>) target(%arg9 : memref<640xi32, #tpu.memory_space<vmem>>) target_semaphore(%run_scoped3A : memref<!tpu.dma_semaphore, #tpu.memory_space<semaphore_mem>>)
      %dma_wait3A_1783 = tpu.memref_slice %arg2[%add3A_1588] : memref<204800xi32, #tpu.memory_space<hbm>> -> memref<640xi32, #tpu.memory_space<hbm>>
      %dma_wait3A_1784 = tpu.memref_slice %arg2[%add3A_1588] : memref<204800xi32, #tpu.memory_space<hbm>> -> memref<640xi32, #tpu.memory_space<hbm>>
      tpu.wait_dma2 semaphore(%run_scoped3A : memref<!tpu.dma_semaphore, #tpu.memory_space<semaphore_mem>>) src(%dma_wait3A_1784 : memref<640xi32, #tpu.memory_space<hbm>>) dst(%arg9 : memref<640xi32, #tpu.memory_space<vmem>>)
      tpu.yield
    }) : () -> ()
    "tpu.region"() ({
      %run_scoped3A = tpu.sem_alloc : memref<!tpu.dma_semaphore, #tpu.memory_space<semaphore_mem>>
      %dma_start3A_1781 = tpu.memref_slice %arg3[%add3A_1588] : memref<204800xi32, #tpu.memory_space<hbm>> -> memref<640xi32, #tpu.memory_space<hbm>>
      %dma_start3A_1782 = tpu.memref_slice %arg3[%add3A_1588] : memref<204800xi32, #tpu.memory_space<hbm>> -> memref<640xi32, #tpu.memory_space<hbm>>
      tpu.enqueue_dma source(%dma_start3A_1782 : memref<640xi32, #tpu.memory_space<hbm>>) target(%arg11 : memref<640xi32, #tpu.memory_space<vmem>>) target_semaphore(%run_scoped3A : memref<!tpu.dma_semaphore, #tpu.memory_space<semaphore_mem>>)
      %dma_wait3A_1783 = tpu.memref_slice %arg3[%add3A_1588] : memref<204800xi32, #tpu.memory_space<hbm>> -> memref<640xi32, #tpu.memory_space<hbm>>
      %dma_wait3A_1784 = tpu.memref_slice %arg3[%add3A_1588] : memref<204800xi32, #tpu.memory_space<hbm>> -> memref<640xi32, #tpu.memory_space<hbm>>
      tpu.wait_dma2 semaphore(%run_scoped3A : memref<!tpu.dma_semaphore, #tpu.memory_space<semaphore_mem>>) src(%dma_wait3A_1784 : memref<640xi32, #tpu.memory_space<hbm>>) dst(%arg11 : memref<640xi32, #tpu.memory_space<vmem>>)
      tpu.yield
    }) : () -> ()
    %dma_wait3A_1589 = arith.constant 0 : i32
    %dma_wait3A_1590 = tpu.memref_slice %arg6[%add3A_1232, %dma_wait3A_1589] : memref<204800x64xf32, #tpu.memory_space<hbm>> -> memref<640x64xf32, #tpu.memory_space<hbm>>
    %dma_wait3A_1591 = arith.constant 0 : i32
    %dma_wait3A_1592 = tpu.memref_slice %arg6[%add3A_1232, %dma_wait3A_1591] : memref<204800x64xf32, #tpu.memory_space<hbm>> -> memref<640x64xf32, #tpu.memory_space<hbm>>
    tpu.wait_dma2 semaphore(%arg17 : memref<!tpu.dma_semaphore, #tpu.memory_space<semaphore_mem>>) src(%arg13 : memref<640x64xf32, #tpu.memory_space<vmem>>) dst(%dma_wait3A_1592 : memref<640x64xf32, #tpu.memory_space<hbm>>)
    %dma_wait3A_1593 = arith.constant 0 : i32
    %dma_wait3A_1594 = tpu.memref_slice %arg7[%add3A_1232, %dma_wait3A_1593] : memref<204800x16xf32, #tpu.memory_space<hbm>> -> memref<640x16xf32, #tpu.memory_space<hbm>>
    %dma_wait3A_1595 = arith.constant 0 : i32
    %dma_wait3A_1596 = tpu.memref_slice %arg7[%add3A_1232, %dma_wait3A_1595] : memref<204800x16xf32, #tpu.memory_space<hbm>> -> memref<640x16xf32, #tpu.memory_space<hbm>>
    tpu.wait_dma2 semaphore(%arg17 : memref<!tpu.dma_semaphore, #tpu.memory_space<semaphore_mem>>) src(%arg15 : memref<640x16xf32, #tpu.memory_space<vmem>>) dst(%dma_wait3A_1596 : memref<640x16xf32, #tpu.memory_space<hbm>>)
    %dma_start3A_1597 = arith.constant 0 : i32
    %dma_start3A_1598 = arith.constant 0 : i32
    %dma_start3A_1599 = tpu.memref_slice %arg13[%dma_start3A_1597, %dma_start3A_1598] : memref<640x64xf32, #tpu.memory_space<vmem>> -> memref<128x64xf32, #tpu.memory_space<vmem>>
    %dma_start3A_1600 = arith.constant 0 : i32
    %dma_start3A_1601 = tpu.memref_slice %arg9[%dma_start3A_1600] : memref<640xi32, #tpu.memory_space<vmem>> -> memref<128xi32, #tpu.memory_space<vmem>>
    %dma_start3A_1602 = arith.constant 0 : i32
    %dma_start3A_1603 = arith.constant 0 : i32
    %dma_start3A_1604 = tpu.memref_slice %arg4[%dma_start3A_1602, %dma_start3A_1603] : memref<1048576x64xf32, #tpu.memory_space<hbm>> -> memref<1048576x64xf32, #tpu.memory_space<hbm>>
    tpu.enqueue_indirect_dma source(%dma_start3A_1604 : memref<1048576x64xf32, #tpu.memory_space<hbm>>) target(%dma_start3A_1599 : memref<128x64xf32, #tpu.memory_space<vmem>>) offsets(%dma_start3A_1601 : memref<128xi32, #tpu.memory_space<vmem>>) semaphore(%arg16 : memref<!tpu.dma_semaphore, #tpu.memory_space<semaphore_mem>>)
    %dma_start3A_1605 = arith.constant 0 : i32
    %dma_start3A_1606 = arith.constant 0 : i32
    %dma_start3A_1607 = tpu.memref_slice %arg15[%dma_start3A_1605, %dma_start3A_1606] : memref<640x16xf32, #tpu.memory_space<vmem>> -> memref<128x16xf32, #tpu.memory_space<vmem>>
    %dma_start3A_1608 = arith.constant 0 : i32
    %dma_start3A_1609 = tpu.memref_slice %arg11[%dma_start3A_1608] : memref<640xi32, #tpu.memory_space<vmem>> -> memref<128xi32, #tpu.memory_space<vmem>>
    %dma_start3A_1610 = arith.constant 0 : i32
    %dma_start3A_1611 = arith.constant 0 : i32
    %dma_start3A_1612 = tpu.memref_slice %arg5[%dma_start3A_1610, %dma_start3A_1611] : memref<1048576x16xf32, #tpu.memory_space<hbm>> -> memref<1048576x16xf32, #tpu.memory_space<hbm>>
    tpu.enqueue_indirect_dma source(%dma_start3A_1612 : memref<1048576x16xf32, #tpu.memory_space<hbm>>) target(%dma_start3A_1607 : memref<128x16xf32, #tpu.memory_space<vmem>>) offsets(%dma_start3A_1609 : memref<128xi32, #tpu.memory_space<vmem>>) semaphore(%arg16 : memref<!tpu.dma_semaphore, #tpu.memory_space<semaphore_mem>>)
    %dma_start3A_1613 = arith.constant 128 : i32
    %dma_start3A_1614 = arith.constant 0 : i32
    %dma_start3A_1615 = tpu.memref_slice %arg13[%dma_start3A_1613, %dma_start3A_1614] : memref<640x64xf32, #tpu.memory_space<vmem>> -> memref<128x64xf32, #tpu.memory_space<vmem>>
    %dma_start3A_1616 = arith.constant 128 : i32
    %dma_start3A_1617 = tpu.memref_slice %arg9[%dma_start3A_1616] : memref<640xi32, #tpu.memory_space<vmem>> -> memref<128xi32, #tpu.memory_space<vmem>>
    %dma_start3A_1618 = arith.constant 0 : i32
    %dma_start3A_1619 = arith.constant 0 : i32
    %dma_start3A_1620 = tpu.memref_slice %arg4[%dma_start3A_1618, %dma_start3A_1619] : memref<1048576x64xf32, #tpu.memory_space<hbm>> -> memref<1048576x64xf32, #tpu.memory_space<hbm>>
    tpu.enqueue_indirect_dma source(%dma_start3A_1620 : memref<1048576x64xf32, #tpu.memory_space<hbm>>) target(%dma_start3A_1615 : memref<128x64xf32, #tpu.memory_space<vmem>>) offsets(%dma_start3A_1617 : memref<128xi32, #tpu.memory_space<vmem>>) semaphore(%arg16 : memref<!tpu.dma_semaphore, #tpu.memory_space<semaphore_mem>>)
    %dma_start3A_1621 = arith.constant 128 : i32
    %dma_start3A_1622 = arith.constant 0 : i32
    %dma_start3A_1623 = tpu.memref_slice %arg15[%dma_start3A_1621, %dma_start3A_1622] : memref<640x16xf32, #tpu.memory_space<vmem>> -> memref<128x16xf32, #tpu.memory_space<vmem>>
    %dma_start3A_1624 = arith.constant 128 : i32
    %dma_start3A_1625 = tpu.memref_slice %arg11[%dma_start3A_1624] : memref<640xi32, #tpu.memory_space<vmem>> -> memref<128xi32, #tpu.memory_space<vmem>>
    %dma_start3A_1626 = arith.constant 0 : i32
    %dma_start3A_1627 = arith.constant 0 : i32
    %dma_start3A_1628 = tpu.memref_slice %arg5[%dma_start3A_1626, %dma_start3A_1627] : memref<1048576x16xf32, #tpu.memory_space<hbm>> -> memref<1048576x16xf32, #tpu.memory_space<hbm>>
    tpu.enqueue_indirect_dma source(%dma_start3A_1628 : memref<1048576x16xf32, #tpu.memory_space<hbm>>) target(%dma_start3A_1623 : memref<128x16xf32, #tpu.memory_space<vmem>>) offsets(%dma_start3A_1625 : memref<128xi32, #tpu.memory_space<vmem>>) semaphore(%arg16 : memref<!tpu.dma_semaphore, #tpu.memory_space<semaphore_mem>>)
    %dma_start3A_1629 = arith.constant 256 : i32
    %dma_start3A_1630 = arith.constant 0 : i32
    %dma_start3A_1631 = tpu.memref_slice %arg13[%dma_start3A_1629, %dma_start3A_1630] : memref<640x64xf32, #tpu.memory_space<vmem>> -> memref<128x64xf32, #tpu.memory_space<vmem>>
    %dma_start3A_1632 = arith.constant 256 : i32
    %dma_start3A_1633 = tpu.memref_slice %arg9[%dma_start3A_1632] : memref<640xi32, #tpu.memory_space<vmem>> -> memref<128xi32, #tpu.memory_space<vmem>>
    %dma_start3A_1634 = arith.constant 0 : i32
    %dma_start3A_1635 = arith.constant 0 : i32
    %dma_start3A_1636 = tpu.memref_slice %arg4[%dma_start3A_1634, %dma_start3A_1635] : memref<1048576x64xf32, #tpu.memory_space<hbm>> -> memref<1048576x64xf32, #tpu.memory_space<hbm>>
    tpu.enqueue_indirect_dma source(%dma_start3A_1636 : memref<1048576x64xf32, #tpu.memory_space<hbm>>) target(%dma_start3A_1631 : memref<128x64xf32, #tpu.memory_space<vmem>>) offsets(%dma_start3A_1633 : memref<128xi32, #tpu.memory_space<vmem>>) semaphore(%arg16 : memref<!tpu.dma_semaphore, #tpu.memory_space<semaphore_mem>>)
    %dma_start3A_1637 = arith.constant 256 : i32
    %dma_start3A_1638 = arith.constant 0 : i32
    %dma_start3A_1639 = tpu.memref_slice %arg15[%dma_start3A_1637, %dma_start3A_1638] : memref<640x16xf32, #tpu.memory_space<vmem>> -> memref<128x16xf32, #tpu.memory_space<vmem>>
    %dma_start3A_1640 = arith.constant 256 : i32
    %dma_start3A_1641 = tpu.memref_slice %arg11[%dma_start3A_1640] : memref<640xi32, #tpu.memory_space<vmem>> -> memref<128xi32, #tpu.memory_space<vmem>>
    %dma_start3A_1642 = arith.constant 0 : i32
    %dma_start3A_1643 = arith.constant 0 : i32
    %dma_start3A_1644 = tpu.memref_slice %arg5[%dma_start3A_1642, %dma_start3A_1643] : memref<1048576x16xf32, #tpu.memory_space<hbm>> -> memref<1048576x16xf32, #tpu.memory_space<hbm>>
    tpu.enqueue_indirect_dma source(%dma_start3A_1644 : memref<1048576x16xf32, #tpu.memory_space<hbm>>) target(%dma_start3A_1639 : memref<128x16xf32, #tpu.memory_space<vmem>>) offsets(%dma_start3A_1641 : memref<128xi32, #tpu.memory_space<vmem>>) semaphore(%arg16 : memref<!tpu.dma_semaphore, #tpu.memory_space<semaphore_mem>>)
    %dma_start3A_1645 = arith.constant 384 : i32
    %dma_start3A_1646 = arith.constant 0 : i32
    %dma_start3A_1647 = tpu.memref_slice %arg13[%dma_start3A_1645, %dma_start3A_1646] : memref<640x64xf32, #tpu.memory_space<vmem>> -> memref<128x64xf32, #tpu.memory_space<vmem>>
    %dma_start3A_1648 = arith.constant 384 : i32
    %dma_start3A_1649 = tpu.memref_slice %arg9[%dma_start3A_1648] : memref<640xi32, #tpu.memory_space<vmem>> -> memref<128xi32, #tpu.memory_space<vmem>>
    %dma_start3A_1650 = arith.constant 0 : i32
    %dma_start3A_1651 = arith.constant 0 : i32
    %dma_start3A_1652 = tpu.memref_slice %arg4[%dma_start3A_1650, %dma_start3A_1651] : memref<1048576x64xf32, #tpu.memory_space<hbm>> -> memref<1048576x64xf32, #tpu.memory_space<hbm>>
    tpu.enqueue_indirect_dma source(%dma_start3A_1652 : memref<1048576x64xf32, #tpu.memory_space<hbm>>) target(%dma_start3A_1647 : memref<128x64xf32, #tpu.memory_space<vmem>>) offsets(%dma_start3A_1649 : memref<128xi32, #tpu.memory_space<vmem>>) semaphore(%arg16 : memref<!tpu.dma_semaphore, #tpu.memory_space<semaphore_mem>>)
    %dma_start3A_1653 = arith.constant 384 : i32
    %dma_start3A_1654 = arith.constant 0 : i32
    %dma_start3A_1655 = tpu.memref_slice %arg15[%dma_start3A_1653, %dma_start3A_1654] : memref<640x16xf32, #tpu.memory_space<vmem>> -> memref<128x16xf32, #tpu.memory_space<vmem>>
    %dma_start3A_1656 = arith.constant 384 : i32
    %dma_start3A_1657 = tpu.memref_slice %arg11[%dma_start3A_1656] : memref<640xi32, #tpu.memory_space<vmem>> -> memref<128xi32, #tpu.memory_space<vmem>>
    %dma_start3A_1658 = arith.constant 0 : i32
    %dma_start3A_1659 = arith.constant 0 : i32
    %dma_start3A_1660 = tpu.memref_slice %arg5[%dma_start3A_1658, %dma_start3A_1659] : memref<1048576x16xf32, #tpu.memory_space<hbm>> -> memref<1048576x16xf32, #tpu.memory_space<hbm>>
    tpu.enqueue_indirect_dma source(%dma_start3A_1660 : memref<1048576x16xf32, #tpu.memory_space<hbm>>) target(%dma_start3A_1655 : memref<128x16xf32, #tpu.memory_space<vmem>>) offsets(%dma_start3A_1657 : memref<128xi32, #tpu.memory_space<vmem>>) semaphore(%arg16 : memref<!tpu.dma_semaphore, #tpu.memory_space<semaphore_mem>>)
    %dma_start3A_1661 = arith.constant 512 : i32
    %dma_start3A_1662 = arith.constant 0 : i32
    %dma_start3A_1663 = tpu.memref_slice %arg13[%dma_start3A_1661, %dma_start3A_1662] : memref<640x64xf32, #tpu.memory_space<vmem>> -> memref<128x64xf32, #tpu.memory_space<vmem>>
    %dma_start3A_1664 = arith.constant 512 : i32
    %dma_start3A_1665 = tpu.memref_slice %arg9[%dma_start3A_1664] : memref<640xi32, #tpu.memory_space<vmem>> -> memref<128xi32, #tpu.memory_space<vmem>>
    %dma_start3A_1666 = arith.constant 0 : i32
    %dma_start3A_1667 = arith.constant 0 : i32
    %dma_start3A_1668 = tpu.memref_slice %arg4[%dma_start3A_1666, %dma_start3A_1667] : memref<1048576x64xf32, #tpu.memory_space<hbm>> -> memref<1048576x64xf32, #tpu.memory_space<hbm>>
    tpu.enqueue_indirect_dma source(%dma_start3A_1668 : memref<1048576x64xf32, #tpu.memory_space<hbm>>) target(%dma_start3A_1663 : memref<128x64xf32, #tpu.memory_space<vmem>>) offsets(%dma_start3A_1665 : memref<128xi32, #tpu.memory_space<vmem>>) semaphore(%arg16 : memref<!tpu.dma_semaphore, #tpu.memory_space<semaphore_mem>>)
    %dma_start3A_1669 = arith.constant 512 : i32
    %dma_start3A_1670 = arith.constant 0 : i32
    %dma_start3A_1671 = tpu.memref_slice %arg15[%dma_start3A_1669, %dma_start3A_1670] : memref<640x16xf32, #tpu.memory_space<vmem>> -> memref<128x16xf32, #tpu.memory_space<vmem>>
    %dma_start3A_1672 = arith.constant 512 : i32
    %dma_start3A_1673 = tpu.memref_slice %arg11[%dma_start3A_1672] : memref<640xi32, #tpu.memory_space<vmem>> -> memref<128xi32, #tpu.memory_space<vmem>>
    %dma_start3A_1674 = arith.constant 0 : i32
    %dma_start3A_1675 = arith.constant 0 : i32
    %dma_start3A_1676 = tpu.memref_slice %arg5[%dma_start3A_1674, %dma_start3A_1675] : memref<1048576x16xf32, #tpu.memory_space<hbm>> -> memref<1048576x16xf32, #tpu.memory_space<hbm>>
    tpu.enqueue_indirect_dma source(%dma_start3A_1676 : memref<1048576x16xf32, #tpu.memory_space<hbm>>) target(%dma_start3A_1671 : memref<128x16xf32, #tpu.memory_space<vmem>>) offsets(%dma_start3A_1673 : memref<128xi32, #tpu.memory_space<vmem>>) semaphore(%arg16 : memref<!tpu.dma_semaphore, #tpu.memory_space<semaphore_mem>>)
    %dma_wait3A_1677 = arith.constant 0 : i32
    %dma_wait3A_1678 = arith.constant 0 : i32
    %dma_wait3A_1679 = tpu.memref_slice %arg13[%dma_wait3A_1677, %dma_wait3A_1678] : memref<640x64xf32, #tpu.memory_space<vmem>> -> memref<128x64xf32, #tpu.memory_space<vmem>>
    %dma_wait3A_1680 = arith.constant 0 : i32
    %dma_wait3A_1681 = tpu.memref_slice %arg9[%dma_wait3A_1680] : memref<640xi32, #tpu.memory_space<vmem>> -> memref<128xi32, #tpu.memory_space<vmem>>
    %dma_wait3A_1682 = arith.constant 0 : i32
    %dma_wait3A_1683 = arith.constant 0 : i32
    %dma_wait3A_1684 = tpu.memref_slice %arg4[%dma_wait3A_1682, %dma_wait3A_1683] : memref<1048576x64xf32, #tpu.memory_space<hbm>> -> memref<1048576x64xf32, #tpu.memory_space<hbm>>
    tpu.wait_indirect_dma semaphore(%arg16 : memref<!tpu.dma_semaphore, #tpu.memory_space<semaphore_mem>>) src(%dma_wait3A_1684 : memref<1048576x64xf32, #tpu.memory_space<hbm>>) dst(%dma_wait3A_1679 : memref<128x64xf32, #tpu.memory_space<vmem>>)
    %dma_wait3A_1685 = arith.constant 0 : i32
    %dma_wait3A_1686 = arith.constant 0 : i32
    %dma_wait3A_1687 = tpu.memref_slice %arg15[%dma_wait3A_1685, %dma_wait3A_1686] : memref<640x16xf32, #tpu.memory_space<vmem>> -> memref<128x16xf32, #tpu.memory_space<vmem>>
    %dma_wait3A_1688 = arith.constant 0 : i32
    %dma_wait3A_1689 = tpu.memref_slice %arg11[%dma_wait3A_1688] : memref<640xi32, #tpu.memory_space<vmem>> -> memref<128xi32, #tpu.memory_space<vmem>>
    %dma_wait3A_1690 = arith.constant 0 : i32
    %dma_wait3A_1691 = arith.constant 0 : i32
    %dma_wait3A_1692 = tpu.memref_slice %arg5[%dma_wait3A_1690, %dma_wait3A_1691] : memref<1048576x16xf32, #tpu.memory_space<hbm>> -> memref<1048576x16xf32, #tpu.memory_space<hbm>>
    tpu.wait_indirect_dma semaphore(%arg16 : memref<!tpu.dma_semaphore, #tpu.memory_space<semaphore_mem>>) src(%dma_wait3A_1692 : memref<1048576x16xf32, #tpu.memory_space<hbm>>) dst(%dma_wait3A_1687 : memref<128x16xf32, #tpu.memory_space<vmem>>)
    %dma_wait3A_1693 = arith.constant 128 : i32
    %dma_wait3A_1694 = arith.constant 0 : i32
    %dma_wait3A_1695 = tpu.memref_slice %arg13[%dma_wait3A_1693, %dma_wait3A_1694] : memref<640x64xf32, #tpu.memory_space<vmem>> -> memref<128x64xf32, #tpu.memory_space<vmem>>
    %dma_wait3A_1696 = arith.constant 128 : i32
    %dma_wait3A_1697 = tpu.memref_slice %arg9[%dma_wait3A_1696] : memref<640xi32, #tpu.memory_space<vmem>> -> memref<128xi32, #tpu.memory_space<vmem>>
    %dma_wait3A_1698 = arith.constant 0 : i32
    %dma_wait3A_1699 = arith.constant 0 : i32
    %dma_wait3A_1700 = tpu.memref_slice %arg4[%dma_wait3A_1698, %dma_wait3A_1699] : memref<1048576x64xf32, #tpu.memory_space<hbm>> -> memref<1048576x64xf32, #tpu.memory_space<hbm>>
    tpu.wait_indirect_dma semaphore(%arg16 : memref<!tpu.dma_semaphore, #tpu.memory_space<semaphore_mem>>) src(%dma_wait3A_1700 : memref<1048576x64xf32, #tpu.memory_space<hbm>>) dst(%dma_wait3A_1695 : memref<128x64xf32, #tpu.memory_space<vmem>>)
    %dma_wait3A_1701 = arith.constant 128 : i32
    %dma_wait3A_1702 = arith.constant 0 : i32
    %dma_wait3A_1703 = tpu.memref_slice %arg15[%dma_wait3A_1701, %dma_wait3A_1702] : memref<640x16xf32, #tpu.memory_space<vmem>> -> memref<128x16xf32, #tpu.memory_space<vmem>>
    %dma_wait3A_1704 = arith.constant 128 : i32
    %dma_wait3A_1705 = tpu.memref_slice %arg11[%dma_wait3A_1704] : memref<640xi32, #tpu.memory_space<vmem>> -> memref<128xi32, #tpu.memory_space<vmem>>
    %dma_wait3A_1706 = arith.constant 0 : i32
    %dma_wait3A_1707 = arith.constant 0 : i32
    %dma_wait3A_1708 = tpu.memref_slice %arg5[%dma_wait3A_1706, %dma_wait3A_1707] : memref<1048576x16xf32, #tpu.memory_space<hbm>> -> memref<1048576x16xf32, #tpu.memory_space<hbm>>
    tpu.wait_indirect_dma semaphore(%arg16 : memref<!tpu.dma_semaphore, #tpu.memory_space<semaphore_mem>>) src(%dma_wait3A_1708 : memref<1048576x16xf32, #tpu.memory_space<hbm>>) dst(%dma_wait3A_1703 : memref<128x16xf32, #tpu.memory_space<vmem>>)
    %dma_wait3A_1709 = arith.constant 256 : i32
    %dma_wait3A_1710 = arith.constant 0 : i32
    %dma_wait3A_1711 = tpu.memref_slice %arg13[%dma_wait3A_1709, %dma_wait3A_1710] : memref<640x64xf32, #tpu.memory_space<vmem>> -> memref<128x64xf32, #tpu.memory_space<vmem>>
    %dma_wait3A_1712 = arith.constant 256 : i32
    %dma_wait3A_1713 = tpu.memref_slice %arg9[%dma_wait3A_1712] : memref<640xi32, #tpu.memory_space<vmem>> -> memref<128xi32, #tpu.memory_space<vmem>>
    %dma_wait3A_1714 = arith.constant 0 : i32
    %dma_wait3A_1715 = arith.constant 0 : i32
    %dma_wait3A_1716 = tpu.memref_slice %arg4[%dma_wait3A_1714, %dma_wait3A_1715] : memref<1048576x64xf32, #tpu.memory_space<hbm>> -> memref<1048576x64xf32, #tpu.memory_space<hbm>>
    tpu.wait_indirect_dma semaphore(%arg16 : memref<!tpu.dma_semaphore, #tpu.memory_space<semaphore_mem>>) src(%dma_wait3A_1716 : memref<1048576x64xf32, #tpu.memory_space<hbm>>) dst(%dma_wait3A_1711 : memref<128x64xf32, #tpu.memory_space<vmem>>)
    %dma_wait3A_1717 = arith.constant 256 : i32
    %dma_wait3A_1718 = arith.constant 0 : i32
    %dma_wait3A_1719 = tpu.memref_slice %arg15[%dma_wait3A_1717, %dma_wait3A_1718] : memref<640x16xf32, #tpu.memory_space<vmem>> -> memref<128x16xf32, #tpu.memory_space<vmem>>
    %dma_wait3A_1720 = arith.constant 256 : i32
    %dma_wait3A_1721 = tpu.memref_slice %arg11[%dma_wait3A_1720] : memref<640xi32, #tpu.memory_space<vmem>> -> memref<128xi32, #tpu.memory_space<vmem>>
    %dma_wait3A_1722 = arith.constant 0 : i32
    %dma_wait3A_1723 = arith.constant 0 : i32
    %dma_wait3A_1724 = tpu.memref_slice %arg5[%dma_wait3A_1722, %dma_wait3A_1723] : memref<1048576x16xf32, #tpu.memory_space<hbm>> -> memref<1048576x16xf32, #tpu.memory_space<hbm>>
    tpu.wait_indirect_dma semaphore(%arg16 : memref<!tpu.dma_semaphore, #tpu.memory_space<semaphore_mem>>) src(%dma_wait3A_1724 : memref<1048576x16xf32, #tpu.memory_space<hbm>>) dst(%dma_wait3A_1719 : memref<128x16xf32, #tpu.memory_space<vmem>>)
    %dma_wait3A_1725 = arith.constant 384 : i32
    %dma_wait3A_1726 = arith.constant 0 : i32
    %dma_wait3A_1727 = tpu.memref_slice %arg13[%dma_wait3A_1725, %dma_wait3A_1726] : memref<640x64xf32, #tpu.memory_space<vmem>> -> memref<128x64xf32, #tpu.memory_space<vmem>>
    %dma_wait3A_1728 = arith.constant 384 : i32
    %dma_wait3A_1729 = tpu.memref_slice %arg9[%dma_wait3A_1728] : memref<640xi32, #tpu.memory_space<vmem>> -> memref<128xi32, #tpu.memory_space<vmem>>
    %dma_wait3A_1730 = arith.constant 0 : i32
    %dma_wait3A_1731 = arith.constant 0 : i32
    %dma_wait3A_1732 = tpu.memref_slice %arg4[%dma_wait3A_1730, %dma_wait3A_1731] : memref<1048576x64xf32, #tpu.memory_space<hbm>> -> memref<1048576x64xf32, #tpu.memory_space<hbm>>
    tpu.wait_indirect_dma semaphore(%arg16 : memref<!tpu.dma_semaphore, #tpu.memory_space<semaphore_mem>>) src(%dma_wait3A_1732 : memref<1048576x64xf32, #tpu.memory_space<hbm>>) dst(%dma_wait3A_1727 : memref<128x64xf32, #tpu.memory_space<vmem>>)
    %dma_wait3A_1733 = arith.constant 384 : i32
    %dma_wait3A_1734 = arith.constant 0 : i32
    %dma_wait3A_1735 = tpu.memref_slice %arg15[%dma_wait3A_1733, %dma_wait3A_1734] : memref<640x16xf32, #tpu.memory_space<vmem>> -> memref<128x16xf32, #tpu.memory_space<vmem>>
    %dma_wait3A_1736 = arith.constant 384 : i32
    %dma_wait3A_1737 = tpu.memref_slice %arg11[%dma_wait3A_1736] : memref<640xi32, #tpu.memory_space<vmem>> -> memref<128xi32, #tpu.memory_space<vmem>>
    %dma_wait3A_1738 = arith.constant 0 : i32
    %dma_wait3A_1739 = arith.constant 0 : i32
    %dma_wait3A_1740 = tpu.memref_slice %arg5[%dma_wait3A_1738, %dma_wait3A_1739] : memref<1048576x16xf32, #tpu.memory_space<hbm>> -> memref<1048576x16xf32, #tpu.memory_space<hbm>>
    tpu.wait_indirect_dma semaphore(%arg16 : memref<!tpu.dma_semaphore, #tpu.memory_space<semaphore_mem>>) src(%dma_wait3A_1740 : memref<1048576x16xf32, #tpu.memory_space<hbm>>) dst(%dma_wait3A_1735 : memref<128x16xf32, #tpu.memory_space<vmem>>)
    %dma_wait3A_1741 = arith.constant 512 : i32
    %dma_wait3A_1742 = arith.constant 0 : i32
    %dma_wait3A_1743 = tpu.memref_slice %arg13[%dma_wait3A_1741, %dma_wait3A_1742] : memref<640x64xf32, #tpu.memory_space<vmem>> -> memref<128x64xf32, #tpu.memory_space<vmem>>
    %dma_wait3A_1744 = arith.constant 512 : i32
    %dma_wait3A_1745 = tpu.memref_slice %arg9[%dma_wait3A_1744] : memref<640xi32, #tpu.memory_space<vmem>> -> memref<128xi32, #tpu.memory_space<vmem>>
    %dma_wait3A_1746 = arith.constant 0 : i32
    %dma_wait3A_1747 = arith.constant 0 : i32
    %dma_wait3A_1748 = tpu.memref_slice %arg4[%dma_wait3A_1746, %dma_wait3A_1747] : memref<1048576x64xf32, #tpu.memory_space<hbm>> -> memref<1048576x64xf32, #tpu.memory_space<hbm>>
    tpu.wait_indirect_dma semaphore(%arg16 : memref<!tpu.dma_semaphore, #tpu.memory_space<semaphore_mem>>) src(%dma_wait3A_1748 : memref<1048576x64xf32, #tpu.memory_space<hbm>>) dst(%dma_wait3A_1743 : memref<128x64xf32, #tpu.memory_space<vmem>>)
    %dma_wait3A_1749 = arith.constant 512 : i32
    %dma_wait3A_1750 = arith.constant 0 : i32
    %dma_wait3A_1751 = tpu.memref_slice %arg15[%dma_wait3A_1749, %dma_wait3A_1750] : memref<640x16xf32, #tpu.memory_space<vmem>> -> memref<128x16xf32, #tpu.memory_space<vmem>>
    %dma_wait3A_1752 = arith.constant 512 : i32
    %dma_wait3A_1753 = tpu.memref_slice %arg11[%dma_wait3A_1752] : memref<640xi32, #tpu.memory_space<vmem>> -> memref<128xi32, #tpu.memory_space<vmem>>
    %dma_wait3A_1754 = arith.constant 0 : i32
    %dma_wait3A_1755 = arith.constant 0 : i32
    %dma_wait3A_1756 = tpu.memref_slice %arg5[%dma_wait3A_1754, %dma_wait3A_1755] : memref<1048576x16xf32, #tpu.memory_space<hbm>> -> memref<1048576x16xf32, #tpu.memory_space<hbm>>
    tpu.wait_indirect_dma semaphore(%arg16 : memref<!tpu.dma_semaphore, #tpu.memory_space<semaphore_mem>>) src(%dma_wait3A_1756 : memref<1048576x16xf32, #tpu.memory_space<hbm>>) dst(%dma_wait3A_1751 : memref<128x16xf32, #tpu.memory_space<vmem>>)
    %dma_start3A_1757 = arith.constant 0 : i32
    %dma_start3A_1758 = tpu.memref_slice %arg6[%add3A_1588, %dma_start3A_1757] : memref<204800x64xf32, #tpu.memory_space<hbm>> -> memref<640x64xf32, #tpu.memory_space<hbm>>
    %dma_start3A_1759 = arith.constant 0 : i32
    %dma_start3A_1760 = tpu.memref_slice %arg6[%add3A_1588, %dma_start3A_1759] : memref<204800x64xf32, #tpu.memory_space<hbm>> -> memref<640x64xf32, #tpu.memory_space<hbm>>
    tpu.enqueue_dma source(%arg13 : memref<640x64xf32, #tpu.memory_space<vmem>>) target(%dma_start3A_1760 : memref<640x64xf32, #tpu.memory_space<hbm>>) target_semaphore(%arg17 : memref<!tpu.dma_semaphore, #tpu.memory_space<semaphore_mem>>)
    %dma_start3A_1761 = arith.constant 0 : i32
    %dma_start3A_1762 = tpu.memref_slice %arg7[%add3A_1588, %dma_start3A_1761] : memref<204800x16xf32, #tpu.memory_space<hbm>> -> memref<640x16xf32, #tpu.memory_space<hbm>>
    %dma_start3A_1763 = arith.constant 0 : i32
    %dma_start3A_1764 = tpu.memref_slice %arg7[%add3A_1588, %dma_start3A_1763] : memref<204800x16xf32, #tpu.memory_space<hbm>> -> memref<640x16xf32, #tpu.memory_space<hbm>>
    tpu.enqueue_dma source(%arg15 : memref<640x16xf32, #tpu.memory_space<vmem>>) target(%dma_start3A_1764 : memref<640x16xf32, #tpu.memory_space<hbm>>) target_semaphore(%arg17 : memref<!tpu.dma_semaphore, #tpu.memory_space<semaphore_mem>>)
    %dma_wait3A_1765 = arith.constant 0 : i32
    %dma_wait3A_1766 = tpu.memref_slice %arg6[%add3A_1410, %dma_wait3A_1765] : memref<204800x64xf32, #tpu.memory_space<hbm>> -> memref<640x64xf32, #tpu.memory_space<hbm>>
    %dma_wait3A_1767 = arith.constant 0 : i32
    %dma_wait3A_1768 = tpu.memref_slice %arg6[%add3A_1410, %dma_wait3A_1767] : memref<204800x64xf32, #tpu.memory_space<hbm>> -> memref<640x64xf32, #tpu.memory_space<hbm>>
    tpu.wait_dma2 semaphore(%arg17 : memref<!tpu.dma_semaphore, #tpu.memory_space<semaphore_mem>>) src(%arg12 : memref<640x64xf32, #tpu.memory_space<vmem>>) dst(%dma_wait3A_1768 : memref<640x64xf32, #tpu.memory_space<hbm>>)
    %dma_wait3A_1769 = arith.constant 0 : i32
    %dma_wait3A_1770 = tpu.memref_slice %arg7[%add3A_1410, %dma_wait3A_1769] : memref<204800x16xf32, #tpu.memory_space<hbm>> -> memref<640x16xf32, #tpu.memory_space<hbm>>
    %dma_wait3A_1771 = arith.constant 0 : i32
    %dma_wait3A_1772 = tpu.memref_slice %arg7[%add3A_1410, %dma_wait3A_1771] : memref<204800x16xf32, #tpu.memory_space<hbm>> -> memref<640x16xf32, #tpu.memory_space<hbm>>
    tpu.wait_dma2 semaphore(%arg17 : memref<!tpu.dma_semaphore, #tpu.memory_space<semaphore_mem>>) src(%arg14 : memref<640x16xf32, #tpu.memory_space<vmem>>) dst(%dma_wait3A_1772 : memref<640x16xf32, #tpu.memory_space<hbm>>)
    %dma_wait3A_1773 = arith.constant 0 : i32
    %dma_wait3A_1774 = tpu.memref_slice %arg6[%add3A_1588, %dma_wait3A_1773] : memref<204800x64xf32, #tpu.memory_space<hbm>> -> memref<640x64xf32, #tpu.memory_space<hbm>>
    %dma_wait3A_1775 = arith.constant 0 : i32
    %dma_wait3A_1776 = tpu.memref_slice %arg6[%add3A_1588, %dma_wait3A_1775] : memref<204800x64xf32, #tpu.memory_space<hbm>> -> memref<640x64xf32, #tpu.memory_space<hbm>>
    tpu.wait_dma2 semaphore(%arg17 : memref<!tpu.dma_semaphore, #tpu.memory_space<semaphore_mem>>) src(%arg13 : memref<640x64xf32, #tpu.memory_space<vmem>>) dst(%dma_wait3A_1776 : memref<640x64xf32, #tpu.memory_space<hbm>>)
    %dma_wait3A_1777 = arith.constant 0 : i32
    %dma_wait3A_1778 = tpu.memref_slice %arg7[%add3A_1588, %dma_wait3A_1777] : memref<204800x16xf32, #tpu.memory_space<hbm>> -> memref<640x16xf32, #tpu.memory_space<hbm>>
    %dma_wait3A_1779 = arith.constant 0 : i32
    %dma_wait3A_1780 = tpu.memref_slice %arg7[%add3A_1588, %dma_wait3A_1779] : memref<204800x16xf32, #tpu.memory_space<hbm>> -> memref<640x16xf32, #tpu.memory_space<hbm>>
    tpu.wait_dma2 semaphore(%arg17 : memref<!tpu.dma_semaphore, #tpu.memory_space<semaphore_mem>>) src(%arg15 : memref<640x16xf32, #tpu.memory_space<vmem>>) dst(%dma_wait3A_1780 : memref<640x16xf32, #tpu.memory_space<hbm>>)
    return
  }
}

module attributes {stable_mosaic.version = 14 : i64} {
  func.func @_tw_body(%arg0: i32, %arg1: memref<64x2048xf32, #tpu.memory_space<vmem>>, %arg2: memref<64x2048xf32, #tpu.memory_space<vmem>>, %arg3: memref<2048x128xf32, #tpu.memory_space<vmem>>) attributes {dimension_semantics = [#tpu.dimension_semantics<arbitrary>], iteration_bounds = array<i64: 256>, scalar_prefetch = 0 : i64, scratch_operands = 0 : i64, tpu.core_type = #tpu.core_type<tc>, window_params = [{transform_indices = @transform_0, window_bounds = array<i64: 64, 2048>}, {transform_indices = @transform_1, window_bounds = array<i64: 64, 2048>}, {transform_indices = @transform_2, window_bounds = array<i64: 2048, 128>}]} {
    %get3A = arith.constant 0 : index
    %get3A_0 = arith.constant 0 : index
    %get3A_1 = vector.load %arg1[%get3A, %get3A_0] : memref<64x2048xf32, #tpu.memory_space<vmem>>, vector<64x2048xf32>
    %transpose3A = tpu.transpose %get3A_1, [1, 0] : vector<64x2048xf32> -> vector<2048x64xf32>
    %swap3A = arith.constant 0 : index
    %swap3A_2 = arith.constant 0 : index
    %swap3A_3 = vector.load %arg3[%swap3A, %swap3A_2] : memref<2048x128xf32, #tpu.memory_space<vmem>>, vector<2048x64xf32>
    tpu.vector_store %arg3[%swap3A, %swap3A_2], %transpose3A {strides = array<i32>} : memref<2048x128xf32, #tpu.memory_space<vmem>>, vector<2048x64xf32>,
    %get3A_4 = arith.constant 0 : index
    %get3A_5 = arith.constant 0 : index
    %get3A_6 = vector.load %arg2[%get3A_4, %get3A_5] : memref<64x2048xf32, #tpu.memory_space<vmem>>, vector<64x2048xf32>
    %transpose3A_7 = tpu.transpose %get3A_6, [1, 0] : vector<64x2048xf32> -> vector<2048x64xf32>
    %swap3A_8 = arith.constant 0 : index
    %swap3A_9 = arith.constant 64 : index
    %swap3A_10 = vector.load %arg3[%swap3A_8, %swap3A_9] : memref<2048x128xf32, #tpu.memory_space<vmem>>, vector<2048x64xf32>
    tpu.vector_store %arg3[%swap3A_8, %swap3A_9], %transpose3A_7 {strides = array<i32>} : memref<2048x128xf32, #tpu.memory_space<vmem>>, vector<2048x64xf32>,
    return
  }
  func.func @transform_0(%arg0: i32) -> (i32, i32) {
    %c0_i32 = arith.constant 0 : i32
    %c0_i32_0 = arith.constant 0 : i32
    return %c0_i32, %arg0 : i32, i32
  }
  func.func @transform_1(%arg0: i32) -> (i32, i32) {
    %add3A = arith.constant 256 : i32
    %add3A_0 = arith.addi %add3A, %arg0 : i32
    %c0_i32 = arith.constant 0 : i32
    %c0_i32_1 = arith.constant 0 : i32
    return %c0_i32, %add3A_0 : i32, i32
  }
  func.func @transform_2(%arg0: i32) -> (i32, i32) {
    %c0_i32 = arith.constant 0 : i32
    %c0_i32_0 = arith.constant 0 : i32
    return %arg0, %c0_i32 : i32, i32
  }
}

module attributes {stable_mosaic.version = 14 : i64} {
  func.func @_ta_body(%arg0: i32, %arg1: memref<16x2048xf32, #tpu.memory_space<vmem>>, %arg2: memref<16x2048xf32, #tpu.memory_space<vmem>>, %arg3: memref<16x2048xf32, #tpu.memory_space<vmem>>, %arg4: memref<16x2048xf32, #tpu.memory_space<vmem>>, %arg5: memref<16x2048xf32, #tpu.memory_space<vmem>>, %arg6: memref<16x2048xf32, #tpu.memory_space<vmem>>, %arg7: memref<16x2048xf32, #tpu.memory_space<vmem>>, %arg8: memref<16x2048xf32, #tpu.memory_space<vmem>>, %arg9: memref<2048x128xf32, #tpu.memory_space<vmem>>) attributes {dimension_semantics = [#tpu.dimension_semantics<arbitrary>], iteration_bounds = array<i64: 64>, scalar_prefetch = 0 : i64, scratch_operands = 0 : i64, tpu.core_type = #tpu.core_type<tc>, window_params = [{transform_indices = @transform_0, window_bounds = array<i64: 16, 2048>}, {transform_indices = @transform_1, window_bounds = array<i64: 16, 2048>}, {transform_indices = @transform_2, window_bounds = array<i64: 16, 2048>}, {transform_indices = @transform_3, window_bounds = array<i64: 16, 2048>}, {transform_indices = @transform_4, window_bounds = array<i64: 16, 2048>}, {transform_indices = @transform_5, window_bounds = array<i64: 16, 2048>}, {transform_indices = @transform_6, window_bounds = array<i64: 16, 2048>}, {transform_indices = @transform_7, window_bounds = array<i64: 16, 2048>}, {transform_indices = @transform_8, window_bounds = array<i64: 2048, 128>}]} {
    %get3A = arith.constant 0 : index
    %get3A_0 = arith.constant 0 : index
    %get3A_1 = vector.load %arg1[%get3A, %get3A_0] : memref<16x2048xf32, #tpu.memory_space<vmem>>, vector<16x2048xf32>
    %transpose3A = tpu.transpose %get3A_1, [1, 0] : vector<16x2048xf32> -> vector<2048x16xf32>
    %swap3A = arith.constant 0 : index
    %swap3A_2 = arith.constant 0 : index
    %swap3A_3 = vector.load %arg9[%swap3A, %swap3A_2] : memref<2048x128xf32, #tpu.memory_space<vmem>>, vector<2048x16xf32>
    tpu.vector_store %arg9[%swap3A, %swap3A_2], %transpose3A {strides = array<i32>} : memref<2048x128xf32, #tpu.memory_space<vmem>>, vector<2048x16xf32>,
    %get3A_4 = arith.constant 0 : index
    %get3A_5 = arith.constant 0 : index
    %get3A_6 = vector.load %arg2[%get3A_4, %get3A_5] : memref<16x2048xf32, #tpu.memory_space<vmem>>, vector<16x2048xf32>
    %transpose3A_7 = tpu.transpose %get3A_6, [1, 0] : vector<16x2048xf32> -> vector<2048x16xf32>
    %swap3A_8 = arith.constant 0 : index
    %swap3A_9 = arith.constant 16 : index
    %swap3A_10 = vector.load %arg9[%swap3A_8, %swap3A_9] : memref<2048x128xf32, #tpu.memory_space<vmem>>, vector<2048x16xf32>
    tpu.vector_store %arg9[%swap3A_8, %swap3A_9], %transpose3A_7 {strides = array<i32>} : memref<2048x128xf32, #tpu.memory_space<vmem>>, vector<2048x16xf32>,
    %get3A_11 = arith.constant 0 : index
    %get3A_12 = arith.constant 0 : index
    %get3A_13 = vector.load %arg3[%get3A_11, %get3A_12] : memref<16x2048xf32, #tpu.memory_space<vmem>>, vector<16x2048xf32>
    %transpose3A_14 = tpu.transpose %get3A_13, [1, 0] : vector<16x2048xf32> -> vector<2048x16xf32>
    %swap3A_15 = arith.constant 0 : index
    %swap3A_16 = arith.constant 32 : index
    %swap3A_17 = vector.load %arg9[%swap3A_15, %swap3A_16] : memref<2048x128xf32, #tpu.memory_space<vmem>>, vector<2048x16xf32>
    tpu.vector_store %arg9[%swap3A_15, %swap3A_16], %transpose3A_14 {strides = array<i32>} : memref<2048x128xf32, #tpu.memory_space<vmem>>, vector<2048x16xf32>,
    %get3A_18 = arith.constant 0 : index
    %get3A_19 = arith.constant 0 : index
    %get3A_20 = vector.load %arg4[%get3A_18, %get3A_19] : memref<16x2048xf32, #tpu.memory_space<vmem>>, vector<16x2048xf32>
    %transpose3A_21 = tpu.transpose %get3A_20, [1, 0] : vector<16x2048xf32> -> vector<2048x16xf32>
    %swap3A_22 = arith.constant 0 : index
    %swap3A_23 = arith.constant 48 : index
    %swap3A_24 = vector.load %arg9[%swap3A_22, %swap3A_23] : memref<2048x128xf32, #tpu.memory_space<vmem>>, vector<2048x16xf32>
    tpu.vector_store %arg9[%swap3A_22, %swap3A_23], %transpose3A_21 {strides = array<i32>} : memref<2048x128xf32, #tpu.memory_space<vmem>>, vector<2048x16xf32>,
    %get3A_25 = arith.constant 0 : index
    %get3A_26 = arith.constant 0 : index
    %get3A_27 = vector.load %arg5[%get3A_25, %get3A_26] : memref<16x2048xf32, #tpu.memory_space<vmem>>, vector<16x2048xf32>
    %transpose3A_28 = tpu.transpose %get3A_27, [1, 0] : vector<16x2048xf32> -> vector<2048x16xf32>
    %swap3A_29 = arith.constant 0 : index
    %swap3A_30 = arith.constant 64 : index
    %swap3A_31 = vector.load %arg9[%swap3A_29, %swap3A_30] : memref<2048x128xf32, #tpu.memory_space<vmem>>, vector<2048x16xf32>
    tpu.vector_store %arg9[%swap3A_29, %swap3A_30], %transpose3A_28 {strides = array<i32>} : memref<2048x128xf32, #tpu.memory_space<vmem>>, vector<2048x16xf32>,
    %get3A_32 = arith.constant 0 : index
    %get3A_33 = arith.constant 0 : index
    %get3A_34 = vector.load %arg6[%get3A_32, %get3A_33] : memref<16x2048xf32, #tpu.memory_space<vmem>>, vector<16x2048xf32>
    %transpose3A_35 = tpu.transpose %get3A_34, [1, 0] : vector<16x2048xf32> -> vector<2048x16xf32>
    %swap3A_36 = arith.constant 0 : index
    %swap3A_37 = arith.constant 80 : index
    %swap3A_38 = vector.load %arg9[%swap3A_36, %swap3A_37] : memref<2048x128xf32, #tpu.memory_space<vmem>>, vector<2048x16xf32>
    tpu.vector_store %arg9[%swap3A_36, %swap3A_37], %transpose3A_35 {strides = array<i32>} : memref<2048x128xf32, #tpu.memory_space<vmem>>, vector<2048x16xf32>,
    %get3A_39 = arith.constant 0 : index
    %get3A_40 = arith.constant 0 : index
    %get3A_41 = vector.load %arg7[%get3A_39, %get3A_40] : memref<16x2048xf32, #tpu.memory_space<vmem>>, vector<16x2048xf32>
    %transpose3A_42 = tpu.transpose %get3A_41, [1, 0] : vector<16x2048xf32> -> vector<2048x16xf32>
    %swap3A_43 = arith.constant 0 : index
    %swap3A_44 = arith.constant 96 : index
    %swap3A_45 = vector.load %arg9[%swap3A_43, %swap3A_44] : memref<2048x128xf32, #tpu.memory_space<vmem>>, vector<2048x16xf32>
    tpu.vector_store %arg9[%swap3A_43, %swap3A_44], %transpose3A_42 {strides = array<i32>} : memref<2048x128xf32, #tpu.memory_space<vmem>>, vector<2048x16xf32>,
    %get3A_46 = arith.constant 0 : index
    %get3A_47 = arith.constant 0 : index
    %get3A_48 = vector.load %arg8[%get3A_46, %get3A_47] : memref<16x2048xf32, #tpu.memory_space<vmem>>, vector<16x2048xf32>
    %transpose3A_49 = tpu.transpose %get3A_48, [1, 0] : vector<16x2048xf32> -> vector<2048x16xf32>
    %swap3A_50 = arith.constant 0 : index
    %swap3A_51 = arith.constant 112 : index
    %swap3A_52 = vector.load %arg9[%swap3A_50, %swap3A_51] : memref<2048x128xf32, #tpu.memory_space<vmem>>, vector<2048x16xf32>
    tpu.vector_store %arg9[%swap3A_50, %swap3A_51], %transpose3A_49 {strides = array<i32>} : memref<2048x128xf32, #tpu.memory_space<vmem>>, vector<2048x16xf32>,
    return
  }
  func.func @transform_0(%arg0: i32) -> (i32, i32) {
    %add3A = arith.constant 0 : i32
    %add3A_0 = arith.addi %add3A, %arg0 : i32
    %c0_i32 = arith.constant 0 : i32
    %c0_i32_1 = arith.constant 0 : i32
    return %c0_i32, %add3A_0 : i32, i32
  }
  func.func @transform_1(%arg0: i32) -> (i32, i32) {
    %add3A = arith.constant 64 : i32
    %add3A_0 = arith.addi %add3A, %arg0 : i32
    %c0_i32 = arith.constant 0 : i32
    %c0_i32_1 = arith.constant 0 : i32
    return %c0_i32, %add3A_0 : i32, i32
  }
  func.func @transform_2(%arg0: i32) -> (i32, i32) {
    %add3A = arith.constant 128 : i32
    %add3A_0 = arith.addi %add3A, %arg0 : i32
    %c0_i32 = arith.constant 0 : i32
    %c0_i32_1 = arith.constant 0 : i32
    return %c0_i32, %add3A_0 : i32, i32
  }
  func.func @transform_3(%arg0: i32) -> (i32, i32) {
    %add3A = arith.constant 192 : i32
    %add3A_0 = arith.addi %add3A, %arg0 : i32
    %c0_i32 = arith.constant 0 : i32
    %c0_i32_1 = arith.constant 0 : i32
    return %c0_i32, %add3A_0 : i32, i32
  }
  func.func @transform_4(%arg0: i32) -> (i32, i32) {
    %add3A = arith.constant 256 : i32
    %add3A_0 = arith.addi %add3A, %arg0 : i32
    %c0_i32 = arith.constant 0 : i32
    %c0_i32_1 = arith.constant 0 : i32
    return %c0_i32, %add3A_0 : i32, i32
  }
  func.func @transform_5(%arg0: i32) -> (i32, i32) {
    %add3A = arith.constant 320 : i32
    %add3A_0 = arith.addi %add3A, %arg0 : i32
    %c0_i32 = arith.constant 0 : i32
    %c0_i32_1 = arith.constant 0 : i32
    return %c0_i32, %add3A_0 : i32, i32
  }
  func.func @transform_6(%arg0: i32) -> (i32, i32) {
    %add3A = arith.constant 384 : i32
    %add3A_0 = arith.addi %add3A, %arg0 : i32
    %c0_i32 = arith.constant 0 : i32
    %c0_i32_1 = arith.constant 0 : i32
    return %c0_i32, %add3A_0 : i32, i32
  }
  func.func @transform_7(%arg0: i32) -> (i32, i32) {
    %add3A = arith.constant 448 : i32
    %add3A_0 = arith.addi %add3A, %arg0 : i32
    %c0_i32 = arith.constant 0 : i32
    %c0_i32_1 = arith.constant 0 : i32
    return %c0_i32, %add3A_0 : i32, i32
  }
  func.func @transform_8(%arg0: i32) -> (i32, i32) {
    %c0_i32 = arith.constant 0 : i32
    %c0_i32_0 = arith.constant 0 : i32
    return %arg0, %c0_i32 : i32, i32
  }
}

module attributes {stable_mosaic.version = 14 : i64} {
  func.func @_combine_body(%arg0: i32, %arg1: i32, %arg2: memref<512x64xf32, #tpu.memory_space<vmem>>, %arg3: memref<512x16xf32, #tpu.memory_space<vmem>>, %arg4: memref<64x16xf32, #tpu.memory_space<vmem>>, %arg5: memref<1x64x512xf32, #tpu.memory_space<vmem>>) attributes {dimension_semantics = [#tpu.dimension_semantics<arbitrary>, #tpu.dimension_semantics<arbitrary>], iteration_bounds = array<i64: 50, 8>, scalar_prefetch = 0 : i64, scratch_operands = 0 : i64, tpu.core_type = #tpu.core_type<tc>, window_params = [{transform_indices = @transform_0, window_bounds = array<i64: 512, 64>}, {transform_indices = @transform_1, window_bounds = array<i64: 512, 16>}, {pipeline_mode = #tpu.pipeline_mode<synchronous>, transform_indices = @transform_2, window_bounds = array<i64: 64, 16>}, {transform_indices = @transform_3, window_bounds = array<i64: 1, 64, 512>}]} {
    %get3A = arith.constant 0 : index
    %get3A_0 = arith.constant 0 : index
    %get3A_1 = vector.load %arg4[%get3A, %get3A_0] : memref<64x16xf32, #tpu.memory_space<vmem>>, vector<64x16xf32>
    %get3A_2 = arith.constant 0 : index
    %get3A_3 = arith.constant 0 : index
    %get3A_4 = vector.load %arg3[%get3A_2, %get3A_3] : memref<512x16xf32, #tpu.memory_space<vmem>>, vector<512x16xf32>
    %dot_general3A = arith.constant dense<0.000000e+00> : vector<64x512xf32>
    %dot_general3A_5 = tpu.matmul %get3A_1, %get3A_4, %dot_general3A {dimension_numbers = #tpu.dot_dimension_numbers<[1], [1], [0], [0], [0, 0, 1, 0], [], []>, transpose_lhs_hint = false} : vector<64x16xf32>, vector<512x16xf32>, vector<64x512xf32> -> vector<64x512xf32>
    %get3A_6 = arith.constant 0 : index
    %get3A_7 = arith.constant 0 : index
    %get3A_8 = vector.load %arg2[%get3A_6, %get3A_7] : memref<512x64xf32, #tpu.memory_space<vmem>>, vector<512x64xf32>
    %transpose3A = tpu.transpose %get3A_8, [1, 0] : vector<512x64xf32> -> vector<64x512xf32>
    %add3A = arith.addf %transpose3A, %dot_general3A_5 : vector<64x512xf32>
    %broadcast_in_dim3A = vector.shape_cast %add3A : vector<64x512xf32> to vector<1x64x512xf32>
    %swap3A = arith.constant 0 : index
    %swap3A_9 = arith.constant 0 : index
    %swap3A_10 = arith.constant 0 : index
    %swap3A_11 = vector.load %arg5[%swap3A, %swap3A_9, %swap3A_10] : memref<1x64x512xf32, #tpu.memory_space<vmem>>, vector<1x64x512xf32>
    tpu.vector_store %arg5[%swap3A, %swap3A_9, %swap3A_10], %broadcast_in_dim3A {strides = array<i32>} : memref<1x64x512xf32, #tpu.memory_space<vmem>>, vector<1x64x512xf32>,
    return
  }
  func.func @transform_0(%arg0: i32, %arg1: i32) -> (i32, i32) {
    %mul3A = arith.constant 8 : i32
    %mul3A_0 = arith.muli %arg0, %mul3A : i32
    %add3A = arith.addi %mul3A_0, %arg1 : i32
    %c0_i32 = arith.constant 0 : i32
    %c0_i32_1 = arith.constant 0 : i32
    return %add3A, %c0_i32 : i32, i32
  }
  func.func @transform_1(%arg0: i32, %arg1: i32) -> (i32, i32) {
    %mul3A = arith.constant 8 : i32
    %mul3A_0 = arith.muli %arg0, %mul3A : i32
    %add3A = arith.addi %mul3A_0, %arg1 : i32
    %c0_i32 = arith.constant 0 : i32
    %c0_i32_1 = arith.constant 0 : i32
    return %add3A, %c0_i32 : i32, i32
  }
  func.func @transform_2(%arg0: i32, %arg1: i32) -> (i32, i32) {
    %c0_i32 = arith.constant 0 : i32
    %c0_i32_0 = arith.constant 0 : i32
    %c0_i32_1 = arith.constant 0 : i32
    return %c0_i32, %c0_i32_0 : i32, i32
  }
  func.func @transform_3(%arg0: i32, %arg1: i32) -> (i32, i32, i32) {
    %c0_i32 = arith.constant 0 : i32
    %c0_i32_0 = arith.constant 0 : i32
    return %arg0, %c0_i32, %arg1 : i32, i32, i32
  }
}

</mosaic_0001>

<sc_bundles>
// kernel: kernel.6.cloned.1.call-start
scs
__scs_entry_jumppad:
0x0: {  	(pc) =	sbr.rel $0x88, $3  }
0x1: {  	(tag) =	ssettag $0x0;
	lr =	simm.s32 $0x1  }
0x2: {  	[smem:$0x3F9D] =	sst lr;
	_ =	strace $0xD0000000  }
0x3: {  	_ = 	snop  }
0x4: {  	_ = 	snop  }
0x5: {  	_ = 	snop  }
0x6: {  	_ = 	snop  }
0x7: {  	_ = 	snop  }
__scs_overlays_trampoline_lowered:
0x8: {  	[smem:$0x3FAC] =	sst s0  }
0x9: {  	[smem:$0x3FAD] =	sst s1  }
0xa: {  	[smem:$0x3FAE] =	sst s2  }
0xb: {  	[smem:$0x3FAF] =	sst s3  }
0xc: {  	[smem:$0x3FB0] =	sst s4  }
0xd: {  	[smem:$0x3FB1] =	sst s5  }
0xe: {  	[smem:$0x3FB2] =	sst s6  }
0xf: {  	[smem:$0x3FB3] =	sst s7  }
0x10: {  	[smem:$0x3FB4] =	sst s8  }
0x11: {  	[smem:$0x3FB5] =	sst s9;
	s0 =	simm.s32 @!p0 $0x0  }
0x12: {  	s1 =	sld [smem:$0x3F9B];
	s0 =	simm.s32 @p0 $0x1  }
0x13: {  	[smem:$0x3FB6] =	sst s0;
	s0 =	simm.s32 @!p1 $0x0  }
0x14: {  	s2 =	sld [smem:$0x3F9A];
	s0 =	simm.s32 @p1 $0x1  }
0x15: {  	[smem:$0x3FB7] =	sst s0;
	s0 =	simm.s32 @!p2 $0x0  }
0x16: {  	s3 =	sld [smem:$0x3FDB];
	s0 =	simm.s32 @p2 $0x1  }
0x17: {  	s4 =	simm.s32 $0x1BF5;
	[smem:$0x3FB9] =	sst s0  }
0x18: {  	s0 =	sld [smem:$0x3F9C];
	_ =	swait.ge [sflag:s4], $0x0  }
0x19: {  	s7 =	sld [smem:$0x3F9D]  }
0x1a: {  	s8 =	sadd.s32 $0xFFFFE003, lr  }
0x1b: {  	s9 =	sadd.s32 $0xFFFFFEF7, lr;
	s5 =	simm.s32 $0xFFFFFFFF;
	p2 =	slt.u32 s8, $0xFFFFF086  }
0x1c: {  	p1 =	slt.u32 s9, $0xF7A;
	s5 =	simm.s32 @!p2 $0x0  }
0x1d: {  	s5 =	simm.s32 @p1 $0x1;
	p0 =	seq.s32 s7, s2  }
0x1e: {  	s7 =	smul.u32 @!p0 $0xF7A, s2;
	p2 =	seq.s32 @!p0 s5, $0x0  }
0x1f: {  	s9 =	smul.u32 $0xF7A, s1;
	s8 =	simm.s32 @!p0 $0x1BF5;
	p2 =	por !p2, p0  }
0x20: {  	[sflag:s8] =	ssyncset.s32 @!p0 $0xFFFFF086;
	s6 =	sadd.s32 @!p0 s3, s7;
	s7 =	simm.s32 @!p0 $0x108  }
0x21: {  	s3 =	sadd.s32 s3, s9;
	s6 =	sadd.s32 @!p0 $0x88, s6;
	s7 =	simm.s32 @p2 $0x1082  }
0x22: {  	[simem:s7], [sflag:s8] =	dma.local @!p0 [hbm:s6], $0xF7A  }
0x23: {  	s9 =	sor.u32 $0xD0000000, s2;
	s6 =	simm.s32 $0x108;
	_ =	swait.ge @!p0 [sflag:s8], $0x0  }
0x24: {  	s3 =	sadd.s32 $0x88, s3;
	s6 =	simm.s32 @!p1 $0x1082;
	[sflag:s4] =	ssyncset.s32 $0xFFFFF086  }
0x25: {  	[simem:s6], [sflag:s4] =	dma.local [hbm:s3], $0xF7A  }
0x26: {  	[smem:$0x3F9D] =	sst s1;
	(tag) =	ssettag s2;
	_ =	strace s9  }
0x27: {  	s1 =	sld [smem:$0x3FAD]  }
0x28: {  	s2 =	sld [smem:$0x3FAE]  }
0x29: {  	s4 =	sld [smem:$0x3FB0]  }
0x2a: {  	p0 =	seq.s32 s5, $0x0;
	s5 =	sld [smem:$0x3FB1]  }
0x2b: {  	s6 =	sld [smem:$0x3FB2]  }
0x2c: {  	s7 =	sld [smem:$0x3FB3]  }
0x2d: {  	s3 =	simm.s32 $0x108;
	s8 =	sld [smem:$0x3FB4]  }
0x2e: {  	s3 =	simm.s32 @!p0 $0x1082;
	s9 =	sld [smem:$0x3FB5]  }
0x2f: {  	lr =	sadd.s32 s0, s3;
	s0 =	sld [smem:$0x3FAC]  }
0x30: {  	s3 =	sld [smem:$0x3FAF]  }
0x31: {  	[smem:$0x3FB8] =	sst s10  }
0x32: {  	s10 =	sld [smem:$0x3FB6];
	_ =	sdelay $0x3  }
0x33: {  	p0 =	seq.s32 s10, $0x1;
	s10 =	sld [smem:$0x3FB8];
	_ =	sdelay $0x3  }
0x34: {  	[smem:$0x3FB8] =	sst s10  }
0x35: {  	s10 =	sld [smem:$0x3FB7];
	_ =	sdelay $0x3  }
0x36: {  	p1 =	seq.s32 s10, $0x1;
	s10 =	sld [smem:$0x3FB8];
	_ =	sdelay $0x3  }
0x37: {  	[smem:$0x3FB8] =	sst s10  }
0x38: {  	s10 =	sld [smem:$0x3FB9]  }
0x39: {  	_ = 	snop;
	(pc) =	sbr.ind lr, $3  }
0x3a: {  	_ = 	snop  }
0x3b: {  	_ = 	snop  }
0x3c: {  	p2 =	seq.s32 s10, $0x1;
	s10 =	sld [smem:$0x3FB8]  }
0x3d: {  	_ =	shalt  }
0x3e: {  	_ =	shalt  }
0x3f: {  	_ =	shalt  }
0x40: {  	_ =	shalt  }
0x41: {  	_ =	shalt  }
0x42: {  	_ =	shalt  }
0x43: {  	_ =	shalt  }
0x44: {  	_ =	shalt  }
0x45: {  	_ =	shalt  }
0x46: {  	_ =	shalt  }
0x47: {  	_ =	shalt  }
0x48: {  	_ =	shalt  }
0x49: {  	_ =	shalt  }
0x4a: {  	_ =	shalt  }
0x4b: {  	_ =	shalt  }
0x4c: {  	_ =	shalt  }
0x4d: {  	_ =	shalt  }
0x4e: {  	_ =	shalt  }
0x4f: {  	_ =	shalt  }
0x50: {  	_ =	shalt  }
0x51: {  	_ =	shalt  }
0x52: {  	_ =	shalt  }
0x53: {  	_ =	shalt  }
0x54: {  	_ =	shalt  }
0x55: {  	_ =	shalt  }
0x56: {  	_ =	shalt  }
0x57: {  	_ =	shalt  }
0x58: {  	_ =	shalt  }
0x59: {  	_ =	shalt  }
0x5a: {  	_ =	shalt  }
0x5b: {  	_ =	shalt  }
0x5c: {  	_ =	shalt  }
0x5d: {  	_ =	shalt  }
0x5e: {  	_ =	shalt  }
0x5f: {  	_ =	shalt  }
0x60: {  	_ =	shalt  }
0x61: {  	_ =	shalt  }
0x62: {  	_ =	shalt  }
0x63: {  	_ =	shalt  }
0x64: {  	_ =	shalt  }
0x65: {  	_ =	shalt  }
0x66: {  	_ =	shalt  }
0x67: {  	_ =	shalt  }
0x68: {  	_ =	shalt  }
0x69: {  	_ =	shalt  }
0x6a: {  	_ =	shalt  }
0x6b: {  	_ =	shalt  }
0x6c: {  	_ =	shalt  }
0x6d: {  	_ =	shalt  }
0x6e: {  	_ =	shalt  }
0x6f: {  	_ =	shalt  }
0x70: {  	_ =	shalt  }
0x71: {  	_ =	shalt  }
0x72: {  	_ =	shalt  }
0x73: {  	_ =	shalt  }
0x74: {  	_ =	shalt  }
0x75: {  	_ =	shalt  }
0x76: {  	_ =	shalt  }
0x77: {  	_ =	shalt  }
0x78: {  	_ =	shalt  }
0x79: {  	_ =	shalt  }
0x7a: {  	_ =	shalt  }
0x7b: {  	_ =	shalt  }
0x7c: {  	_ =	shalt  }
0x7d: {  	_ =	shalt  }
0x7e: {  	_ =	shalt  }
0x7f: {  	_ =	shalt  }
0x80: {  	_ =	shalt  }
0x81: {  	_ =	shalt  }
0x82: {  	_ =	shalt  }
0x83: {  	_ =	shalt  }
0x84: {  	_ =	shalt  }
0x85: {  	_ =	shalt  }
0x86: {  	_ =	shalt  }
0x87: {  	_ =	shalt  }
.Lfunc_end0:
.L_simem_size_0:
called_computation_lowered:
.L_overlay_start_0:
0x88: {  	s2 =	sld [smem:$0x3FD9]  }
0x89: {  	s3 =	sld [smem:$0x3FFE];
	_ =	sdelay $0x1  }
0x8a: {  	s1 =	srdreg.scid  }
0x8b: {  	s0 =	sand.u32 $0x1, s1  }
0x8c: {  	s17 =	sshll.u32 s0, $0xA;
	s2 =	sadd.s32 s3, s2  }
0x8d: {  	s2 =	sadd.s32 s2, s17  }
0x8e: {  	[smem:$0x3FC4] =	sst s2  }
0x8f: {  	_ = 	snop  }
0x90: {  	s2 =	sld [smem:$0x3FD0];
	(tm) =	ssettm $0x1  }
0x91: {  	s18 =	sld [smem:$0x3FFB];
	_ =	sdelay $0x3  }
0x92: {  	_ =	strace s18  }
0x93: {  	s3 =	sld [smem:$0x3FFC];
	_ =	sdelay $0x3  }
0x94: {  	_ =	strace s3  }
0x95: {  	s3 =	sld [smem:$0x3FFD];
	_ =	sdelay $0x3  }
0x96: {  	_ =	strace s3  }
0x97: {  	_ =	strace $0x8FFFFFFF  }
0x98: {  	s19 =	sld [smem:$0x3FDB];
	_ =	sdelay $0x1  }
0x99: {  	s4 =	simm.s32 $_scs_section_size  }
0x9a: {  	s5 =	simm.s32 $_size__tile_overlayer_lowered;
	s6 =	simm.s32 $_tile_overlayer_lowered  }
0x9b: {  	s22 =	simm.s32 $0x1BFF;
	s21 =	sshll.u32 s6, $0x1;
	s3 =	sadd.s32 s4, s19  }
0x9c: {  	s7 =	simm.s32 $0x0;
	s20 =	sshll.u32 s5, $0x1;
	s5 =	sadd.s32 s21, s3  }
0x9d: {  	[timem:s7], [sflag:s22] =	dma.local [hbm:s5], s20  }
0x9e: {  	_ =	swait.ge [sflag:s22], s20  }
0x9f: {  	s4 =	ssub.s32 $0x0, s20;
	[sflag:s22] =	ssyncset.done $0x0  }
0xa0: {  	[sflag:s22] =	ssyncadd.s32 s4;
	_ =	sdelay $0x1  }
0xa1: {  	s23 =	simm.s32 $0x1B8B  }
0xa2: {  	_ =	swait.ge [sflag:s23], $0x1  }
0xa3: {  	[sflag:s23] =	ssyncset.done $0x0  }
0xa4: {  	s25 =	simm.s32 $0x1B8E;
	s24 =	sld [smem:$0x3FFE];
	[sflag:s23] =	ssyncadd.s32 $0xFFFFFFFF  }
0xa5: {  	s26 =	simm.s32 $execute0_lowered;
	[smem:$0x3FD2] =	sst s25  }
0xa6: {  	s5 =	sshll.u32 s26, $0x1;
	_ =	strace $0x80000046;
	[dreg:$0x1] =	wrdreg $0xFFFFFFFF  }
0xa7: {  	s28 =	simm.s32 $_size_execute0_lowered;
	s3 =	sadd.s32 s3, s5;
	[dreg:$0x0] =	wrdreg $0x0  }
0xa8: {  	s5 =	sshll.u32 s28, $0x1;
	[dreg:$0x2] =	wrdreg s3  }
0xa9: {  	[dreg:$0x3] =	wrdreg s5  }
0xaa: {  	[dreg:$0x4] =	wrdreg $0xC0  }
0xab: {  	_ =	task [dreg:s7], $0x5FFFF  }
0xac: {  	[dreg:$0x1] =	wrdreg $0xFFFFFFFF  }
0xad: {  	[dreg:$0x0] =	wrdreg $0x60  }
0xae: {  	[dreg:$0x2] =	wrdreg s24  }
0xaf: {  	[dreg:$0x3] =	wrdreg s2  }
0xb0: {  	[dreg:$0x4] =	wrdreg $0x9  }
0xb1: {  	_ =	task.clear_ibuf [dreg:s7], $0x5FFFF;
	_ =	strace $0x90000046  }
0xb2: {  	s29 =	simm.s32 $0x9;
	_ =	strace $0x80000048  }
0xb3: {  	_ =	swait.ge [sflag:s29], $0x1  }
0xb4: {  	[sflag:s29] =	ssyncadd.s32 $0xFFFFFFFF  }
0xb5: {  	_ =	strace $0x90000048  }
0xb6: {  	_ =	sfence  }
0xb7: {  	s30 =	sld [smem:$0x0];
	_ =	sdelay $0x2  }
0xb8: {  	s31 =	sshll.u32 s1, $0xD;
	s1 =	sshrl.u32 s1, $0x2  }
0xb9: {  	s3 =	sand.u32 $0x4000, s31;
	s1 =	sadd.s32 s1, s30  }
0xba: {  	s0 =	sor.u32 s3, s0;
	s1 =	sshll.u32 s1, $0x11  }
0xbb: {  	s0 =	sor.u32 s1, s0  }
0xbc: {  	s0 =	sadd.s32 $0x8F2B, s0  }
0xbd: {  	[sflag:s0] =	ssyncadd.remote.s32 $0x1  }
0xbe: {  	_ =	sfence.sel $0xFFFF  }
0xbf: {  	[dreg:$0x0] =	wrdreg $0xFFFFFFFF;
	(pc) =	sbr.abs _section_cstart, $3  }
0xc0: {  	[dreg:$0x1] =	wrdreg $0xFFFFFFFF  }
0xc1: {  	_ =	task.clear_ibuf [dreg:s7], $0x2FFFF;
	_ =	strace $0x9FFFFFFF  }
0xc2: {  	(tm) =	ssettm $0x7FFFFFFF  }
0xc3: {  	_ =	shalt  }
tec
execute0_lowered:
.L_overlay_start_1:
0x0: {  	(tag) =	ssettag $0x1  }
0x1: {  	s4 =	rddreg [dreg:$0x0]  }
0x2: {  	s1 =	srdreg.scid;
	s2 =	stileid.u32  }
0x3: {  	s0 =	rddreg [dreg:$0x1];
	s7 =	sand.u32 $0x1, s1;
	s23 =	sshll.u32 s2, $0x1  }
0x4: {  	s30 =	simm.s32 $0x2A00;
	p0 =	por $0x0, $0x0;
	s3 =	sor.u32 s7, s23  }
0x5: {  	s2 =	simm.s32 $0x0;
	s6 =	sadd.s32 $0x7000, s4;
	s8 =	smul.u32 $0x1900, s3  }
0x6: {  	s5 =	sadd.s32 $0xC00, s4;
	s1 =	sadd.s32 $0xD400, s4;
	s11 =	smul.u32 $0xC800, s3  }
0x7: {  	[smem:$0x7FF] =	sst s2;
	s7 =	ssub.s32 $0x2, s7;
	s3 =	smul.u32 $0x3200, s3  }
0x8: {  	_ =	strace $0x80000047;
	s9 =	sshrl.u32 s8, $0x3;
	s24 =	sadd.s32 s0, s11  }
0x9: {  	s25 =	sadd.s32 $0x280, s8;
	s3 =	sadd.s32 s1, s3;
	[dreg:$0x5] =	wrdreg s24  }
0xa: {  	s11 =	sadd.s32 $0x500, s8;
	s10 =	sadd.s32 s6, s9;
	[dreg:$0x6] =	wrdreg s3  }
0xb: {  	s9 =	sadd.s32 s5, s9;
	s26 =	sshrl.u32 s25, $0x3;
	[dreg:$0x3] =	wrdreg s10  }
0xc: {  	s18 =	sadd.s32 $0x780, s8;
	[dreg:$0x4] =	wrdreg s9;
	s28 =	sadd.s32 s6, s26  }
0xd: {  	s13 =	sshrl.u32 s11, $0x3;
	s29 =	sadd.s32 s5, s26;
	[dreg:$0x7] =	wrdreg s28  }
0xe: {  	s16 =	sshll.u32 s11, $0x3;
	s14 =	sadd.s32 s6, s13;
	[dreg:$0x8] =	wrdreg s29  }
0xf: {  	s17 =	sshll.u32 s11, $0x1;
	s15 =	sadd.s32 s5, s13;
	[dreg:$0xb] =	wrdreg s14  }
0x10: {  	s20 =	sshrl.u32 s18, $0x3;
	s19 =	sadd.s32 s1, s17;
	[dreg:$0xc] =	wrdreg s15  }
0x11: {  	s23 =	sshll.u32 s18, $0x3;
	s21 =	sadd.s32 s6, s20;
	[dreg:$0xe] =	wrdreg s19  }
0x12: {  	s24 =	sshll.u32 s18, $0x1;
	s22 =	sadd.s32 s5, s20;
	[dreg:$0xf] =	wrdreg s21  }
0x13: {  	s9 =	sshll.u32 s25, $0x3;
	s26 =	sadd.s32 s1, s24;
	[dreg:$0x10] =	wrdreg s22  }
0x14: {  	s10 =	sshll.u32 s25, $0x1;
	s25 =	sadd.s32 $0xA00, s8;
	[dreg:$0x12] =	wrdreg s26  }
0x15: {  	s3 =	sadd.s32 s0, s9;
	s12 =	sadd.s32 s1, s10;
	s31 =	rddreg [dreg:$0x3]  }
0x16: {  	s28 =	sshrl.u32 s25, $0x3;
	s13 =	sshll.u32 s25, $0x1;
	[dreg:$0x9] =	wrdreg s3  }
0x17: {  	s14 =	sadd.s32 $0xC80, s8;
	s21 =	sadd.s32 $0xF00, s8;
	[dreg:$0xa] =	wrdreg s12  }
0x18: {  	s3 =	sadd.s32 s0, s16;
	s29 =	sadd.s32 s6, s28;
	s11 =	sadd.s32 s5, s28  }
0x19: {  	s12 =	sshll.u32 s25, $0x3;
	s15 =	sadd.s32 s1, s13;
	[dreg:$0xd] =	wrdreg s3  }
0x1a: {  	s16 =	sshrl.u32 s14, $0x3;
	s19 =	sshll.u32 s14, $0x3;
	[dreg:$0x13] =	wrdreg s29  }
0x1b: {  	s20 =	sshll.u32 s14, $0x1;
	s26 =	sshll.u32 s21, $0x3;
	[dreg:$0x14] =	wrdreg s11  }
0x1c: {  	s28 =	sshll.u32 s21, $0x1;
	s3 =	sadd.s32 s0, s23;
	[dreg:$0x16] =	wrdreg s15  }
0x1d: {  	s17 =	sadd.s32 s6, s16;
	s18 =	sadd.s32 s5, s16;
	s22 =	sadd.s32 s1, s20  }
0x1e: {  	s23 =	sshrl.u32 s21, $0x3;
	s29 =	sadd.s32 $0x1180, s8;
	[dreg:$0x11] =	wrdreg s3  }
0x1f: {  	s9 =	sadd.s32 s1, s28;
	s16 =	sadd.s32 $0x1400, s8;
	[dreg:$0x17] =	wrdreg s17  }
0x20: {  	s8 =	sadd.s32 $0x1680, s8;
	s3 =	sadd.s32 s0, s12;
	[dreg:$0x18] =	wrdreg s18  }
0x21: {  	[dreg:$0x1a] =	wrdreg s22;
	s24 =	sadd.s32 s6, s23;
	s25 =	sadd.s32 s5, s23  }
0x22: {  	s11 =	sshrl.u32 s29, $0x3;
	[dreg:$0x1e] =	wrdreg s9;
	s14 =	sshll.u32 s29, $0x3  }
0x23: {  	s15 =	sshll.u32 s29, $0x1;
	s17 =	sshrl.u32 s16, $0x3;
	[dreg:$0x15] =	wrdreg s3  }
0x24: {  	s20 =	sshll.u32 s16, $0x3;
	s10 =	sshll.u32 s16, $0x1;
	[dreg:$0x1b] =	wrdreg s24  }
0x25: {  	s22 =	sshrl.u32 s8, $0x3;
	s3 =	sadd.s32 s0, s19;
	[dreg:$0x1c] =	wrdreg s25  }
0x26: {  	s23 =	sshrl.u32 s7, $0x1;
	s12 =	sadd.s32 s6, s11;
	[dreg:$0x19] =	wrdreg s3  }
0x27: {  	s13 =	sadd.s32 s5, s11;
	s9 =	sadd.s32 s1, s15;
	[dreg:$0x1f] =	wrdreg s12  }
0x28: {  	s18 =	sadd.s32 s6, s17;
	s19 =	sadd.s32 s5, s17;
	[smem:$0x7F3] =	sst s13  }
0x29: {  	s21 =	sadd.s32 s1, s10;
	s6 =	sadd.s32 s6, s22;
	[smem:$0x7F5] =	sst s9  }
0x2a: {  	s5 =	sadd.s32 s5, s22;
	s24 =	sshll.u32 s8, $0x3;
	[smem:$0x7F6] =	sst s18  }
0x2b: {  	s25 =	sshll.u32 s8, $0x1;
	s10 =	simm.s32 $0x3;
	[smem:$0x7F7] =	sst s19  }
0x2c: {  	s11 =	simm.s32 $0x14A00;
	s8 =	simm.s32 $0x2;
	[smem:$0x7F9] =	sst s21  }
0x2d: {  	s3 =	sadd.s32 s0, s26;
	s9 =	sadd.s32 s0, s20;
	[smem:$0x7FA] =	sst s6  }
0x2e: {  	[smem:$0x7FB] =	sst s5;
	s26 =	ssub.s32 s7, s23;
	s28 =	sadd.s32 s1, s25  }
0x2f: {  	s1 =	simm.s32 $0x500;
	s12 =	simm.s32 $0xA00;
	s29 =	smax.u32 s26, $0x1  }
0x30: {  	s5 =	simm.s32 $0x1;
	s13 =	simm.s32 $0x280;
	p1 =	sne.s32 s29, $0x1  }
.Ltmp0:
0x31: {  	s6 =	simm.s32 $0xAA00;
	[dreg:$0x1d] =	wrdreg s3;
	(pc) =	sbr.rel @!p1 .LBB2_5-.Ltmp0, $4  }
0x32: {  	s7 =	simm.s32 $0x17200;
	s3 =	sadd.s32 s0, s14;
	[smem:$0x7F8] =	sst s9  }
0x33: {  	s0 =	sadd.s32 s0, s24;
	[smem:$0x7FD] =	sst s28;
	s9 =	simm.s32 $0x80  }
0x34: {  	s14 =	simm.s32 $0x780;
	[smem:$0x7F4] =	sst s3;
	s3 =	sadd.s32 $0x80D400, s4  }
0x35: {  	s4 =	sadd.s32 $0x20D400, s4;
	[smem:$0x7FC] =	sst s0;
	s0 =	sadd.s32 $0xFFFFFFFF, s29  }
0x36: {  	[tilespmem:s2], [sflag:$0x3] =	stream.linear.gather [hbm4b:s31+s2], $0x280, $0x38;
	[tilespmem:$0x19A00] =	vst v63  }
0x37: {  	_ =	swait.ge [sflag:s10], $0x280  }
0x38: {  	[sflag:s10] =	ssyncset.done $0x0  }
0x39: {  	s31 =	rddreg [dreg:$0x4];
	[sflag:s10] =	ssyncadd.s32 $0xFFFFFD80  }
0x3a: {  	[tilespmem:s1], [sflag:$0x3] =	stream.linear.gather [hbm4b:s31+s2], $0x280, $0x38;
	[tilespmem:$0x19A00] =	vst v63  }
0x3b: {  	_ =	swait.ge [sflag:s10], $0x280  }
0x3c: {  	[sflag:s10] =	ssyncset.done $0x0  }
0x3d: {  	[sflag:s10] =	ssyncadd.s32 $0xFFFFFD80  }
0x3e: {  	[tilespmem:s12], [sflag:$0x1] =	stream.indirect.gather [hbm4b:s3+s9], $0x40, s2, s9, $0xb8;
	[tilespmem:$0x19A00] =	vst v63  }
0x3f: {  	_ = 	snop  }
0x40: {  	[tilespmem:s11], [sflag:$0x1] =	stream.indirect.gather [hbm4b:s4+s9], $0x10, s1, s9, $0xb8;
	[tilespmem:$0x19A00] =	vst v63  }
0x41: {  	_ = 	snop  }
0x42: {  	[tilespmem:s30], [sflag:$0x1] =	stream.indirect.gather [hbm4b:s3+s9], $0x40, s9, s9, $0xb8;
	[tilespmem:$0x19A00] =	vst v63  }
0x43: {  	s28 =	simm.s32 $0x580;
	s30 =	simm.s32 $0x15200  }
0x44: {  	[tilespmem:s30], [sflag:$0x1] =	stream.indirect.gather [hbm4b:s4+s9], $0x10, s28, s9, $0xb8;
	[tilespmem:$0x19A00] =	vst v63  }
0x45: {  	s25 =	simm.s32 $0x100;
	s30 =	simm.s32 $0x4A00  }
0x46: {  	[tilespmem:s30], [sflag:$0x1] =	stream.indirect.gather [hbm4b:s3+s9], $0x40, s25, s9, $0xb8;
	[tilespmem:$0x19A00] =	vst v63  }
0x47: {  	s25 =	simm.s32 $0x600;
	s30 =	simm.s32 $0x15A00  }
0x48: {  	[tilespmem:s30], [sflag:$0x1] =	stream.indirect.gather [hbm4b:s4+s9], $0x10, s25, s9, $0xb8;
	[tilespmem:$0x19A00] =	vst v63  }
0x49: {  	s25 =	simm.s32 $0x180;
	s30 =	simm.s32 $0x6A00  }
0x4a: {  	[tilespmem:s30], [sflag:$0x1] =	stream.indirect.gather [hbm4b:s3+s9], $0x40, s25, s9, $0xb8;
	[tilespmem:$0x19A00] =	vst v63  }
0x4b: {  	s25 =	simm.s32 $0x680;
	s30 =	simm.s32 $0x16200  }
0x4c: {  	[tilespmem:s30], [sflag:$0x1] =	stream.indirect.gather [hbm4b:s4+s9], $0x10, s25, s9, $0xb8;
	[tilespmem:$0x19A00] =	vst v63  }
0x4d: {  	s25 =	simm.s32 $0x200;
	s30 =	simm.s32 $0x8A00  }
0x4e: {  	[tilespmem:s30], [sflag:$0x1] =	stream.indirect.gather [hbm4b:s3+s9], $0x40, s25, s9, $0xb8;
	[tilespmem:$0x19A00] =	vst v63  }
0x4f: {  	[smem:$0x7F2] =	sst s0;
	s25 =	simm.s32 $0x700;
	s30 =	simm.s32 $0x16A00  }
0x50: {  	[tilespmem:s30], [sflag:$0x1] =	stream.indirect.gather [hbm4b:s4+s9], $0x10, s25, s9, $0xb8;
	[tilespmem:$0x19A00] =	vst v63  }
0x51: {  	_ =	swait.ge [sflag:s5], $0x2000  }
0x52: {  	[sflag:s5] =	ssyncset.done $0x0  }
0x53: {  	[sflag:s5] =	ssyncadd.s32 $0xFFFFE000  }
0x54: {  	_ =	swait.ge [sflag:s5], $0x800  }
0x55: {  	[sflag:s5] =	ssyncset.done $0x0  }
0x56: {  	[sflag:s5] =	ssyncadd.s32 $0xFFFFF800  }
0x57: {  	_ =	swait.ge [sflag:s5], $0x2000  }
0x58: {  	[sflag:s5] =	ssyncset.done $0x0  }
0x59: {  	[sflag:s5] =	ssyncadd.s32 $0xFFFFE000  }
0x5a: {  	_ =	swait.ge [sflag:s5], $0x800  }
0x5b: {  	[sflag:s5] =	ssyncset.done $0x0  }
0x5c: {  	[sflag:s5] =	ssyncadd.s32 $0xFFFFF800  }
0x5d: {  	_ =	swait.ge [sflag:s5], $0x2000  }
0x5e: {  	[sflag:s5] =	ssyncset.done $0x0  }
0x5f: {  	[sflag:s5] =	ssyncadd.s32 $0xFFFFE000  }
0x60: {  	_ =	swait.ge [sflag:s5], $0x800  }
0x61: {  	[sflag:s5] =	ssyncset.done $0x0  }
0x62: {  	[sflag:s5] =	ssyncadd.s32 $0xFFFFF800  }
0x63: {  	_ =	swait.ge [sflag:s5], $0x2000  }
0x64: {  	[sflag:s5] =	ssyncset.done $0x0  }
0x65: {  	[sflag:s5] =	ssyncadd.s32 $0xFFFFE000  }
0x66: {  	_ =	swait.ge [sflag:s5], $0x800  }
0x67: {  	[sflag:s5] =	ssyncset.done $0x0  }
0x68: {  	[sflag:s5] =	ssyncadd.s32 $0xFFFFF800  }
0x69: {  	_ =	swait.ge [sflag:s5], $0x2000  }
0x6a: {  	[sflag:s5] =	ssyncset.done $0x0  }
0x6b: {  	[sflag:s5] =	ssyncadd.s32 $0xFFFFE000  }
0x6c: {  	_ =	swait.ge [sflag:s5], $0x800  }
0x6d: {  	[sflag:s5] =	ssyncset.done $0x0  }
0x6e: {  	s31 =	rddreg [dreg:$0x5];
	[sflag:s5] =	ssyncadd.s32 $0xFFFFF800  }
0x6f: {  	[hbm4b:s31+s2] =	stream.linear.scatter [tilespmem:s12], [sflag:$0x2], $0xA000, $0x38;
	[tilespmem:$0x19A00] =	vst v63  }
0x70: {  	s30 =	rddreg [dreg:$0x6]  }
0x71: {  	[hbm4b:s30+s2] =	stream.linear.scatter [tilespmem:s11], [sflag:$0x2], $0x2800, $0x38;
	[tilespmem:$0x19A00] =	vst v63  }
0x72: {  	s31 =	rddreg [dreg:$0x7]  }
0x73: {  	[tilespmem:s13], [sflag:$0x3] =	stream.linear.gather [hbm4b:s31+s2], $0x280, $0x38;
	[tilespmem:$0x19A00] =	vst v63  }
0x74: {  	_ =	swait.ge [sflag:s10], $0x280  }
0x75: {  	[sflag:s10] =	ssyncset.done $0x0  }
0x76: {  	s30 =	rddreg [dreg:$0x8];
	[sflag:s10] =	ssyncadd.s32 $0xFFFFFD80  }
0x77: {  	[tilespmem:s14], [sflag:$0x3] =	stream.linear.gather [hbm4b:s30+s2], $0x280, $0x38;
	[tilespmem:$0x19A00] =	vst v63  }
0x78: {  	_ =	swait.ge [sflag:s10], $0x280  }
0x79: {  	[sflag:s10] =	ssyncset.done $0x0  }
0x7a: {  	[sflag:s10] =	ssyncadd.s32 $0xFFFFFD80  }
0x7b: {  	[tilespmem:s6], [sflag:$0x1] =	stream.indirect.gather [hbm4b:s3+s9], $0x40, s13, s9, $0xb8;
	[tilespmem:$0x19A00] =	vst v63  }
0x7c: {  	_ = 	snop  }
0x7d: {  	[tilespmem:s7], [sflag:$0x1] =	stream.indirect.gather [hbm4b:s4+s9], $0x10, s14, s9, $0xb8;
	[tilespmem:$0x19A00] =	vst v63  }
0x7e: {  	s26 =	simm.s32 $0xCA00;
	s14 =	simm.s32 $0x300  }
0x7f: {  	[tilespmem:s26], [sflag:$0x1] =	stream.indirect.gather [hbm4b:s3+s9], $0x40, s14, s9, $0xb8;
	[tilespmem:$0x19A00] =	vst v63  }
0x80: {  	s21 =	simm.s32 $0x800;
	s23 =	simm.s32 $0x17A00  }
0x81: {  	[tilespmem:s23], [sflag:$0x1] =	stream.indirect.gather [hbm4b:s4+s9], $0x10, s21, s9, $0xb8;
	[tilespmem:$0x19A00] =	vst v63  }
0x82: {  	s19 =	simm.s32 $0x380;
	s24 =	simm.s32 $0xEA00  }
0x83: {  	[tilespmem:s24], [sflag:$0x1] =	stream.indirect.gather [hbm4b:s3+s9], $0x40, s19, s9, $0xb8;
	[tilespmem:$0x19A00] =	vst v63  }
0x84: {  	s17 =	simm.s32 $0x880;
	s22 =	simm.s32 $0x18200  }
0x85: {  	[tilespmem:s22], [sflag:$0x1] =	stream.indirect.gather [hbm4b:s4+s9], $0x10, s17, s9, $0xb8;
	[tilespmem:$0x19A00] =	vst v63  }
0x86: {  	s15 =	simm.s32 $0x400;
	s20 =	simm.s32 $0x10A00  }
0x87: {  	[tilespmem:s20], [sflag:$0x1] =	stream.indirect.gather [hbm4b:s3+s9], $0x40, s15, s9, $0xb8;
	[tilespmem:$0x19A00] =	vst v63  }
0x88: {  	s29 =	simm.s32 $0x900;
	s18 =	simm.s32 $0x18A00  }
0x89: {  	[tilespmem:s18], [sflag:$0x1] =	stream.indirect.gather [hbm4b:s4+s9], $0x10, s29, s9, $0xb8;
	[tilespmem:$0x19A00] =	vst v63  }
0x8a: {  	s16 =	simm.s32 $0x12A00;
	s1 =	simm.s32 $0x480  }
0x8b: {  	[tilespmem:s16], [sflag:$0x1] =	stream.indirect.gather [hbm4b:s3+s9], $0x40, s1, s9, $0xb8;
	[tilespmem:$0x19A00] =	vst v63  }
0x8c: {  	s0 =	simm.s32 $0x980;
	s19 =	simm.s32 $0x19200  }
0x8d: {  	[tilespmem:s19], [sflag:$0x1] =	stream.indirect.gather [hbm4b:s4+s9], $0x10, s0, s9, $0xb8;
	[tilespmem:$0x19A00] =	vst v63  }
0x8e: {  	_ =	swait.ge [sflag:s5], $0x2000  }
0x8f: {  	[sflag:s5] =	ssyncset.done $0x0  }
0x90: {  	[sflag:s5] =	ssyncadd.s32 $0xFFFFE000  }
0x91: {  	_ =	swait.ge [sflag:s5], $0x800  }
0x92: {  	[sflag:s5] =	ssyncset.done $0x0  }
0x93: {  	[sflag:s5] =	ssyncadd.s32 $0xFFFFF800  }
0x94: {  	_ =	swait.ge [sflag:s5], $0x2000  }
0x95: {  	[sflag:s5] =	ssyncset.done $0x0  }
0x96: {  	[sflag:s5] =	ssyncadd.s32 $0xFFFFE000  }
0x97: {  	_ =	swait.ge [sflag:s5], $0x800  }
0x98: {  	[sflag:s5] =	ssyncset.done $0x0  }
0x99: {  	[sflag:s5] =	ssyncadd.s32 $0xFFFFF800  }
0x9a: {  	_ =	swait.ge [sflag:s5], $0x2000  }
0x9b: {  	[sflag:s5] =	ssyncset.done $0x0  }
0x9c: {  	[sflag:s5] =	ssyncadd.s32 $0xFFFFE000  }
0x9d: {  	_ =	swait.ge [sflag:s5], $0x800  }
0x9e: {  	[sflag:s5] =	ssyncset.done $0x0  }
0x9f: {  	[sflag:s5] =	ssyncadd.s32 $0xFFFFF800  }
0xa0: {  	_ =	swait.ge [sflag:s5], $0x2000  }
0xa1: {  	[sflag:s5] =	ssyncset.done $0x0  }
0xa2: {  	[sflag:s5] =	ssyncadd.s32 $0xFFFFE000  }
0xa3: {  	_ =	swait.ge [sflag:s5], $0x800  }
0xa4: {  	[sflag:s5] =	ssyncset.done $0x0  }
0xa5: {  	[sflag:s5] =	ssyncadd.s32 $0xFFFFF800  }
0xa6: {  	_ =	swait.ge [sflag:s5], $0x2000  }
0xa7: {  	[sflag:s5] =	ssyncset.done $0x0  }
0xa8: {  	[sflag:s5] =	ssyncadd.s32 $0xFFFFE000  }
0xa9: {  	_ =	swait.ge [sflag:s5], $0x800  }
0xaa: {  	[sflag:s5] =	ssyncset.done $0x0  }
0xab: {  	s24 =	simm.s32 $0xAA00;
	s30 =	rddreg [dreg:$0x9];
	[sflag:s5] =	ssyncadd.s32 $0xFFFFF800  }
0xac: {  	[hbm4b:s30+s2] =	stream.linear.scatter [tilespmem:s24], [sflag:$0x2], $0xA000, $0x38;
	[tilespmem:$0x19A00] =	vst v63  }
0xad: {  	s23 =	simm.s32 $0x17200;
	s31 =	rddreg [dreg:$0xa]  }
0xae: {  	[hbm4b:s31+s2] =	stream.linear.scatter [tilespmem:s23], [sflag:$0x2], $0x2800, $0x38;
	[tilespmem:$0x19A00] =	vst v63  }
0xaf: {  	s30 =	rddreg [dreg:$0xb]  }
0xb0: {  	[tilespmem:s2], [sflag:$0x3] =	stream.linear.gather [hbm4b:s30+s2], $0x280, $0x38;
	[tilespmem:$0x19A00] =	vst v63  }
0xb1: {  	_ =	swait.ge [sflag:s10], $0x280  }
0xb2: {  	[sflag:s10] =	ssyncset.done $0x0  }
0xb3: {  	s29 =	simm.s32 $0x500;
	s30 =	rddreg [dreg:$0xc];
	[sflag:s10] =	ssyncadd.s32 $0xFFFFFD80  }
0xb4: {  	[tilespmem:s29], [sflag:$0x3] =	stream.linear.gather [hbm4b:s30+s2], $0x280, $0x38;
	[tilespmem:$0x19A00] =	vst v63  }
0xb5: {  	_ =	swait.ge [sflag:s10], $0x280  }
0xb6: {  	[sflag:s10] =	ssyncset.done $0x0  }
0xb7: {  	[sflag:s10] =	ssyncadd.s32 $0xFFFFFD80  }
0xb8: {  	_ =	swait.ge [sflag:s8], $0xA000  }
0xb9: {  	[sflag:s8] =	ssyncset.done $0x0  }
0xba: {  	[sflag:s8] =	ssyncadd.s32 $0xFFFF6000  }
0xbb: {  	_ =	swait.ge [sflag:s8], $0x2800  }
0xbc: {  	[sflag:s8] =	ssyncset.done $0x0  }
0xbd: {  	s20 =	simm.s32 $0xA00;
	[sflag:s8] =	ssyncadd.s32 $0xFFFFD800  }
0xbe: {  	[tilespmem:s20], [sflag:$0x1] =	stream.indirect.gather [hbm4b:s3+s9], $0x40, s2, s9, $0xb8;
	[tilespmem:$0x19A00] =	vst v63  }
0xbf: {  	s22 =	simm.s32 $0x14A00  }
0xc0: {  	[tilespmem:s22], [sflag:$0x1] =	stream.indirect.gather [hbm4b:s4+s9], $0x10, s29, s9, $0xb8;
	[tilespmem:$0x19A00] =	vst v63  }
0xc1: {  	s25 =	simm.s32 $0x2A00  }
0xc2: {  	[tilespmem:s25], [sflag:$0x1] =	stream.indirect.gather [hbm4b:s3+s9], $0x40, s9, s9, $0xb8;
	[tilespmem:$0x19A00] =	vst v63  }
0xc3: {  	s17 =	simm.s32 $0x580;
	s0 =	simm.s32 $0x15200  }
0xc4: {  	[tilespmem:s0], [sflag:$0x1] =	stream.indirect.gather [hbm4b:s4+s9], $0x10, s17, s9, $0xb8;
	[tilespmem:$0x19A00] =	vst v63  }
0xc5: {  	s15 =	simm.s32 $0x100;
	s1 =	simm.s32 $0x4A00  }
0xc6: {  	[tilespmem:s1], [sflag:$0x1] =	stream.indirect.gather [hbm4b:s3+s9], $0x40, s15, s9, $0xb8;
	[tilespmem:$0x19A00] =	vst v63  }
0xc7: {  	s6 =	simm.s32 $0x15A00;
	s19 =	simm.s32 $0x600  }
0xc8: {  	[tilespmem:s6], [sflag:$0x1] =	stream.indirect.gather [hbm4b:s4+s9], $0x10, s19, s9, $0xb8;
	[tilespmem:$0x19A00] =	vst v63  }
0xc9: {  	s7 =	simm.s32 $0x6A00;
	s14 =	simm.s32 $0x180  }
0xca: {  	[tilespmem:s7], [sflag:$0x1] =	stream.indirect.gather [hbm4b:s3+s9], $0x40, s14, s9, $0xb8;
	[tilespmem:$0x19A00] =	vst v63  }
0xcb: {  	s11 =	simm.s32 $0x16200;
	s16 =	simm.s32 $0x680  }
0xcc: {  	[tilespmem:s11], [sflag:$0x1] =	stream.indirect.gather [hbm4b:s4+s9], $0x10, s16, s9, $0xb8;
	[tilespmem:$0x19A00] =	vst v63  }
0xcd: {  	s12 =	simm.s32 $0x8A00;
	s18 =	simm.s32 $0x200  }
0xce: {  	[tilespmem:s12], [sflag:$0x1] =	stream.indirect.gather [hbm4b:s3+s9], $0x40, s18, s9, $0xb8;
	[tilespmem:$0x19A00] =	vst v63  }
0xcf: {  	s28 =	simm.s32 $0x700;
	s25 =	simm.s32 $0x16A00  }
0xd0: {  	[tilespmem:s25], [sflag:$0x1] =	stream.indirect.gather [hbm4b:s4+s9], $0x10, s28, s9, $0xb8;
	[tilespmem:$0x19A00] =	vst v63  }
0xd1: {  	_ =	swait.ge [sflag:s5], $0x2000  }
0xd2: {  	[sflag:s5] =	ssyncset.done $0x0  }
0xd3: {  	[sflag:s5] =	ssyncadd.s32 $0xFFFFE000  }
0xd4: {  	_ =	swait.ge [sflag:s5], $0x800  }
0xd5: {  	[sflag:s5] =	ssyncset.done $0x0  }
0xd6: {  	[sflag:s5] =	ssyncadd.s32 $0xFFFFF800  }
0xd7: {  	_ =	swait.ge [sflag:s5], $0x2000  }
0xd8: {  	[sflag:s5] =	ssyncset.done $0x0  }
0xd9: {  	[sflag:s5] =	ssyncadd.s32 $0xFFFFE000  }
0xda: {  	_ =	swait.ge [sflag:s5], $0x800  }
0xdb: {  	[sflag:s5] =	ssyncset.done $0x0  }
0xdc: {  	[sflag:s5] =	ssyncadd.s32 $0xFFFFF800  }
0xdd: {  	_ =	swait.ge [sflag:s5], $0x2000  }
0xde: {  	[sflag:s5] =	ssyncset.done $0x0  }
0xdf: {  	[sflag:s5] =	ssyncadd.s32 $0xFFFFE000  }
0xe0: {  	_ =	swait.ge [sflag:s5], $0x800  }
0xe1: {  	[sflag:s5] =	ssyncset.done $0x0  }
0xe2: {  	[sflag:s5] =	ssyncadd.s32 $0xFFFFF800  }
0xe3: {  	_ =	swait.ge [sflag:s5], $0x2000  }
0xe4: {  	[sflag:s5] =	ssyncset.done $0x0  }
0xe5: {  	[sflag:s5] =	ssyncadd.s32 $0xFFFFE000  }
0xe6: {  	_ =	swait.ge [sflag:s5], $0x800  }
0xe7: {  	[sflag:s5] =	ssyncset.done $0x0  }
0xe8: {  	[sflag:s5] =	ssyncadd.s32 $0xFFFFF800  }
0xe9: {  	_ =	swait.ge [sflag:s5], $0x2000  }
0xea: {  	[sflag:s5] =	ssyncset.done $0x0  }
0xeb: {  	[sflag:s5] =	ssyncadd.s32 $0xFFFFE000  }
0xec: {  	_ =	swait.ge [sflag:s5], $0x800  }
0xed: {  	[sflag:s5] =	ssyncset.done $0x0  }
0xee: {  	s30 =	rddreg [dreg:$0xd];
	[sflag:s5] =	ssyncadd.s32 $0xFFFFF800  }
0xef: {  	[hbm4b:s30+s2] =	stream.linear.scatter [tilespmem:s20], [sflag:$0x2], $0xA000, $0x38;
	[tilespmem:$0x19A00] =	vst v63  }
0xf0: {  	s31 =	rddreg [dreg:$0xe]  }
0xf1: {  	[hbm4b:s31+s2] =	stream.linear.scatter [tilespmem:s22], [sflag:$0x2], $0x2800, $0x38;
	[tilespmem:$0x19A00] =	vst v63  }
0xf2: {  	s21 =	simm.s32 $0x280;
	s30 =	rddreg [dreg:$0xf]  }
0xf3: {  	[tilespmem:s21], [sflag:$0x3] =	stream.linear.gather [hbm4b:s30+s2], $0x280, $0x38;
	[tilespmem:$0x19A00] =	vst v63  }
0xf4: {  	_ =	swait.ge [sflag:s10], $0x280  }
0xf5: {  	[sflag:s10] =	ssyncset.done $0x0  }
0xf6: {  	s26 =	simm.s32 $0x780;
	s30 =	rddreg [dreg:$0x10];
	[sflag:s10] =	ssyncadd.s32 $0xFFFFFD80  }
0xf7: {  	[tilespmem:s26], [sflag:$0x3] =	stream.linear.gather [hbm4b:s30+s2], $0x280, $0x38;
	[tilespmem:$0x19A00] =	vst v63  }
0xf8: {  	_ =	swait.ge [sflag:s10], $0x280  }
0xf9: {  	[sflag:s10] =	ssyncset.done $0x0  }
0xfa: {  	[sflag:s10] =	ssyncadd.s32 $0xFFFFFD80  }
0xfb: {  	_ =	swait.ge [sflag:s8], $0xA000  }
0xfc: {  	[sflag:s8] =	ssyncset.done $0x0  }
0xfd: {  	[sflag:s8] =	ssyncadd.s32 $0xFFFF6000  }
0xfe: {  	_ =	swait.ge [sflag:s8], $0x2800  }
0xff: {  	[sflag:s8] =	ssyncset.done $0x0  }
0x100: {  	[sflag:s8] =	ssyncadd.s32 $0xFFFFD800  }
0x101: {  	[tilespmem:s24], [sflag:$0x1] =	stream.indirect.gather [hbm4b:s3+s9], $0x40, s21, s9, $0xb8;
	[tilespmem:$0x19A00] =	vst v63  }
0x102: {  	_ = 	snop  }
0x103: {  	[tilespmem:s23], [sflag:$0x1] =	stream.indirect.gather [hbm4b:s4+s9], $0x10, s26, s9, $0xb8;
	[tilespmem:$0x19A00] =	vst v63  }
0x104: {  	s13 =	simm.s32 $0x300;
	s28 =	simm.s32 $0xCA00  }
0x105: {  	[tilespmem:s28], [sflag:$0x1] =	stream.indirect.gather [hbm4b:s3+s9], $0x40, s13, s9, $0xb8;
	[tilespmem:$0x19A00] =	vst v63  }
0x106: {  	s25 =	simm.s32 $0x17A00;
	s28 =	simm.s32 $0x800  }
0x107: {  	[tilespmem:s25], [sflag:$0x1] =	stream.indirect.gather [hbm4b:s4+s9], $0x10, s28, s9, $0xb8;
	[tilespmem:$0x19A00] =	vst v63  }
0x108: {  	s25 =	simm.s32 $0xEA00;
	s28 =	simm.s32 $0x380  }
0x109: {  	[tilespmem:s25], [sflag:$0x1] =	stream.indirect.gather [hbm4b:s3+s9], $0x40, s28, s9, $0xb8;
	[tilespmem:$0x19A00] =	vst v63  }
0x10a: {  	s25 =	simm.s32 $0x18200;
	s28 =	simm.s32 $0x880  }
0x10b: {  	[tilespmem:s25], [sflag:$0x1] =	stream.indirect.gather [hbm4b:s4+s9], $0x10, s28, s9, $0xb8;
	[tilespmem:$0x19A00] =	vst v63  }
0x10c: {  	s25 =	simm.s32 $0x10A00;
	s28 =	simm.s32 $0x400  }
0x10d: {  	[tilespmem:s25], [sflag:$0x1] =	stream.indirect.gather [hbm4b:s3+s9], $0x40, s28, s9, $0xb8;
	[tilespmem:$0x19A00] =	vst v63  }
0x10e: {  	s28 =	simm.s32 $0x900;
	s25 =	simm.s32 $0x18A00  }
0x10f: {  	[tilespmem:s25], [sflag:$0x1] =	stream.indirect.gather [hbm4b:s4+s9], $0x10, s28, s9, $0xb8;
	[tilespmem:$0x19A00] =	vst v63  }
0x110: {  	s30 =	simm.s32 $0x12A00;
	s25 =	simm.s32 $0x480  }
0x111: {  	[tilespmem:s30], [sflag:$0x1] =	stream.indirect.gather [hbm4b:s3+s9], $0x40, s25, s9, $0xb8;
	[tilespmem:$0x19A00] =	vst v63  }
0x112: {  	s25 =	simm.s32 $0x19200;
	s30 =	simm.s32 $0x980  }
0x113: {  	[tilespmem:s25], [sflag:$0x1] =	stream.indirect.gather [hbm4b:s4+s9], $0x10, s30, s9, $0xb8;
	[tilespmem:$0x19A00] =	vst v63  }
0x114: {  	_ =	swait.ge [sflag:s5], $0x2000  }
0x115: {  	[sflag:s5] =	ssyncset.done $0x0  }
0x116: {  	[sflag:s5] =	ssyncadd.s32 $0xFFFFE000  }
0x117: {  	_ =	swait.ge [sflag:s5], $0x800  }
0x118: {  	[sflag:s5] =	ssyncset.done $0x0  }
0x119: {  	[sflag:s5] =	ssyncadd.s32 $0xFFFFF800  }
0x11a: {  	_ =	swait.ge [sflag:s5], $0x2000  }
0x11b: {  	[sflag:s5] =	ssyncset.done $0x0  }
0x11c: {  	[sflag:s5] =	ssyncadd.s32 $0xFFFFE000  }
0x11d: {  	_ =	swait.ge [sflag:s5], $0x800  }
0x11e: {  	[sflag:s5] =	ssyncset.done $0x0  }
0x11f: {  	[sflag:s5] =	ssyncadd.s32 $0xFFFFF800  }
0x120: {  	_ =	swait.ge [sflag:s5], $0x2000  }
0x121: {  	[sflag:s5] =	ssyncset.done $0x0  }
0x122: {  	[sflag:s5] =	ssyncadd.s32 $0xFFFFE000  }
0x123: {  	_ =	swait.ge [sflag:s5], $0x800  }
0x124: {  	[sflag:s5] =	ssyncset.done $0x0  }
0x125: {  	[sflag:s5] =	ssyncadd.s32 $0xFFFFF800  }
0x126: {  	_ =	swait.ge [sflag:s5], $0x2000  }
0x127: {  	[sflag:s5] =	ssyncset.done $0x0  }
0x128: {  	[sflag:s5] =	ssyncadd.s32 $0xFFFFE000  }
0x129: {  	_ =	swait.ge [sflag:s5], $0x800  }
0x12a: {  	[sflag:s5] =	ssyncset.done $0x0  }
0x12b: {  	[sflag:s5] =	ssyncadd.s32 $0xFFFFF800  }
0x12c: {  	_ =	swait.ge [sflag:s5], $0x2000  }
0x12d: {  	[sflag:s5] =	ssyncset.done $0x0  }
0x12e: {  	[sflag:s5] =	ssyncadd.s32 $0xFFFFE000  }
0x12f: {  	_ =	swait.ge [sflag:s5], $0x800  }
0x130: {  	[sflag:s5] =	ssyncset.done $0x0  }
0x131: {  	s30 =	rddreg [dreg:$0x11];
	[sflag:s5] =	ssyncadd.s32 $0xFFFFF800  }
0x132: {  	[hbm4b:s30+s2] =	stream.linear.scatter [tilespmem:s24], [sflag:$0x2], $0xA000, $0x38;
	[tilespmem:$0x19A00] =	vst v63  }
0x133: {  	s31 =	rddreg [dreg:$0x12]  }
0x134: {  	[hbm4b:s31+s2] =	stream.linear.scatter [tilespmem:s23], [sflag:$0x2], $0x2800, $0x38;
	[tilespmem:$0x19A00] =	vst v63  }
0x135: {  	s30 =	rddreg [dreg:$0x13]  }
0x136: {  	[tilespmem:s2], [sflag:$0x3] =	stream.linear.gather [hbm4b:s30+s2], $0x280, $0x38;
	[tilespmem:$0x19A00] =	vst v63  }
0x137: {  	_ =	swait.ge [sflag:s10], $0x280  }
0x138: {  	[sflag:s10] =	ssyncset.done $0x0  }
0x139: {  	s30 =	rddreg [dreg:$0x14];
	[sflag:s10] =	ssyncadd.s32 $0xFFFFFD80  }
0x13a: {  	[tilespmem:s29], [sflag:$0x3] =	stream.linear.gather [hbm4b:s30+s2], $0x280, $0x38;
	[tilespmem:$0x19A00] =	vst v63  }
0x13b: {  	_ =	swait.ge [sflag:s10], $0x280  }
0x13c: {  	[sflag:s10] =	ssyncset.done $0x0  }
0x13d: {  	[sflag:s10] =	ssyncadd.s32 $0xFFFFFD80  }
0x13e: {  	_ =	swait.ge [sflag:s8], $0xA000  }
0x13f: {  	[sflag:s8] =	ssyncset.done $0x0  }
0x140: {  	[sflag:s8] =	ssyncadd.s32 $0xFFFF6000  }
0x141: {  	_ =	swait.ge [sflag:s8], $0x2800  }
0x142: {  	[sflag:s8] =	ssyncset.done $0x0  }
0x143: {  	[sflag:s8] =	ssyncadd.s32 $0xFFFFD800  }
0x144: {  	[tilespmem:s20], [sflag:$0x1] =	stream.indirect.gather [hbm4b:s3+s9], $0x40, s2, s9, $0xb8;
	[tilespmem:$0x19A00] =	vst v63  }
0x145: {  	_ = 	snop  }
0x146: {  	[tilespmem:s22], [sflag:$0x1] =	stream.indirect.gather [hbm4b:s4+s9], $0x10, s29, s9, $0xb8;
	[tilespmem:$0x19A00] =	vst v63  }
0x147: {  	s29 =	simm.s32 $0x2A00  }
0x148: {  	[tilespmem:s29], [sflag:$0x1] =	stream.indirect.gather [hbm4b:s3+s9], $0x40, s9, s9, $0xb8;
	[tilespmem:$0x19A00] =	vst v63  }
0x149: {  	_ = 	snop  }
0x14a: {  	[tilespmem:s0], [sflag:$0x1] =	stream.indirect.gather [hbm4b:s4+s9], $0x10, s17, s9, $0xb8;
	[tilespmem:$0x19A00] =	vst v63  }
0x14b: {  	_ = 	snop  }
0x14c: {  	[tilespmem:s1], [sflag:$0x1] =	stream.indirect.gather [hbm4b:s3+s9], $0x40, s15, s9, $0xb8;
	[tilespmem:$0x19A00] =	vst v63  }
0x14d: {  	_ = 	snop  }
0x14e: {  	[tilespmem:s6], [sflag:$0x1] =	stream.indirect.gather [hbm4b:s4+s9], $0x10, s19, s9, $0xb8;
	[tilespmem:$0x19A00] =	vst v63  }
0x14f: {  	_ = 	snop  }
0x150: {  	[tilespmem:s7], [sflag:$0x1] =	stream.indirect.gather [hbm4b:s3+s9], $0x40, s14, s9, $0xb8;
	[tilespmem:$0x19A00] =	vst v63  }
0x151: {  	_ = 	snop  }
0x152: {  	[tilespmem:s11], [sflag:$0x1] =	stream.indirect.gather [hbm4b:s4+s9], $0x10, s16, s9, $0xb8;
	[tilespmem:$0x19A00] =	vst v63  }
0x153: {  	_ = 	snop  }
0x154: {  	[tilespmem:s12], [sflag:$0x1] =	stream.indirect.gather [hbm4b:s3+s9], $0x40, s18, s9, $0xb8;
	[tilespmem:$0x19A00] =	vst v63  }
0x155: {  	s19 =	simm.s32 $0x700;
	s14 =	simm.s32 $0x16A00  }
0x156: {  	[tilespmem:s14], [sflag:$0x1] =	stream.indirect.gather [hbm4b:s4+s9], $0x10, s19, s9, $0xb8;
	[tilespmem:$0x19A00] =	vst v63  }
0x157: {  	_ =	swait.ge [sflag:s5], $0x2000  }
0x158: {  	[sflag:s5] =	ssyncset.done $0x0  }
0x159: {  	[sflag:s5] =	ssyncadd.s32 $0xFFFFE000  }
0x15a: {  	_ =	swait.ge [sflag:s5], $0x800  }
0x15b: {  	[sflag:s5] =	ssyncset.done $0x0  }
0x15c: {  	[sflag:s5] =	ssyncadd.s32 $0xFFFFF800  }
0x15d: {  	_ =	swait.ge [sflag:s5], $0x2000  }
0x15e: {  	[sflag:s5] =	ssyncset.done $0x0  }
0x15f: {  	[sflag:s5] =	ssyncadd.s32 $0xFFFFE000  }
0x160: {  	_ =	swait.ge [sflag:s5], $0x800  }
0x161: {  	[sflag:s5] =	ssyncset.done $0x0  }
0x162: {  	[sflag:s5] =	ssyncadd.s32 $0xFFFFF800  }
0x163: {  	_ =	swait.ge [sflag:s5], $0x2000  }
0x164: {  	[sflag:s5] =	ssyncset.done $0x0  }
0x165: {  	[sflag:s5] =	ssyncadd.s32 $0xFFFFE000  }
0x166: {  	_ =	swait.ge [sflag:s5], $0x800  }
0x167: {  	[sflag:s5] =	ssyncset.done $0x0  }
0x168: {  	[sflag:s5] =	ssyncadd.s32 $0xFFFFF800  }
0x169: {  	_ =	swait.ge [sflag:s5], $0x2000  }
0x16a: {  	[sflag:s5] =	ssyncset.done $0x0  }
0x16b: {  	[sflag:s5] =	ssyncadd.s32 $0xFFFFE000  }
0x16c: {  	_ =	swait.ge [sflag:s5], $0x800  }
0x16d: {  	[sflag:s5] =	ssyncset.done $0x0  }
0x16e: {  	[sflag:s5] =	ssyncadd.s32 $0xFFFFF800  }
0x16f: {  	_ =	swait.ge [sflag:s5], $0x2000  }
0x170: {  	[sflag:s5] =	ssyncset.done $0x0  }
0x171: {  	[sflag:s5] =	ssyncadd.s32 $0xFFFFE000  }
0x172: {  	_ =	swait.ge [sflag:s5], $0x800  }
0x173: {  	[sflag:s5] =	ssyncset.done $0x0  }
0x174: {  	s30 =	rddreg [dreg:$0x15];
	[sflag:s5] =	ssyncadd.s32 $0xFFFFF800  }
0x175: {  	[hbm4b:s30+s2] =	stream.linear.scatter [tilespmem:s20], [sflag:$0x2], $0xA000, $0x38;
	[tilespmem:$0x19A00] =	vst v63  }
0x176: {  	s31 =	rddreg [dreg:$0x16]  }
0x177: {  	[hbm4b:s31+s2] =	stream.linear.scatter [tilespmem:s22], [sflag:$0x2], $0x2800, $0x38;
	[tilespmem:$0x19A00] =	vst v63  }
0x178: {  	s30 =	rddreg [dreg:$0x17]  }
0x179: {  	[tilespmem:s21], [sflag:$0x3] =	stream.linear.gather [hbm4b:s30+s2], $0x280, $0x38;
	[tilespmem:$0x19A00] =	vst v63  }
0x17a: {  	_ =	swait.ge [sflag:s10], $0x280  }
0x17b: {  	[sflag:s10] =	ssyncset.done $0x0  }
0x17c: {  	s30 =	rddreg [dreg:$0x18];
	[sflag:s10] =	ssyncadd.s32 $0xFFFFFD80  }
0x17d: {  	[tilespmem:s26], [sflag:$0x3] =	stream.linear.gather [hbm4b:s30+s2], $0x280, $0x38;
	[tilespmem:$0x19A00] =	vst v63  }
0x17e: {  	_ =	swait.ge [sflag:s10], $0x280  }
0x17f: {  	[sflag:s10] =	ssyncset.done $0x0  }
0x180: {  	[sflag:s10] =	ssyncadd.s32 $0xFFFFFD80  }
0x181: {  	_ =	swait.ge [sflag:s8], $0xA000  }
0x182: {  	[sflag:s8] =	ssyncset.done $0x0  }
0x183: {  	[sflag:s8] =	ssyncadd.s32 $0xFFFF6000  }
0x184: {  	_ =	swait.ge [sflag:s8], $0x2800  }
0x185: {  	[sflag:s8] =	ssyncset.done $0x0  }
0x186: {  	[sflag:s8] =	ssyncadd.s32 $0xFFFFD800  }
0x187: {  	[tilespmem:s24], [sflag:$0x1] =	stream.indirect.gather [hbm4b:s3+s9], $0x40, s21, s9, $0xb8;
	[tilespmem:$0x19A00] =	vst v63  }
0x188: {  	s14 =	simm.s32 $0x780  }
0x189: {  	[tilespmem:s23], [sflag:$0x1] =	stream.indirect.gather [hbm4b:s4+s9], $0x10, s14, s9, $0xb8;
	[tilespmem:$0x19A00] =	vst v63  }
0x18a: {  	s11 =	simm.s32 $0xCA00  }
0x18b: {  	[tilespmem:s11], [sflag:$0x1] =	stream.indirect.gather [hbm4b:s3+s9], $0x40, s13, s9, $0xb8;
	[tilespmem:$0x19A00] =	vst v63  }
0x18c: {  	s19 =	simm.s32 $0x17A00;
	s13 =	simm.s32 $0x800  }
0x18d: {  	[tilespmem:s19], [sflag:$0x1] =	stream.indirect.gather [hbm4b:s4+s9], $0x10, s13, s9, $0xb8;
	[tilespmem:$0x19A00] =	vst v63  }
0x18e: {  	s26 =	simm.s32 $0xEA00;
	s21 =	simm.s32 $0x380  }
0x18f: {  	[tilespmem:s26], [sflag:$0x1] =	stream.indirect.gather [hbm4b:s3+s9], $0x40, s21, s9, $0xb8;
	[tilespmem:$0x19A00] =	vst v63  }
0x190: {  	s19 =	simm.s32 $0x880;
	s21 =	simm.s32 $0x18200  }
0x191: {  	[tilespmem:s21], [sflag:$0x1] =	stream.indirect.gather [hbm4b:s4+s9], $0x10, s19, s9, $0xb8;
	[tilespmem:$0x19A00] =	vst v63  }
0x192: {  	s13 =	simm.s32 $0x400;
	s21 =	simm.s32 $0x10A00  }
0x193: {  	[tilespmem:s21], [sflag:$0x1] =	stream.indirect.gather [hbm4b:s3+s9], $0x40, s13, s9, $0xb8;
	[tilespmem:$0x19A00] =	vst v63  }
0x194: {  	s21 =	simm.s32 $0x18A00  }
0x195: {  	[tilespmem:s21], [sflag:$0x1] =	stream.indirect.gather [hbm4b:s4+s9], $0x10, s28, s9, $0xb8;
	[tilespmem:$0x19A00] =	vst v63  }
0x196: {  	s13 =	simm.s32 $0x480;
	s21 =	simm.s32 $0x12A00  }
0x197: {  	[tilespmem:s21], [sflag:$0x1] =	stream.indirect.gather [hbm4b:s3+s9], $0x40, s13, s9, $0xb8;
	[tilespmem:$0x19A00] =	vst v63  }
0x198: {  	s25 =	simm.s32 $0x980;
	s21 =	simm.s32 $0x19200  }
0x199: {  	[tilespmem:s21], [sflag:$0x1] =	stream.indirect.gather [hbm4b:s4+s9], $0x10, s25, s9, $0xb8;
	[tilespmem:$0x19A00] =	vst v63  }
0x19a: {  	_ =	swait.ge [sflag:s5], $0x2000  }
0x19b: {  	[sflag:s5] =	ssyncset.done $0x0  }
0x19c: {  	[sflag:s5] =	ssyncadd.s32 $0xFFFFE000  }
0x19d: {  	_ =	swait.ge [sflag:s5], $0x800  }
0x19e: {  	[sflag:s5] =	ssyncset.done $0x0  }
0x19f: {  	[sflag:s5] =	ssyncadd.s32 $0xFFFFF800  }
0x1a0: {  	_ =	swait.ge [sflag:s5], $0x2000  }
0x1a1: {  	[sflag:s5] =	ssyncset.done $0x0  }
0x1a2: {  	[sflag:s5] =	ssyncadd.s32 $0xFFFFE000  }
0x1a3: {  	_ =	swait.ge [sflag:s5], $0x800  }
0x1a4: {  	[sflag:s5] =	ssyncset.done $0x0  }
0x1a5: {  	[sflag:s5] =	ssyncadd.s32 $0xFFFFF800  }
0x1a6: {  	_ =	swait.ge [sflag:s5], $0x2000  }
0x1a7: {  	[sflag:s5] =	ssyncset.done $0x0  }
0x1a8: {  	[sflag:s5] =	ssyncadd.s32 $0xFFFFE000  }
0x1a9: {  	_ =	swait.ge [sflag:s5], $0x800  }
0x1aa: {  	[sflag:s5] =	ssyncset.done $0x0  }
0x1ab: {  	[sflag:s5] =	ssyncadd.s32 $0xFFFFF800  }
0x1ac: {  	_ =	swait.ge [sflag:s5], $0x2000  }
0x1ad: {  	[sflag:s5] =	ssyncset.done $0x0  }
0x1ae: {  	[sflag:s5] =	ssyncadd.s32 $0xFFFFE000  }
0x1af: {  	_ =	swait.ge [sflag:s5], $0x800  }
0x1b0: {  	[sflag:s5] =	ssyncset.done $0x0  }
0x1b1: {  	[sflag:s5] =	ssyncadd.s32 $0xFFFFF800  }
0x1b2: {  	_ =	swait.ge [sflag:s5], $0x2000  }
0x1b3: {  	[sflag:s5] =	ssyncset.done $0x0  }
0x1b4: {  	[sflag:s5] =	ssyncadd.s32 $0xFFFFE000  }
0x1b5: {  	_ =	swait.ge [sflag:s5], $0x800  }
0x1b6: {  	[sflag:s5] =	ssyncset.done $0x0  }
0x1b7: {  	s30 =	rddreg [dreg:$0x19];
	[sflag:s5] =	ssyncadd.s32 $0xFFFFF800  }
0x1b8: {  	[hbm4b:s30+s2] =	stream.linear.scatter [tilespmem:s24], [sflag:$0x2], $0xA000, $0x38;
	[tilespmem:$0x19A00] =	vst v63  }
0x1b9: {  	s31 =	rddreg [dreg:$0x1a]  }
0x1ba: {  	[hbm4b:s31+s2] =	stream.linear.scatter [tilespmem:s23], [sflag:$0x2], $0x2800, $0x38;
	[tilespmem:$0x19A00] =	vst v63  }
0x1bb: {  	s30 =	rddreg [dreg:$0x1b]  }
0x1bc: {  	[tilespmem:s2], [sflag:$0x3] =	stream.linear.gather [hbm4b:s30+s2], $0x280, $0x38;
	[tilespmem:$0x19A00] =	vst v63  }
0x1bd: {  	_ =	swait.ge [sflag:s10], $0x280  }
0x1be: {  	[sflag:s10] =	ssyncset.done $0x0  }
0x1bf: {  	s1 =	simm.s32 $0x500;
	s30 =	rddreg [dreg:$0x1c];
	[sflag:s10] =	ssyncadd.s32 $0xFFFFFD80  }
0x1c0: {  	[tilespmem:s1], [sflag:$0x3] =	stream.linear.gather [hbm4b:s30+s2], $0x280, $0x38;
	[tilespmem:$0x19A00] =	vst v63  }
0x1c1: {  	_ =	swait.ge [sflag:s10], $0x280  }
0x1c2: {  	[sflag:s10] =	ssyncset.done $0x0  }
0x1c3: {  	[sflag:s10] =	ssyncadd.s32 $0xFFFFFD80  }
0x1c4: {  	_ =	swait.ge [sflag:s8], $0xA000  }
0x1c5: {  	[sflag:s8] =	ssyncset.done $0x0  }
0x1c6: {  	[sflag:s8] =	ssyncadd.s32 $0xFFFF6000  }
0x1c7: {  	_ =	swait.ge [sflag:s8], $0x2800  }
0x1c8: {  	[sflag:s8] =	ssyncset.done $0x0  }
0x1c9: {  	[sflag:s8] =	ssyncadd.s32 $0xFFFFD800  }
0x1ca: {  	[tilespmem:s20], [sflag:$0x1] =	stream.indirect.gather [hbm4b:s3+s9], $0x40, s2, s9, $0xb8;
	[tilespmem:$0x19A00] =	vst v63  }
0x1cb: {  	_ = 	snop  }
0x1cc: {  	[tilespmem:s22], [sflag:$0x1] =	stream.indirect.gather [hbm4b:s4+s9], $0x10, s1, s9, $0xb8;
	[tilespmem:$0x19A00] =	vst v63  }
0x1cd: {  	s29 =	simm.s32 $0x2A00  }
0x1ce: {  	[tilespmem:s29], [sflag:$0x1] =	stream.indirect.gather [hbm4b:s3+s9], $0x40, s9, s9, $0xb8;
	[tilespmem:$0x19A00] =	vst v63  }
0x1cf: {  	s0 =	simm.s32 $0x580;
	s29 =	simm.s32 $0x15200  }
0x1d0: {  	[tilespmem:s29], [sflag:$0x1] =	stream.indirect.gather [hbm4b:s4+s9], $0x10, s0, s9, $0xb8;
	[tilespmem:$0x19A00] =	vst v63  }
0x1d1: {  	s15 =	simm.s32 $0x100;
	s13 =	simm.s32 $0x4A00  }
0x1d2: {  	[tilespmem:s13], [sflag:$0x1] =	stream.indirect.gather [hbm4b:s3+s9], $0x40, s15, s9, $0xb8;
	[tilespmem:$0x19A00] =	vst v63  }
0x1d3: {  	s17 =	simm.s32 $0x600;
	s21 =	simm.s32 $0x15A00  }
0x1d4: {  	[tilespmem:s21], [sflag:$0x1] =	stream.indirect.gather [hbm4b:s4+s9], $0x10, s17, s9, $0xb8;
	[tilespmem:$0x19A00] =	vst v63  }
0x1d5: {  	s7 =	simm.s32 $0x180;
	s29 =	simm.s32 $0x6A00  }
0x1d6: {  	[tilespmem:s29], [sflag:$0x1] =	stream.indirect.gather [hbm4b:s3+s9], $0x40, s7, s9, $0xb8;
	[tilespmem:$0x19A00] =	vst v63  }
0x1d7: {  	s6 =	simm.s32 $0x16200;
	s16 =	simm.s32 $0x680  }
0x1d8: {  	[tilespmem:s6], [sflag:$0x1] =	stream.indirect.gather [hbm4b:s4+s9], $0x10, s16, s9, $0xb8;
	[tilespmem:$0x19A00] =	vst v63  }
0x1d9: {  	s18 =	simm.s32 $0x200;
	s13 =	simm.s32 $0x8A00  }
0x1da: {  	[tilespmem:s13], [sflag:$0x1] =	stream.indirect.gather [hbm4b:s3+s9], $0x40, s18, s9, $0xb8;
	[tilespmem:$0x19A00] =	vst v63  }
0x1db: {  	s12 =	simm.s32 $0x16A00;
	s15 =	simm.s32 $0x700  }
0x1dc: {  	[tilespmem:s12], [sflag:$0x1] =	stream.indirect.gather [hbm4b:s4+s9], $0x10, s15, s9, $0xb8;
	[tilespmem:$0x19A00] =	vst v63  }
0x1dd: {  	_ =	swait.ge [sflag:s5], $0x2000  }
0x1de: {  	[sflag:s5] =	ssyncset.done $0x0  }
0x1df: {  	[sflag:s5] =	ssyncadd.s32 $0xFFFFE000  }
0x1e0: {  	_ =	swait.ge [sflag:s5], $0x800  }
0x1e1: {  	[sflag:s5] =	ssyncset.done $0x0  }
0x1e2: {  	[sflag:s5] =	ssyncadd.s32 $0xFFFFF800  }
0x1e3: {  	_ =	swait.ge [sflag:s5], $0x2000  }
0x1e4: {  	[sflag:s5] =	ssyncset.done $0x0  }
0x1e5: {  	[sflag:s5] =	ssyncadd.s32 $0xFFFFE000  }
0x1e6: {  	_ =	swait.ge [sflag:s5], $0x800  }
0x1e7: {  	[sflag:s5] =	ssyncset.done $0x0  }
0x1e8: {  	[sflag:s5] =	ssyncadd.s32 $0xFFFFF800  }
0x1e9: {  	_ =	swait.ge [sflag:s5], $0x2000  }
0x1ea: {  	[sflag:s5] =	ssyncset.done $0x0  }
0x1eb: {  	[sflag:s5] =	ssyncadd.s32 $0xFFFFE000  }
0x1ec: {  	_ =	swait.ge [sflag:s5], $0x800  }
0x1ed: {  	[sflag:s5] =	ssyncset.done $0x0  }
0x1ee: {  	[sflag:s5] =	ssyncadd.s32 $0xFFFFF800  }
0x1ef: {  	_ =	swait.ge [sflag:s5], $0x2000  }
0x1f0: {  	[sflag:s5] =	ssyncset.done $0x0  }
0x1f1: {  	[sflag:s5] =	ssyncadd.s32 $0xFFFFE000  }
0x1f2: {  	_ =	swait.ge [sflag:s5], $0x800  }
0x1f3: {  	[sflag:s5] =	ssyncset.done $0x0  }
0x1f4: {  	[sflag:s5] =	ssyncadd.s32 $0xFFFFF800  }
0x1f5: {  	_ =	swait.ge [sflag:s5], $0x2000  }
0x1f6: {  	[sflag:s5] =	ssyncset.done $0x0  }
0x1f7: {  	[sflag:s5] =	ssyncadd.s32 $0xFFFFE000  }
0x1f8: {  	_ =	swait.ge [sflag:s5], $0x800  }
0x1f9: {  	[sflag:s5] =	ssyncset.done $0x0  }
0x1fa: {  	s30 =	rddreg [dreg:$0x1d];
	[sflag:s5] =	ssyncadd.s32 $0xFFFFF800  }
0x1fb: {  	[hbm4b:s30+s2] =	stream.linear.scatter [tilespmem:s20], [sflag:$0x2], $0xA000, $0x38;
	[tilespmem:$0x19A00] =	vst v63  }
0x1fc: {  	s31 =	rddreg [dreg:$0x1e]  }
0x1fd: {  	[hbm4b:s31+s2] =	stream.linear.scatter [tilespmem:s22], [sflag:$0x2], $0x2800, $0x38;
	[tilespmem:$0x19A00] =	vst v63  }
0x1fe: {  	s13 =	simm.s32 $0x280;
	s30 =	rddreg [dreg:$0x1f]  }
0x1ff: {  	[tilespmem:s13], [sflag:$0x3] =	stream.linear.gather [hbm4b:s30+s2], $0x280, $0x38;
	[tilespmem:$0x19A00] =	vst v63  }
0x200: {  	_ =	swait.ge [sflag:s10], $0x280  }
0x201: {  	s30 =	sld [smem:$0x7F3]  }
0x202: {  	[sflag:s10] =	ssyncset.done $0x0  }
0x203: {  	[sflag:s10] =	ssyncadd.s32 $0xFFFFFD80  }
0x204: {  	[tilespmem:s14], [sflag:$0x3] =	stream.linear.gather [hbm4b:s30+s2], $0x280, $0x38;
	[tilespmem:$0x19A00] =	vst v63  }
0x205: {  	_ =	swait.ge [sflag:s10], $0x280  }
0x206: {  	[sflag:s10] =	ssyncset.done $0x0  }
0x207: {  	[sflag:s10] =	ssyncadd.s32 $0xFFFFFD80  }
0x208: {  	_ =	swait.ge [sflag:s8], $0xA000  }
0x209: {  	[sflag:s8] =	ssyncset.done $0x0  }
0x20a: {  	[sflag:s8] =	ssyncadd.s32 $0xFFFF6000  }
0x20b: {  	_ =	swait.ge [sflag:s8], $0x2800  }
0x20c: {  	[sflag:s8] =	ssyncset.done $0x0  }
0x20d: {  	[sflag:s8] =	ssyncadd.s32 $0xFFFFD800  }
0x20e: {  	[tilespmem:s24], [sflag:$0x1] =	stream.indirect.gather [hbm4b:s3+s9], $0x40, s13, s9, $0xb8;
	[tilespmem:$0x19A00] =	vst v63  }
0x20f: {  	_ = 	snop  }
0x210: {  	[tilespmem:s23], [sflag:$0x1] =	stream.indirect.gather [hbm4b:s4+s9], $0x10, s14, s9, $0xb8;
	[tilespmem:$0x19A00] =	vst v63  }
0x211: {  	s11 =	simm.s32 $0x300;
	s16 =	simm.s32 $0xCA00  }
0x212: {  	[tilespmem:s16], [sflag:$0x1] =	stream.indirect.gather [hbm4b:s3+s9], $0x40, s11, s9, $0xb8;
	[tilespmem:$0x19A00] =	vst v63  }
0x213: {  	s20 =	simm.s32 $0x17A00;
	s22 =	simm.s32 $0x800  }
0x214: {  	[tilespmem:s20], [sflag:$0x1] =	stream.indirect.gather [hbm4b:s4+s9], $0x10, s22, s9, $0xb8;
	[tilespmem:$0x19A00] =	vst v63  }
0x215: {  	s26 =	simm.s32 $0x380;
	s6 =	simm.s32 $0xEA00  }
0x216: {  	[tilespmem:s6], [sflag:$0x1] =	stream.indirect.gather [hbm4b:s3+s9], $0x40, s26, s9, $0xb8;
	[tilespmem:$0x19A00] =	vst v63  }
0x217: {  	s19 =	simm.s32 $0x880;
	s11 =	simm.s32 $0x18200  }
0x218: {  	[tilespmem:s11], [sflag:$0x1] =	stream.indirect.gather [hbm4b:s4+s9], $0x10, s19, s9, $0xb8;
	[tilespmem:$0x19A00] =	vst v63  }
0x219: {  	s15 =	simm.s32 $0x10A00;
	s6 =	simm.s32 $0x400  }
0x21a: {  	[tilespmem:s15], [sflag:$0x1] =	stream.indirect.gather [hbm4b:s3+s9], $0x40, s6, s9, $0xb8;
	[tilespmem:$0x19A00] =	vst v63  }
0x21b: {  	s16 =	simm.s32 $0x18A00  }
0x21c: {  	[tilespmem:s16], [sflag:$0x1] =	stream.indirect.gather [hbm4b:s4+s9], $0x10, s28, s9, $0xb8;
	[tilespmem:$0x19A00] =	vst v63  }
0x21d: {  	s0 =	simm.s32 $0x480;
	s28 =	simm.s32 $0x12A00  }
0x21e: {  	[tilespmem:s28], [sflag:$0x1] =	stream.indirect.gather [hbm4b:s3+s9], $0x40, s0, s9, $0xb8;
	[tilespmem:$0x19A00] =	vst v63  }
0x21f: {  	s25 =	simm.s32 $0x980;
	s15 =	simm.s32 $0x19200  }
0x220: {  	[tilespmem:s15], [sflag:$0x1] =	stream.indirect.gather [hbm4b:s4+s9], $0x10, s25, s9, $0xb8;
	[tilespmem:$0x19A00] =	vst v63  }
0x221: {  	_ =	swait.ge [sflag:s5], $0x2000  }
0x222: {  	[sflag:s5] =	ssyncset.done $0x0  }
0x223: {  	[sflag:s5] =	ssyncadd.s32 $0xFFFFE000  }
0x224: {  	_ =	swait.ge [sflag:s5], $0x800  }
0x225: {  	[sflag:s5] =	ssyncset.done $0x0  }
0x226: {  	[sflag:s5] =	ssyncadd.s32 $0xFFFFF800  }
0x227: {  	_ =	swait.ge [sflag:s5], $0x2000  }
0x228: {  	[sflag:s5] =	ssyncset.done $0x0  }
0x229: {  	[sflag:s5] =	ssyncadd.s32 $0xFFFFE000  }
0x22a: {  	_ =	swait.ge [sflag:s5], $0x800  }
0x22b: {  	[sflag:s5] =	ssyncset.done $0x0  }
0x22c: {  	[sflag:s5] =	ssyncadd.s32 $0xFFFFF800  }
0x22d: {  	_ =	swait.ge [sflag:s5], $0x2000  }
0x22e: {  	[sflag:s5] =	ssyncset.done $0x0  }
0x22f: {  	[sflag:s5] =	ssyncadd.s32 $0xFFFFE000  }
0x230: {  	_ =	swait.ge [sflag:s5], $0x800  }
0x231: {  	[sflag:s5] =	ssyncset.done $0x0  }
0x232: {  	[sflag:s5] =	ssyncadd.s32 $0xFFFFF800  }
0x233: {  	_ =	swait.ge [sflag:s5], $0x2000  }
0x234: {  	[sflag:s5] =	ssyncset.done $0x0  }
0x235: {  	[sflag:s5] =	ssyncadd.s32 $0xFFFFE000  }
0x236: {  	_ =	swait.ge [sflag:s5], $0x800  }
0x237: {  	[sflag:s5] =	ssyncset.done $0x0  }
0x238: {  	[sflag:s5] =	ssyncadd.s32 $0xFFFFF800  }
0x239: {  	_ =	swait.ge [sflag:s5], $0x2000  }
0x23a: {  	[sflag:s5] =	ssyncset.done $0x0  }
0x23b: {  	[sflag:s5] =	ssyncadd.s32 $0xFFFFE000  }
0x23c: {  	_ =	swait.ge [sflag:s5], $0x800  }
0x23d: {  	s30 =	sld [smem:$0x7F4]  }
0x23e: {  	[sflag:s5] =	ssyncset.done $0x0  }
0x23f: {  	s31 =	sld [smem:$0x7F5];
	[sflag:s5] =	ssyncadd.s32 $0xFFFFF800  }
0x240: {  	[hbm4b:s30+s2] =	stream.linear.scatter [tilespmem:s24], [sflag:$0x2], $0xA000, $0x38;
	[tilespmem:$0x19A00] =	vst v63  }
0x241: {  	s30 =	sld [smem:$0x7F6]  }
0x242: {  	[hbm4b:s31+s2] =	stream.linear.scatter [tilespmem:s23], [sflag:$0x2], $0x2800, $0x38;
	[tilespmem:$0x19A00] =	vst v63  }
0x243: {  	_ = 	snop  }
0x244: {  	[tilespmem:s2], [sflag:$0x3] =	stream.linear.gather [hbm4b:s30+s2], $0x280, $0x38;
	[tilespmem:$0x19A00] =	vst v63  }
0x245: {  	_ =	swait.ge [sflag:s10], $0x280  }
0x246: {  	s30 =	sld [smem:$0x7F7]  }
0x247: {  	[sflag:s10] =	ssyncset.done $0x0  }
0x248: {  	[sflag:s10] =	ssyncadd.s32 $0xFFFFFD80  }
0x249: {  	[tilespmem:s1], [sflag:$0x3] =	stream.linear.gather [hbm4b:s30+s2], $0x280, $0x38;
	[tilespmem:$0x19A00] =	vst v63  }
0x24a: {  	_ =	swait.ge [sflag:s10], $0x280  }
0x24b: {  	[sflag:s10] =	ssyncset.done $0x0  }
0x24c: {  	[sflag:s10] =	ssyncadd.s32 $0xFFFFFD80  }
0x24d: {  	_ =	swait.ge [sflag:s8], $0xA000  }
0x24e: {  	[sflag:s8] =	ssyncset.done $0x0  }
0x24f: {  	[sflag:s8] =	ssyncadd.s32 $0xFFFF6000  }
0x250: {  	_ =	swait.ge [sflag:s8], $0x2800  }
0x251: {  	[sflag:s8] =	ssyncset.done $0x0  }
0x252: {  	s12 =	simm.s32 $0xA00;
	[sflag:s8] =	ssyncadd.s32 $0xFFFFD800  }
0x253: {  	[tilespmem:s12], [sflag:$0x1] =	stream.indirect.gather [hbm4b:s3+s9], $0x40, s2, s9, $0xb8;
	[tilespmem:$0x19A00] =	vst v63  }
0x254: {  	s11 =	simm.s32 $0x14A00  }
0x255: {  	[tilespmem:s11], [sflag:$0x1] =	stream.indirect.gather [hbm4b:s4+s9], $0x10, s1, s9, $0xb8;
	[tilespmem:$0x19A00] =	vst v63  }
0x256: {  	s23 =	simm.s32 $0x2A00  }
0x257: {  	[tilespmem:s23], [sflag:$0x1] =	stream.indirect.gather [hbm4b:s3+s9], $0x40, s9, s9, $0xb8;
	[tilespmem:$0x19A00] =	vst v63  }
0x258: {  	s30 =	simm.s32 $0x15200;
	s23 =	simm.s32 $0x580  }
0x259: {  	[tilespmem:s30], [sflag:$0x1] =	stream.indirect.gather [hbm4b:s4+s9], $0x10, s23, s9, $0xb8;
	[tilespmem:$0x19A00] =	vst v63  }
0x25a: {  	s23 =	simm.s32 $0x100;
	s30 =	simm.s32 $0x4A00  }
0x25b: {  	[tilespmem:s30], [sflag:$0x1] =	stream.indirect.gather [hbm4b:s3+s9], $0x40, s23, s9, $0xb8;
	[tilespmem:$0x19A00] =	vst v63  }
0x25c: {  	s17 =	simm.s32 $0x15A00;
	s23 =	simm.s32 $0x600  }
0x25d: {  	[tilespmem:s17], [sflag:$0x1] =	stream.indirect.gather [hbm4b:s4+s9], $0x10, s23, s9, $0xb8;
	[tilespmem:$0x19A00] =	vst v63  }
0x25e: {  	s7 =	simm.s32 $0x6A00;
	s23 =	simm.s32 $0x180  }
0x25f: {  	[tilespmem:s7], [sflag:$0x1] =	stream.indirect.gather [hbm4b:s3+s9], $0x40, s23, s9, $0xb8;
	[tilespmem:$0x19A00] =	vst v63  }
0x260: {  	s17 =	simm.s32 $0x680;
	s23 =	simm.s32 $0x16200  }
0x261: {  	[tilespmem:s23], [sflag:$0x1] =	stream.indirect.gather [hbm4b:s4+s9], $0x10, s17, s9, $0xb8;
	[tilespmem:$0x19A00] =	vst v63  }
0x262: {  	s18 =	simm.s32 $0x8A00;
	s23 =	simm.s32 $0x200  }
0x263: {  	[tilespmem:s18], [sflag:$0x1] =	stream.indirect.gather [hbm4b:s3+s9], $0x40, s23, s9, $0xb8;
	[tilespmem:$0x19A00] =	vst v63  }
0x264: {  	s21 =	simm.s32 $0x700;
	s17 =	simm.s32 $0x16A00  }
0x265: {  	[tilespmem:s17], [sflag:$0x1] =	stream.indirect.gather [hbm4b:s4+s9], $0x10, s21, s9, $0xb8;
	[tilespmem:$0x19A00] =	vst v63  }
0x266: {  	_ =	swait.ge [sflag:s5], $0x2000  }
0x267: {  	[sflag:s5] =	ssyncset.done $0x0  }
0x268: {  	[sflag:s5] =	ssyncadd.s32 $0xFFFFE000  }
0x269: {  	_ =	swait.ge [sflag:s5], $0x800  }
0x26a: {  	[sflag:s5] =	ssyncset.done $0x0  }
0x26b: {  	[sflag:s5] =	ssyncadd.s32 $0xFFFFF800  }
0x26c: {  	_ =	swait.ge [sflag:s5], $0x2000  }
0x26d: {  	[sflag:s5] =	ssyncset.done $0x0  }
0x26e: {  	[sflag:s5] =	ssyncadd.s32 $0xFFFFE000  }
0x26f: {  	_ =	swait.ge [sflag:s5], $0x800  }
0x270: {  	[sflag:s5] =	ssyncset.done $0x0  }
0x271: {  	[sflag:s5] =	ssyncadd.s32 $0xFFFFF800  }
0x272: {  	_ =	swait.ge [sflag:s5], $0x2000  }
0x273: {  	[sflag:s5] =	ssyncset.done $0x0  }
0x274: {  	[sflag:s5] =	ssyncadd.s32 $0xFFFFE000  }
0x275: {  	_ =	swait.ge [sflag:s5], $0x800  }
0x276: {  	[sflag:s5] =	ssyncset.done $0x0  }
0x277: {  	[sflag:s5] =	ssyncadd.s32 $0xFFFFF800  }
0x278: {  	_ =	swait.ge [sflag:s5], $0x2000  }
0x279: {  	[sflag:s5] =	ssyncset.done $0x0  }
0x27a: {  	[sflag:s5] =	ssyncadd.s32 $0xFFFFE000  }
0x27b: {  	_ =	swait.ge [sflag:s5], $0x800  }
0x27c: {  	[sflag:s5] =	ssyncset.done $0x0  }
0x27d: {  	[sflag:s5] =	ssyncadd.s32 $0xFFFFF800  }
0x27e: {  	_ =	swait.ge [sflag:s5], $0x2000  }
0x27f: {  	[sflag:s5] =	ssyncset.done $0x0  }
0x280: {  	[sflag:s5] =	ssyncadd.s32 $0xFFFFE000  }
0x281: {  	_ =	swait.ge [sflag:s5], $0x800  }
0x282: {  	s30 =	sld [smem:$0x7F8]  }
0x283: {  	[sflag:s5] =	ssyncset.done $0x0  }
0x284: {  	s31 =	sld [smem:$0x7F9];
	[sflag:s5] =	ssyncadd.s32 $0xFFFFF800  }
0x285: {  	[hbm4b:s30+s2] =	stream.linear.scatter [tilespmem:s12], [sflag:$0x2], $0xA000, $0x38;
	[tilespmem:$0x19A00] =	vst v63  }
0x286: {  	s30 =	sld [smem:$0x7FA]  }
0x287: {  	[hbm4b:s31+s2] =	stream.linear.scatter [tilespmem:s11], [sflag:$0x2], $0x2800, $0x38;
	[tilespmem:$0x19A00] =	vst v63  }
0x288: {  	_ = 	snop  }
0x289: {  	[tilespmem:s13], [sflag:$0x3] =	stream.linear.gather [hbm4b:s30+s2], $0x280, $0x38;
	[tilespmem:$0x19A00] =	vst v63  }
0x28a: {  	_ =	swait.ge [sflag:s10], $0x280  }
0x28b: {  	s30 =	sld [smem:$0x7FB]  }
0x28c: {  	[sflag:s10] =	ssyncset.done $0x0  }
0x28d: {  	[sflag:s10] =	ssyncadd.s32 $0xFFFFFD80  }
0x28e: {  	[tilespmem:s14], [sflag:$0x3] =	stream.linear.gather [hbm4b:s30+s2], $0x280, $0x38;
	[tilespmem:$0x19A00] =	vst v63  }
0x28f: {  	_ =	swait.ge [sflag:s10], $0x280  }
0x290: {  	[sflag:s10] =	ssyncset.done $0x0  }
0x291: {  	[sflag:s10] =	ssyncadd.s32 $0xFFFFFD80  }
0x292: {  	_ =	swait.ge [sflag:s8], $0xA000  }
0x293: {  	[sflag:s8] =	ssyncset.done $0x0  }
0x294: {  	[sflag:s8] =	ssyncadd.s32 $0xFFFF6000  }
0x295: {  	_ =	swait.ge [sflag:s8], $0x2800  }
0x296: {  	[sflag:s8] =	ssyncset.done $0x0  }
0x297: {  	[sflag:s8] =	ssyncadd.s32 $0xFFFFD800  }
0x298: {  	[tilespmem:s24], [sflag:$0x1] =	stream.indirect.gather [hbm4b:s3+s9], $0x40, s13, s9, $0xb8;
	[tilespmem:$0x19A00] =	vst v63  }
0x299: {  	s7 =	simm.s32 $0x17200  }
0x29a: {  	[tilespmem:s7], [sflag:$0x1] =	stream.indirect.gather [hbm4b:s4+s9], $0x10, s14, s9, $0xb8;
	[tilespmem:$0x19A00] =	vst v63  }
0x29b: {  	s29 =	simm.s32 $0xCA00;
	s18 =	simm.s32 $0x300  }
0x29c: {  	[tilespmem:s29], [sflag:$0x1] =	stream.indirect.gather [hbm4b:s3+s9], $0x40, s18, s9, $0xb8;
	[tilespmem:$0x19A00] =	vst v63  }
0x29d: {  	s22 =	simm.s32 $0x17A00;
	s21 =	simm.s32 $0x800  }
0x29e: {  	[tilespmem:s22], [sflag:$0x1] =	stream.indirect.gather [hbm4b:s4+s9], $0x10, s21, s9, $0xb8;
	[tilespmem:$0x19A00] =	vst v63  }
0x29f: {  	s20 =	simm.s32 $0xEA00;
	s23 =	simm.s32 $0x380  }
0x2a0: {  	[tilespmem:s20], [sflag:$0x1] =	stream.indirect.gather [hbm4b:s3+s9], $0x40, s23, s9, $0xb8;
	[tilespmem:$0x19A00] =	vst v63  }
0x2a1: {  	s19 =	simm.s32 $0x18200;
	s24 =	simm.s32 $0x880  }
0x2a2: {  	[tilespmem:s19], [sflag:$0x1] =	stream.indirect.gather [hbm4b:s4+s9], $0x10, s24, s9, $0xb8;
	[tilespmem:$0x19A00] =	vst v63  }
0x2a3: {  	s26 =	simm.s32 $0x10A00  }
0x2a4: {  	[tilespmem:s26], [sflag:$0x1] =	stream.indirect.gather [hbm4b:s3+s9], $0x40, s6, s9, $0xb8;
	[tilespmem:$0x19A00] =	vst v63  }
0x2a5: {  	s16 =	simm.s32 $0x18A00;
	s26 =	simm.s32 $0x900  }
0x2a6: {  	[tilespmem:s16], [sflag:$0x1] =	stream.indirect.gather [hbm4b:s4+s9], $0x10, s26, s9, $0xb8;
	[tilespmem:$0x19A00] =	vst v63  }
0x2a7: {  	s28 =	simm.s32 $0x12A00  }
0x2a8: {  	[tilespmem:s28], [sflag:$0x1] =	stream.indirect.gather [hbm4b:s3+s9], $0x40, s0, s9, $0xb8;
	[tilespmem:$0x19A00] =	vst v63  }
0x2a9: {  	s15 =	simm.s32 $0x19200;
	s25 =	simm.s32 $0x980  }
0x2aa: {  	[tilespmem:s15], [sflag:$0x1] =	stream.indirect.gather [hbm4b:s4+s9], $0x10, s25, s9, $0xb8;
	[tilespmem:$0x19A00] =	vst v63  }
0x2ab: {  	_ =	swait.ge [sflag:s5], $0x2000  }
0x2ac: {  	[sflag:s5] =	ssyncset.done $0x0  }
0x2ad: {  	[sflag:s5] =	ssyncadd.s32 $0xFFFFE000  }
0x2ae: {  	_ =	swait.ge [sflag:s5], $0x800  }
0x2af: {  	[sflag:s5] =	ssyncset.done $0x0  }
0x2b0: {  	[sflag:s5] =	ssyncadd.s32 $0xFFFFF800  }
0x2b1: {  	_ =	swait.ge [sflag:s5], $0x2000  }
0x2b2: {  	[sflag:s5] =	ssyncset.done $0x0  }
0x2b3: {  	[sflag:s5] =	ssyncadd.s32 $0xFFFFE000  }
0x2b4: {  	_ =	swait.ge [sflag:s5], $0x800  }
0x2b5: {  	[sflag:s5] =	ssyncset.done $0x0  }
0x2b6: {  	[sflag:s5] =	ssyncadd.s32 $0xFFFFF800  }
0x2b7: {  	_ =	swait.ge [sflag:s5], $0x2000  }
0x2b8: {  	[sflag:s5] =	ssyncset.done $0x0  }
0x2b9: {  	[sflag:s5] =	ssyncadd.s32 $0xFFFFE000  }
0x2ba: {  	_ =	swait.ge [sflag:s5], $0x800  }
0x2bb: {  	[sflag:s5] =	ssyncset.done $0x0  }
0x2bc: {  	[sflag:s5] =	ssyncadd.s32 $0xFFFFF800  }
0x2bd: {  	_ =	swait.ge [sflag:s5], $0x2000  }
0x2be: {  	[sflag:s5] =	ssyncset.done $0x0  }
0x2bf: {  	[sflag:s5] =	ssyncadd.s32 $0xFFFFE000  }
0x2c0: {  	_ =	swait.ge [sflag:s5], $0x800  }
0x2c1: {  	[sflag:s5] =	ssyncset.done $0x0  }
0x2c2: {  	[sflag:s5] =	ssyncadd.s32 $0xFFFFF800  }
0x2c3: {  	_ =	swait.ge [sflag:s5], $0x2000  }
0x2c4: {  	[sflag:s5] =	ssyncset.done $0x0  }
0x2c5: {  	[sflag:s5] =	ssyncadd.s32 $0xFFFFE000  }
0x2c6: {  	_ =	swait.ge [sflag:s5], $0x800  }
0x2c7: {  	s30 =	sld [smem:$0x7FC]  }
0x2c8: {  	[sflag:s5] =	ssyncset.done $0x0  }
0x2c9: {  	s6 =	simm.s32 $0xAA00;
	s31 =	sld [smem:$0x7FD];
	[sflag:s5] =	ssyncadd.s32 $0xFFFFF800  }
0x2ca: {  	[hbm4b:s30+s2] =	stream.linear.scatter [tilespmem:s6], [sflag:$0x2], $0xA000, $0x38;
	[tilespmem:$0x19A00] =	vst v63  }
0x2cb: {  	_ = 	snop  }
0x2cc: {  	[hbm4b:s31+s2] =	stream.linear.scatter [tilespmem:s7], [sflag:$0x2], $0x2800, $0x38;
	[tilespmem:$0x19A00] =	vst v63  }
0x2cd: {  	_ =	swait.ge [sflag:s8], $0xA000  }
0x2ce: {  	[sflag:s8] =	ssyncset.done $0x0  }
0x2cf: {  	[sflag:s8] =	ssyncadd.s32 $0xFFFF6000  }
0x2d0: {  	_ =	swait.ge [sflag:s8], $0x2800  }
0x2d1: {  	[sflag:s8] =	ssyncset.done $0x0  }
0x2d2: {  	[sflag:s8] =	ssyncadd.s32 $0xFFFFD800  }
0x2d3: {  	_ =	swait.ge [sflag:s8], $0xA000  }
0x2d4: {  	s29 =	sld [smem:$0x7F2];
	_ =	sdelay $0x2  }
0x2d5: {  	p1 =	sne.s32 s29, $0x1  }
.Ltmp1:
0x2d6: {  	_ = 	snop;
	(pc) =	sbr.rel @!p1 .LBB2_2-.Ltmp1, $4  }
0x2d7: {  	[sflag:s8] =	ssyncset.done $0x0  }
0x2d8: {  	[sflag:s8] =	ssyncadd.s32 $0xFFFF6000  }
0x2d9: {  	p0 =	por $0x1, $0x1;
	_ =	swait.ge [sflag:s8], $0x2800  }
0x2da: {  	s30 =	sadd.s32 $0xFFFFFFFF, s29;
	s31 =	rddreg [dreg:$0x3];
	[sflag:s8] =	ssyncset.done $0x0  }
.LBB2_3:
0x2db: {  	[sflag:s8] =	ssyncadd.s32 $0xFFFFD800  }
0x2dc: {  	[tilespmem:s2], [sflag:$0x3] =	stream.linear.gather [hbm4b:s31+s2], $0x280, $0x38;
	[tilespmem:$0x19A00] =	vst v63  }
0x2dd: {  	_ =	swait.ge [sflag:s10], $0x280  }
0x2de: {  	[sflag:s10] =	ssyncset.done $0x0  }
0x2df: {  	s31 =	rddreg [dreg:$0x4];
	[sflag:s10] =	ssyncadd.s32 $0xFFFFFD80  }
0x2e0: {  	[tilespmem:s1], [sflag:$0x3] =	stream.linear.gather [hbm4b:s31+s2], $0x280, $0x38;
	[tilespmem:$0x19A00] =	vst v63  }
0x2e1: {  	_ =	swait.ge [sflag:s10], $0x280  }
0x2e2: {  	[sflag:s10] =	ssyncset.done $0x0  }
0x2e3: {  	[sflag:s10] =	ssyncadd.s32 $0xFFFFFD80  }
0x2e4: {  	[tilespmem:s12], [sflag:$0x1] =	stream.indirect.gather [hbm4b:s3+s9], $0x40, s2, s9, $0xb8;
	[tilespmem:$0x19A00] =	vst v63  }
0x2e5: {  	_ = 	snop  }
0x2e6: {  	[tilespmem:s11], [sflag:$0x1] =	stream.indirect.gather [hbm4b:s4+s9], $0x10, s1, s9, $0xb8;
	[tilespmem:$0x19A00] =	vst v63  }
0x2e7: {  	s0 =	simm.s32 $0x2A00  }
0x2e8: {  	[tilespmem:s0], [sflag:$0x1] =	stream.indirect.gather [hbm4b:s3+s9], $0x40, s9, s9, $0xb8;
	[tilespmem:$0x19A00] =	vst v63  }
0x2e9: {  	s15 =	simm.s32 $0x15200;
	s1 =	simm.s32 $0x580  }
0x2ea: {  	[tilespmem:s15], [sflag:$0x1] =	stream.indirect.gather [hbm4b:s4+s9], $0x10, s1, s9, $0xb8;
	[tilespmem:$0x19A00] =	vst v63  }
0x2eb: {  	s16 =	simm.s32 $0x100;
	s19 =	simm.s32 $0x4A00  }
0x2ec: {  	[tilespmem:s19], [sflag:$0x1] =	stream.indirect.gather [hbm4b:s3+s9], $0x40, s16, s9, $0xb8;
	[tilespmem:$0x19A00] =	vst v63  }
0x2ed: {  	s21 =	simm.s32 $0x600;
	s22 =	simm.s32 $0x15A00  }
0x2ee: {  	[tilespmem:s22], [sflag:$0x1] =	stream.indirect.gather [hbm4b:s4+s9], $0x10, s21, s9, $0xb8;
	[tilespmem:$0x19A00] =	vst v63  }
0x2ef: {  	s23 =	simm.s32 $0x180;
	s24 =	simm.s32 $0x6A00  }
0x2f0: {  	[tilespmem:s24], [sflag:$0x1] =	stream.indirect.gather [hbm4b:s3+s9], $0x40, s23, s9, $0xb8;
	[tilespmem:$0x19A00] =	vst v63  }
0x2f1: {  	s25 =	simm.s32 $0x680;
	s26 =	simm.s32 $0x16200  }
0x2f2: {  	[tilespmem:s26], [sflag:$0x1] =	stream.indirect.gather [hbm4b:s4+s9], $0x10, s25, s9, $0xb8;
	[tilespmem:$0x19A00] =	vst v63  }
0x2f3: {  	s28 =	simm.s32 $0x200;
	s29 =	simm.s32 $0x8A00  }
0x2f4: {  	[tilespmem:s29], [sflag:$0x1] =	stream.indirect.gather [hbm4b:s3+s9], $0x40, s28, s9, $0xb8;
	[tilespmem:$0x19A00] =	vst v63  }
0x2f5: {  	s1 =	simm.s32 $0x700;
	s29 =	simm.s32 $0x16A00  }
0x2f6: {  	[tilespmem:s29], [sflag:$0x1] =	stream.indirect.gather [hbm4b:s4+s9], $0x10, s1, s9, $0xb8;
	[tilespmem:$0x19A00] =	vst v63  }
0x2f7: {  	_ =	swait.ge [sflag:s5], $0x2000  }
0x2f8: {  	[sflag:s5] =	ssyncset.done $0x0  }
0x2f9: {  	[sflag:s5] =	ssyncadd.s32 $0xFFFFE000  }
0x2fa: {  	_ =	swait.ge [sflag:s5], $0x800  }
0x2fb: {  	[sflag:s5] =	ssyncset.done $0x0  }
0x2fc: {  	[sflag:s5] =	ssyncadd.s32 $0xFFFFF800  }
0x2fd: {  	_ =	swait.ge [sflag:s5], $0x2000  }
0x2fe: {  	[sflag:s5] =	ssyncset.done $0x0  }
0x2ff: {  	[sflag:s5] =	ssyncadd.s32 $0xFFFFE000  }
0x300: {  	_ =	swait.ge [sflag:s5], $0x800  }
0x301: {  	[sflag:s5] =	ssyncset.done $0x0  }
0x302: {  	[sflag:s5] =	ssyncadd.s32 $0xFFFFF800  }
0x303: {  	_ =	swait.ge [sflag:s5], $0x2000  }
0x304: {  	[sflag:s5] =	ssyncset.done $0x0  }
0x305: {  	[sflag:s5] =	ssyncadd.s32 $0xFFFFE000  }
0x306: {  	_ =	swait.ge [sflag:s5], $0x800  }
0x307: {  	[sflag:s5] =	ssyncset.done $0x0  }
0x308: {  	[sflag:s5] =	ssyncadd.s32 $0xFFFFF800  }
0x309: {  	_ =	swait.ge [sflag:s5], $0x2000  }
0x30a: {  	[sflag:s5] =	ssyncset.done $0x0  }
0x30b: {  	[sflag:s5] =	ssyncadd.s32 $0xFFFFE000  }
0x30c: {  	_ =	swait.ge [sflag:s5], $0x800  }
0x30d: {  	[sflag:s5] =	ssyncset.done $0x0  }
0x30e: {  	[sflag:s5] =	ssyncadd.s32 $0xFFFFF800  }
0x30f: {  	_ =	swait.ge [sflag:s5], $0x2000  }
0x310: {  	[sflag:s5] =	ssyncset.done $0x0  }
0x311: {  	[sflag:s5] =	ssyncadd.s32 $0xFFFFE000  }
0x312: {  	_ =	swait.ge [sflag:s5], $0x800  }
0x313: {  	[sflag:s5] =	ssyncset.done $0x0  }
0x314: {  	s31 =	rddreg [dreg:$0x5];
	[sflag:s5] =	ssyncadd.s32 $0xFFFFF800  }
0x315: {  	[hbm4b:s31+s2] =	stream.linear.scatter [tilespmem:s12], [sflag:$0x2], $0xA000, $0x38;
	[tilespmem:$0x19A00] =	vst v63  }
0x316: {  	s1 =	rddreg [dreg:$0x6]  }
0x317: {  	[hbm4b:s1+s2] =	stream.linear.scatter [tilespmem:s11], [sflag:$0x2], $0x2800, $0x38;
	[tilespmem:$0x19A00] =	vst v63  }
0x318: {  	s31 =	rddreg [dreg:$0x7]  }
0x319: {  	[tilespmem:s13], [sflag:$0x3] =	stream.linear.gather [hbm4b:s31+s2], $0x280, $0x38;
	[tilespmem:$0x19A00] =	vst v63  }
0x31a: {  	_ =	swait.ge [sflag:s10], $0x280  }
0x31b: {  	[sflag:s10] =	ssyncset.done $0x0  }
0x31c: {  	s12 =	rddreg [dreg:$0x8];
	[sflag:s10] =	ssyncadd.s32 $0xFFFFFD80  }
0x31d: {  	[tilespmem:s14], [sflag:$0x3] =	stream.linear.gather [hbm4b:s12+s2], $0x280, $0x38;
	[tilespmem:$0x19A00] =	vst v63  }
0x31e: {  	_ =	swait.ge [sflag:s10], $0x280  }
0x31f: {  	[sflag:s10] =	ssyncset.done $0x0  }
0x320: {  	[sflag:s10] =	ssyncadd.s32 $0xFFFFFD80  }
0x321: {  	[tilespmem:s6], [sflag:$0x1] =	stream.indirect.gather [hbm4b:s3+s9], $0x40, s13, s9, $0xb8;
	[tilespmem:$0x19A00] =	vst v63  }
0x322: {  	_ = 	snop  }
0x323: {  	[tilespmem:s7], [sflag:$0x1] =	stream.indirect.gather [hbm4b:s4+s9], $0x10, s14, s9, $0xb8;
	[tilespmem:$0x19A00] =	vst v63  }
0x324: {  	s13 =	simm.s32 $0xCA00;
	s14 =	simm.s32 $0x300  }
0x325: {  	[tilespmem:s13], [sflag:$0x1] =	stream.indirect.gather [hbm4b:s3+s9], $0x40, s14, s9, $0xb8;
	[tilespmem:$0x19A00] =	vst v63  }
0x326: {  	s6 =	simm.s32 $0x17A00;
	s7 =	simm.s32 $0x800  }
0x327: {  	[tilespmem:s6], [sflag:$0x1] =	stream.indirect.gather [hbm4b:s4+s9], $0x10, s7, s9, $0xb8;
	[tilespmem:$0x19A00] =	vst v63  }
0x328: {  	s11 =	simm.s32 $0xEA00;
	s12 =	simm.s32 $0x380  }
0x329: {  	[tilespmem:s11], [sflag:$0x1] =	stream.indirect.gather [hbm4b:s3+s9], $0x40, s12, s9, $0xb8;
	[tilespmem:$0x19A00] =	vst v63  }
0x32a: {  	s13 =	simm.s32 $0x18200;
	s14 =	simm.s32 $0x880  }
0x32b: {  	[tilespmem:s13], [sflag:$0x1] =	stream.indirect.gather [hbm4b:s4+s9], $0x10, s14, s9, $0xb8;
	[tilespmem:$0x19A00] =	vst v63  }
0x32c: {  	s6 =	simm.s32 $0x10A00;
	s7 =	simm.s32 $0x400  }
0x32d: {  	[tilespmem:s6], [sflag:$0x1] =	stream.indirect.gather [hbm4b:s3+s9], $0x40, s7, s9, $0xb8;
	[tilespmem:$0x19A00] =	vst v63  }
0x32e: {  	s11 =	simm.s32 $0x18A00;
	s12 =	simm.s32 $0x900  }
0x32f: {  	[tilespmem:s11], [sflag:$0x1] =	stream.indirect.gather [hbm4b:s4+s9], $0x10, s12, s9, $0xb8;
	[tilespmem:$0x19A00] =	vst v63  }
0x330: {  	s13 =	simm.s32 $0x12A00;
	s14 =	simm.s32 $0x480  }
0x331: {  	[tilespmem:s13], [sflag:$0x1] =	stream.indirect.gather [hbm4b:s3+s9], $0x40, s14, s9, $0xb8;
	[tilespmem:$0x19A00] =	vst v63  }
0x332: {  	s0 =	simm.s32 $0x19200;
	s31 =	simm.s32 $0x980  }
0x333: {  	[tilespmem:s0], [sflag:$0x1] =	stream.indirect.gather [hbm4b:s4+s9], $0x10, s31, s9, $0xb8;
	[tilespmem:$0x19A00] =	vst v63  }
0x334: {  	_ =	swait.ge [sflag:s5], $0x2000  }
0x335: {  	[sflag:s5] =	ssyncset.done $0x0  }
0x336: {  	[sflag:s5] =	ssyncadd.s32 $0xFFFFE000  }
0x337: {  	_ =	swait.ge [sflag:s5], $0x800  }
0x338: {  	[sflag:s5] =	ssyncset.done $0x0  }
0x339: {  	[sflag:s5] =	ssyncadd.s32 $0xFFFFF800  }
0x33a: {  	_ =	swait.ge [sflag:s5], $0x2000  }
0x33b: {  	[sflag:s5] =	ssyncset.done $0x0  }
0x33c: {  	[sflag:s5] =	ssyncadd.s32 $0xFFFFE000  }
0x33d: {  	_ =	swait.ge [sflag:s5], $0x800  }
0x33e: {  	[sflag:s5] =	ssyncset.done $0x0  }
0x33f: {  	[sflag:s5] =	ssyncadd.s32 $0xFFFFF800  }
0x340: {  	_ =	swait.ge [sflag:s5], $0x2000  }
0x341: {  	[sflag:s5] =	ssyncset.done $0x0  }
0x342: {  	[sflag:s5] =	ssyncadd.s32 $0xFFFFE000  }
0x343: {  	_ =	swait.ge [sflag:s5], $0x800  }
0x344: {  	[sflag:s5] =	ssyncset.done $0x0  }
0x345: {  	[sflag:s5] =	ssyncadd.s32 $0xFFFFF800  }
0x346: {  	_ =	swait.ge [sflag:s5], $0x2000  }
0x347: {  	[sflag:s5] =	ssyncset.done $0x0  }
0x348: {  	[sflag:s5] =	ssyncadd.s32 $0xFFFFE000  }
0x349: {  	_ =	swait.ge [sflag:s5], $0x800  }
0x34a: {  	[sflag:s5] =	ssyncset.done $0x0  }
0x34b: {  	[sflag:s5] =	ssyncadd.s32 $0xFFFFF800  }
0x34c: {  	_ =	swait.ge [sflag:s5], $0x2000  }
0x34d: {  	[sflag:s5] =	ssyncset.done $0x0  }
0x34e: {  	[sflag:s5] =	ssyncadd.s32 $0xFFFFE000  }
0x34f: {  	_ =	swait.ge [sflag:s5], $0x800  }
0x350: {  	[sflag:s5] =	ssyncset.done $0x0  }
0x351: {  	s7 =	simm.s32 $0xAA00;
	s0 =	rddreg [dreg:$0x9];
	[sflag:s5] =	ssyncadd.s32 $0xFFFFF800  }
0x352: {  	[hbm4b:s0+s2] =	stream.linear.scatter [tilespmem:s7], [sflag:$0x2], $0xA000, $0x38;
	[tilespmem:$0x19A00] =	vst v63  }
0x353: {  	s11 =	simm.s32 $0x17200;
	s31 =	rddreg [dreg:$0xa]  }
0x354: {  	[hbm4b:s31+s2] =	stream.linear.scatter [tilespmem:s11], [sflag:$0x2], $0x2800, $0x38;
	[tilespmem:$0x19A00] =	vst v63  }
0x355: {  	s0 =	rddreg [dreg:$0xb]  }
0x356: {  	[tilespmem:s2], [sflag:$0x3] =	stream.linear.gather [hbm4b:s0+s2], $0x280, $0x38;
	[tilespmem:$0x19A00] =	vst v63  }
0x357: {  	_ =	swait.ge [sflag:s10], $0x280  }
0x358: {  	[sflag:s10] =	ssyncset.done $0x0  }
0x359: {  	s1 =	simm.s32 $0x500;
	s0 =	rddreg [dreg:$0xc];
	[sflag:s10] =	ssyncadd.s32 $0xFFFFFD80  }
0x35a: {  	[tilespmem:s1], [sflag:$0x3] =	stream.linear.gather [hbm4b:s0+s2], $0x280, $0x38;
	[tilespmem:$0x19A00] =	vst v63  }
0x35b: {  	_ =	swait.ge [sflag:s10], $0x280  }
0x35c: {  	[sflag:s10] =	ssyncset.done $0x0  }
0x35d: {  	[sflag:s10] =	ssyncadd.s32 $0xFFFFFD80  }
0x35e: {  	_ =	swait.ge [sflag:s8], $0xA000  }
0x35f: {  	[sflag:s8] =	ssyncset.done $0x0  }
0x360: {  	[sflag:s8] =	ssyncadd.s32 $0xFFFF6000  }
0x361: {  	_ =	swait.ge [sflag:s8], $0x2800  }
0x362: {  	[sflag:s8] =	ssyncset.done $0x0  }
0x363: {  	s13 =	simm.s32 $0xA00;
	[sflag:s8] =	ssyncadd.s32 $0xFFFFD800  }
0x364: {  	[tilespmem:s13], [sflag:$0x1] =	stream.indirect.gather [hbm4b:s3+s9], $0x40, s2, s9, $0xb8;
	[tilespmem:$0x19A00] =	vst v63  }
0x365: {  	s12 =	simm.s32 $0x14A00  }
0x366: {  	[tilespmem:s12], [sflag:$0x1] =	stream.indirect.gather [hbm4b:s4+s9], $0x10, s1, s9, $0xb8;
	[tilespmem:$0x19A00] =	vst v63  }
0x367: {  	s18 =	simm.s32 $0x2A00  }
0x368: {  	[tilespmem:s18], [sflag:$0x1] =	stream.indirect.gather [hbm4b:s3+s9], $0x40, s9, s9, $0xb8;
	[tilespmem:$0x19A00] =	vst v63  }
0x369: {  	s20 =	simm.s32 $0x15200;
	s17 =	simm.s32 $0x580  }
0x36a: {  	[tilespmem:s20], [sflag:$0x1] =	stream.indirect.gather [hbm4b:s4+s9], $0x10, s17, s9, $0xb8;
	[tilespmem:$0x19A00] =	vst v63  }
0x36b: {  	s15 =	simm.s32 $0x100;
	s16 =	simm.s32 $0x4A00  }
0x36c: {  	[tilespmem:s16], [sflag:$0x1] =	stream.indirect.gather [hbm4b:s3+s9], $0x40, s15, s9, $0xb8;
	[tilespmem:$0x19A00] =	vst v63  }
0x36d: {  	s19 =	simm.s32 $0x600;
	s21 =	simm.s32 $0x15A00  }
0x36e: {  	[tilespmem:s21], [sflag:$0x1] =	stream.indirect.gather [hbm4b:s4+s9], $0x10, s19, s9, $0xb8;
	[tilespmem:$0x19A00] =	vst v63  }
0x36f: {  	s22 =	simm.s32 $0x180;
	s23 =	simm.s32 $0x6A00  }
0x370: {  	[tilespmem:s23], [sflag:$0x1] =	stream.indirect.gather [hbm4b:s3+s9], $0x40, s22, s9, $0xb8;
	[tilespmem:$0x19A00] =	vst v63  }
0x371: {  	s24 =	simm.s32 $0x680;
	s25 =	simm.s32 $0x16200  }
0x372: {  	[tilespmem:s25], [sflag:$0x1] =	stream.indirect.gather [hbm4b:s4+s9], $0x10, s24, s9, $0xb8;
	[tilespmem:$0x19A00] =	vst v63  }
0x373: {  	s26 =	simm.s32 $0x200;
	s28 =	simm.s32 $0x8A00  }
0x374: {  	[tilespmem:s28], [sflag:$0x1] =	stream.indirect.gather [hbm4b:s3+s9], $0x40, s26, s9, $0xb8;
	[tilespmem:$0x19A00] =	vst v63  }
0x375: {  	s29 =	simm.s32 $0x700;
	s20 =	simm.s32 $0x16A00  }
0x376: {  	[tilespmem:s20], [sflag:$0x1] =	stream.indirect.gather [hbm4b:s4+s9], $0x10, s29, s9, $0xb8;
	[tilespmem:$0x19A00] =	vst v63  }
0x377: {  	_ =	swait.ge [sflag:s5], $0x2000  }
0x378: {  	[sflag:s5] =	ssyncset.done $0x0  }
0x379: {  	[sflag:s5] =	ssyncadd.s32 $0xFFFFE000  }
0x37a: {  	_ =	swait.ge [sflag:s5], $0x800  }
0x37b: {  	[sflag:s5] =	ssyncset.done $0x0  }
0x37c: {  	[sflag:s5] =	ssyncadd.s32 $0xFFFFF800  }
0x37d: {  	_ =	swait.ge [sflag:s5], $0x2000  }
0x37e: {  	[sflag:s5] =	ssyncset.done $0x0  }
0x37f: {  	[sflag:s5] =	ssyncadd.s32 $0xFFFFE000  }
0x380: {  	_ =	swait.ge [sflag:s5], $0x800  }
0x381: {  	[sflag:s5] =	ssyncset.done $0x0  }
0x382: {  	[sflag:s5] =	ssyncadd.s32 $0xFFFFF800  }
0x383: {  	_ =	swait.ge [sflag:s5], $0x2000  }
0x384: {  	[sflag:s5] =	ssyncset.done $0x0  }
0x385: {  	[sflag:s5] =	ssyncadd.s32 $0xFFFFE000  }
0x386: {  	_ =	swait.ge [sflag:s5], $0x800  }
0x387: {  	[sflag:s5] =	ssyncset.done $0x0  }
0x388: {  	[sflag:s5] =	ssyncadd.s32 $0xFFFFF800  }
0x389: {  	_ =	swait.ge [sflag:s5], $0x2000  }
0x38a: {  	[sflag:s5] =	ssyncset.done $0x0  }
0x38b: {  	[sflag:s5] =	ssyncadd.s32 $0xFFFFE000  }
0x38c: {  	_ =	swait.ge [sflag:s5], $0x800  }
0x38d: {  	[sflag:s5] =	ssyncset.done $0x0  }
0x38e: {  	[sflag:s5] =	ssyncadd.s32 $0xFFFFF800  }
0x38f: {  	_ =	swait.ge [sflag:s5], $0x2000  }
0x390: {  	[sflag:s5] =	ssyncset.done $0x0  }
0x391: {  	[sflag:s5] =	ssyncadd.s32 $0xFFFFE000  }
0x392: {  	_ =	swait.ge [sflag:s5], $0x800  }
0x393: {  	[sflag:s5] =	ssyncset.done $0x0  }
0x394: {  	s21 =	rddreg [dreg:$0xd];
	[sflag:s5] =	ssyncadd.s32 $0xFFFFF800  }
0x395: {  	[hbm4b:s21+s2] =	stream.linear.scatter [tilespmem:s13], [sflag:$0x2], $0xA000, $0x38;
	[tilespmem:$0x19A00] =	vst v63  }
0x396: {  	s31 =	rddreg [dreg:$0xe]  }
0x397: {  	[hbm4b:s31+s2] =	stream.linear.scatter [tilespmem:s12], [sflag:$0x2], $0x2800, $0x38;
	[tilespmem:$0x19A00] =	vst v63  }
0x398: {  	s14 =	simm.s32 $0x280;
	s22 =	rddreg [dreg:$0xf]  }
0x399: {  	[tilespmem:s14], [sflag:$0x3] =	stream.linear.gather [hbm4b:s22+s2], $0x280, $0x38;
	[tilespmem:$0x19A00] =	vst v63  }
0x39a: {  	_ =	swait.ge [sflag:s10], $0x280  }
0x39b: {  	[sflag:s10] =	ssyncset.done $0x0  }
0x39c: {  	s6 =	simm.s32 $0x780;
	s26 =	rddreg [dreg:$0x10];
	[sflag:s10] =	ssyncadd.s32 $0xFFFFFD80  }
0x39d: {  	[tilespmem:s6], [sflag:$0x3] =	stream.linear.gather [hbm4b:s26+s2], $0x280, $0x38;
	[tilespmem:$0x19A00] =	vst v63  }
0x39e: {  	_ =	swait.ge [sflag:s10], $0x280  }
0x39f: {  	[sflag:s10] =	ssyncset.done $0x0  }
0x3a0: {  	[sflag:s10] =	ssyncadd.s32 $0xFFFFFD80  }
0x3a1: {  	_ =	swait.ge [sflag:s8], $0xA000  }
0x3a2: {  	[sflag:s8] =	ssyncset.done $0x0  }
0x3a3: {  	[sflag:s8] =	ssyncadd.s32 $0xFFFF6000  }
0x3a4: {  	_ =	swait.ge [sflag:s8], $0x2800  }
0x3a5: {  	[sflag:s8] =	ssyncset.done $0x0  }
0x3a6: {  	[sflag:s8] =	ssyncadd.s32 $0xFFFFD800  }
0x3a7: {  	[tilespmem:s7], [sflag:$0x1] =	stream.indirect.gather [hbm4b:s3+s9], $0x40, s14, s9, $0xb8;
	[tilespmem:$0x19A00] =	vst v63  }
0x3a8: {  	_ = 	snop  }
0x3a9: {  	[tilespmem:s11], [sflag:$0x1] =	stream.indirect.gather [hbm4b:s4+s9], $0x10, s6, s9, $0xb8;
	[tilespmem:$0x19A00] =	vst v63  }
0x3aa: {  	s28 =	simm.s32 $0x300;
	s29 =	simm.s32 $0xCA00  }
0x3ab: {  	[tilespmem:s29], [sflag:$0x1] =	stream.indirect.gather [hbm4b:s3+s9], $0x40, s28, s9, $0xb8;
	[tilespmem:$0x19A00] =	vst v63  }
0x3ac: {  	s17 =	simm.s32 $0x17A00;
	s16 =	simm.s32 $0x800  }
0x3ad: {  	[tilespmem:s17], [sflag:$0x1] =	stream.indirect.gather [hbm4b:s4+s9], $0x10, s16, s9, $0xb8;
	[tilespmem:$0x19A00] =	vst v63  }
0x3ae: {  	s18 =	simm.s32 $0x380;
	s19 =	simm.s32 $0xEA00  }
0x3af: {  	[tilespmem:s19], [sflag:$0x1] =	stream.indirect.gather [hbm4b:s3+s9], $0x40, s18, s9, $0xb8;
	[tilespmem:$0x19A00] =	vst v63  }
0x3b0: {  	s22 =	simm.s32 $0x880;
	s26 =	simm.s32 $0x18200  }
0x3b1: {  	[tilespmem:s26], [sflag:$0x1] =	stream.indirect.gather [hbm4b:s4+s9], $0x10, s22, s9, $0xb8;
	[tilespmem:$0x19A00] =	vst v63  }
0x3b2: {  	s28 =	simm.s32 $0x400;
	s29 =	simm.s32 $0x10A00  }
0x3b3: {  	[tilespmem:s29], [sflag:$0x1] =	stream.indirect.gather [hbm4b:s3+s9], $0x40, s28, s9, $0xb8;
	[tilespmem:$0x19A00] =	vst v63  }
0x3b4: {  	s15 =	simm.s32 $0x900;
	s16 =	simm.s32 $0x18A00  }
0x3b5: {  	[tilespmem:s16], [sflag:$0x1] =	stream.indirect.gather [hbm4b:s4+s9], $0x10, s15, s9, $0xb8;
	[tilespmem:$0x19A00] =	vst v63  }
0x3b6: {  	s22 =	simm.s32 $0x480;
	s26 =	simm.s32 $0x12A00  }
0x3b7: {  	[tilespmem:s26], [sflag:$0x1] =	stream.indirect.gather [hbm4b:s3+s9], $0x40, s22, s9, $0xb8;
	[tilespmem:$0x19A00] =	vst v63  }
0x3b8: {  	s28 =	simm.s32 $0x980;
	s29 =	simm.s32 $0x19200  }
0x3b9: {  	[tilespmem:s29], [sflag:$0x1] =	stream.indirect.gather [hbm4b:s4+s9], $0x10, s28, s9, $0xb8;
	[tilespmem:$0x19A00] =	vst v63  }
0x3ba: {  	_ =	swait.ge [sflag:s5], $0x2000  }
0x3bb: {  	[sflag:s5] =	ssyncset.done $0x0  }
0x3bc: {  	[sflag:s5] =	ssyncadd.s32 $0xFFFFE000  }
0x3bd: {  	_ =	swait.ge [sflag:s5], $0x800  }
0x3be: {  	[sflag:s5] =	ssyncset.done $0x0  }
0x3bf: {  	[sflag:s5] =	ssyncadd.s32 $0xFFFFF800  }
0x3c0: {  	_ =	swait.ge [sflag:s5], $0x2000  }
0x3c1: {  	[sflag:s5] =	ssyncset.done $0x0  }
0x3c2: {  	[sflag:s5] =	ssyncadd.s32 $0xFFFFE000  }
0x3c3: {  	_ =	swait.ge [sflag:s5], $0x800  }
0x3c4: {  	[sflag:s5] =	ssyncset.done $0x0  }
0x3c5: {  	[sflag:s5] =	ssyncadd.s32 $0xFFFFF800  }
0x3c6: {  	_ =	swait.ge [sflag:s5], $0x2000  }
0x3c7: {  	[sflag:s5] =	ssyncset.done $0x0  }
0x3c8: {  	[sflag:s5] =	ssyncadd.s32 $0xFFFFE000  }
0x3c9: {  	_ =	swait.ge [sflag:s5], $0x800  }
0x3ca: {  	[sflag:s5] =	ssyncset.done $0x0  }
0x3cb: {  	[sflag:s5] =	ssyncadd.s32 $0xFFFFF800  }
0x3cc: {  	_ =	swait.ge [sflag:s5], $0x2000  }
0x3cd: {  	[sflag:s5] =	ssyncset.done $0x0  }
0x3ce: {  	[sflag:s5] =	ssyncadd.s32 $0xFFFFE000  }
0x3cf: {  	_ =	swait.ge [sflag:s5], $0x800  }
0x3d0: {  	[sflag:s5] =	ssyncset.done $0x0  }
0x3d1: {  	[sflag:s5] =	ssyncadd.s32 $0xFFFFF800  }
0x3d2: {  	_ =	swait.ge [sflag:s5], $0x2000  }
0x3d3: {  	[sflag:s5] =	ssyncset.done $0x0  }
0x3d4: {  	[sflag:s5] =	ssyncadd.s32 $0xFFFFE000  }
0x3d5: {  	_ =	swait.ge [sflag:s5], $0x800  }
0x3d6: {  	[sflag:s5] =	ssyncset.done $0x0  }
0x3d7: {  	s26 =	rddreg [dreg:$0x11];
	[sflag:s5] =	ssyncadd.s32 $0xFFFFF800  }
0x3d8: {  	[hbm4b:s26+s2] =	stream.linear.scatter [tilespmem:s7], [sflag:$0x2], $0xA000, $0x38;
	[tilespmem:$0x19A00] =	vst v63  }
0x3d9: {  	s31 =	rddreg [dreg:$0x12]  }
0x3da: {  	[hbm4b:s31+s2] =	stream.linear.scatter [tilespmem:s11], [sflag:$0x2], $0x2800, $0x38;
	[tilespmem:$0x19A00] =	vst v63  }
0x3db: {  	s28 =	rddreg [dreg:$0x13]  }
0x3dc: {  	[tilespmem:s2], [sflag:$0x3] =	stream.linear.gather [hbm4b:s28+s2], $0x280, $0x38;
	[tilespmem:$0x19A00] =	vst v63  }
0x3dd: {  	_ =	swait.ge [sflag:s10], $0x280  }
0x3de: {  	[sflag:s10] =	ssyncset.done $0x0  }
0x3df: {  	s29 =	rddreg [dreg:$0x14];
	[sflag:s10] =	ssyncadd.s32 $0xFFFFFD80  }
0x3e0: {  	[tilespmem:s1], [sflag:$0x3] =	stream.linear.gather [hbm4b:s29+s2], $0x280, $0x38;
	[tilespmem:$0x19A00] =	vst v63  }
0x3e1: {  	_ =	swait.ge [sflag:s10], $0x280  }
0x3e2: {  	[sflag:s10] =	ssyncset.done $0x0  }
0x3e3: {  	[sflag:s10] =	ssyncadd.s32 $0xFFFFFD80  }
0x3e4: {  	_ =	swait.ge [sflag:s8], $0xA000  }
0x3e5: {  	[sflag:s8] =	ssyncset.done $0x0  }
0x3e6: {  	[sflag:s8] =	ssyncadd.s32 $0xFFFF6000  }
0x3e7: {  	_ =	swait.ge [sflag:s8], $0x2800  }
0x3e8: {  	[sflag:s8] =	ssyncset.done $0x0  }
0x3e9: {  	[sflag:s8] =	ssyncadd.s32 $0xFFFFD800  }
0x3ea: {  	[tilespmem:s13], [sflag:$0x1] =	stream.indirect.gather [hbm4b:s3+s9], $0x40, s2, s9, $0xb8;
	[tilespmem:$0x19A00] =	vst v63  }
0x3eb: {  	_ = 	snop  }
0x3ec: {  	[tilespmem:s12], [sflag:$0x1] =	stream.indirect.gather [hbm4b:s4+s9], $0x10, s1, s9, $0xb8;
	[tilespmem:$0x19A00] =	vst v63  }
0x3ed: {  	s26 =	simm.s32 $0x2A00  }
0x3ee: {  	[tilespmem:s26], [sflag:$0x1] =	stream.indirect.gather [hbm4b:s3+s9], $0x40, s9, s9, $0xb8;
	[tilespmem:$0x19A00] =	vst v63  }
0x3ef: {  	s28 =	simm.s32 $0x15200;
	s29 =	simm.s32 $0x580  }
0x3f0: {  	[tilespmem:s28], [sflag:$0x1] =	stream.indirect.gather [hbm4b:s4+s9], $0x10, s29, s9, $0xb8;
	[tilespmem:$0x19A00] =	vst v63  }
0x3f1: {  	s26 =	simm.s32 $0x4A00;
	s28 =	simm.s32 $0x100  }
0x3f2: {  	[tilespmem:s26], [sflag:$0x1] =	stream.indirect.gather [hbm4b:s3+s9], $0x40, s28, s9, $0xb8;
	[tilespmem:$0x19A00] =	vst v63  }
0x3f3: {  	s1 =	simm.s32 $0x15A00;
	s26 =	simm.s32 $0x600  }
0x3f4: {  	[tilespmem:s1], [sflag:$0x1] =	stream.indirect.gather [hbm4b:s4+s9], $0x10, s26, s9, $0xb8;
	[tilespmem:$0x19A00] =	vst v63  }
0x3f5: {  	s1 =	simm.s32 $0x6A00;
	s26 =	simm.s32 $0x180  }
0x3f6: {  	[tilespmem:s1], [sflag:$0x1] =	stream.indirect.gather [hbm4b:s3+s9], $0x40, s26, s9, $0xb8;
	[tilespmem:$0x19A00] =	vst v63  }
0x3f7: {  	s25 =	simm.s32 $0x680;
	s1 =	simm.s32 $0x16200  }
0x3f8: {  	[tilespmem:s1], [sflag:$0x1] =	stream.indirect.gather [hbm4b:s4+s9], $0x10, s25, s9, $0xb8;
	[tilespmem:$0x19A00] =	vst v63  }
0x3f9: {  	s24 =	simm.s32 $0x8A00;
	s1 =	simm.s32 $0x200  }
0x3fa: {  	[tilespmem:s24], [sflag:$0x1] =	stream.indirect.gather [hbm4b:s3+s9], $0x40, s1, s9, $0xb8;
	[tilespmem:$0x19A00] =	vst v63  }
0x3fb: {  	s23 =	simm.s32 $0x16A00;
	s1 =	simm.s32 $0x700  }
0x3fc: {  	[tilespmem:s23], [sflag:$0x1] =	stream.indirect.gather [hbm4b:s4+s9], $0x10, s1, s9, $0xb8;
	[tilespmem:$0x19A00] =	vst v63  }
0x3fd: {  	_ =	swait.ge [sflag:s5], $0x2000  }
0x3fe: {  	[sflag:s5] =	ssyncset.done $0x0  }
0x3ff: {  	[sflag:s5] =	ssyncadd.s32 $0xFFFFE000  }
0x400: {  	_ =	swait.ge [sflag:s5], $0x800  }
0x401: {  	[sflag:s5] =	ssyncset.done $0x0  }
0x402: {  	[sflag:s5] =	ssyncadd.s32 $0xFFFFF800  }
0x403: {  	_ =	swait.ge [sflag:s5], $0x2000  }
0x404: {  	[sflag:s5] =	ssyncset.done $0x0  }
0x405: {  	[sflag:s5] =	ssyncadd.s32 $0xFFFFE000  }
0x406: {  	_ =	swait.ge [sflag:s5], $0x800  }
0x407: {  	[sflag:s5] =	ssyncset.done $0x0  }
0x408: {  	[sflag:s5] =	ssyncadd.s32 $0xFFFFF800  }
0x409: {  	_ =	swait.ge [sflag:s5], $0x2000  }
0x40a: {  	[sflag:s5] =	ssyncset.done $0x0  }
0x40b: {  	[sflag:s5] =	ssyncadd.s32 $0xFFFFE000  }
0x40c: {  	_ =	swait.ge [sflag:s5], $0x800  }
0x40d: {  	[sflag:s5] =	ssyncset.done $0x0  }
0x40e: {  	[sflag:s5] =	ssyncadd.s32 $0xFFFFF800  }
0x40f: {  	_ =	swait.ge [sflag:s5], $0x2000  }
0x410: {  	[sflag:s5] =	ssyncset.done $0x0  }
0x411: {  	[sflag:s5] =	ssyncadd.s32 $0xFFFFE000  }
0x412: {  	_ =	swait.ge [sflag:s5], $0x800  }
0x413: {  	[sflag:s5] =	ssyncset.done $0x0  }
0x414: {  	[sflag:s5] =	ssyncadd.s32 $0xFFFFF800  }
0x415: {  	_ =	swait.ge [sflag:s5], $0x2000  }
0x416: {  	[sflag:s5] =	ssyncset.done $0x0  }
0x417: {  	[sflag:s5] =	ssyncadd.s32 $0xFFFFE000  }
0x418: {  	_ =	swait.ge [sflag:s5], $0x800  }
0x419: {  	[sflag:s5] =	ssyncset.done $0x0  }
0x41a: {  	s1 =	rddreg [dreg:$0x15];
	[sflag:s5] =	ssyncadd.s32 $0xFFFFF800  }
0x41b: {  	[hbm4b:s1+s2] =	stream.linear.scatter [tilespmem:s13], [sflag:$0x2], $0xA000, $0x38;
	[tilespmem:$0x19A00] =	vst v63  }
0x41c: {  	s31 =	rddreg [dreg:$0x16]  }
0x41d: {  	[hbm4b:s31+s2] =	stream.linear.scatter [tilespmem:s12], [sflag:$0x2], $0x2800, $0x38;
	[tilespmem:$0x19A00] =	vst v63  }
0x41e: {  	s1 =	rddreg [dreg:$0x17]  }
0x41f: {  	[tilespmem:s14], [sflag:$0x3] =	stream.linear.gather [hbm4b:s1+s2], $0x280, $0x38;
	[tilespmem:$0x19A00] =	vst v63  }
0x420: {  	_ =	swait.ge [sflag:s10], $0x280  }
0x421: {  	[sflag:s10] =	ssyncset.done $0x0  }
0x422: {  	s1 =	rddreg [dreg:$0x18];
	[sflag:s10] =	ssyncadd.s32 $0xFFFFFD80  }
0x423: {  	[tilespmem:s6], [sflag:$0x3] =	stream.linear.gather [hbm4b:s1+s2], $0x280, $0x38;
	[tilespmem:$0x19A00] =	vst v63  }
0x424: {  	_ =	swait.ge [sflag:s10], $0x280  }
0x425: {  	[sflag:s10] =	ssyncset.done $0x0  }
0x426: {  	[sflag:s10] =	ssyncadd.s32 $0xFFFFFD80  }
0x427: {  	_ =	swait.ge [sflag:s8], $0xA000  }
0x428: {  	[sflag:s8] =	ssyncset.done $0x0  }
0x429: {  	[sflag:s8] =	ssyncadd.s32 $0xFFFF6000  }
0x42a: {  	_ =	swait.ge [sflag:s8], $0x2800  }
0x42b: {  	[sflag:s8] =	ssyncset.done $0x0  }
0x42c: {  	[sflag:s8] =	ssyncadd.s32 $0xFFFFD800  }
0x42d: {  	[tilespmem:s7], [sflag:$0x1] =	stream.indirect.gather [hbm4b:s3+s9], $0x40, s14, s9, $0xb8;
	[tilespmem:$0x19A00] =	vst v63  }
0x42e: {  	s14 =	simm.s32 $0x780  }
0x42f: {  	[tilespmem:s11], [sflag:$0x1] =	stream.indirect.gather [hbm4b:s4+s9], $0x10, s14, s9, $0xb8;
	[tilespmem:$0x19A00] =	vst v63  }
0x430: {  	s21 =	simm.s32 $0x300;
	s6 =	simm.s32 $0xCA00  }
0x431: {  	[tilespmem:s6], [sflag:$0x1] =	stream.indirect.gather [hbm4b:s3+s9], $0x40, s21, s9, $0xb8;
	[tilespmem:$0x19A00] =	vst v63  }
0x432: {  	s20 =	simm.s32 $0x800;
	s6 =	simm.s32 $0x17A00  }
0x433: {  	[tilespmem:s6], [sflag:$0x1] =	stream.indirect.gather [hbm4b:s4+s9], $0x10, s20, s9, $0xb8;
	[tilespmem:$0x19A00] =	vst v63  }
0x434: {  	s19 =	simm.s32 $0x380;
	s6 =	simm.s32 $0xEA00  }
0x435: {  	[tilespmem:s6], [sflag:$0x1] =	stream.indirect.gather [hbm4b:s3+s9], $0x40, s19, s9, $0xb8;
	[tilespmem:$0x19A00] =	vst v63  }
0x436: {  	s18 =	simm.s32 $0x880;
	s6 =	simm.s32 $0x18200  }
0x437: {  	[tilespmem:s6], [sflag:$0x1] =	stream.indirect.gather [hbm4b:s4+s9], $0x10, s18, s9, $0xb8;
	[tilespmem:$0x19A00] =	vst v63  }
0x438: {  	s0 =	simm.s32 $0x10A00;
	s17 =	simm.s32 $0x400  }
0x439: {  	[tilespmem:s0], [sflag:$0x1] =	stream.indirect.gather [hbm4b:s3+s9], $0x40, s17, s9, $0xb8;
	[tilespmem:$0x19A00] =	vst v63  }
0x43a: {  	s16 =	simm.s32 $0x900;
	s17 =	simm.s32 $0x18A00  }
0x43b: {  	[tilespmem:s17], [sflag:$0x1] =	stream.indirect.gather [hbm4b:s4+s9], $0x10, s16, s9, $0xb8;
	[tilespmem:$0x19A00] =	vst v63  }
0x43c: {  	s15 =	simm.s32 $0x480;
	s17 =	simm.s32 $0x12A00  }
0x43d: {  	[tilespmem:s17], [sflag:$0x1] =	stream.indirect.gather [hbm4b:s3+s9], $0x40, s15, s9, $0xb8;
	[tilespmem:$0x19A00] =	vst v63  }
0x43e: {  	s22 =	simm.s32 $0x19200;
	s17 =	simm.s32 $0x980  }
0x43f: {  	[tilespmem:s22], [sflag:$0x1] =	stream.indirect.gather [hbm4b:s4+s9], $0x10, s17, s9, $0xb8;
	[tilespmem:$0x19A00] =	vst v63  }
0x440: {  	_ =	swait.ge [sflag:s5], $0x2000  }
0x441: {  	[sflag:s5] =	ssyncset.done $0x0  }
0x442: {  	[sflag:s5] =	ssyncadd.s32 $0xFFFFE000  }
0x443: {  	_ =	swait.ge [sflag:s5], $0x800  }
0x444: {  	[sflag:s5] =	ssyncset.done $0x0  }
0x445: {  	[sflag:s5] =	ssyncadd.s32 $0xFFFFF800  }
0x446: {  	_ =	swait.ge [sflag:s5], $0x2000  }
0x447: {  	[sflag:s5] =	ssyncset.done $0x0  }
0x448: {  	[sflag:s5] =	ssyncadd.s32 $0xFFFFE000  }
0x449: {  	_ =	swait.ge [sflag:s5], $0x800  }
0x44a: {  	[sflag:s5] =	ssyncset.done $0x0  }
0x44b: {  	[sflag:s5] =	ssyncadd.s32 $0xFFFFF800  }
0x44c: {  	_ =	swait.ge [sflag:s5], $0x2000  }
0x44d: {  	[sflag:s5] =	ssyncset.done $0x0  }
0x44e: {  	[sflag:s5] =	ssyncadd.s32 $0xFFFFE000  }
0x44f: {  	_ =	swait.ge [sflag:s5], $0x800  }
0x450: {  	[sflag:s5] =	ssyncset.done $0x0  }
0x451: {  	[sflag:s5] =	ssyncadd.s32 $0xFFFFF800  }
0x452: {  	_ =	swait.ge [sflag:s5], $0x2000  }
0x453: {  	[sflag:s5] =	ssyncset.done $0x0  }
0x454: {  	[sflag:s5] =	ssyncadd.s32 $0xFFFFE000  }
0x455: {  	_ =	swait.ge [sflag:s5], $0x800  }
0x456: {  	[sflag:s5] =	ssyncset.done $0x0  }
0x457: {  	[sflag:s5] =	ssyncadd.s32 $0xFFFFF800  }
0x458: {  	_ =	swait.ge [sflag:s5], $0x2000  }
0x459: {  	[sflag:s5] =	ssyncset.done $0x0  }
0x45a: {  	[sflag:s5] =	ssyncadd.s32 $0xFFFFE000  }
0x45b: {  	_ =	swait.ge [sflag:s5], $0x800  }
0x45c: {  	[sflag:s5] =	ssyncset.done $0x0  }
0x45d: {  	s17 =	rddreg [dreg:$0x19];
	[sflag:s5] =	ssyncadd.s32 $0xFFFFF800  }
0x45e: {  	[hbm4b:s17+s2] =	stream.linear.scatter [tilespmem:s7], [sflag:$0x2], $0xA000, $0x38;
	[tilespmem:$0x19A00] =	vst v63  }
0x45f: {  	s31 =	rddreg [dreg:$0x1a]  }
0x460: {  	[hbm4b:s31+s2] =	stream.linear.scatter [tilespmem:s11], [sflag:$0x2], $0x2800, $0x38;
	[tilespmem:$0x19A00] =	vst v63  }
0x461: {  	s22 =	rddreg [dreg:$0x1b]  }
0x462: {  	[tilespmem:s2], [sflag:$0x3] =	stream.linear.gather [hbm4b:s22+s2], $0x280, $0x38;
	[tilespmem:$0x19A00] =	vst v63  }
0x463: {  	_ =	swait.ge [sflag:s10], $0x280  }
0x464: {  	[sflag:s10] =	ssyncset.done $0x0  }
0x465: {  	s1 =	simm.s32 $0x500;
	s17 =	rddreg [dreg:$0x1c];
	[sflag:s10] =	ssyncadd.s32 $0xFFFFFD80  }
0x466: {  	[tilespmem:s1], [sflag:$0x3] =	stream.linear.gather [hbm4b:s17+s2], $0x280, $0x38;
	[tilespmem:$0x19A00] =	vst v63  }
0x467: {  	_ =	swait.ge [sflag:s10], $0x280  }
0x468: {  	[sflag:s10] =	ssyncset.done $0x0  }
0x469: {  	[sflag:s10] =	ssyncadd.s32 $0xFFFFFD80  }
0x46a: {  	_ =	swait.ge [sflag:s8], $0xA000  }
0x46b: {  	[sflag:s8] =	ssyncset.done $0x0  }
0x46c: {  	[sflag:s8] =	ssyncadd.s32 $0xFFFF6000  }
0x46d: {  	_ =	swait.ge [sflag:s8], $0x2800  }
0x46e: {  	[sflag:s8] =	ssyncset.done $0x0  }
0x46f: {  	[sflag:s8] =	ssyncadd.s32 $0xFFFFD800  }
0x470: {  	[tilespmem:s13], [sflag:$0x1] =	stream.indirect.gather [hbm4b:s3+s9], $0x40, s2, s9, $0xb8;
	[tilespmem:$0x19A00] =	vst v63  }
0x471: {  	_ = 	snop  }
0x472: {  	[tilespmem:s12], [sflag:$0x1] =	stream.indirect.gather [hbm4b:s4+s9], $0x10, s1, s9, $0xb8;
	[tilespmem:$0x19A00] =	vst v63  }
0x473: {  	s22 =	simm.s32 $0x2A00  }
0x474: {  	[tilespmem:s22], [sflag:$0x1] =	stream.indirect.gather [hbm4b:s3+s9], $0x40, s9, s9, $0xb8;
	[tilespmem:$0x19A00] =	vst v63  }
0x475: {  	s29 =	simm.s32 $0x15200;
	s17 =	simm.s32 $0x580  }
0x476: {  	[tilespmem:s29], [sflag:$0x1] =	stream.indirect.gather [hbm4b:s4+s9], $0x10, s17, s9, $0xb8;
	[tilespmem:$0x19A00] =	vst v63  }
0x477: {  	s28 =	simm.s32 $0x4A00;
	s22 =	simm.s32 $0x100  }
0x478: {  	[tilespmem:s28], [sflag:$0x1] =	stream.indirect.gather [hbm4b:s3+s9], $0x40, s22, s9, $0xb8;
	[tilespmem:$0x19A00] =	vst v63  }
0x479: {  	s17 =	simm.s32 $0x600;
	s22 =	simm.s32 $0x15A00  }
0x47a: {  	[tilespmem:s22], [sflag:$0x1] =	stream.indirect.gather [hbm4b:s4+s9], $0x10, s17, s9, $0xb8;
	[tilespmem:$0x19A00] =	vst v63  }
0x47b: {  	s26 =	simm.s32 $0x6A00;
	s17 =	simm.s32 $0x180  }
0x47c: {  	[tilespmem:s26], [sflag:$0x1] =	stream.indirect.gather [hbm4b:s3+s9], $0x40, s17, s9, $0xb8;
	[tilespmem:$0x19A00] =	vst v63  }
0x47d: {  	s25 =	simm.s32 $0x16200;
	s26 =	simm.s32 $0x680  }
0x47e: {  	[tilespmem:s25], [sflag:$0x1] =	stream.indirect.gather [hbm4b:s4+s9], $0x10, s26, s9, $0xb8;
	[tilespmem:$0x19A00] =	vst v63  }
0x47f: {  	s24 =	simm.s32 $0x200;
	s26 =	simm.s32 $0x8A00  }
0x480: {  	[tilespmem:s26], [sflag:$0x1] =	stream.indirect.gather [hbm4b:s3+s9], $0x40, s24, s9, $0xb8;
	[tilespmem:$0x19A00] =	vst v63  }
0x481: {  	s23 =	simm.s32 $0x700;
	s26 =	simm.s32 $0x16A00  }
0x482: {  	[tilespmem:s26], [sflag:$0x1] =	stream.indirect.gather [hbm4b:s4+s9], $0x10, s23, s9, $0xb8;
	[tilespmem:$0x19A00] =	vst v63  }
0x483: {  	_ =	swait.ge [sflag:s5], $0x2000  }
0x484: {  	[sflag:s5] =	ssyncset.done $0x0  }
0x485: {  	[sflag:s5] =	ssyncadd.s32 $0xFFFFE000  }
0x486: {  	_ =	swait.ge [sflag:s5], $0x800  }
0x487: {  	[sflag:s5] =	ssyncset.done $0x0  }
0x488: {  	[sflag:s5] =	ssyncadd.s32 $0xFFFFF800  }
0x489: {  	_ =	swait.ge [sflag:s5], $0x2000  }
0x48a: {  	[sflag:s5] =	ssyncset.done $0x0  }
0x48b: {  	[sflag:s5] =	ssyncadd.s32 $0xFFFFE000  }
0x48c: {  	_ =	swait.ge [sflag:s5], $0x800  }
0x48d: {  	[sflag:s5] =	ssyncset.done $0x0  }
0x48e: {  	[sflag:s5] =	ssyncadd.s32 $0xFFFFF800  }
0x48f: {  	_ =	swait.ge [sflag:s5], $0x2000  }
0x490: {  	[sflag:s5] =	ssyncset.done $0x0  }
0x491: {  	[sflag:s5] =	ssyncadd.s32 $0xFFFFE000  }
0x492: {  	_ =	swait.ge [sflag:s5], $0x800  }
0x493: {  	[sflag:s5] =	ssyncset.done $0x0  }
0x494: {  	[sflag:s5] =	ssyncadd.s32 $0xFFFFF800  }
0x495: {  	_ =	swait.ge [sflag:s5], $0x2000  }
0x496: {  	[sflag:s5] =	ssyncset.done $0x0  }
0x497: {  	[sflag:s5] =	ssyncadd.s32 $0xFFFFE000  }
0x498: {  	_ =	swait.ge [sflag:s5], $0x800  }
0x499: {  	[sflag:s5] =	ssyncset.done $0x0  }
0x49a: {  	[sflag:s5] =	ssyncadd.s32 $0xFFFFF800  }
0x49b: {  	_ =	swait.ge [sflag:s5], $0x2000  }
0x49c: {  	[sflag:s5] =	ssyncset.done $0x0  }
0x49d: {  	[sflag:s5] =	ssyncadd.s32 $0xFFFFE000  }
0x49e: {  	_ =	swait.ge [sflag:s5], $0x800  }
0x49f: {  	[sflag:s5] =	ssyncset.done $0x0  }
0x4a0: {  	s26 =	rddreg [dreg:$0x1d];
	[sflag:s5] =	ssyncadd.s32 $0xFFFFF800  }
0x4a1: {  	[hbm4b:s26+s2] =	stream.linear.scatter [tilespmem:s13], [sflag:$0x2], $0xA000, $0x38;
	[tilespmem:$0x19A00] =	vst v63  }
0x4a2: {  	s31 =	rddreg [dreg:$0x1e]  }
0x4a3: {  	[hbm4b:s31+s2] =	stream.linear.scatter [tilespmem:s12], [sflag:$0x2], $0x2800, $0x38;
	[tilespmem:$0x19A00] =	vst v63  }
0x4a4: {  	s13 =	simm.s32 $0x280;
	s26 =	rddreg [dreg:$0x1f]  }
0x4a5: {  	[tilespmem:s13], [sflag:$0x3] =	stream.linear.gather [hbm4b:s26+s2], $0x280, $0x38;
	[tilespmem:$0x19A00] =	vst v63  }
0x4a6: {  	_ =	swait.ge [sflag:s10], $0x280  }
0x4a7: {  	s26 =	sld [smem:$0x7F3]  }
0x4a8: {  	[sflag:s10] =	ssyncset.done $0x0  }
0x4a9: {  	[sflag:s10] =	ssyncadd.s32 $0xFFFFFD80  }
0x4aa: {  	[tilespmem:s14], [sflag:$0x3] =	stream.linear.gather [hbm4b:s26+s2], $0x280, $0x38;
	[tilespmem:$0x19A00] =	vst v63  }
0x4ab: {  	_ =	swait.ge [sflag:s10], $0x280  }
0x4ac: {  	[sflag:s10] =	ssyncset.done $0x0  }
0x4ad: {  	[sflag:s10] =	ssyncadd.s32 $0xFFFFFD80  }
0x4ae: {  	_ =	swait.ge [sflag:s8], $0xA000  }
0x4af: {  	[sflag:s8] =	ssyncset.done $0x0  }
0x4b0: {  	[sflag:s8] =	ssyncadd.s32 $0xFFFF6000  }
0x4b1: {  	_ =	swait.ge [sflag:s8], $0x2800  }
0x4b2: {  	[sflag:s8] =	ssyncset.done $0x0  }
0x4b3: {  	[sflag:s8] =	ssyncadd.s32 $0xFFFFD800  }
0x4b4: {  	[tilespmem:s7], [sflag:$0x1] =	stream.indirect.gather [hbm4b:s3+s9], $0x40, s13, s9, $0xb8;
	[tilespmem:$0x19A00] =	vst v63  }
0x4b5: {  	_ = 	snop  }
0x4b6: {  	[tilespmem:s11], [sflag:$0x1] =	stream.indirect.gather [hbm4b:s4+s9], $0x10, s14, s9, $0xb8;
	[tilespmem:$0x19A00] =	vst v63  }
0x4b7: {  	s21 =	simm.s32 $0xCA00;
	s26 =	simm.s32 $0x300  }
0x4b8: {  	[tilespmem:s21], [sflag:$0x1] =	stream.indirect.gather [hbm4b:s3+s9], $0x40, s26, s9, $0xb8;
	[tilespmem:$0x19A00] =	vst v63  }
0x4b9: {  	s20 =	simm.s32 $0x17A00;
	s26 =	simm.s32 $0x800  }
0x4ba: {  	[tilespmem:s20], [sflag:$0x1] =	stream.indirect.gather [hbm4b:s4+s9], $0x10, s26, s9, $0xb8;
	[tilespmem:$0x19A00] =	vst v63  }
0x4bb: {  	s19 =	simm.s32 $0xEA00;
	s26 =	simm.s32 $0x380  }
0x4bc: {  	[tilespmem:s19], [sflag:$0x1] =	stream.indirect.gather [hbm4b:s3+s9], $0x40, s26, s9, $0xb8;
	[tilespmem:$0x19A00] =	vst v63  }
0x4bd: {  	s18 =	simm.s32 $0x880;
	s6 =	simm.s32 $0x18200  }
0x4be: {  	[tilespmem:s6], [sflag:$0x1] =	stream.indirect.gather [hbm4b:s4+s9], $0x10, s18, s9, $0xb8;
	[tilespmem:$0x19A00] =	vst v63  }
0x4bf: {  	s26 =	simm.s32 $0x10A00;
	s6 =	simm.s32 $0x400  }
0x4c0: {  	[tilespmem:s26], [sflag:$0x1] =	stream.indirect.gather [hbm4b:s3+s9], $0x40, s6, s9, $0xb8;
	[tilespmem:$0x19A00] =	vst v63  }
0x4c1: {  	s16 =	simm.s32 $0x18A00;
	s26 =	simm.s32 $0x900  }
0x4c2: {  	[tilespmem:s16], [sflag:$0x1] =	stream.indirect.gather [hbm4b:s4+s9], $0x10, s26, s9, $0xb8;
	[tilespmem:$0x19A00] =	vst v63  }
0x4c3: {  	s15 =	simm.s32 $0x12A00;
	s26 =	simm.s32 $0x480  }
0x4c4: {  	[tilespmem:s15], [sflag:$0x1] =	stream.indirect.gather [hbm4b:s3+s9], $0x40, s26, s9, $0xb8;
	[tilespmem:$0x19A00] =	vst v63  }
0x4c5: {  	s0 =	simm.s32 $0x19200;
	s26 =	simm.s32 $0x980  }
0x4c6: {  	[tilespmem:s0], [sflag:$0x1] =	stream.indirect.gather [hbm4b:s4+s9], $0x10, s26, s9, $0xb8;
	[tilespmem:$0x19A00] =	vst v63  }
0x4c7: {  	_ =	swait.ge [sflag:s5], $0x2000  }
0x4c8: {  	[sflag:s5] =	ssyncset.done $0x0  }
0x4c9: {  	[sflag:s5] =	ssyncadd.s32 $0xFFFFE000  }
0x4ca: {  	_ =	swait.ge [sflag:s5], $0x800  }
0x4cb: {  	[sflag:s5] =	ssyncset.done $0x0  }
0x4cc: {  	[sflag:s5] =	ssyncadd.s32 $0xFFFFF800  }
0x4cd: {  	_ =	swait.ge [sflag:s5], $0x2000  }
0x4ce: {  	[sflag:s5] =	ssyncset.done $0x0  }
0x4cf: {  	[sflag:s5] =	ssyncadd.s32 $0xFFFFE000  }
0x4d0: {  	_ =	swait.ge [sflag:s5], $0x800  }
0x4d1: {  	[sflag:s5] =	ssyncset.done $0x0  }
0x4d2: {  	[sflag:s5] =	ssyncadd.s32 $0xFFFFF800  }
0x4d3: {  	_ =	swait.ge [sflag:s5], $0x2000  }
0x4d4: {  	[sflag:s5] =	ssyncset.done $0x0  }
0x4d5: {  	[sflag:s5] =	ssyncadd.s32 $0xFFFFE000  }
0x4d6: {  	_ =	swait.ge [sflag:s5], $0x800  }
0x4d7: {  	[sflag:s5] =	ssyncset.done $0x0  }
0x4d8: {  	[sflag:s5] =	ssyncadd.s32 $0xFFFFF800  }
0x4d9: {  	_ =	swait.ge [sflag:s5], $0x2000  }
0x4da: {  	[sflag:s5] =	ssyncset.done $0x0  }
0x4db: {  	[sflag:s5] =	ssyncadd.s32 $0xFFFFE000  }
0x4dc: {  	_ =	swait.ge [sflag:s5], $0x800  }
0x4dd: {  	[sflag:s5] =	ssyncset.done $0x0  }
0x4de: {  	[sflag:s5] =	ssyncadd.s32 $0xFFFFF800  }
0x4df: {  	_ =	swait.ge [sflag:s5], $0x2000  }
0x4e0: {  	[sflag:s5] =	ssyncset.done $0x0  }
0x4e1: {  	[sflag:s5] =	ssyncadd.s32 $0xFFFFE000  }
0x4e2: {  	_ =	swait.ge [sflag:s5], $0x800  }
0x4e3: {  	s0 =	sld [smem:$0x7F4]  }
0x4e4: {  	[sflag:s5] =	ssyncset.done $0x0  }
0x4e5: {  	s31 =	sld [smem:$0x7F5];
	[sflag:s5] =	ssyncadd.s32 $0xFFFFF800  }
0x4e6: {  	[hbm4b:s0+s2] =	stream.linear.scatter [tilespmem:s7], [sflag:$0x2], $0xA000, $0x38;
	[tilespmem:$0x19A00] =	vst v63  }
0x4e7: {  	s0 =	sld [smem:$0x7F6]  }
0x4e8: {  	[hbm4b:s31+s2] =	stream.linear.scatter [tilespmem:s11], [sflag:$0x2], $0x2800, $0x38;
	[tilespmem:$0x19A00] =	vst v63  }
0x4e9: {  	_ = 	snop  }
0x4ea: {  	[tilespmem:s2], [sflag:$0x3] =	stream.linear.gather [hbm4b:s0+s2], $0x280, $0x38;
	[tilespmem:$0x19A00] =	vst v63  }
0x4eb: {  	_ =	swait.ge [sflag:s10], $0x280  }
0x4ec: {  	s0 =	sld [smem:$0x7F7]  }
0x4ed: {  	[sflag:s10] =	ssyncset.done $0x0  }
0x4ee: {  	[sflag:s10] =	ssyncadd.s32 $0xFFFFFD80  }
0x4ef: {  	[tilespmem:s1], [sflag:$0x3] =	stream.linear.gather [hbm4b:s0+s2], $0x280, $0x38;
	[tilespmem:$0x19A00] =	vst v63  }
0x4f0: {  	_ =	swait.ge [sflag:s10], $0x280  }
0x4f1: {  	[sflag:s10] =	ssyncset.done $0x0  }
0x4f2: {  	[sflag:s10] =	ssyncadd.s32 $0xFFFFFD80  }
0x4f3: {  	_ =	swait.ge [sflag:s8], $0xA000  }
0x4f4: {  	[sflag:s8] =	ssyncset.done $0x0  }
0x4f5: {  	[sflag:s8] =	ssyncadd.s32 $0xFFFF6000  }
0x4f6: {  	_ =	swait.ge [sflag:s8], $0x2800  }
0x4f7: {  	[sflag:s8] =	ssyncset.done $0x0  }
0x4f8: {  	s12 =	simm.s32 $0xA00;
	[sflag:s8] =	ssyncadd.s32 $0xFFFFD800  }
0x4f9: {  	[tilespmem:s12], [sflag:$0x1] =	stream.indirect.gather [hbm4b:s3+s9], $0x40, s2, s9, $0xb8;
	[tilespmem:$0x19A00] =	vst v63  }
0x4fa: {  	s11 =	simm.s32 $0x14A00  }
0x4fb: {  	[tilespmem:s11], [sflag:$0x1] =	stream.indirect.gather [hbm4b:s4+s9], $0x10, s1, s9, $0xb8;
	[tilespmem:$0x19A00] =	vst v63  }
0x4fc: {  	s0 =	simm.s32 $0x2A00  }
0x4fd: {  	[tilespmem:s0], [sflag:$0x1] =	stream.indirect.gather [hbm4b:s3+s9], $0x40, s9, s9, $0xb8;
	[tilespmem:$0x19A00] =	vst v63  }
0x4fe: {  	s29 =	simm.s32 $0x580;
	s0 =	simm.s32 $0x15200  }
0x4ff: {  	[tilespmem:s0], [sflag:$0x1] =	stream.indirect.gather [hbm4b:s4+s9], $0x10, s29, s9, $0xb8;
	[tilespmem:$0x19A00] =	vst v63  }
0x500: {  	s28 =	simm.s32 $0x100;
	s29 =	simm.s32 $0x4A00  }
0x501: {  	[tilespmem:s29], [sflag:$0x1] =	stream.indirect.gather [hbm4b:s3+s9], $0x40, s28, s9, $0xb8;
	[tilespmem:$0x19A00] =	vst v63  }
0x502: {  	s22 =	simm.s32 $0x600;
	s29 =	simm.s32 $0x15A00  }
0x503: {  	[tilespmem:s29], [sflag:$0x1] =	stream.indirect.gather [hbm4b:s4+s9], $0x10, s22, s9, $0xb8;
	[tilespmem:$0x19A00] =	vst v63  }
0x504: {  	s17 =	simm.s32 $0x180;
	s28 =	simm.s32 $0x6A00  }
0x505: {  	[tilespmem:s28], [sflag:$0x1] =	stream.indirect.gather [hbm4b:s3+s9], $0x40, s17, s9, $0xb8;
	[tilespmem:$0x19A00] =	vst v63  }
0x506: {  	s25 =	simm.s32 $0x680;
	s29 =	simm.s32 $0x16200  }
0x507: {  	[tilespmem:s29], [sflag:$0x1] =	stream.indirect.gather [hbm4b:s4+s9], $0x10, s25, s9, $0xb8;
	[tilespmem:$0x19A00] =	vst v63  }
0x508: {  	s24 =	simm.s32 $0x8A00;
	s17 =	simm.s32 $0x200  }
0x509: {  	[tilespmem:s24], [sflag:$0x1] =	stream.indirect.gather [hbm4b:s3+s9], $0x40, s17, s9, $0xb8;
	[tilespmem:$0x19A00] =	vst v63  }
0x50a: {  	s23 =	simm.s32 $0x16A00;
	s22 =	simm.s32 $0x700  }
0x50b: {  	[tilespmem:s23], [sflag:$0x1] =	stream.indirect.gather [hbm4b:s4+s9], $0x10, s22, s9, $0xb8;
	[tilespmem:$0x19A00] =	vst v63  }
0x50c: {  	_ =	swait.ge [sflag:s5], $0x2000  }
0x50d: {  	[sflag:s5] =	ssyncset.done $0x0  }
0x50e: {  	[sflag:s5] =	ssyncadd.s32 $0xFFFFE000  }
0x50f: {  	_ =	swait.ge [sflag:s5], $0x800  }
0x510: {  	[sflag:s5] =	ssyncset.done $0x0  }
0x511: {  	[sflag:s5] =	ssyncadd.s32 $0xFFFFF800  }
0x512: {  	_ =	swait.ge [sflag:s5], $0x2000  }
0x513: {  	[sflag:s5] =	ssyncset.done $0x0  }
0x514: {  	[sflag:s5] =	ssyncadd.s32 $0xFFFFE000  }
0x515: {  	_ =	swait.ge [sflag:s5], $0x800  }
0x516: {  	[sflag:s5] =	ssyncset.done $0x0  }
0x517: {  	[sflag:s5] =	ssyncadd.s32 $0xFFFFF800  }
0x518: {  	_ =	swait.ge [sflag:s5], $0x2000  }
0x519: {  	[sflag:s5] =	ssyncset.done $0x0  }
0x51a: {  	[sflag:s5] =	ssyncadd.s32 $0xFFFFE000  }
0x51b: {  	_ =	swait.ge [sflag:s5], $0x800  }
0x51c: {  	[sflag:s5] =	ssyncset.done $0x0  }
0x51d: {  	[sflag:s5] =	ssyncadd.s32 $0xFFFFF800  }
0x51e: {  	_ =	swait.ge [sflag:s5], $0x2000  }
0x51f: {  	[sflag:s5] =	ssyncset.done $0x0  }
0x520: {  	[sflag:s5] =	ssyncadd.s32 $0xFFFFE000  }
0x521: {  	_ =	swait.ge [sflag:s5], $0x800  }
0x522: {  	[sflag:s5] =	ssyncset.done $0x0  }
0x523: {  	[sflag:s5] =	ssyncadd.s32 $0xFFFFF800  }
0x524: {  	_ =	swait.ge [sflag:s5], $0x2000  }
0x525: {  	[sflag:s5] =	ssyncset.done $0x0  }
0x526: {  	[sflag:s5] =	ssyncadd.s32 $0xFFFFE000  }
0x527: {  	_ =	swait.ge [sflag:s5], $0x800  }
0x528: {  	s24 =	sld [smem:$0x7F8]  }
0x529: {  	[sflag:s5] =	ssyncset.done $0x0  }
0x52a: {  	s31 =	sld [smem:$0x7F9];
	[sflag:s5] =	ssyncadd.s32 $0xFFFFF800  }
0x52b: {  	[hbm4b:s24+s2] =	stream.linear.scatter [tilespmem:s12], [sflag:$0x2], $0xA000, $0x38;
	[tilespmem:$0x19A00] =	vst v63  }
0x52c: {  	s25 =	sld [smem:$0x7FA]  }
0x52d: {  	[hbm4b:s31+s2] =	stream.linear.scatter [tilespmem:s11], [sflag:$0x2], $0x2800, $0x38;
	[tilespmem:$0x19A00] =	vst v63  }
0x52e: {  	_ = 	snop  }
0x52f: {  	[tilespmem:s13], [sflag:$0x3] =	stream.linear.gather [hbm4b:s25+s2], $0x280, $0x38;
	[tilespmem:$0x19A00] =	vst v63  }
0x530: {  	_ =	swait.ge [sflag:s10], $0x280  }
0x531: {  	s28 =	sld [smem:$0x7FB]  }
0x532: {  	[sflag:s10] =	ssyncset.done $0x0  }
0x533: {  	[sflag:s10] =	ssyncadd.s32 $0xFFFFFD80  }
0x534: {  	[tilespmem:s14], [sflag:$0x3] =	stream.linear.gather [hbm4b:s28+s2], $0x280, $0x38;
	[tilespmem:$0x19A00] =	vst v63  }
0x535: {  	_ =	swait.ge [sflag:s10], $0x280  }
0x536: {  	[sflag:s10] =	ssyncset.done $0x0  }
0x537: {  	[sflag:s10] =	ssyncadd.s32 $0xFFFFFD80  }
0x538: {  	_ =	swait.ge [sflag:s8], $0xA000  }
0x539: {  	[sflag:s8] =	ssyncset.done $0x0  }
0x53a: {  	[sflag:s8] =	ssyncadd.s32 $0xFFFF6000  }
0x53b: {  	_ =	swait.ge [sflag:s8], $0x2800  }
0x53c: {  	[sflag:s8] =	ssyncset.done $0x0  }
0x53d: {  	[sflag:s8] =	ssyncadd.s32 $0xFFFFD800  }
0x53e: {  	[tilespmem:s7], [sflag:$0x1] =	stream.indirect.gather [hbm4b:s3+s9], $0x40, s13, s9, $0xb8;
	[tilespmem:$0x19A00] =	vst v63  }
0x53f: {  	s7 =	simm.s32 $0x17200  }
0x540: {  	[tilespmem:s7], [sflag:$0x1] =	stream.indirect.gather [hbm4b:s4+s9], $0x10, s14, s9, $0xb8;
	[tilespmem:$0x19A00] =	vst v63  }
0x541: {  	s21 =	simm.s32 $0x300;
	s29 =	simm.s32 $0xCA00  }
0x542: {  	[tilespmem:s29], [sflag:$0x1] =	stream.indirect.gather [hbm4b:s3+s9], $0x40, s21, s9, $0xb8;
	[tilespmem:$0x19A00] =	vst v63  }
0x543: {  	s20 =	simm.s32 $0x800;
	s17 =	simm.s32 $0x17A00  }
0x544: {  	[tilespmem:s17], [sflag:$0x1] =	stream.indirect.gather [hbm4b:s4+s9], $0x10, s20, s9, $0xb8;
	[tilespmem:$0x19A00] =	vst v63  }
0x545: {  	s19 =	simm.s32 $0x380;
	s21 =	simm.s32 $0xEA00  }
0x546: {  	[tilespmem:s21], [sflag:$0x1] =	stream.indirect.gather [hbm4b:s3+s9], $0x40, s19, s9, $0xb8;
	[tilespmem:$0x19A00] =	vst v63  }
0x547: {  	s18 =	simm.s32 $0x880;
	s22 =	simm.s32 $0x18200  }
0x548: {  	[tilespmem:s22], [sflag:$0x1] =	stream.indirect.gather [hbm4b:s4+s9], $0x10, s18, s9, $0xb8;
	[tilespmem:$0x19A00] =	vst v63  }
0x549: {  	s6 =	simm.s32 $0x400;
	s23 =	simm.s32 $0x10A00  }
0x54a: {  	[tilespmem:s23], [sflag:$0x1] =	stream.indirect.gather [hbm4b:s3+s9], $0x40, s6, s9, $0xb8;
	[tilespmem:$0x19A00] =	vst v63  }
0x54b: {  	s16 =	simm.s32 $0x900;
	s24 =	simm.s32 $0x18A00  }
0x54c: {  	[tilespmem:s24], [sflag:$0x1] =	stream.indirect.gather [hbm4b:s4+s9], $0x10, s16, s9, $0xb8;
	[tilespmem:$0x19A00] =	vst v63  }
0x54d: {  	s15 =	simm.s32 $0x480;
	s25 =	simm.s32 $0x12A00  }
0x54e: {  	[tilespmem:s25], [sflag:$0x1] =	stream.indirect.gather [hbm4b:s3+s9], $0x40, s15, s9, $0xb8;
	[tilespmem:$0x19A00] =	vst v63  }
0x54f: {  	s26 =	simm.s32 $0x19200;
	s28 =	simm.s32 $0x980  }
0x550: {  	[tilespmem:s26], [sflag:$0x1] =	stream.indirect.gather [hbm4b:s4+s9], $0x10, s28, s9, $0xb8;
	[tilespmem:$0x19A00] =	vst v63  }
0x551: {  	_ =	swait.ge [sflag:s5], $0x2000  }
0x552: {  	[sflag:s5] =	ssyncset.done $0x0  }
0x553: {  	[sflag:s5] =	ssyncadd.s32 $0xFFFFE000  }
0x554: {  	_ =	swait.ge [sflag:s5], $0x800  }
0x555: {  	[sflag:s5] =	ssyncset.done $0x0  }
0x556: {  	[sflag:s5] =	ssyncadd.s32 $0xFFFFF800  }
0x557: {  	_ =	swait.ge [sflag:s5], $0x2000  }
0x558: {  	[sflag:s5] =	ssyncset.done $0x0  }
0x559: {  	[sflag:s5] =	ssyncadd.s32 $0xFFFFE000  }
0x55a: {  	_ =	swait.ge [sflag:s5], $0x800  }
0x55b: {  	[sflag:s5] =	ssyncset.done $0x0  }
0x55c: {  	[sflag:s5] =	ssyncadd.s32 $0xFFFFF800  }
0x55d: {  	_ =	swait.ge [sflag:s5], $0x2000  }
0x55e: {  	[sflag:s5] =	ssyncset.done $0x0  }
0x55f: {  	[sflag:s5] =	ssyncadd.s32 $0xFFFFE000  }
0x560: {  	_ =	swait.ge [sflag:s5], $0x800  }
0x561: {  	[sflag:s5] =	ssyncset.done $0x0  }
0x562: {  	[sflag:s5] =	ssyncadd.s32 $0xFFFFF800  }
0x563: {  	_ =	swait.ge [sflag:s5], $0x2000  }
0x564: {  	[sflag:s5] =	ssyncset.done $0x0  }
0x565: {  	[sflag:s5] =	ssyncadd.s32 $0xFFFFE000  }
0x566: {  	_ =	swait.ge [sflag:s5], $0x800  }
0x567: {  	[sflag:s5] =	ssyncset.done $0x0  }
0x568: {  	[sflag:s5] =	ssyncadd.s32 $0xFFFFF800  }
0x569: {  	_ =	swait.ge [sflag:s5], $0x2000  }
0x56a: {  	[sflag:s5] =	ssyncset.done $0x0  }
0x56b: {  	[sflag:s5] =	ssyncadd.s32 $0xFFFFE000  }
0x56c: {  	_ =	swait.ge [sflag:s5], $0x800  }
0x56d: {  	s29 =	sld [smem:$0x7FC]  }
0x56e: {  	[sflag:s5] =	ssyncset.done $0x0  }
0x56f: {  	s6 =	simm.s32 $0xAA00;
	s31 =	sld [smem:$0x7FD];
	[sflag:s5] =	ssyncadd.s32 $0xFFFFF800  }
0x570: {  	[hbm4b:s29+s2] =	stream.linear.scatter [tilespmem:s6], [sflag:$0x2], $0xA000, $0x38;
	[tilespmem:$0x19A00] =	vst v63  }
0x571: {  	_ = 	snop  }
0x572: {  	[hbm4b:s31+s2] =	stream.linear.scatter [tilespmem:s7], [sflag:$0x2], $0x2800, $0x38;
	[tilespmem:$0x19A00] =	vst v63  }
0x573: {  	_ =	swait.ge [sflag:s8], $0xA000  }
0x574: {  	[sflag:s8] =	ssyncset.done $0x0  }
0x575: {  	[sflag:s8] =	ssyncadd.s32 $0xFFFF6000  }
0x576: {  	_ =	swait.ge [sflag:s8], $0x2800  }
0x577: {  	[sflag:s8] =	ssyncset.done $0x0  }
0x578: {  	p1 =	sne.s32 s30, $0x1;
	[sflag:s8] =	ssyncadd.s32 $0xFFFFD800  }
.Ltmp2:
0x579: {  	_ =	swait.ge [sflag:s8], $0xA000;
	(pc) =	sbr.rel @p1 .LBB2_3-.Ltmp2, $4  }
0x57a: {  	[sflag:s8] =	ssyncset.done $0x0  }
0x57b: {  	[sflag:s8] =	ssyncadd.s32 $0xFFFF6000  }
0x57c: {  	_ =	swait.ge [sflag:s8], $0x2800  }
0x57d: {  	s30 =	sadd.s32 $0xFFFFFFFF, s30;
	s31 =	rddreg [dreg:$0x3];
	[sflag:s8] =	ssyncset.done $0x0  }
0x57e: {  	s30 =	simm.s32 $0x2A00  }
.LBB2_5:
0x57f: {  	[sflag:s8] =	ssyncadd.s32 @p0 $0xFFFFD800  }
0x580: {  	[tilespmem:s2], [sflag:$0x3] =	stream.linear.gather [hbm4b:s31+s2], $0x280, $0x38;
	[tilespmem:$0x19A00] =	vst v63  }
0x581: {  	_ =	swait.ge [sflag:s10], $0x280  }
0x582: {  	[sflag:s10] =	ssyncset.done $0x0  }
0x583: {  	s0 =	rddreg [dreg:$0x4];
	[sflag:s10] =	ssyncadd.s32 $0xFFFFFD80  }
0x584: {  	[tilespmem:s1], [sflag:$0x3] =	stream.linear.gather [hbm4b:s0+s2], $0x280, $0x38;
	[tilespmem:$0x19A00] =	vst v63  }
0x585: {  	_ =	swait.ge [sflag:s10], $0x280  }
0x586: {  	[sflag:s10] =	ssyncset.done $0x0  }
0x587: {  	[sflag:s10] =	ssyncadd.s32 $0xFFFFFD80  }
0x588: {  	[tilespmem:s12], [sflag:$0x1] =	stream.indirect.gather [hbm4b:s3+s9], $0x40, s2, s9, $0xb8;
	[tilespmem:$0x19A00] =	vst v63  }
0x589: {  	_ = 	snop  }
0x58a: {  	[tilespmem:s11], [sflag:$0x1] =	stream.indirect.gather [hbm4b:s4+s9], $0x10, s1, s9, $0xb8;
	[tilespmem:$0x19A00] =	vst v63  }
0x58b: {  	_ = 	snop  }
0x58c: {  	[tilespmem:s30], [sflag:$0x1] =	stream.indirect.gather [hbm4b:s3+s9], $0x40, s9, s9, $0xb8;
	[tilespmem:$0x19A00] =	vst v63  }
0x58d: {  	s26 =	simm.s32 $0x580;
	s15 =	simm.s32 $0x15200  }
0x58e: {  	[tilespmem:s15], [sflag:$0x1] =	stream.indirect.gather [hbm4b:s4+s9], $0x10, s26, s9, $0xb8;
	[tilespmem:$0x19A00] =	vst v63  }
0x58f: {  	s28 =	simm.s32 $0x100;
	s29 =	simm.s32 $0x4A00  }
0x590: {  	[tilespmem:s29], [sflag:$0x1] =	stream.indirect.gather [hbm4b:s3+s9], $0x40, s28, s9, $0xb8;
	[tilespmem:$0x19A00] =	vst v63  }
0x591: {  	s31 =	simm.s32 $0x15A00;
	s30 =	simm.s32 $0x600  }
0x592: {  	[tilespmem:s31], [sflag:$0x1] =	stream.indirect.gather [hbm4b:s4+s9], $0x10, s30, s9, $0xb8;
	[tilespmem:$0x19A00] =	vst v63  }
0x593: {  	s16 =	simm.s32 $0x180;
	s17 =	simm.s32 $0x6A00  }
0x594: {  	[tilespmem:s17], [sflag:$0x1] =	stream.indirect.gather [hbm4b:s3+s9], $0x40, s16, s9, $0xb8;
	[tilespmem:$0x19A00] =	vst v63  }
0x595: {  	s18 =	simm.s32 $0x680;
	s19 =	simm.s32 $0x16200  }
0x596: {  	[tilespmem:s19], [sflag:$0x1] =	stream.indirect.gather [hbm4b:s4+s9], $0x10, s18, s9, $0xb8;
	[tilespmem:$0x19A00] =	vst v63  }
0x597: {  	s20 =	simm.s32 $0x200;
	s21 =	simm.s32 $0x8A00  }
0x598: {  	[tilespmem:s21], [sflag:$0x1] =	stream.indirect.gather [hbm4b:s3+s9], $0x40, s20, s9, $0xb8;
	[tilespmem:$0x19A00] =	vst v63  }
0x599: {  	s22 =	simm.s32 $0x700;
	s30 =	simm.s32 $0x16A00  }
0x59a: {  	[tilespmem:s30], [sflag:$0x1] =	stream.indirect.gather [hbm4b:s4+s9], $0x10, s22, s9, $0xb8;
	[tilespmem:$0x19A00] =	vst v63  }
0x59b: {  	_ =	swait.ge [sflag:s5], $0x2000  }
0x59c: {  	[sflag:s5] =	ssyncset.done $0x0  }
0x59d: {  	[sflag:s5] =	ssyncadd.s32 $0xFFFFE000  }
0x59e: {  	_ =	swait.ge [sflag:s5], $0x800  }
0x59f: {  	[sflag:s5] =	ssyncset.done $0x0  }
0x5a0: {  	[sflag:s5] =	ssyncadd.s32 $0xFFFFF800  }
0x5a1: {  	_ =	swait.ge [sflag:s5], $0x2000  }
0x5a2: {  	[sflag:s5] =	ssyncset.done $0x0  }
0x5a3: {  	[sflag:s5] =	ssyncadd.s32 $0xFFFFE000  }
0x5a4: {  	_ =	swait.ge [sflag:s5], $0x800  }
0x5a5: {  	[sflag:s5] =	ssyncset.done $0x0  }
0x5a6: {  	[sflag:s5] =	ssyncadd.s32 $0xFFFFF800  }
0x5a7: {  	_ =	swait.ge [sflag:s5], $0x2000  }
0x5a8: {  	[sflag:s5] =	ssyncset.done $0x0  }
0x5a9: {  	[sflag:s5] =	ssyncadd.s32 $0xFFFFE000  }
0x5aa: {  	_ =	swait.ge [sflag:s5], $0x800  }
0x5ab: {  	[sflag:s5] =	ssyncset.done $0x0  }
0x5ac: {  	[sflag:s5] =	ssyncadd.s32 $0xFFFFF800  }
0x5ad: {  	_ =	swait.ge [sflag:s5], $0x2000  }
0x5ae: {  	[sflag:s5] =	ssyncset.done $0x0  }
0x5af: {  	[sflag:s5] =	ssyncadd.s32 $0xFFFFE000  }
0x5b0: {  	_ =	swait.ge [sflag:s5], $0x800  }
0x5b1: {  	[sflag:s5] =	ssyncset.done $0x0  }
0x5b2: {  	[sflag:s5] =	ssyncadd.s32 $0xFFFFF800  }
0x5b3: {  	_ =	swait.ge [sflag:s5], $0x2000  }
0x5b4: {  	[sflag:s5] =	ssyncset.done $0x0  }
0x5b5: {  	[sflag:s5] =	ssyncadd.s32 $0xFFFFE000  }
0x5b6: {  	_ =	swait.ge [sflag:s5], $0x800  }
0x5b7: {  	[sflag:s5] =	ssyncset.done $0x0  }
0x5b8: {  	s31 =	rddreg [dreg:$0x5];
	[sflag:s5] =	ssyncadd.s32 $0xFFFFF800  }
0x5b9: {  	[hbm4b:s31+s2] =	stream.linear.scatter [tilespmem:s12], [sflag:$0x2], $0xA000, $0x38;
	[tilespmem:$0x19A00] =	vst v63  }
0x5ba: {  	s15 =	rddreg [dreg:$0x6]  }
0x5bb: {  	[hbm4b:s15+s2] =	stream.linear.scatter [tilespmem:s11], [sflag:$0x2], $0x2800, $0x38;
	[tilespmem:$0x19A00] =	vst v63  }
0x5bc: {  	s17 =	rddreg [dreg:$0x7]  }
0x5bd: {  	[tilespmem:s13], [sflag:$0x3] =	stream.linear.gather [hbm4b:s17+s2], $0x280, $0x38;
	[tilespmem:$0x19A00] =	vst v63  }
0x5be: {  	_ =	swait.ge [sflag:s10], $0x280  }
0x5bf: {  	[sflag:s10] =	ssyncset.done $0x0  }
0x5c0: {  	s18 =	rddreg [dreg:$0x8];
	[sflag:s10] =	ssyncadd.s32 $0xFFFFFD80  }
0x5c1: {  	[tilespmem:s14], [sflag:$0x3] =	stream.linear.gather [hbm4b:s18+s2], $0x280, $0x38;
	[tilespmem:$0x19A00] =	vst v63  }
0x5c2: {  	_ =	swait.ge [sflag:s10], $0x280  }
0x5c3: {  	[sflag:s10] =	ssyncset.done $0x0  }
0x5c4: {  	[sflag:s10] =	ssyncadd.s32 $0xFFFFFD80  }
0x5c5: {  	[tilespmem:s6], [sflag:$0x1] =	stream.indirect.gather [hbm4b:s3+s9], $0x40, s13, s9, $0xb8;
	[tilespmem:$0x19A00] =	vst v63  }
0x5c6: {  	_ = 	snop  }
0x5c7: {  	[tilespmem:s7], [sflag:$0x1] =	stream.indirect.gather [hbm4b:s4+s9], $0x10, s14, s9, $0xb8;
	[tilespmem:$0x19A00] =	vst v63  }
0x5c8: {  	s19 =	simm.s32 $0x300;
	s20 =	simm.s32 $0xCA00  }
0x5c9: {  	[tilespmem:s20], [sflag:$0x1] =	stream.indirect.gather [hbm4b:s3+s9], $0x40, s19, s9, $0xb8;
	[tilespmem:$0x19A00] =	vst v63  }
0x5ca: {  	s31 =	simm.s32 $0x800;
	s15 =	simm.s32 $0x17A00  }
0x5cb: {  	[tilespmem:s15], [sflag:$0x1] =	stream.indirect.gather [hbm4b:s4+s9], $0x10, s31, s9, $0xb8;
	[tilespmem:$0x19A00] =	vst v63  }
0x5cc: {  	s17 =	simm.s32 $0x380;
	s18 =	simm.s32 $0xEA00  }
0x5cd: {  	[tilespmem:s18], [sflag:$0x1] =	stream.indirect.gather [hbm4b:s3+s9], $0x40, s17, s9, $0xb8;
	[tilespmem:$0x19A00] =	vst v63  }
0x5ce: {  	s19 =	simm.s32 $0x880;
	s20 =	simm.s32 $0x18200  }
0x5cf: {  	[tilespmem:s20], [sflag:$0x1] =	stream.indirect.gather [hbm4b:s4+s9], $0x10, s19, s9, $0xb8;
	[tilespmem:$0x19A00] =	vst v63  }
0x5d0: {  	s31 =	simm.s32 $0x400;
	s15 =	simm.s32 $0x10A00  }
0x5d1: {  	[tilespmem:s15], [sflag:$0x1] =	stream.indirect.gather [hbm4b:s3+s9], $0x40, s31, s9, $0xb8;
	[tilespmem:$0x19A00] =	vst v63  }
0x5d2: {  	s17 =	simm.s32 $0x900;
	s18 =	simm.s32 $0x18A00  }
0x5d3: {  	[tilespmem:s18], [sflag:$0x1] =	stream.indirect.gather [hbm4b:s4+s9], $0x10, s17, s9, $0xb8;
	[tilespmem:$0x19A00] =	vst v63  }
0x5d4: {  	s19 =	simm.s32 $0x480;
	s20 =	simm.s32 $0x12A00  }
0x5d5: {  	[tilespmem:s20], [sflag:$0x1] =	stream.indirect.gather [hbm4b:s3+s9], $0x40, s19, s9, $0xb8;
	[tilespmem:$0x19A00] =	vst v63  }
0x5d6: {  	s30 =	simm.s32 $0x980;
	s31 =	simm.s32 $0x19200  }
0x5d7: {  	[tilespmem:s31], [sflag:$0x1] =	stream.indirect.gather [hbm4b:s4+s9], $0x10, s30, s9, $0xb8;
	[tilespmem:$0x19A00] =	vst v63  }
0x5d8: {  	_ =	swait.ge [sflag:s5], $0x2000  }
0x5d9: {  	[sflag:s5] =	ssyncset.done $0x0  }
0x5da: {  	[sflag:s5] =	ssyncadd.s32 $0xFFFFE000  }
0x5db: {  	_ =	swait.ge [sflag:s5], $0x800  }
0x5dc: {  	[sflag:s5] =	ssyncset.done $0x0  }
0x5dd: {  	[sflag:s5] =	ssyncadd.s32 $0xFFFFF800  }
0x5de: {  	_ =	swait.ge [sflag:s5], $0x2000  }
0x5df: {  	[sflag:s5] =	ssyncset.done $0x0  }
0x5e0: {  	[sflag:s5] =	ssyncadd.s32 $0xFFFFE000  }
0x5e1: {  	_ =	swait.ge [sflag:s5], $0x800  }
0x5e2: {  	[sflag:s5] =	ssyncset.done $0x0  }
0x5e3: {  	[sflag:s5] =	ssyncadd.s32 $0xFFFFF800  }
0x5e4: {  	_ =	swait.ge [sflag:s5], $0x2000  }
0x5e5: {  	[sflag:s5] =	ssyncset.done $0x0  }
0x5e6: {  	[sflag:s5] =	ssyncadd.s32 $0xFFFFE000  }
0x5e7: {  	_ =	swait.ge [sflag:s5], $0x800  }
0x5e8: {  	[sflag:s5] =	ssyncset.done $0x0  }
0x5e9: {  	[sflag:s5] =	ssyncadd.s32 $0xFFFFF800  }
0x5ea: {  	_ =	swait.ge [sflag:s5], $0x2000  }
0x5eb: {  	[sflag:s5] =	ssyncset.done $0x0  }
0x5ec: {  	[sflag:s5] =	ssyncadd.s32 $0xFFFFE000  }
0x5ed: {  	_ =	swait.ge [sflag:s5], $0x800  }
0x5ee: {  	[sflag:s5] =	ssyncset.done $0x0  }
0x5ef: {  	[sflag:s5] =	ssyncadd.s32 $0xFFFFF800  }
0x5f0: {  	_ =	swait.ge [sflag:s5], $0x2000  }
0x5f1: {  	[sflag:s5] =	ssyncset.done $0x0  }
0x5f2: {  	[sflag:s5] =	ssyncadd.s32 $0xFFFFE000  }
0x5f3: {  	_ =	swait.ge [sflag:s5], $0x800  }
0x5f4: {  	[sflag:s5] =	ssyncset.done $0x0  }
0x5f5: {  	s17 =	rddreg [dreg:$0x9];
	[sflag:s5] =	ssyncadd.s32 $0xFFFFF800  }
0x5f6: {  	[hbm4b:s17+s2] =	stream.linear.scatter [tilespmem:s6], [sflag:$0x2], $0xA000, $0x38;
	[tilespmem:$0x19A00] =	vst v63  }
0x5f7: {  	s18 =	rddreg [dreg:$0xa]  }
0x5f8: {  	[hbm4b:s18+s2] =	stream.linear.scatter [tilespmem:s7], [sflag:$0x2], $0x2800, $0x38;
	[tilespmem:$0x19A00] =	vst v63  }
0x5f9: {  	s19 =	rddreg [dreg:$0xb]  }
0x5fa: {  	[tilespmem:s2], [sflag:$0x3] =	stream.linear.gather [hbm4b:s19+s2], $0x280, $0x38;
	[tilespmem:$0x19A00] =	vst v63  }
0x5fb: {  	_ =	swait.ge [sflag:s10], $0x280  }
0x5fc: {  	[sflag:s10] =	ssyncset.done $0x0  }
0x5fd: {  	s20 =	rddreg [dreg:$0xc];
	[sflag:s10] =	ssyncadd.s32 $0xFFFFFD80  }
0x5fe: {  	[tilespmem:s1], [sflag:$0x3] =	stream.linear.gather [hbm4b:s20+s2], $0x280, $0x38;
	[tilespmem:$0x19A00] =	vst v63  }
0x5ff: {  	_ =	swait.ge [sflag:s10], $0x280  }
0x600: {  	[sflag:s10] =	ssyncset.done $0x0  }
0x601: {  	[sflag:s10] =	ssyncadd.s32 $0xFFFFFD80  }
0x602: {  	_ =	swait.ge [sflag:s8], $0xA000  }
0x603: {  	[sflag:s8] =	ssyncset.done $0x0  }
0x604: {  	[sflag:s8] =	ssyncadd.s32 $0xFFFF6000  }
0x605: {  	_ =	swait.ge [sflag:s8], $0x2800  }
0x606: {  	[sflag:s8] =	ssyncset.done $0x0  }
0x607: {  	[sflag:s8] =	ssyncadd.s32 $0xFFFFD800  }
0x608: {  	[tilespmem:s12], [sflag:$0x1] =	stream.indirect.gather [hbm4b:s3+s9], $0x40, s2, s9, $0xb8;
	[tilespmem:$0x19A00] =	vst v63  }
0x609: {  	_ = 	snop  }
0x60a: {  	[tilespmem:s11], [sflag:$0x1] =	stream.indirect.gather [hbm4b:s4+s9], $0x10, s1, s9, $0xb8;
	[tilespmem:$0x19A00] =	vst v63  }
0x60b: {  	s16 =	simm.s32 $0x2A00  }
0x60c: {  	[tilespmem:s16], [sflag:$0x1] =	stream.indirect.gather [hbm4b:s3+s9], $0x40, s9, s9, $0xb8;
	[tilespmem:$0x19A00] =	vst v63  }
0x60d: {  	s15 =	simm.s32 $0x15200;
	s18 =	simm.s32 $0x580  }
0x60e: {  	[tilespmem:s15], [sflag:$0x1] =	stream.indirect.gather [hbm4b:s4+s9], $0x10, s18, s9, $0xb8;
	[tilespmem:$0x19A00] =	vst v63  }
0x60f: {  	s20 =	simm.s32 $0x100;
	s16 =	simm.s32 $0x4A00  }
0x610: {  	[tilespmem:s16], [sflag:$0x1] =	stream.indirect.gather [hbm4b:s3+s9], $0x40, s20, s9, $0xb8;
	[tilespmem:$0x19A00] =	vst v63  }
0x611: {  	s17 =	simm.s32 $0x15A00;
	s19 =	simm.s32 $0x600  }
0x612: {  	[tilespmem:s17], [sflag:$0x1] =	stream.indirect.gather [hbm4b:s4+s9], $0x10, s19, s9, $0xb8;
	[tilespmem:$0x19A00] =	vst v63  }
0x613: {  	s29 =	simm.s32 $0x6A00;
	s28 =	simm.s32 $0x180  }
0x614: {  	[tilespmem:s29], [sflag:$0x1] =	stream.indirect.gather [hbm4b:s3+s9], $0x40, s28, s9, $0xb8;
	[tilespmem:$0x19A00] =	vst v63  }
0x615: {  	s25 =	simm.s32 $0x680;
	s26 =	simm.s32 $0x16200  }
0x616: {  	[tilespmem:s26], [sflag:$0x1] =	stream.indirect.gather [hbm4b:s4+s9], $0x10, s25, s9, $0xb8;
	[tilespmem:$0x19A00] =	vst v63  }
0x617: {  	s24 =	simm.s32 $0x8A00;
	s23 =	simm.s32 $0x200  }
0x618: {  	[tilespmem:s24], [sflag:$0x1] =	stream.indirect.gather [hbm4b:s3+s9], $0x40, s23, s9, $0xb8;
	[tilespmem:$0x19A00] =	vst v63  }
0x619: {  	s21 =	simm.s32 $0x700;
	s22 =	simm.s32 $0x16A00  }
0x61a: {  	[tilespmem:s22], [sflag:$0x1] =	stream.indirect.gather [hbm4b:s4+s9], $0x10, s21, s9, $0xb8;
	[tilespmem:$0x19A00] =	vst v63  }
0x61b: {  	_ =	swait.ge [sflag:s5], $0x2000  }
0x61c: {  	[sflag:s5] =	ssyncset.done $0x0  }
0x61d: {  	[sflag:s5] =	ssyncadd.s32 $0xFFFFE000  }
0x61e: {  	_ =	swait.ge [sflag:s5], $0x800  }
0x61f: {  	[sflag:s5] =	ssyncset.done $0x0  }
0x620: {  	[sflag:s5] =	ssyncadd.s32 $0xFFFFF800  }
0x621: {  	_ =	swait.ge [sflag:s5], $0x2000  }
0x622: {  	[sflag:s5] =	ssyncset.done $0x0  }
0x623: {  	[sflag:s5] =	ssyncadd.s32 $0xFFFFE000  }
0x624: {  	_ =	swait.ge [sflag:s5], $0x800  }
0x625: {  	[sflag:s5] =	ssyncset.done $0x0  }
0x626: {  	[sflag:s5] =	ssyncadd.s32 $0xFFFFF800  }
0x627: {  	_ =	swait.ge [sflag:s5], $0x2000  }
0x628: {  	[sflag:s5] =	ssyncset.done $0x0  }
0x629: {  	[sflag:s5] =	ssyncadd.s32 $0xFFFFE000  }
0x62a: {  	_ =	swait.ge [sflag:s5], $0x800  }
0x62b: {  	[sflag:s5] =	ssyncset.done $0x0  }
0x62c: {  	[sflag:s5] =	ssyncadd.s32 $0xFFFFF800  }
0x62d: {  	_ =	swait.ge [sflag:s5], $0x2000  }
0x62e: {  	[sflag:s5] =	ssyncset.done $0x0  }
0x62f: {  	[sflag:s5] =	ssyncadd.s32 $0xFFFFE000  }
0x630: {  	_ =	swait.ge [sflag:s5], $0x800  }
0x631: {  	[sflag:s5] =	ssyncset.done $0x0  }
0x632: {  	[sflag:s5] =	ssyncadd.s32 $0xFFFFF800  }
0x633: {  	_ =	swait.ge [sflag:s5], $0x2000  }
0x634: {  	[sflag:s5] =	ssyncset.done $0x0  }
0x635: {  	[sflag:s5] =	ssyncadd.s32 $0xFFFFE000  }
0x636: {  	_ =	swait.ge [sflag:s5], $0x800  }
0x637: {  	[sflag:s5] =	ssyncset.done $0x0  }
0x638: {  	s26 =	rddreg [dreg:$0xd];
	[sflag:s5] =	ssyncadd.s32 $0xFFFFF800  }
0x639: {  	[hbm4b:s26+s2] =	stream.linear.scatter [tilespmem:s12], [sflag:$0x2], $0xA000, $0x38;
	[tilespmem:$0x19A00] =	vst v63  }
0x63a: {  	s28 =	rddreg [dreg:$0xe]  }
0x63b: {  	[hbm4b:s28+s2] =	stream.linear.scatter [tilespmem:s11], [sflag:$0x2], $0x2800, $0x38;
	[tilespmem:$0x19A00] =	vst v63  }
0x63c: {  	s29 =	rddreg [dreg:$0xf]  }
0x63d: {  	[tilespmem:s13], [sflag:$0x3] =	stream.linear.gather [hbm4b:s29+s2], $0x280, $0x38;
	[tilespmem:$0x19A00] =	vst v63  }
0x63e: {  	_ =	swait.ge [sflag:s10], $0x280  }
0x63f: {  	[sflag:s10] =	ssyncset.done $0x0  }
0x640: {  	s21 =	rddreg [dreg:$0x10];
	[sflag:s10] =	ssyncadd.s32 $0xFFFFFD80  }
0x641: {  	[tilespmem:s14], [sflag:$0x3] =	stream.linear.gather [hbm4b:s21+s2], $0x280, $0x38;
	[tilespmem:$0x19A00] =	vst v63  }
0x642: {  	_ =	swait.ge [sflag:s10], $0x280  }
0x643: {  	[sflag:s10] =	ssyncset.done $0x0  }
0x644: {  	[sflag:s10] =	ssyncadd.s32 $0xFFFFFD80  }
0x645: {  	_ =	swait.ge [sflag:s8], $0xA000  }
0x646: {  	[sflag:s8] =	ssyncset.done $0x0  }
0x647: {  	[sflag:s8] =	ssyncadd.s32 $0xFFFF6000  }
0x648: {  	_ =	swait.ge [sflag:s8], $0x2800  }
0x649: {  	[sflag:s8] =	ssyncset.done $0x0  }
0x64a: {  	[sflag:s8] =	ssyncadd.s32 $0xFFFFD800  }
0x64b: {  	[tilespmem:s6], [sflag:$0x1] =	stream.indirect.gather [hbm4b:s3+s9], $0x40, s13, s9, $0xb8;
	[tilespmem:$0x19A00] =	vst v63  }
0x64c: {  	_ = 	snop  }
0x64d: {  	[tilespmem:s7], [sflag:$0x1] =	stream.indirect.gather [hbm4b:s4+s9], $0x10, s14, s9, $0xb8;
	[tilespmem:$0x19A00] =	vst v63  }
0x64e: {  	s23 =	simm.s32 $0x300;
	s22 =	simm.s32 $0xCA00  }
0x64f: {  	[tilespmem:s22], [sflag:$0x1] =	stream.indirect.gather [hbm4b:s3+s9], $0x40, s23, s9, $0xb8;
	[tilespmem:$0x19A00] =	vst v63  }
0x650: {  	s25 =	simm.s32 $0x800;
	s24 =	simm.s32 $0x17A00  }
0x651: {  	[tilespmem:s24], [sflag:$0x1] =	stream.indirect.gather [hbm4b:s4+s9], $0x10, s25, s9, $0xb8;
	[tilespmem:$0x19A00] =	vst v63  }
0x652: {  	s26 =	simm.s32 $0xEA00;
	s28 =	simm.s32 $0x380  }
0x653: {  	[tilespmem:s26], [sflag:$0x1] =	stream.indirect.gather [hbm4b:s3+s9], $0x40, s28, s9, $0xb8;
	[tilespmem:$0x19A00] =	vst v63  }
0x654: {  	s30 =	simm.s32 $0x880;
	s29 =	simm.s32 $0x18200  }
0x655: {  	[tilespmem:s29], [sflag:$0x1] =	stream.indirect.gather [hbm4b:s4+s9], $0x10, s30, s9, $0xb8;
	[tilespmem:$0x19A00] =	vst v63  }
0x656: {  	s25 =	simm.s32 $0x10A00;
	s26 =	simm.s32 $0x400  }
0x657: {  	[tilespmem:s25], [sflag:$0x1] =	stream.indirect.gather [hbm4b:s3+s9], $0x40, s26, s9, $0xb8;
	[tilespmem:$0x19A00] =	vst v63  }
0x658: {  	s28 =	simm.s32 $0x18A00;
	s29 =	simm.s32 $0x900  }
0x659: {  	[tilespmem:s28], [sflag:$0x1] =	stream.indirect.gather [hbm4b:s4+s9], $0x10, s29, s9, $0xb8;
	[tilespmem:$0x19A00] =	vst v63  }
0x65a: {  	s30 =	simm.s32 $0x12A00;
	s29 =	simm.s32 $0x480  }
0x65b: {  	[tilespmem:s30], [sflag:$0x1] =	stream.indirect.gather [hbm4b:s3+s9], $0x40, s29, s9, $0xb8;
	[tilespmem:$0x19A00] =	vst v63  }
0x65c: {  	s31 =	simm.s32 $0x980;
	s30 =	simm.s32 $0x19200  }
0x65d: {  	[tilespmem:s30], [sflag:$0x1] =	stream.indirect.gather [hbm4b:s4+s9], $0x10, s31, s9, $0xb8;
	[tilespmem:$0x19A00] =	vst v63  }
0x65e: {  	_ =	swait.ge [sflag:s5], $0x2000  }
0x65f: {  	[sflag:s5] =	ssyncset.done $0x0  }
0x660: {  	[sflag:s5] =	ssyncadd.s32 $0xFFFFE000  }
0x661: {  	_ =	swait.ge [sflag:s5], $0x800  }
0x662: {  	[sflag:s5] =	ssyncset.done $0x0  }
0x663: {  	[sflag:s5] =	ssyncadd.s32 $0xFFFFF800  }
0x664: {  	_ =	swait.ge [sflag:s5], $0x2000  }
0x665: {  	[sflag:s5] =	ssyncset.done $0x0  }
0x666: {  	[sflag:s5] =	ssyncadd.s32 $0xFFFFE000  }
0x667: {  	_ =	swait.ge [sflag:s5], $0x800  }
0x668: {  	[sflag:s5] =	ssyncset.done $0x0  }
0x669: {  	[sflag:s5] =	ssyncadd.s32 $0xFFFFF800  }
0x66a: {  	_ =	swait.ge [sflag:s5], $0x2000  }
0x66b: {  	[sflag:s5] =	ssyncset.done $0x0  }
0x66c: {  	[sflag:s5] =	ssyncadd.s32 $0xFFFFE000  }
0x66d: {  	_ =	swait.ge [sflag:s5], $0x800  }
0x66e: {  	[sflag:s5] =	ssyncset.done $0x0  }
0x66f: {  	[sflag:s5] =	ssyncadd.s32 $0xFFFFF800  }
0x670: {  	_ =	swait.ge [sflag:s5], $0x2000  }
0x671: {  	[sflag:s5] =	ssyncset.done $0x0  }
0x672: {  	[sflag:s5] =	ssyncadd.s32 $0xFFFFE000  }
0x673: {  	_ =	swait.ge [sflag:s5], $0x800  }
0x674: {  	[sflag:s5] =	ssyncset.done $0x0  }
0x675: {  	[sflag:s5] =	ssyncadd.s32 $0xFFFFF800  }
0x676: {  	_ =	swait.ge [sflag:s5], $0x2000  }
0x677: {  	[sflag:s5] =	ssyncset.done $0x0  }
0x678: {  	[sflag:s5] =	ssyncadd.s32 $0xFFFFE000  }
0x679: {  	_ =	swait.ge [sflag:s5], $0x800  }
0x67a: {  	[sflag:s5] =	ssyncset.done $0x0  }
0x67b: {  	s31 =	rddreg [dreg:$0x11];
	[sflag:s5] =	ssyncadd.s32 $0xFFFFF800  }
0x67c: {  	[hbm4b:s31+s2] =	stream.linear.scatter [tilespmem:s6], [sflag:$0x2], $0xA000, $0x38;
	[tilespmem:$0x19A00] =	vst v63  }
0x67d: {  	s30 =	rddreg [dreg:$0x12]  }
0x67e: {  	[hbm4b:s30+s2] =	stream.linear.scatter [tilespmem:s7], [sflag:$0x2], $0x2800, $0x38;
	[tilespmem:$0x19A00] =	vst v63  }
0x67f: {  	s31 =	rddreg [dreg:$0x13]  }
0x680: {  	[tilespmem:s2], [sflag:$0x3] =	stream.linear.gather [hbm4b:s31+s2], $0x280, $0x38;
	[tilespmem:$0x19A00] =	vst v63  }
0x681: {  	_ =	swait.ge [sflag:s10], $0x280  }
0x682: {  	[sflag:s10] =	ssyncset.done $0x0  }
0x683: {  	s30 =	rddreg [dreg:$0x14];
	[sflag:s10] =	ssyncadd.s32 $0xFFFFFD80  }
0x684: {  	[tilespmem:s1], [sflag:$0x3] =	stream.linear.gather [hbm4b:s30+s2], $0x280, $0x38;
	[tilespmem:$0x19A00] =	vst v63  }
0x685: {  	_ =	swait.ge [sflag:s10], $0x280  }
0x686: {  	[sflag:s10] =	ssyncset.done $0x0  }
0x687: {  	[sflag:s10] =	ssyncadd.s32 $0xFFFFFD80  }
0x688: {  	_ =	swait.ge [sflag:s8], $0xA000  }
0x689: {  	[sflag:s8] =	ssyncset.done $0x0  }
0x68a: {  	[sflag:s8] =	ssyncadd.s32 $0xFFFF6000  }
0x68b: {  	_ =	swait.ge [sflag:s8], $0x2800  }
0x68c: {  	[sflag:s8] =	ssyncset.done $0x0  }
0x68d: {  	[sflag:s8] =	ssyncadd.s32 $0xFFFFD800  }
0x68e: {  	[tilespmem:s12], [sflag:$0x1] =	stream.indirect.gather [hbm4b:s3+s9], $0x40, s2, s9, $0xb8;
	[tilespmem:$0x19A00] =	vst v63  }
0x68f: {  	_ = 	snop  }
0x690: {  	[tilespmem:s11], [sflag:$0x1] =	stream.indirect.gather [hbm4b:s4+s9], $0x10, s1, s9, $0xb8;
	[tilespmem:$0x19A00] =	vst v63  }
0x691: {  	s31 =	simm.s32 $0x2A00  }
0x692: {  	[tilespmem:s31], [sflag:$0x1] =	stream.indirect.gather [hbm4b:s3+s9], $0x40, s9, s9, $0xb8;
	[tilespmem:$0x19A00] =	vst v63  }
0x693: {  	_ = 	snop  }
0x694: {  	[tilespmem:s15], [sflag:$0x1] =	stream.indirect.gather [hbm4b:s4+s9], $0x10, s18, s9, $0xb8;
	[tilespmem:$0x19A00] =	vst v63  }
0x695: {  	_ = 	snop  }
0x696: {  	[tilespmem:s16], [sflag:$0x1] =	stream.indirect.gather [hbm4b:s3+s9], $0x40, s20, s9, $0xb8;
	[tilespmem:$0x19A00] =	vst v63  }
0x697: {  	_ = 	snop  }
0x698: {  	[tilespmem:s17], [sflag:$0x1] =	stream.indirect.gather [hbm4b:s4+s9], $0x10, s19, s9, $0xb8;
	[tilespmem:$0x19A00] =	vst v63  }
0x699: {  	s18 =	simm.s32 $0x6A00;
	s19 =	simm.s32 $0x180  }
0x69a: {  	[tilespmem:s18], [sflag:$0x1] =	stream.indirect.gather [hbm4b:s3+s9], $0x40, s19, s9, $0xb8;
	[tilespmem:$0x19A00] =	vst v63  }
0x69b: {  	s30 =	simm.s32 $0x680;
	s20 =	simm.s32 $0x16200  }
0x69c: {  	[tilespmem:s20], [sflag:$0x1] =	stream.indirect.gather [hbm4b:s4+s9], $0x10, s30, s9, $0xb8;
	[tilespmem:$0x19A00] =	vst v63  }
0x69d: {  	s18 =	simm.s32 $0x8A00;
	s19 =	simm.s32 $0x200  }
0x69e: {  	[tilespmem:s18], [sflag:$0x1] =	stream.indirect.gather [hbm4b:s3+s9], $0x40, s19, s9, $0xb8;
	[tilespmem:$0x19A00] =	vst v63  }
0x69f: {  	s20 =	simm.s32 $0x16A00;
	s30 =	simm.s32 $0x700  }
0x6a0: {  	[tilespmem:s20], [sflag:$0x1] =	stream.indirect.gather [hbm4b:s4+s9], $0x10, s30, s9, $0xb8;
	[tilespmem:$0x19A00] =	vst v63  }
0x6a1: {  	_ =	swait.ge [sflag:s5], $0x2000  }
0x6a2: {  	[sflag:s5] =	ssyncset.done $0x0  }
0x6a3: {  	[sflag:s5] =	ssyncadd.s32 $0xFFFFE000  }
0x6a4: {  	_ =	swait.ge [sflag:s5], $0x800  }
0x6a5: {  	[sflag:s5] =	ssyncset.done $0x0  }
0x6a6: {  	[sflag:s5] =	ssyncadd.s32 $0xFFFFF800  }
0x6a7: {  	_ =	swait.ge [sflag:s5], $0x2000  }
0x6a8: {  	[sflag:s5] =	ssyncset.done $0x0  }
0x6a9: {  	[sflag:s5] =	ssyncadd.s32 $0xFFFFE000  }
0x6aa: {  	_ =	swait.ge [sflag:s5], $0x800  }
0x6ab: {  	[sflag:s5] =	ssyncset.done $0x0  }
0x6ac: {  	[sflag:s5] =	ssyncadd.s32 $0xFFFFF800  }
0x6ad: {  	_ =	swait.ge [sflag:s5], $0x2000  }
0x6ae: {  	[sflag:s5] =	ssyncset.done $0x0  }
0x6af: {  	[sflag:s5] =	ssyncadd.s32 $0xFFFFE000  }
0x6b0: {  	_ =	swait.ge [sflag:s5], $0x800  }
0x6b1: {  	[sflag:s5] =	ssyncset.done $0x0  }
0x6b2: {  	[sflag:s5] =	ssyncadd.s32 $0xFFFFF800  }
0x6b3: {  	_ =	swait.ge [sflag:s5], $0x2000  }
0x6b4: {  	[sflag:s5] =	ssyncset.done $0x0  }
0x6b5: {  	[sflag:s5] =	ssyncadd.s32 $0xFFFFE000  }
0x6b6: {  	_ =	swait.ge [sflag:s5], $0x800  }
0x6b7: {  	[sflag:s5] =	ssyncset.done $0x0  }
0x6b8: {  	[sflag:s5] =	ssyncadd.s32 $0xFFFFF800  }
0x6b9: {  	_ =	swait.ge [sflag:s5], $0x2000  }
0x6ba: {  	[sflag:s5] =	ssyncset.done $0x0  }
0x6bb: {  	[sflag:s5] =	ssyncadd.s32 $0xFFFFE000  }
0x6bc: {  	_ =	swait.ge [sflag:s5], $0x800  }
0x6bd: {  	[sflag:s5] =	ssyncset.done $0x0  }
0x6be: {  	s19 =	rddreg [dreg:$0x15];
	[sflag:s5] =	ssyncadd.s32 $0xFFFFF800  }
0x6bf: {  	[hbm4b:s19+s2] =	stream.linear.scatter [tilespmem:s12], [sflag:$0x2], $0xA000, $0x38;
	[tilespmem:$0x19A00] =	vst v63  }
0x6c0: {  	s20 =	rddreg [dreg:$0x16]  }
0x6c1: {  	[hbm4b:s20+s2] =	stream.linear.scatter [tilespmem:s11], [sflag:$0x2], $0x2800, $0x38;
	[tilespmem:$0x19A00] =	vst v63  }
0x6c2: {  	s18 =	rddreg [dreg:$0x17]  }
0x6c3: {  	[tilespmem:s13], [sflag:$0x3] =	stream.linear.gather [hbm4b:s18+s2], $0x280, $0x38;
	[tilespmem:$0x19A00] =	vst v63  }
0x6c4: {  	_ =	swait.ge [sflag:s10], $0x280  }
0x6c5: {  	[sflag:s10] =	ssyncset.done $0x0  }
0x6c6: {  	s19 =	rddreg [dreg:$0x18];
	[sflag:s10] =	ssyncadd.s32 $0xFFFFFD80  }
0x6c7: {  	[tilespmem:s14], [sflag:$0x3] =	stream.linear.gather [hbm4b:s19+s2], $0x280, $0x38;
	[tilespmem:$0x19A00] =	vst v63  }
0x6c8: {  	_ =	swait.ge [sflag:s10], $0x280  }
0x6c9: {  	[sflag:s10] =	ssyncset.done $0x0  }
0x6ca: {  	[sflag:s10] =	ssyncadd.s32 $0xFFFFFD80  }
0x6cb: {  	_ =	swait.ge [sflag:s8], $0xA000  }
0x6cc: {  	[sflag:s8] =	ssyncset.done $0x0  }
0x6cd: {  	[sflag:s8] =	ssyncadd.s32 $0xFFFF6000  }
0x6ce: {  	_ =	swait.ge [sflag:s8], $0x2800  }
0x6cf: {  	[sflag:s8] =	ssyncset.done $0x0  }
0x6d0: {  	[sflag:s8] =	ssyncadd.s32 $0xFFFFD800  }
0x6d1: {  	[tilespmem:s6], [sflag:$0x1] =	stream.indirect.gather [hbm4b:s3+s9], $0x40, s13, s9, $0xb8;
	[tilespmem:$0x19A00] =	vst v63  }
0x6d2: {  	_ = 	snop  }
0x6d3: {  	[tilespmem:s7], [sflag:$0x1] =	stream.indirect.gather [hbm4b:s4+s9], $0x10, s14, s9, $0xb8;
	[tilespmem:$0x19A00] =	vst v63  }
0x6d4: {  	s21 =	simm.s32 $0x300;
	s20 =	simm.s32 $0xCA00  }
0x6d5: {  	[tilespmem:s20], [sflag:$0x1] =	stream.indirect.gather [hbm4b:s3+s9], $0x40, s21, s9, $0xb8;
	[tilespmem:$0x19A00] =	vst v63  }
0x6d6: {  	s22 =	simm.s32 $0x800;
	s21 =	simm.s32 $0x17A00  }
0x6d7: {  	[tilespmem:s21], [sflag:$0x1] =	stream.indirect.gather [hbm4b:s4+s9], $0x10, s22, s9, $0xb8;
	[tilespmem:$0x19A00] =	vst v63  }
0x6d8: {  	s23 =	simm.s32 $0x380;
	s22 =	simm.s32 $0xEA00  }
0x6d9: {  	[tilespmem:s22], [sflag:$0x1] =	stream.indirect.gather [hbm4b:s3+s9], $0x40, s23, s9, $0xb8;
	[tilespmem:$0x19A00] =	vst v63  }
0x6da: {  	s24 =	simm.s32 $0x880;
	s23 =	simm.s32 $0x18200  }
0x6db: {  	[tilespmem:s23], [sflag:$0x1] =	stream.indirect.gather [hbm4b:s4+s9], $0x10, s24, s9, $0xb8;
	[tilespmem:$0x19A00] =	vst v63  }
0x6dc: {  	s25 =	simm.s32 $0x400;
	s24 =	simm.s32 $0x10A00  }
0x6dd: {  	[tilespmem:s24], [sflag:$0x1] =	stream.indirect.gather [hbm4b:s3+s9], $0x40, s25, s9, $0xb8;
	[tilespmem:$0x19A00] =	vst v63  }
0x6de: {  	s26 =	simm.s32 $0x900;
	s25 =	simm.s32 $0x18A00  }
0x6df: {  	[tilespmem:s25], [sflag:$0x1] =	stream.indirect.gather [hbm4b:s4+s9], $0x10, s26, s9, $0xb8;
	[tilespmem:$0x19A00] =	vst v63  }
0x6e0: {  	s28 =	simm.s32 $0x480;
	s26 =	simm.s32 $0x12A00  }
0x6e1: {  	[tilespmem:s26], [sflag:$0x1] =	stream.indirect.gather [hbm4b:s3+s9], $0x40, s28, s9, $0xb8;
	[tilespmem:$0x19A00] =	vst v63  }
0x6e2: {  	s29 =	simm.s32 $0x980;
	s28 =	simm.s32 $0x19200  }
0x6e3: {  	[tilespmem:s28], [sflag:$0x1] =	stream.indirect.gather [hbm4b:s4+s9], $0x10, s29, s9, $0xb8;
	[tilespmem:$0x19A00] =	vst v63  }
0x6e4: {  	_ =	swait.ge [sflag:s5], $0x2000  }
0x6e5: {  	[sflag:s5] =	ssyncset.done $0x0  }
0x6e6: {  	[sflag:s5] =	ssyncadd.s32 $0xFFFFE000  }
0x6e7: {  	_ =	swait.ge [sflag:s5], $0x800  }
0x6e8: {  	[sflag:s5] =	ssyncset.done $0x0  }
0x6e9: {  	[sflag:s5] =	ssyncadd.s32 $0xFFFFF800  }
0x6ea: {  	_ =	swait.ge [sflag:s5], $0x2000  }
0x6eb: {  	[sflag:s5] =	ssyncset.done $0x0  }
0x6ec: {  	[sflag:s5] =	ssyncadd.s32 $0xFFFFE000  }
0x6ed: {  	_ =	swait.ge [sflag:s5], $0x800  }
0x6ee: {  	[sflag:s5] =	ssyncset.done $0x0  }
0x6ef: {  	[sflag:s5] =	ssyncadd.s32 $0xFFFFF800  }
0x6f0: {  	_ =	swait.ge [sflag:s5], $0x2000  }
0x6f1: {  	[sflag:s5] =	ssyncset.done $0x0  }
0x6f2: {  	[sflag:s5] =	ssyncadd.s32 $0xFFFFE000  }
0x6f3: {  	_ =	swait.ge [sflag:s5], $0x800  }
0x6f4: {  	[sflag:s5] =	ssyncset.done $0x0  }
0x6f5: {  	[sflag:s5] =	ssyncadd.s32 $0xFFFFF800  }
0x6f6: {  	_ =	swait.ge [sflag:s5], $0x2000  }
0x6f7: {  	[sflag:s5] =	ssyncset.done $0x0  }
0x6f8: {  	[sflag:s5] =	ssyncadd.s32 $0xFFFFE000  }
0x6f9: {  	_ =	swait.ge [sflag:s5], $0x800  }
0x6fa: {  	[sflag:s5] =	ssyncset.done $0x0  }
0x6fb: {  	[sflag:s5] =	ssyncadd.s32 $0xFFFFF800  }
0x6fc: {  	_ =	swait.ge [sflag:s5], $0x2000  }
0x6fd: {  	[sflag:s5] =	ssyncset.done $0x0  }
0x6fe: {  	[sflag:s5] =	ssyncadd.s32 $0xFFFFE000  }
0x6ff: {  	_ =	swait.ge [sflag:s5], $0x800  }
0x700: {  	[sflag:s5] =	ssyncset.done $0x0  }
0x701: {  	s29 =	rddreg [dreg:$0x19];
	[sflag:s5] =	ssyncadd.s32 $0xFFFFF800  }
0x702: {  	[hbm4b:s29+s2] =	stream.linear.scatter [tilespmem:s6], [sflag:$0x2], $0xA000, $0x38;
	[tilespmem:$0x19A00] =	vst v63  }
0x703: {  	s23 =	rddreg [dreg:$0x1a]  }
0x704: {  	[hbm4b:s23+s2] =	stream.linear.scatter [tilespmem:s7], [sflag:$0x2], $0x2800, $0x38;
	[tilespmem:$0x19A00] =	vst v63  }
0x705: {  	s28 =	rddreg [dreg:$0x1b]  }
0x706: {  	[tilespmem:s2], [sflag:$0x3] =	stream.linear.gather [hbm4b:s28+s2], $0x280, $0x38;
	[tilespmem:$0x19A00] =	vst v63  }
0x707: {  	_ =	swait.ge [sflag:s10], $0x280  }
0x708: {  	[sflag:s10] =	ssyncset.done $0x0  }
0x709: {  	s29 =	rddreg [dreg:$0x1c];
	[sflag:s10] =	ssyncadd.s32 $0xFFFFFD80  }
0x70a: {  	[tilespmem:s1], [sflag:$0x3] =	stream.linear.gather [hbm4b:s29+s2], $0x280, $0x38;
	[tilespmem:$0x19A00] =	vst v63  }
0x70b: {  	_ =	swait.ge [sflag:s10], $0x280  }
0x70c: {  	[sflag:s10] =	ssyncset.done $0x0  }
0x70d: {  	[sflag:s10] =	ssyncadd.s32 $0xFFFFFD80  }
0x70e: {  	_ =	swait.ge [sflag:s8], $0xA000  }
0x70f: {  	[sflag:s8] =	ssyncset.done $0x0  }
0x710: {  	[sflag:s8] =	ssyncadd.s32 $0xFFFF6000  }
0x711: {  	_ =	swait.ge [sflag:s8], $0x2800  }
0x712: {  	[sflag:s8] =	ssyncset.done $0x0  }
0x713: {  	[sflag:s8] =	ssyncadd.s32 $0xFFFFD800  }
0x714: {  	[tilespmem:s12], [sflag:$0x1] =	stream.indirect.gather [hbm4b:s3+s9], $0x40, s2, s9, $0xb8;
	[tilespmem:$0x19A00] =	vst v63  }
0x715: {  	_ = 	snop  }
0x716: {  	[tilespmem:s11], [sflag:$0x1] =	stream.indirect.gather [hbm4b:s4+s9], $0x10, s1, s9, $0xb8;
	[tilespmem:$0x19A00] =	vst v63  }
0x717: {  	s30 =	simm.s32 $0x2A00  }
0x718: {  	[tilespmem:s30], [sflag:$0x1] =	stream.indirect.gather [hbm4b:s3+s9], $0x40, s9, s9, $0xb8;
	[tilespmem:$0x19A00] =	vst v63  }
0x719: {  	s15 =	simm.s32 $0x580;
	s23 =	simm.s32 $0x15200  }
0x71a: {  	[tilespmem:s23], [sflag:$0x1] =	stream.indirect.gather [hbm4b:s4+s9], $0x10, s15, s9, $0xb8;
	[tilespmem:$0x19A00] =	vst v63  }
0x71b: {  	s16 =	simm.s32 $0x100;
	s28 =	simm.s32 $0x4A00  }
0x71c: {  	[tilespmem:s28], [sflag:$0x1] =	stream.indirect.gather [hbm4b:s3+s9], $0x40, s16, s9, $0xb8;
	[tilespmem:$0x19A00] =	vst v63  }
0x71d: {  	s17 =	simm.s32 $0x600;
	s29 =	simm.s32 $0x15A00  }
0x71e: {  	[tilespmem:s29], [sflag:$0x1] =	stream.indirect.gather [hbm4b:s4+s9], $0x10, s17, s9, $0xb8;
	[tilespmem:$0x19A00] =	vst v63  }
0x71f: {  	s31 =	simm.s32 $0x6A00;
	s30 =	simm.s32 $0x180  }
0x720: {  	[tilespmem:s31], [sflag:$0x1] =	stream.indirect.gather [hbm4b:s3+s9], $0x40, s30, s9, $0xb8;
	[tilespmem:$0x19A00] =	vst v63  }
0x721: {  	s15 =	simm.s32 $0x680;
	s16 =	simm.s32 $0x16200  }
0x722: {  	[tilespmem:s16], [sflag:$0x1] =	stream.indirect.gather [hbm4b:s4+s9], $0x10, s15, s9, $0xb8;
	[tilespmem:$0x19A00] =	vst v63  }
0x723: {  	s28 =	simm.s32 $0x200;
	s16 =	simm.s32 $0x8A00  }
0x724: {  	[tilespmem:s16], [sflag:$0x1] =	stream.indirect.gather [hbm4b:s3+s9], $0x40, s28, s9, $0xb8;
	[tilespmem:$0x19A00] =	vst v63  }
0x725: {  	s29 =	simm.s32 $0x700;
	s15 =	simm.s32 $0x16A00  }
0x726: {  	[tilespmem:s15], [sflag:$0x1] =	stream.indirect.gather [hbm4b:s4+s9], $0x10, s29, s9, $0xb8;
	[tilespmem:$0x19A00] =	vst v63  }
0x727: {  	_ =	swait.ge [sflag:s5], $0x2000  }
0x728: {  	[sflag:s5] =	ssyncset.done $0x0  }
0x729: {  	[sflag:s5] =	ssyncadd.s32 $0xFFFFE000  }
0x72a: {  	_ =	swait.ge [sflag:s5], $0x800  }
0x72b: {  	[sflag:s5] =	ssyncset.done $0x0  }
0x72c: {  	[sflag:s5] =	ssyncadd.s32 $0xFFFFF800  }
0x72d: {  	_ =	swait.ge [sflag:s5], $0x2000  }
0x72e: {  	[sflag:s5] =	ssyncset.done $0x0  }
0x72f: {  	[sflag:s5] =	ssyncadd.s32 $0xFFFFE000  }
0x730: {  	_ =	swait.ge [sflag:s5], $0x800  }
0x731: {  	[sflag:s5] =	ssyncset.done $0x0  }
0x732: {  	[sflag:s5] =	ssyncadd.s32 $0xFFFFF800  }
0x733: {  	_ =	swait.ge [sflag:s5], $0x2000  }
0x734: {  	[sflag:s5] =	ssyncset.done $0x0  }
0x735: {  	[sflag:s5] =	ssyncadd.s32 $0xFFFFE000  }
0x736: {  	_ =	swait.ge [sflag:s5], $0x800  }
0x737: {  	[sflag:s5] =	ssyncset.done $0x0  }
0x738: {  	[sflag:s5] =	ssyncadd.s32 $0xFFFFF800  }
0x739: {  	_ =	swait.ge [sflag:s5], $0x2000  }
0x73a: {  	[sflag:s5] =	ssyncset.done $0x0  }
0x73b: {  	[sflag:s5] =	ssyncadd.s32 $0xFFFFE000  }
0x73c: {  	_ =	swait.ge [sflag:s5], $0x800  }
0x73d: {  	[sflag:s5] =	ssyncset.done $0x0  }
0x73e: {  	[sflag:s5] =	ssyncadd.s32 $0xFFFFF800  }
0x73f: {  	_ =	swait.ge [sflag:s5], $0x2000  }
0x740: {  	[sflag:s5] =	ssyncset.done $0x0  }
0x741: {  	[sflag:s5] =	ssyncadd.s32 $0xFFFFE000  }
0x742: {  	_ =	swait.ge [sflag:s5], $0x800  }
0x743: {  	[sflag:s5] =	ssyncset.done $0x0  }
0x744: {  	s0 =	rddreg [dreg:$0x1d];
	[sflag:s5] =	ssyncadd.s32 $0xFFFFF800  }
0x745: {  	[hbm4b:s0+s2] =	stream.linear.scatter [tilespmem:s12], [sflag:$0x2], $0xA000, $0x38;
	[tilespmem:$0x19A00] =	vst v63  }
0x746: {  	s30 =	rddreg [dreg:$0x1e]  }
0x747: {  	[hbm4b:s30+s2] =	stream.linear.scatter [tilespmem:s11], [sflag:$0x2], $0x2800, $0x38;
	[tilespmem:$0x19A00] =	vst v63  }
0x748: {  	s0 =	rddreg [dreg:$0x1f]  }
0x749: {  	[tilespmem:s13], [sflag:$0x3] =	stream.linear.gather [hbm4b:s0+s2], $0x280, $0x38;
	[tilespmem:$0x19A00] =	vst v63  }
0x74a: {  	_ =	swait.ge [sflag:s10], $0x280  }
0x74b: {  	s30 =	sld [smem:$0x7F3]  }
0x74c: {  	[sflag:s10] =	ssyncset.done $0x0  }
0x74d: {  	[sflag:s10] =	ssyncadd.s32 $0xFFFFFD80  }
0x74e: {  	[tilespmem:s14], [sflag:$0x3] =	stream.linear.gather [hbm4b:s30+s2], $0x280, $0x38;
	[tilespmem:$0x19A00] =	vst v63  }
0x74f: {  	_ =	swait.ge [sflag:s10], $0x280  }
0x750: {  	[sflag:s10] =	ssyncset.done $0x0  }
0x751: {  	[sflag:s10] =	ssyncadd.s32 $0xFFFFFD80  }
0x752: {  	_ =	swait.ge [sflag:s8], $0xA000  }
0x753: {  	[sflag:s8] =	ssyncset.done $0x0  }
0x754: {  	[sflag:s8] =	ssyncadd.s32 $0xFFFF6000  }
0x755: {  	_ =	swait.ge [sflag:s8], $0x2800  }
0x756: {  	[sflag:s8] =	ssyncset.done $0x0  }
0x757: {  	[sflag:s8] =	ssyncadd.s32 $0xFFFFD800  }
0x758: {  	[tilespmem:s6], [sflag:$0x1] =	stream.indirect.gather [hbm4b:s3+s9], $0x40, s13, s9, $0xb8;
	[tilespmem:$0x19A00] =	vst v63  }
0x759: {  	_ = 	snop  }
0x75a: {  	[tilespmem:s7], [sflag:$0x1] =	stream.indirect.gather [hbm4b:s4+s9], $0x10, s14, s9, $0xb8;
	[tilespmem:$0x19A00] =	vst v63  }
0x75b: {  	s18 =	simm.s32 $0xCA00;
	s30 =	simm.s32 $0x300  }
0x75c: {  	[tilespmem:s18], [sflag:$0x1] =	stream.indirect.gather [hbm4b:s3+s9], $0x40, s30, s9, $0xb8;
	[tilespmem:$0x19A00] =	vst v63  }
0x75d: {  	s19 =	simm.s32 $0x17A00;
	s30 =	simm.s32 $0x800  }
0x75e: {  	[tilespmem:s19], [sflag:$0x1] =	stream.indirect.gather [hbm4b:s4+s9], $0x10, s30, s9, $0xb8;
	[tilespmem:$0x19A00] =	vst v63  }
0x75f: {  	s20 =	simm.s32 $0xEA00;
	s30 =	simm.s32 $0x380  }
0x760: {  	[tilespmem:s20], [sflag:$0x1] =	stream.indirect.gather [hbm4b:s3+s9], $0x40, s30, s9, $0xb8;
	[tilespmem:$0x19A00] =	vst v63  }
0x761: {  	s21 =	simm.s32 $0x18200;
	s30 =	simm.s32 $0x880  }
0x762: {  	[tilespmem:s21], [sflag:$0x1] =	stream.indirect.gather [hbm4b:s4+s9], $0x10, s30, s9, $0xb8;
	[tilespmem:$0x19A00] =	vst v63  }
0x763: {  	s22 =	simm.s32 $0x10A00;
	s30 =	simm.s32 $0x400  }
0x764: {  	[tilespmem:s22], [sflag:$0x1] =	stream.indirect.gather [hbm4b:s3+s9], $0x40, s30, s9, $0xb8;
	[tilespmem:$0x19A00] =	vst v63  }
0x765: {  	s24 =	simm.s32 $0x18A00;
	s30 =	simm.s32 $0x900  }
0x766: {  	[tilespmem:s24], [sflag:$0x1] =	stream.indirect.gather [hbm4b:s4+s9], $0x10, s30, s9, $0xb8;
	[tilespmem:$0x19A00] =	vst v63  }
0x767: {  	s25 =	simm.s32 $0x12A00;
	s30 =	simm.s32 $0x480  }
0x768: {  	[tilespmem:s25], [sflag:$0x1] =	stream.indirect.gather [hbm4b:s3+s9], $0x40, s30, s9, $0xb8;
	[tilespmem:$0x19A00] =	vst v63  }
0x769: {  	s26 =	simm.s32 $0x19200;
	s30 =	simm.s32 $0x980  }
0x76a: {  	[tilespmem:s26], [sflag:$0x1] =	stream.indirect.gather [hbm4b:s4+s9], $0x10, s30, s9, $0xb8;
	[tilespmem:$0x19A00] =	vst v63  }
0x76b: {  	_ =	swait.ge [sflag:s5], $0x2000  }
0x76c: {  	[sflag:s5] =	ssyncset.done $0x0  }
0x76d: {  	[sflag:s5] =	ssyncadd.s32 $0xFFFFE000  }
0x76e: {  	_ =	swait.ge [sflag:s5], $0x800  }
0x76f: {  	[sflag:s5] =	ssyncset.done $0x0  }
0x770: {  	[sflag:s5] =	ssyncadd.s32 $0xFFFFF800  }
0x771: {  	_ =	swait.ge [sflag:s5], $0x2000  }
0x772: {  	[sflag:s5] =	ssyncset.done $0x0  }
0x773: {  	[sflag:s5] =	ssyncadd.s32 $0xFFFFE000  }
0x774: {  	_ =	swait.ge [sflag:s5], $0x800  }
0x775: {  	[sflag:s5] =	ssyncset.done $0x0  }
0x776: {  	[sflag:s5] =	ssyncadd.s32 $0xFFFFF800  }
0x777: {  	_ =	swait.ge [sflag:s5], $0x2000  }
0x778: {  	[sflag:s5] =	ssyncset.done $0x0  }
0x779: {  	[sflag:s5] =	ssyncadd.s32 $0xFFFFE000  }
0x77a: {  	_ =	swait.ge [sflag:s5], $0x800  }
0x77b: {  	[sflag:s5] =	ssyncset.done $0x0  }
0x77c: {  	[sflag:s5] =	ssyncadd.s32 $0xFFFFF800  }
0x77d: {  	_ =	swait.ge [sflag:s5], $0x2000  }
0x77e: {  	[sflag:s5] =	ssyncset.done $0x0  }
0x77f: {  	[sflag:s5] =	ssyncadd.s32 $0xFFFFE000  }
0x780: {  	_ =	swait.ge [sflag:s5], $0x800  }
0x781: {  	[sflag:s5] =	ssyncset.done $0x0  }
0x782: {  	[sflag:s5] =	ssyncadd.s32 $0xFFFFF800  }
0x783: {  	_ =	swait.ge [sflag:s5], $0x2000  }
0x784: {  	[sflag:s5] =	ssyncset.done $0x0  }
0x785: {  	[sflag:s5] =	ssyncadd.s32 $0xFFFFE000  }
0x786: {  	_ =	swait.ge [sflag:s5], $0x800  }
0x787: {  	s0 =	sld [smem:$0x7F4]  }
0x788: {  	[sflag:s5] =	ssyncset.done $0x0  }
0x789: {  	s30 =	sld [smem:$0x7F5];
	[sflag:s5] =	ssyncadd.s32 $0xFFFFF800  }
0x78a: {  	[hbm4b:s0+s2] =	stream.linear.scatter [tilespmem:s6], [sflag:$0x2], $0xA000, $0x38;
	[tilespmem:$0x19A00] =	vst v63  }
0x78b: {  	s0 =	sld [smem:$0x7F6]  }
0x78c: {  	[hbm4b:s30+s2] =	stream.linear.scatter [tilespmem:s7], [sflag:$0x2], $0x2800, $0x38;
	[tilespmem:$0x19A00] =	vst v63  }
0x78d: {  	_ = 	snop  }
0x78e: {  	[tilespmem:s2], [sflag:$0x3] =	stream.linear.gather [hbm4b:s0+s2], $0x280, $0x38;
	[tilespmem:$0x19A00] =	vst v63  }
0x78f: {  	_ =	swait.ge [sflag:s10], $0x280  }
0x790: {  	s30 =	sld [smem:$0x7F7]  }
0x791: {  	[sflag:s10] =	ssyncset.done $0x0  }
0x792: {  	[sflag:s10] =	ssyncadd.s32 $0xFFFFFD80  }
0x793: {  	[tilespmem:s1], [sflag:$0x3] =	stream.linear.gather [hbm4b:s30+s2], $0x280, $0x38;
	[tilespmem:$0x19A00] =	vst v63  }
0x794: {  	_ =	swait.ge [sflag:s10], $0x280  }
0x795: {  	[sflag:s10] =	ssyncset.done $0x0  }
0x796: {  	[sflag:s10] =	ssyncadd.s32 $0xFFFFFD80  }
0x797: {  	_ =	swait.ge [sflag:s8], $0xA000  }
0x798: {  	[sflag:s8] =	ssyncset.done $0x0  }
0x799: {  	[sflag:s8] =	ssyncadd.s32 $0xFFFF6000  }
0x79a: {  	_ =	swait.ge [sflag:s8], $0x2800  }
0x79b: {  	[sflag:s8] =	ssyncset.done $0x0  }
0x79c: {  	[sflag:s8] =	ssyncadd.s32 $0xFFFFD800  }
0x79d: {  	[tilespmem:s12], [sflag:$0x1] =	stream.indirect.gather [hbm4b:s3+s9], $0x40, s2, s9, $0xb8;
	[tilespmem:$0x19A00] =	vst v63  }
0x79e: {  	_ = 	snop  }
0x79f: {  	[tilespmem:s11], [sflag:$0x1] =	stream.indirect.gather [hbm4b:s4+s9], $0x10, s1, s9, $0xb8;
	[tilespmem:$0x19A00] =	vst v63  }
0x7a0: {  	s30 =	simm.s32 $0x2A00  }
0x7a1: {  	[tilespmem:s30], [sflag:$0x1] =	stream.indirect.gather [hbm4b:s3+s9], $0x40, s9, s9, $0xb8;
	[tilespmem:$0x19A00] =	vst v63  }
0x7a2: {  	s1 =	simm.s32 $0x580;
	s30 =	simm.s32 $0x15200  }
0x7a3: {  	[tilespmem:s30], [sflag:$0x1] =	stream.indirect.gather [hbm4b:s4+s9], $0x10, s1, s9, $0xb8;
	[tilespmem:$0x19A00] =	vst v63  }
0x7a4: {  	s1 =	simm.s32 $0x100;
	s30 =	simm.s32 $0x4A00  }
0x7a5: {  	[tilespmem:s30], [sflag:$0x1] =	stream.indirect.gather [hbm4b:s3+s9], $0x40, s1, s9, $0xb8;
	[tilespmem:$0x19A00] =	vst v63  }
0x7a6: {  	s17 =	simm.s32 $0x15A00;
	s30 =	simm.s32 $0x600  }
0x7a7: {  	[tilespmem:s17], [sflag:$0x1] =	stream.indirect.gather [hbm4b:s4+s9], $0x10, s30, s9, $0xb8;
	[tilespmem:$0x19A00] =	vst v63  }
0x7a8: {  	s31 =	simm.s32 $0x180;
	s1 =	simm.s32 $0x6A00  }
0x7a9: {  	[tilespmem:s1], [sflag:$0x1] =	stream.indirect.gather [hbm4b:s3+s9], $0x40, s31, s9, $0xb8;
	[tilespmem:$0x19A00] =	vst v63  }
0x7aa: {  	s23 =	simm.s32 $0x680;
	s17 =	simm.s32 $0x16200  }
0x7ab: {  	[tilespmem:s17], [sflag:$0x1] =	stream.indirect.gather [hbm4b:s4+s9], $0x10, s23, s9, $0xb8;
	[tilespmem:$0x19A00] =	vst v63  }
0x7ac: {  	s28 =	simm.s32 $0x200  }
0x7ad: {  	[tilespmem:s16], [sflag:$0x1] =	stream.indirect.gather [hbm4b:s3+s9], $0x40, s28, s9, $0xb8;
	[tilespmem:$0x19A00] =	vst v63  }
0x7ae: {  	s29 =	simm.s32 $0x700  }
0x7af: {  	[tilespmem:s15], [sflag:$0x1] =	stream.indirect.gather [hbm4b:s4+s9], $0x10, s29, s9, $0xb8;
	[tilespmem:$0x19A00] =	vst v63  }
0x7b0: {  	_ =	swait.ge [sflag:s5], $0x2000  }
0x7b1: {  	[sflag:s5] =	ssyncset.done $0x0  }
0x7b2: {  	[sflag:s5] =	ssyncadd.s32 $0xFFFFE000  }
0x7b3: {  	_ =	swait.ge [sflag:s5], $0x800  }
0x7b4: {  	[sflag:s5] =	ssyncset.done $0x0  }
0x7b5: {  	[sflag:s5] =	ssyncadd.s32 $0xFFFFF800  }
0x7b6: {  	_ =	swait.ge [sflag:s5], $0x2000  }
0x7b7: {  	[sflag:s5] =	ssyncset.done $0x0  }
0x7b8: {  	[sflag:s5] =	ssyncadd.s32 $0xFFFFE000  }
0x7b9: {  	_ =	swait.ge [sflag:s5], $0x800  }
0x7ba: {  	[sflag:s5] =	ssyncset.done $0x0  }
0x7bb: {  	[sflag:s5] =	ssyncadd.s32 $0xFFFFF800  }
0x7bc: {  	_ =	swait.ge [sflag:s5], $0x2000  }
0x7bd: {  	[sflag:s5] =	ssyncset.done $0x0  }
0x7be: {  	[sflag:s5] =	ssyncadd.s32 $0xFFFFE000  }
0x7bf: {  	_ =	swait.ge [sflag:s5], $0x800  }
0x7c0: {  	[sflag:s5] =	ssyncset.done $0x0  }
0x7c1: {  	[sflag:s5] =	ssyncadd.s32 $0xFFFFF800  }
0x7c2: {  	_ =	swait.ge [sflag:s5], $0x2000  }
0x7c3: {  	[sflag:s5] =	ssyncset.done $0x0  }
0x7c4: {  	[sflag:s5] =	ssyncadd.s32 $0xFFFFE000  }
0x7c5: {  	_ =	swait.ge [sflag:s5], $0x800  }
0x7c6: {  	[sflag:s5] =	ssyncset.done $0x0  }
0x7c7: {  	[sflag:s5] =	ssyncadd.s32 $0xFFFFF800  }
0x7c8: {  	_ =	swait.ge [sflag:s5], $0x2000  }
0x7c9: {  	[sflag:s5] =	ssyncset.done $0x0  }
0x7ca: {  	[sflag:s5] =	ssyncadd.s32 $0xFFFFE000  }
0x7cb: {  	_ =	swait.ge [sflag:s5], $0x800  }
0x7cc: {  	s30 =	sld [smem:$0x7F8]  }
0x7cd: {  	[sflag:s5] =	ssyncset.done $0x0  }
0x7ce: {  	s31 =	sld [smem:$0x7F9];
	[sflag:s5] =	ssyncadd.s32 $0xFFFFF800  }
0x7cf: {  	[hbm4b:s30+s2] =	stream.linear.scatter [tilespmem:s12], [sflag:$0x2], $0xA000, $0x38;
	[tilespmem:$0x19A00] =	vst v63  }
0x7d0: {  	s15 =	sld [smem:$0x7FA]  }
0x7d1: {  	[hbm4b:s31+s2] =	stream.linear.scatter [tilespmem:s11], [sflag:$0x2], $0x2800, $0x38;
	[tilespmem:$0x19A00] =	vst v63  }
0x7d2: {  	_ = 	snop  }
0x7d3: {  	[tilespmem:s13], [sflag:$0x3] =	stream.linear.gather [hbm4b:s15+s2], $0x280, $0x38;
	[tilespmem:$0x19A00] =	vst v63  }
0x7d4: {  	_ =	swait.ge [sflag:s10], $0x280  }
0x7d5: {  	s16 =	sld [smem:$0x7FB]  }
0x7d6: {  	[sflag:s10] =	ssyncset.done $0x0  }
0x7d7: {  	[sflag:s10] =	ssyncadd.s32 $0xFFFFFD80  }
0x7d8: {  	[tilespmem:s14], [sflag:$0x3] =	stream.linear.gather [hbm4b:s16+s2], $0x280, $0x38;
	[tilespmem:$0x19A00] =	vst v63  }
0x7d9: {  	_ =	swait.ge [sflag:s10], $0x280  }
0x7da: {  	[sflag:s10] =	ssyncset.done $0x0  }
0x7db: {  	[sflag:s10] =	ssyncadd.s32 $0xFFFFFD80  }
0x7dc: {  	_ =	swait.ge [sflag:s8], $0xA000  }
0x7dd: {  	[sflag:s8] =	ssyncset.done $0x0  }
0x7de: {  	[sflag:s8] =	ssyncadd.s32 $0xFFFF6000  }
0x7df: {  	_ =	swait.ge [sflag:s8], $0x2800  }
0x7e0: {  	[sflag:s8] =	ssyncset.done $0x0  }
0x7e1: {  	[sflag:s8] =	ssyncadd.s32 $0xFFFFD800  }
0x7e2: {  	[tilespmem:s6], [sflag:$0x1] =	stream.indirect.gather [hbm4b:s3+s9], $0x40, s13, s9, $0xb8;
	[tilespmem:$0x19A00] =	vst v63  }
0x7e3: {  	_ = 	snop  }
0x7e4: {  	[tilespmem:s7], [sflag:$0x1] =	stream.indirect.gather [hbm4b:s4+s9], $0x10, s14, s9, $0xb8;
	[tilespmem:$0x19A00] =	vst v63  }
0x7e5: {  	s18 =	simm.s32 $0x300;
	s17 =	simm.s32 $0xCA00  }
0x7e6: {  	[tilespmem:s17], [sflag:$0x1] =	stream.indirect.gather [hbm4b:s3+s9], $0x40, s18, s9, $0xb8;
	[tilespmem:$0x19A00] =	vst v63  }
0x7e7: {  	s19 =	simm.s32 $0x800;
	s18 =	simm.s32 $0x17A00  }
0x7e8: {  	[tilespmem:s18], [sflag:$0x1] =	stream.indirect.gather [hbm4b:s4+s9], $0x10, s19, s9, $0xb8;
	[tilespmem:$0x19A00] =	vst v63  }
0x7e9: {  	s20 =	simm.s32 $0x380;
	s19 =	simm.s32 $0xEA00  }
0x7ea: {  	[tilespmem:s19], [sflag:$0x1] =	stream.indirect.gather [hbm4b:s3+s9], $0x40, s20, s9, $0xb8;
	[tilespmem:$0x19A00] =	vst v63  }
0x7eb: {  	s21 =	simm.s32 $0x880;
	s20 =	simm.s32 $0x18200  }
0x7ec: {  	[tilespmem:s20], [sflag:$0x1] =	stream.indirect.gather [hbm4b:s4+s9], $0x10, s21, s9, $0xb8;
	[tilespmem:$0x19A00] =	vst v63  }
0x7ed: {  	s22 =	simm.s32 $0x400;
	s21 =	simm.s32 $0x10A00  }
0x7ee: {  	[tilespmem:s21], [sflag:$0x1] =	stream.indirect.gather [hbm4b:s3+s9], $0x40, s22, s9, $0xb8;
	[tilespmem:$0x19A00] =	vst v63  }
0x7ef: {  	s24 =	simm.s32 $0x900;
	s23 =	simm.s32 $0x18A00  }
0x7f0: {  	[tilespmem:s23], [sflag:$0x1] =	stream.indirect.gather [hbm4b:s4+s9], $0x10, s24, s9, $0xb8;
	[tilespmem:$0x19A00] =	vst v63  }
0x7f1: {  	s25 =	simm.s32 $0x480;
	s24 =	simm.s32 $0x12A00  }
0x7f2: {  	[tilespmem:s24], [sflag:$0x1] =	stream.indirect.gather [hbm4b:s3+s9], $0x40, s25, s9, $0xb8;
	[tilespmem:$0x19A00] =	vst v63  }
0x7f3: {  	s26 =	simm.s32 $0x980;
	s28 =	simm.s32 $0x19200  }
0x7f4: {  	[tilespmem:s28], [sflag:$0x1] =	stream.indirect.gather [hbm4b:s4+s9], $0x10, s26, s9, $0xb8;
	[tilespmem:$0x19A00] =	vst v63  }
0x7f5: {  	_ =	swait.ge [sflag:s5], $0x2000  }
0x7f6: {  	[sflag:s5] =	ssyncset.done $0x0  }
0x7f7: {  	[sflag:s5] =	ssyncadd.s32 $0xFFFFE000  }
0x7f8: {  	_ =	swait.ge [sflag:s5], $0x800  }
0x7f9: {  	[sflag:s5] =	ssyncset.done $0x0  }
0x7fa: {  	[sflag:s5] =	ssyncadd.s32 $0xFFFFF800  }
0x7fb: {  	_ =	swait.ge [sflag:s5], $0x2000  }
0x7fc: {  	[sflag:s5] =	ssyncset.done $0x0  }
0x7fd: {  	[sflag:s5] =	ssyncadd.s32 $0xFFFFE000  }
0x7fe: {  	_ =	swait.ge [sflag:s5], $0x800  }
0x7ff: {  	[sflag:s5] =	ssyncset.done $0x0  }
0x800: {  	[sflag:s5] =	ssyncadd.s32 $0xFFFFF800  }
0x801: {  	_ =	swait.ge [sflag:s5], $0x2000  }
0x802: {  	[sflag:s5] =	ssyncset.done $0x0  }
0x803: {  	[sflag:s5] =	ssyncadd.s32 $0xFFFFE000  }
0x804: {  	_ =	swait.ge [sflag:s5], $0x800  }
0x805: {  	[sflag:s5] =	ssyncset.done $0x0  }
0x806: {  	[sflag:s5] =	ssyncadd.s32 $0xFFFFF800  }
0x807: {  	_ =	swait.ge [sflag:s5], $0x2000  }
0x808: {  	[sflag:s5] =	ssyncset.done $0x0  }
0x809: {  	[sflag:s5] =	ssyncadd.s32 $0xFFFFE000  }
0x80a: {  	_ =	swait.ge [sflag:s5], $0x800  }
0x80b: {  	[sflag:s5] =	ssyncset.done $0x0  }
0x80c: {  	[sflag:s5] =	ssyncadd.s32 $0xFFFFF800  }
0x80d: {  	_ =	swait.ge [sflag:s5], $0x2000  }
0x80e: {  	[sflag:s5] =	ssyncset.done $0x0  }
0x80f: {  	[sflag:s5] =	ssyncadd.s32 $0xFFFFE000  }
0x810: {  	_ =	swait.ge [sflag:s5], $0x800  }
0x811: {  	s29 =	sld [smem:$0x7FC]  }
0x812: {  	[sflag:s5] =	ssyncset.done $0x0  }
0x813: {  	s30 =	sld [smem:$0x7FD];
	[sflag:s5] =	ssyncadd.s32 $0xFFFFF800  }
0x814: {  	[hbm4b:s29+s2] =	stream.linear.scatter [tilespmem:s6], [sflag:$0x2], $0xA000, $0x38;
	[tilespmem:$0x19A00] =	vst v63  }
0x815: {  	_ = 	snop  }
0x816: {  	[hbm4b:s30+s2] =	stream.linear.scatter [tilespmem:s7], [sflag:$0x2], $0x2800, $0x38;
	[tilespmem:$0x19A00] =	vst v63  }
0x817: {  	_ =	swait.ge [sflag:s8], $0xA000  }
0x818: {  	[sflag:s8] =	ssyncset.done $0x0  }
0x819: {  	[sflag:s8] =	ssyncadd.s32 $0xFFFF6000  }
0x81a: {  	_ =	swait.ge [sflag:s8], $0x2800  }
0x81b: {  	[sflag:s8] =	ssyncset.done $0x0  }
0x81c: {  	[sflag:s8] =	ssyncadd.s32 $0xFFFFD800  }
0x81d: {  	_ =	swait.ge [sflag:s8], $0xA000  }
0x81e: {  	[sflag:s8] =	ssyncset.done $0x0  }
0x81f: {  	[sflag:s8] =	ssyncadd.s32 $0xFFFF6000  }
0x820: {  	_ =	swait.ge [sflag:s8], $0x2800  }
0x821: {  	[sflag:s8] =	ssyncset.done $0x0  }
0x822: {  	[sflag:s8] =	ssyncadd.s32 $0xFFFFD800  }
0x823: {  	_ =	sfence.sel $0x180000  }
0x824: {  	[bflag:$0x0] =	sbarrier.arrive $0xFFFF  }
0x825: {  	_ =	strace $0x90000047  }
0x826: {  	s31 =	stileid.u32;
	[bflag:$0x2] =	sbarrier.arrive $0xFFFF  }
0x827: {  	p0 =	sne.s32 s31, $0x0;
	s0 =	rddreg [dreg:$0x2]  }
0x828: {  	s0 =	sadd.s32 @!p0 $0x100000, s0  }
0x829: {  	[sflag:s0] =	ssyncadd.tile.s32 @!p0 $0x1;
	_ =	shalt  }
.LBB2_2:
.Ltmp3:
0x82a: {  	(pc) =	sbr.rel .LBB2_5-.Ltmp3, $2  }
0x82b: {  	_ =	sdelay $0x2  }
0x82c: {  	s30 =	simm.s32 $0x2A00  }
.Lfunc_end2:
_tile_overlayer_lowered:
.L_overlay_start_2:
0x82d: {  	(tag) =	ssettag $0x2  }
0x82e: {  	s0 =	rddreg [dreg:$0x0];
	s2 =	stileid.u32  }
0x82f: {  	s1 =	rddreg [dreg:$0x1];
	p0 =	sne.s32 s2, $0x0  }
0x830: {  	s3 =	rddreg [dreg:$0x2];
	[bflag:$0x3] =	sbarrier.arrive $0xFFFF;
	s2 =	simm.s32 @!p0 $0x1C03  }
0x831: {  	[timem:s3], [sflag:s2] =	dma.local @!p0 [hbm:s0], s1  }
0x832: {  	s0 =	simm.s32 @!p0 $0x3  }
0x833: {  	_ =	swait.ge @!p0 [sflag:s0], s1  }
0x834: {  	s1 =	ssub.s32 @!p0 $0x0, s1;
	[sflag:s0] =	ssyncset.done @!p0 $0x0  }
0x835: {  	[sflag:s0] =	ssyncadd.s32 @!p0 s1  }
0x836: {  	[bflag:$0x3] =	sbarrier.arrive $0xFFFF  }
0x837: {  	_ =	shalt  }

</sc_bundles>
